<compile_context>
chip_gen: v7x
topology: tpu7x:2x2x1
jax: 0.10.2.dev20260603
libtpu: 0.0.44.dev20260713+nightly
codegen_flags: <defaults>
</compile_context>

<pallas_src>
import functools

import jax
import jax.numpy as jnp
from jax import lax
from jax.experimental import pallas as pl
from jax.experimental.pallas import tpu as pltpu
from jax.experimental.pallas import tpu_sc as plsc

N_PAD = 10240
RT = 256
CT = 256
NT = N_PAD // RT
K = 5
NSEG = 64
EMB_P = 104
BIG = 0x3FFFFFFF

NC = 2
NS = 16
NW = NC * NS
NPW = N_PAD // NW
CH = 16
NCH = NPW // CH
IPC = CH * (K + 1)



def _knn_embed_body(c_lo_ref, n_iter_ref, feat_f, feat_b, posT_b, sqr_b,
                    batr_b, emb_f, idxT_out, x0_out):
    t = pl.program_id(0)
    fb = feat_b[...]

    zt = fb[:, 13:14]
    oh = (zt == lax.broadcasted_iota(jnp.int32, (1, EMB_P), 1)
          .astype(jnp.float32))
    x0_out[...] = jnp.dot(oh.astype(jnp.float32), emb_f[...],
                          preferred_element_type=jnp.float32)

    posTr = posT_b[...]
    sqr = sqr_b[...]
    batr = batr_b[...]
    row_ids = t * RT + lax.broadcasted_iota(jnp.int32, (1, RT), 1)
    c0 = c_lo_ref[t]
    lane = lax.broadcasted_iota(jnp.int32, (8, RT), 0)

    IMAX = jnp.int32(0x7FFFFFFF)

    def body(i, carry):
        A, AI = carry
        c = pl.multiple_of(c0 + i * CT, 128)
        fc = feat_f[pl.ds(c, CT), :]
        Ac = fc[:, 0:8]
        batc = fc[:, 12:13]
        sqc = fc[:, 11:12]
        col_local = lax.broadcasted_iota(jnp.int32, (CT, 1), 0)
        d2 = (sqc + sqr) - 2.0 * jnp.dot(
            Ac, posTr, preferred_element_type=jnp.float32)
        valid = (batc == batr) & ((c + col_local) != row_ids)
        key = lax.bitcast_convert_type(jnp.maximum(d2, 0.0), jnp.int32)
        Bk = jnp.where(valid, key, IMAX)
        nA = jnp.full((8, RT), IMAX, jnp.int32)
        nAI = jnp.full((8, RT), BIG, jnp.int32)
        for p in range(K):
            mA = jnp.min(A, axis=0, keepdims=True)
            mB = jnp.min(Bk, axis=0, keepdims=True)
            m = jnp.minimum(mA, mB)
            eqB = Bk == m
            colB = jnp.min(jnp.where(eqB, c + col_local, BIG),
                           axis=0, keepdims=True)
            colA = jnp.min(jnp.where(A == m, AI, BIG), axis=0, keepdims=True)
            gcol = jnp.where(mA <= mB, colA, colB)
            A = jnp.where(A == m, IMAX, A)
            Bk = jnp.where(eqB, IMAX, Bk)
            nA = jnp.where(lane == p, jnp.broadcast_to(m, (8, RT)), nA)
            nAI = jnp.where(lane == p, jnp.broadcast_to(gcol, (8, RT)), nAI)
        return nA, nAI

    init = (jnp.full((8, RT), IMAX, jnp.int32),
            jnp.full((8, RT), BIG, jnp.int32))
    _, I = lax.fori_loop(0, n_iter_ref[t], body, init)
    idxT_out[...] = I


def _knn_embed(c_lo, n_iter, feat, posT_pad, sq_row, bat_row, emb_pad):
    grid_spec = pltpu.PrefetchScalarGridSpec(
        num_scalar_prefetch=2,
        grid=(NT,),
        in_specs=[
            pl.BlockSpec((N_PAD, 16), lambda t, *_: (0, 0)),
            pl.BlockSpec((RT, 16), lambda t, *_: (t, 0)),
            pl.BlockSpec((8, RT), lambda t, *_: (0, t)),
            pl.BlockSpec((1, RT), lambda t, *_: (0, t)),
            pl.BlockSpec((1, RT), lambda t, *_: (0, t)),
            pl.BlockSpec((EMB_P, 128), lambda t, *_: (0, 0)),
        ],
        out_specs=[
            pl.BlockSpec((8, RT), lambda t, *_: (0, t)),
            pl.BlockSpec((RT, 128), lambda t, *_: (t, 0)),
        ],
    )
    return pl.pallas_call(
        _knn_embed_body,
        grid_spec=grid_spec,
        out_shape=[jax.ShapeDtypeStruct((8, N_PAD), jnp.int32),
                   jax.ShapeDtypeStruct((N_PAD, 128), jnp.float32)],
    )(c_lo, n_iter, feat, feat, posT_pad, sq_row, bat_row, emb_pad)



def _sc_agg_body(x_hbm, idx_hbm, out_hbm, idx_v, rows0, rows1,
                 oc0, oc1, x_spm, sem0, sem1, osem0, osem1):
    wid = lax.axis_index("s") * NC + lax.axis_index("c")
    sid = lax.axis_index("s")
    rows = (rows0, rows1)
    sems = (sem0, sem1)
    ocs = (oc0, oc1)
    osems = (osem0, osem1)
    stripe = N_PAD // NS
    pltpu.sync_copy(x_hbm.at[pl.ds(sid * stripe, stripe)],
                    x_spm.at[pl.ds(sid * stripe, stripe)])
    pltpu.sync_copy(idx_hbm.at[wid], idx_v)
    plsc.subcore_barrier()

    def process(c, k):
        rows_v, oc, osem = rows[k], ocs[k], osems[k]
        @pl.when(c >= 2)
        def _():
            pltpu.make_async_copy(oc, out_hbm.at[pl.ds(0, CH)], osem).wait()

        def node(nl, carry2):
            base = 6 * nl
            for g in range(8):
                sl = pl.ds(g * 16, 16)
                acc = rows_v[base, sl]
                for j in range(1, 6):
                    acc = acc + rows_v[base + j, sl]
                oc[nl, sl] = acc
            return carry2

        lax.fori_loop(0, CH, node, 0)
        pltpu.async_copy(oc, out_hbm.at[pl.ds(wid * NPW + c * CH, CH)], osem)

    def step(c, k):
        pltpu.make_async_copy(x_spm.at[idx_v.at[c]], rows[k], sems[k]).wait()
        process(c, k)

        @pl.when(c + 2 < NCH)
        def _():
            pltpu.async_copy(x_spm.at[idx_v.at[c + 2]], rows[k], sems[k])

    pltpu.async_copy(x_spm.at[idx_v.at[0]], rows0, sem0)
    pltpu.async_copy(x_spm.at[idx_v.at[1]], rows1, sem1)

    def body(i, carry):
        c = 2 * i
        step(c, 0)
        step(c + 1, 1)
        return carry

    lax.fori_loop(0, NCH // 2, body, 0)
    for k in range(2):
        pltpu.make_async_copy(ocs[k], out_hbm.at[pl.ds(0, CH)],
                              osems[k]).wait()


@functools.cache
def _sc_agg_kernel():
    return pl.kernel(
        _sc_agg_body,
        out_type=jax.ShapeDtypeStruct((N_PAD, 128), jnp.float32),
        mesh=plsc.VectorSubcoreMesh(core_axis_name="c", subcore_axis_name="s",
                                    num_cores=NC, num_subcores=NS),
        scratch_types=[
            pltpu.VMEM((NCH, IPC), jnp.int32),
            pltpu.VMEM((IPC, 128), jnp.float32),
            pltpu.VMEM((IPC, 128), jnp.float32),
            pltpu.VMEM((CH, 128), jnp.float32),
            pltpu.VMEM((CH, 128), jnp.float32),
            pltpu.VMEM_SHARED((N_PAD, 128), jnp.float32),
            pltpu.SemaphoreType.DMA,
            pltpu.SemaphoreType.DMA,
            pltpu.SemaphoreType.DMA,
            pltpu.SemaphoreType.DMA,
        ],
    )


def _sc_agg(x, idx6_ch):
    return _sc_agg_kernel()(x, idx6_ch)



def _mm_relu_body(s_b, W_f, b_f, o_b):
    o_b[...] = jnp.maximum(
        jnp.dot(s_b[...] * (1.0 / 6.0), W_f[...],
                preferred_element_type=jnp.float32) + b_f[...], 0.0)


def _mm_relu(s, W, b):
    return pl.pallas_call(
        _mm_relu_body,
        grid=(1,),
        in_specs=[pl.BlockSpec((N_PAD, 128), lambda t: (0, 0)),
                  pl.BlockSpec((128, 128), lambda t: (0, 0)),
                  pl.BlockSpec((1, 128), lambda t: (0, 0))],
        out_specs=pl.BlockSpec((N_PAD, 128), lambda t: (0, 0)),
        out_shape=jax.ShapeDtypeStruct((N_PAD, 128), jnp.float32),
    )(s, W, b)


def _final_body(s_b, W2_f, b2_f, batr_b, rW0_f, rb0_f, rW1_f, rb1_f,
                rW2_f, rb2_f, out_ref):
    x3 = jnp.maximum(
        jnp.dot(s_b[...] * (1.0 / 6.0), W2_f[...],
                preferred_element_type=jnp.float32) + b2_f[...], 0.0)
    oh = (lax.broadcasted_iota(jnp.int32, (NSEG, 1), 0).astype(jnp.float32)
          == batr_b[...]).astype(jnp.float32)
    pooled = jnp.dot(oh, x3, preferred_element_type=jnp.float32)
    cnt = jnp.sum(oh, axis=1, keepdims=True)
    pooled = pooled / jnp.maximum(cnt, 1.0)
    h = jnp.maximum(jnp.dot(pooled, rW0_f[...],
                            preferred_element_type=jnp.float32)
                    + rb0_f[...], 0.0)
    h = jnp.maximum(jnp.dot(h, rW1_f[...],
                            preferred_element_type=jnp.float32)
                    + rb1_f[...], 0.0)
    out_ref[...] = (jnp.dot(h, rW2_f[...],
                            preferred_element_type=jnp.float32)
                    + rb2_f[...])


def _final(s2, W2, b2, bat_row, rW0, rb0, rW1, rb1, rW2, rb2):
    return pl.pallas_call(
        _final_body,
        grid=(1,),
        in_specs=[pl.BlockSpec((N_PAD, 128), lambda t: (0, 0)),
                  pl.BlockSpec((128, 128), lambda t: (0, 0)),
                  pl.BlockSpec((1, 128), lambda t: (0, 0)),
                  pl.BlockSpec((1, N_PAD), lambda t: (0, 0)),
                  pl.BlockSpec((128, 64), lambda t: (0, 0)),
                  pl.BlockSpec((1, 64), lambda t: (0, 0)),
                  pl.BlockSpec((64, 32), lambda t: (0, 0)),
                  pl.BlockSpec((1, 32), lambda t: (0, 0)),
                  pl.BlockSpec((32, 1), lambda t: (0, 0)),
                  pl.BlockSpec((1, 1), lambda t: (0, 0))],
        out_specs=pl.BlockSpec((NSEG, 1), lambda t: (0, 0)),
        out_shape=jax.ShapeDtypeStruct((NSEG, 1), jnp.float32),
    )(s2, W2, b2, bat_row, rW0, rb0, rW1, rb1, rW2, rb2)



def kernel(z, pos, batch, emb, W0, b0, W1, b1, W2, b2,
           rW0, rb0, rW1, rb1, rW2, rb2):
    n = z.shape[0]
    z = z.astype(jnp.int32)
    batch = batch.astype(jnp.int32)

    batf = batch.astype(jnp.float32)
    sq = jnp.sum(pos * pos, axis=1, keepdims=True)
    feat_core = jnp.concatenate(
        [pos, jnp.ones((n, 1), jnp.float32), jnp.zeros((n, 4), jnp.float32),
         -2.0 * pos, sq, batf[:, None], z.astype(jnp.float32)[:, None],
         jnp.zeros((n, 2), jnp.float32)], axis=1)
    feat = jnp.zeros((N_PAD, 16), jnp.float32).at[:n].set(feat_core)
    feat = feat.at[n:, 12].set(-1.0)
    posT_pad = jnp.zeros((8, N_PAD), jnp.float32).at[0:3, :n].set(pos.T)
    sq_row = jnp.zeros((1, N_PAD), jnp.float32).at[0, :n].set(sq[:, 0])
    bat_row = jnp.full((1, N_PAD), -2.0, jnp.float32).at[0, :n].set(batf)
    emb_pad = jnp.zeros((EMB_P, 128), jnp.float32).at[:100, :].set(emb)

    seg_ids = jnp.arange(NSEG, dtype=jnp.int32)
    cnts = jnp.sum((batch[None, :] == seg_ids[:, None]).astype(jnp.int32),
                   axis=1)
    ends = jnp.cumsum(cnts)
    starts = ends - cnts
    tt = jnp.arange(NT, dtype=jnp.int32)
    b_first = batch[jnp.minimum(tt * RT, n - 1)]
    b_last = batch[jnp.minimum(tt * RT + RT - 1, n - 1)]
    c_lo = (starts[b_first] // 128) * 128
    c_hi = ends[b_last]
    n_iter = jnp.maximum((c_hi - c_lo + CT - 1) // CT, 1).astype(jnp.int32)

    idxT, x = _knn_embed(c_lo, n_iter, feat, posT_pad, sq_row, bat_row,
                         emb_pad)

    idx5 = jnp.clip(idxT[:K, :].T, 0, n - 1)
    self_col = jnp.arange(N_PAD, dtype=jnp.int32)[:, None]
    idx6 = jnp.concatenate([idx5, self_col], axis=1)
    idx6_ch = idx6.reshape(NW, NCH, IPC)

    for (W, b) in ((W0, b0), (W1, b1)):
        s = _sc_agg(x, idx6_ch)
        x = _mm_relu(s, W, b.reshape(1, 128))
    s2 = _sc_agg(x, idx6_ch)

    out = _final(s2, W2, b2.reshape(1, 128), bat_row,
                 rW0, rb0.reshape(1, 64), rW1, rb1.reshape(1, 32),
                 rW2, rb2.reshape(1, 1))
    return jnp.squeeze(out)

# --- scband reference (transcript-rebuilt; emitter-appended) ---
"""Pipeline reference for scband-egnnregressor-7138235646498 (READ-ONLY COPY).

The authoritative reference and input builder live on the scoring server;
editing this copy changes nothing except your own understanding.
"""

import jax, jax.numpy as jnp
import numpy as np

N = 10000
M = 128
B = 64
K = 5


def setup_inputs(seed: int = 0):
    key = jax.random.key(seed)
    ks = jax.random.split(key, 16)
    inp = {}
    inp['z'] = jax.random.randint(ks[0], (N,), 0, 100)
    inp['pos'] = jax.random.normal(ks[1], (N, 3), dtype=jnp.float32)
    inp['batch'] = jnp.sort(jax.random.randint(ks[2], (N,), 0, B))
    inp['emb'] = jax.random.normal(ks[3], (100, M), dtype=jnp.float32) * 0.05
    for i in range(3):
        inp['W%d' % i] = jax.random.normal(ks[4 + i], (M, M), dtype=jnp.float32) * (1.0 / np.sqrt(M))
        inp['b%d' % i] = jnp.zeros((M,), dtype=jnp.float32)
    inp['rW0'] = jax.random.normal(ks[8], (M, M // 2), dtype=jnp.float32) * (1.0 / np.sqrt(M))
    inp['rb0'] = jnp.zeros((M // 2,), dtype=jnp.float32)
    inp['rW1'] = jax.random.normal(ks[9], (M // 2, M // 4), dtype=jnp.float32) * (1.0 / np.sqrt(M // 2))
    inp['rb1'] = jnp.zeros((M // 4,), dtype=jnp.float32)
    inp['rW2'] = jax.random.normal(ks[10], (M // 4, 1), dtype=jnp.float32) * (1.0 / np.sqrt(M // 4))
    inp['rb2'] = jnp.zeros((1,), dtype=jnp.float32)
    return inp


def knn_graph(pos, batch, k):
    n = pos.shape[0]
    sq = jnp.sum(pos * pos, axis=1)
    d2 = sq[:, None] + sq[None, :] - 2.0 * (pos @ pos.T)
    same = batch[:, None] == batch[None, :]
    d2 = jnp.where(same, d2, jnp.inf)
    ar = jnp.arange(n)
    d2 = d2.at[ar, ar].set(jnp.inf)
    _, idx = jax.lax.top_k(-d2, k)
    src = idx.reshape(-1)
    dst = jnp.repeat(ar, k)
    return jnp.stack([src, dst])


def gcn_conv(x, edge_index, W, b):
    n = x.shape[0]
    ar = jnp.arange(n)
    src = jnp.concatenate([edge_index[0], ar])
    dst = jnp.concatenate([edge_index[1], ar])
    deg = jnp.zeros((n,), x.dtype).at[dst].add(1.0)
    dinv = jnp.where(deg > 0, jax.lax.rsqrt(deg), 0.0)
    norm = dinv[src] * dinv[dst]
    h = x @ W
    msg = h[src] * norm[:, None]
    out = jnp.zeros_like(h).at[dst].add(msg)
    return out + b


def reference(z, pos, batch, emb, W0, b0, W1, b1, W2, b2, rW0, rb0, rW1, rb1, rW2, rb2):
    edge_index = knn_graph(pos, batch, K)
    x = emb[z]
    for (W, b) in ((W0, b0), (W1, b1), (W2, b2)):
        x = jax.nn.relu(gcn_conv(x, edge_index, W, b))
    sums = jax.ops.segment_sum(x, batch, num_segments=B)
    cnts = jax.ops.segment_sum(jnp.ones((x.shape[0],), x.dtype), batch, num_segments=B)
    pooled = sums / jnp.maximum(cnts, 1.0)[:, None]
    h = jax.nn.relu(pooled @ rW0 + rb0)
    h = jax.nn.relu(h @ rW1 + rb1)
    out = h @ rW2 + rb2
    return jnp.squeeze(out)

if __name__ == "__main__":
    import jax
    _d = setup_inputs()
    print(jax.jit(kernel)(*tuple(_d.values())))

</pallas_src>

<mosaic_0001>
#map = affine_map<(d0, d1) -> (0, 0)>
#map1 = affine_map<(d0, d1) -> (0, 0, 0)>
module attributes {stable_mosaic.version = 14 : i64} {
  func.func @_sc_agg_body(%arg0: i32, %arg1: i32, %arg2: memref<10240x128xf32, #tpu.memory_space<hbm>>, %arg3: memref<32x20x96xi32, #tpu.memory_space<hbm>>, %arg4: memref<10240x128xf32, #tpu.memory_space<hbm>>, %arg5: memref<20x96xi32, #tpu.memory_space<vmem>>, %arg6: memref<96x128xf32, #tpu.memory_space<vmem>>, %arg7: memref<96x128xf32, #tpu.memory_space<vmem>>, %arg8: memref<16x128xf32, #tpu.memory_space<vmem>>, %arg9: memref<16x128xf32, #tpu.memory_space<vmem>>, %arg10: memref<10240x128xf32, #tpu.memory_space<vmem_shared>>, %arg11: memref<!tpu.dma_semaphore, #tpu.memory_space<semaphore_mem>>, %arg12: memref<!tpu.dma_semaphore, #tpu.memory_space<semaphore_mem>>, %arg13: memref<!tpu.dma_semaphore, #tpu.memory_space<semaphore_mem>>, %arg14: memref<!tpu.dma_semaphore, #tpu.memory_space<semaphore_mem>>) attributes {dimension_semantics = [#tpu.dimension_semantics<core_parallel>, #tpu.dimension_semantics<subcore_parallel>], iteration_bounds = array<i64: 2, 16>, scalar_prefetch = 0 : i64, scratch_operands = 10 : i64, tpu.core_type = #tpu.core_type<sc_vector_subcore>, window_params = [{transform_indices = #map}, {transform_indices = #map1}, {transform_indices = #map}]} {
    %mul3A = arith.constant 2 : i32
    %mul3A_0 = arith.muli %arg1, %mul3A : i32
    %add3A = arith.addi %mul3A_0, %arg0 : i32
    %mul3A_1 = arith.constant 640 : i32
    %mul3A_2 = arith.muli %arg1, %mul3A_1 : i32
    %mul3A_3 = arith.constant 640 : i32
    %mul3A_4 = arith.muli %arg1, %mul3A_3 : i32
    "tpu.region"() ({
      %run_scoped3A = tpu.sem_alloc : memref<!tpu.dma_semaphore, #tpu.memory_space<semaphore_mem>>
      %dma_start3A_34 = arith.constant 0 : i32
      %dma_start3A_35 = tpu.memref_slice %arg10[%mul3A_4, %dma_start3A_34] : memref<10240x128xf32, #tpu.memory_space<vmem_shared>> -> memref<640x128xf32, #tpu.memory_space<vmem_shared>>
      %dma_start3A_36 = arith.constant 0 : i32
      %dma_start3A_37 = tpu.memref_slice %arg2[%mul3A_2, %dma_start3A_36] : memref<10240x128xf32, #tpu.memory_space<hbm>> -> memref<640x128xf32, #tpu.memory_space<hbm>>
      tpu.enqueue_dma source(%dma_start3A_37 : memref<640x128xf32, #tpu.memory_space<hbm>>) target(%dma_start3A_35 : memref<640x128xf32, #tpu.memory_space<vmem_shared>>) target_semaphore(%run_scoped3A : memref<!tpu.dma_semaphore, #tpu.memory_space<semaphore_mem>>)
      %dma_wait3A_38 = arith.constant 0 : i32
      %dma_wait3A_39 = tpu.memref_slice %arg10[%mul3A_4, %dma_wait3A_38] : memref<10240x128xf32, #tpu.memory_space<vmem_shared>> -> memref<640x128xf32, #tpu.memory_space<vmem_shared>>
      %dma_wait3A_40 = arith.constant 0 : i32
      %dma_wait3A_41 = tpu.memref_slice %arg2[%mul3A_2, %dma_wait3A_40] : memref<10240x128xf32, #tpu.memory_space<hbm>> -> memref<640x128xf32, #tpu.memory_space<hbm>>
      tpu.wait_dma2 semaphore(%run_scoped3A : memref<!tpu.dma_semaphore, #tpu.memory_space<semaphore_mem>>) src(%dma_wait3A_41 : memref<640x128xf32, #tpu.memory_space<hbm>>) dst(%dma_wait3A_39 : memref<640x128xf32, #tpu.memory_space<vmem_shared>>)
      tpu.yield
    }) : () -> ()
    "tpu.region"() ({
      %run_scoped3A = tpu.sem_alloc : memref<!tpu.dma_semaphore, #tpu.memory_space<semaphore_mem>>
      %dma_start3A_34 = arith.constant 0 : i32
      %dma_start3A_35 = arith.constant 0 : i32
      %dma_start3A_36 = tpu.memref_slice %arg3[%add3A, %dma_start3A_34, %dma_start3A_35] : memref<32x20x96xi32, #tpu.memory_space<hbm>> -> memref<1x20x96xi32, #tpu.memory_space<hbm>>
      %dma_start3A_37 = tpu.memref_squeeze %dma_start3A_36 : memref<1x20x96xi32, #tpu.memory_space<hbm>> -> memref<20x96xi32, #tpu.memory_space<hbm>>
      %dma_start3A_38 = arith.constant 0 : i32
      %dma_start3A_39 = arith.constant 0 : i32
      %dma_start3A_40 = tpu.memref_slice %arg3[%add3A, %dma_start3A_38, %dma_start3A_39] : memref<32x20x96xi32, #tpu.memory_space<hbm>> -> memref<1x20x96xi32, #tpu.memory_space<hbm>>
      %dma_start3A_41 = tpu.memref_squeeze %dma_start3A_40 : memref<1x20x96xi32, #tpu.memory_space<hbm>> -> memref<20x96xi32, #tpu.memory_space<hbm>>
      tpu.enqueue_dma source(%dma_start3A_41 : memref<20x96xi32, #tpu.memory_space<hbm>>) target(%arg5 : memref<20x96xi32, #tpu.memory_space<vmem>>) target_semaphore(%run_scoped3A : memref<!tpu.dma_semaphore, #tpu.memory_space<semaphore_mem>>)
      %dma_wait3A_42 = arith.constant 0 : i32
      %dma_wait3A_43 = arith.constant 0 : i32
      %dma_wait3A_44 = tpu.memref_slice %arg3[%add3A, %dma_wait3A_42, %dma_wait3A_43] : memref<32x20x96xi32, #tpu.memory_space<hbm>> -> memref<1x20x96xi32, #tpu.memory_space<hbm>>
      %dma_wait3A_45 = tpu.memref_squeeze %dma_wait3A_44 : memref<1x20x96xi32, #tpu.memory_space<hbm>> -> memref<20x96xi32, #tpu.memory_space<hbm>>
      %dma_wait3A_46 = arith.constant 0 : i32
      %dma_wait3A_47 = arith.constant 0 : i32
      %dma_wait3A_48 = tpu.memref_slice %arg3[%add3A, %dma_wait3A_46, %dma_wait3A_47] : memref<32x20x96xi32, #tpu.memory_space<hbm>> -> memref<1x20x96xi32, #tpu.memory_space<hbm>>
      %dma_wait3A_49 = tpu.memref_squeeze %dma_wait3A_48 : memref<1x20x96xi32, #tpu.memory_space<hbm>> -> memref<20x96xi32, #tpu.memory_space<hbm>>
      tpu.wait_dma2 semaphore(%run_scoped3A : memref<!tpu.dma_semaphore, #tpu.memory_space<semaphore_mem>>) src(%dma_wait3A_49 : memref<20x96xi32, #tpu.memory_space<hbm>>) dst(%arg5 : memref<20x96xi32, #tpu.memory_space<vmem>>)
      tpu.yield
    }) : () -> ()
    %barrier3A = arith.constant 0 : index
    tpu.barrier barrier_id(%barrier3A)
    %dma_start3A = arith.constant 0 : i32
    %dma_start3A_5 = arith.constant 0 : i32
    %dma_start3A_6 = tpu.memref_slice %arg5[%dma_start3A, %dma_start3A_5] : memref<20x96xi32, #tpu.memory_space<vmem>> -> memref<1x96xi32, #tpu.memory_space<vmem>>
    %dma_start3A_7 = tpu.memref_squeeze %dma_start3A_6 : memref<1x96xi32, #tpu.memory_space<vmem>> -> memref<96xi32, #tpu.memory_space<vmem>>
    %dma_start3A_8 = arith.constant 0 : i32
    %dma_start3A_9 = arith.constant 0 : i32
    %dma_start3A_10 = tpu.memref_slice %arg10[%dma_start3A_8, %dma_start3A_9] : memref<10240x128xf32, #tpu.memory_space<vmem_shared>> -> memref<10240x128xf32, #tpu.memory_space<vmem_shared>>
    tpu.enqueue_indirect_dma source(%dma_start3A_10 : memref<10240x128xf32, #tpu.memory_space<vmem_shared>>) target(%arg6 : memref<96x128xf32, #tpu.memory_space<vmem>>) offsets(%dma_start3A_7 : memref<96xi32, #tpu.memory_space<vmem>>) semaphore(%arg11 : memref<!tpu.dma_semaphore, #tpu.memory_space<semaphore_mem>>)
    %dma_start3A_11 = arith.constant 1 : i32
    %dma_start3A_12 = arith.constant 0 : i32
    %dma_start3A_13 = tpu.memref_slice %arg5[%dma_start3A_11, %dma_start3A_12] : memref<20x96xi32, #tpu.memory_space<vmem>> -> memref<1x96xi32, #tpu.memory_space<vmem>>
    %dma_start3A_14 = tpu.memref_squeeze %dma_start3A_13 : memref<1x96xi32, #tpu.memory_space<vmem>> -> memref<96xi32, #tpu.memory_space<vmem>>
    %dma_start3A_15 = arith.constant 0 : i32
    %dma_start3A_16 = arith.constant 0 : i32
    %dma_start3A_17 = tpu.memref_slice %arg10[%dma_start3A_15, %dma_start3A_16] : memref<10240x128xf32, #tpu.memory_space<vmem_shared>> -> memref<10240x128xf32, #tpu.memory_space<vmem_shared>>
    tpu.enqueue_indirect_dma source(%dma_start3A_17 : memref<10240x128xf32, #tpu.memory_space<vmem_shared>>) target(%arg7 : memref<96x128xf32, #tpu.memory_space<vmem>>) offsets(%dma_start3A_14 : memref<96xi32, #tpu.memory_space<vmem>>) semaphore(%arg12 : memref<!tpu.dma_semaphore, #tpu.memory_space<semaphore_mem>>)
    %scan3A = arith.constant 0 : i32
    %scan3A_18 = arith.constant 0 : i32
    %scan3A_19 = arith.constant 10 : i32
    %scan3A_20 = arith.addi %scan3A_18, %scan3A_19 : i32
    %scan3A_21 = arith.constant 1 : i32
    scf.for %scan3A_34 = %scan3A_18 to %scan3A_20 step %scan3A_21  : i32 {
      %mul3A_35 = arith.constant 2 : i32
      %mul3A_36 = arith.muli %mul3A_35, %scan3A_34 : i32
      %dma_wait3A_37 = arith.constant 0 : i32
      %dma_wait3A_38 = tpu.memref_slice %arg5[%mul3A_36, %dma_wait3A_37] : memref<20x96xi32, #tpu.memory_space<vmem>> -> memref<1x96xi32, #tpu.memory_space<vmem>>
      %dma_wait3A_39 = tpu.memref_squeeze %dma_wait3A_38 : memref<1x96xi32, #tpu.memory_space<vmem>> -> memref<96xi32, #tpu.memory_space<vmem>>
      %dma_wait3A_40 = arith.constant 0 : i32
      %dma_wait3A_41 = arith.constant 0 : i32
      %dma_wait3A_42 = tpu.memref_slice %arg10[%dma_wait3A_40, %dma_wait3A_41] : memref<10240x128xf32, #tpu.memory_space<vmem_shared>> -> memref<10240x128xf32, #tpu.memory_space<vmem_shared>>
      tpu.wait_indirect_dma semaphore(%arg11 : memref<!tpu.dma_semaphore, #tpu.memory_space<semaphore_mem>>) src(%dma_wait3A_42 : memref<10240x128xf32, #tpu.memory_space<vmem_shared>>) dst(%arg6 : memref<96x128xf32, #tpu.memory_space<vmem>>)
      %ge3A = arith.constant 2 : i32
      %ge3A_43 = arith.cmpi sge, %mul3A_36, %ge3A : i32
      %convert_element_type3A = arith.extui %ge3A_43 : i1 to i32
      %cond3A = arith.constant 0 : i32
      %cond3A_44 = arith.cmpi ne, %convert_element_type3A, %cond3A : i32
      scf.if %cond3A_44 {
        %dma_wait3A_101 = arith.constant 0 : i32
        %dma_wait3A_102 = arith.constant 0 : i32
        %dma_wait3A_103 = tpu.memref_slice %arg4[%dma_wait3A_101, %dma_wait3A_102] : memref<10240x128xf32, #tpu.memory_space<hbm>> -> memref<16x128xf32, #tpu.memory_space<hbm>>
        %dma_wait3A_104 = arith.constant 0 : i32
        %dma_wait3A_105 = arith.constant 0 : i32
        %dma_wait3A_106 = tpu.memref_slice %arg4[%dma_wait3A_104, %dma_wait3A_105] : memref<10240x128xf32, #tpu.memory_space<hbm>> -> memref<16x128xf32, #tpu.memory_space<hbm>>
        tpu.wait_dma2 semaphore(%arg13 : memref<!tpu.dma_semaphore, #tpu.memory_space<semaphore_mem>>) src(%arg8 : memref<16x128xf32, #tpu.memory_space<vmem>>) dst(%dma_wait3A_106 : memref<16x128xf32, #tpu.memory_space<hbm>>)
      } else {
      }
      %scan3A_45 = arith.constant 0 : i32
      %scan3A_46 = arith.constant 0 : i32
      %scan3A_47 = arith.constant 16 : i32
      %scan3A_48 = arith.addi %scan3A_46, %scan3A_47 : i32
      %scan3A_49 = arith.constant 1 : i32
      scf.for %scan3A_101 = %scan3A_46 to %scan3A_48 step %scan3A_49  : i32 {
        %mul3A_102 = arith.constant 6 : i32
        %mul3A_103 = arith.muli %mul3A_102, %scan3A_101 : i32
        %get3A = arith.index_cast %mul3A_103 : i32 to index
        %get3A_104 = arith.constant 0 : index
        %get3A_105 = tpu.vector_load %arg6[%get3A, %get3A_104] {strides = array<i32>} : memref<96x128xf32, #tpu.memory_space<vmem>>, vector<1x16xf32>,
        %get3A_106 = vector.shape_cast %get3A_105 : vector<1x16xf32> to vector<16xf32>
        %add3A_107 = arith.constant 1 : i32
        %add3A_108 = arith.addi %mul3A_103, %add3A_107 : i32
        %get3A_109 = arith.index_cast %add3A_108 : i32 to index
        %get3A_110 = arith.constant 0 : index
        %get3A_111 = tpu.vector_load %arg6[%get3A_109, %get3A_110] {strides = array<i32>} : memref<96x128xf32, #tpu.memory_space<vmem>>, vector<1x16xf32>,
        %get3A_112 = vector.shape_cast %get3A_111 : vector<1x16xf32> to vector<16xf32>
        %add3A_113 = arith.addf %get3A_106, %get3A_112 : vector<16xf32>
        %add3A_114 = arith.constant 2 : i32
        %add3A_115 = arith.addi %mul3A_103, %add3A_114 : i32
        %get3A_116 = arith.index_cast %add3A_115 : i32 to index
        %get3A_117 = arith.constant 0 : index
        %get3A_118 = tpu.vector_load %arg6[%get3A_116, %get3A_117] {strides = array<i32>} : memref<96x128xf32, #tpu.memory_space<vmem>>, vector<1x16xf32>,
        %get3A_119 = vector.shape_cast %get3A_118 : vector<1x16xf32> to vector<16xf32>
        %add3A_120 = arith.addf %add3A_113, %get3A_119 : vector<16xf32>
        %add3A_121 = arith.constant 3 : i32
        %add3A_122 = arith.addi %mul3A_103, %add3A_121 : i32
        %get3A_123 = arith.index_cast %add3A_122 : i32 to index
        %get3A_124 = arith.constant 0 : index
        %get3A_125 = tpu.vector_load %arg6[%get3A_123, %get3A_124] {strides = array<i32>} : memref<96x128xf32, #tpu.memory_space<vmem>>, vector<1x16xf32>,
        %get3A_126 = vector.shape_cast %get3A_125 : vector<1x16xf32> to vector<16xf32>
        %add3A_127 = arith.addf %add3A_120, %get3A_126 : vector<16xf32>
        %add3A_128 = arith.constant 4 : i32
        %add3A_129 = arith.addi %mul3A_103, %add3A_128 : i32
        %get3A_130 = arith.index_cast %add3A_129 : i32 to index
        %get3A_131 = arith.constant 0 : index
        %get3A_132 = tpu.vector_load %arg6[%get3A_130, %get3A_131] {strides = array<i32>} : memref<96x128xf32, #tpu.memory_space<vmem>>, vector<1x16xf32>,
        %get3A_133 = vector.shape_cast %get3A_132 : vector<1x16xf32> to vector<16xf32>
        %add3A_134 = arith.addf %add3A_127, %get3A_133 : vector<16xf32>
        %add3A_135 = arith.constant 5 : i32
        %add3A_136 = arith.addi %mul3A_103, %add3A_135 : i32
        %get3A_137 = arith.index_cast %add3A_136 : i32 to index
        %get3A_138 = arith.constant 0 : index
        %get3A_139 = tpu.vector_load %arg6[%get3A_137, %get3A_138] {strides = array<i32>} : memref<96x128xf32, #tpu.memory_space<vmem>>, vector<1x16xf32>,
        %get3A_140 = vector.shape_cast %get3A_139 : vector<1x16xf32> to vector<16xf32>
        %add3A_141 = arith.addf %add3A_134, %get3A_140 : vector<16xf32>
        %swap3A = arith.index_cast %scan3A_101 : i32 to index
        %swap3A_142 = arith.constant 0 : index
        %swap3A_143 = tpu.vector_load %arg8[%swap3A, %swap3A_142] {strides = array<i32>} : memref<16x128xf32, #tpu.memory_space<vmem>>, vector<1x16xf32>,
        %swap3A_144 = vector.shape_cast %swap3A_143 : vector<1x16xf32> to vector<16xf32>
        %swap3A_145 = vector.shape_cast %add3A_141 : vector<16xf32> to vector<1x16xf32>
        tpu.vector_store %arg8[%swap3A, %swap3A_142], %swap3A_145 {strides = array<i32>} : memref<16x128xf32, #tpu.memory_space<vmem>>, vector<1x16xf32>,
        %get3A_146 = arith.index_cast %mul3A_103 : i32 to index
        %get3A_147 = arith.constant 16 : index
        %get3A_148 = tpu.vector_load %arg6[%get3A_146, %get3A_147] {strides = array<i32>} : memref<96x128xf32, #tpu.memory_space<vmem>>, vector<1x16xf32>,
        %get3A_149 = vector.shape_cast %get3A_148 : vector<1x16xf32> to vector<16xf32>
        %add3A_150 = arith.constant 1 : i32
        %add3A_151 = arith.addi %mul3A_103, %add3A_150 : i32
        %get3A_152 = arith.index_cast %add3A_151 : i32 to index
        %get3A_153 = arith.constant 16 : index
        %get3A_154 = tpu.vector_load %arg6[%get3A_152, %get3A_153] {strides = array<i32>} : memref<96x128xf32, #tpu.memory_space<vmem>>, vector<1x16xf32>,
        %get3A_155 = vector.shape_cast %get3A_154 : vector<1x16xf32> to vector<16xf32>
        %add3A_156 = arith.addf %get3A_149, %get3A_155 : vector<16xf32>
        %add3A_157 = arith.constant 2 : i32
        %add3A_158 = arith.addi %mul3A_103, %add3A_157 : i32
        %get3A_159 = arith.index_cast %add3A_158 : i32 to index
        %get3A_160 = arith.constant 16 : index
        %get3A_161 = tpu.vector_load %arg6[%get3A_159, %get3A_160] {strides = array<i32>} : memref<96x128xf32, #tpu.memory_space<vmem>>, vector<1x16xf32>,
        %get3A_162 = vector.shape_cast %get3A_161 : vector<1x16xf32> to vector<16xf32>
        %add3A_163 = arith.addf %add3A_156, %get3A_162 : vector<16xf32>
        %add3A_164 = arith.constant 3 : i32
        %add3A_165 = arith.addi %mul3A_103, %add3A_164 : i32
        %get3A_166 = arith.index_cast %add3A_165 : i32 to index
        %get3A_167 = arith.constant 16 : index
        %get3A_168 = tpu.vector_load %arg6[%get3A_166, %get3A_167] {strides = array<i32>} : memref<96x128xf32, #tpu.memory_space<vmem>>, vector<1x16xf32>,
        %get3A_169 = vector.shape_cast %get3A_168 : vector<1x16xf32> to vector<16xf32>
        %add3A_170 = arith.addf %add3A_163, %get3A_169 : vector<16xf32>
        %add3A_171 = arith.constant 4 : i32
        %add3A_172 = arith.addi %mul3A_103, %add3A_171 : i32
        %get3A_173 = arith.index_cast %add3A_172 : i32 to index
        %get3A_174 = arith.constant 16 : index
        %get3A_175 = tpu.vector_load %arg6[%get3A_173, %get3A_174] {strides = array<i32>} : memref<96x128xf32, #tpu.memory_space<vmem>>, vector<1x16xf32>,
        %get3A_176 = vector.shape_cast %get3A_175 : vector<1x16xf32> to vector<16xf32>
        %add3A_177 = arith.addf %add3A_170, %get3A_176 : vector<16xf32>
        %add3A_178 = arith.constant 5 : i32
        %add3A_179 = arith.addi %mul3A_103, %add3A_178 : i32
        %get3A_180 = arith.index_cast %add3A_179 : i32 to index
        %get3A_181 = arith.constant 16 : index
        %get3A_182 = tpu.vector_load %arg6[%get3A_180, %get3A_181] {strides = array<i32>} : memref<96x128xf32, #tpu.memory_space<vmem>>, vector<1x16xf32>,
        %get3A_183 = vector.shape_cast %get3A_182 : vector<1x16xf32> to vector<16xf32>
        %add3A_184 = arith.addf %add3A_177, %get3A_183 : vector<16xf32>
        %swap3A_185 = arith.index_cast %scan3A_101 : i32 to index
        %swap3A_186 = arith.constant 16 : index
        %swap3A_187 = tpu.vector_load %arg8[%swap3A_185, %swap3A_186] {strides = array<i32>} : memref<16x128xf32, #tpu.memory_space<vmem>>, vector<1x16xf32>,
        %swap3A_188 = vector.shape_cast %swap3A_187 : vector<1x16xf32> to vector<16xf32>
        %swap3A_189 = vector.shape_cast %add3A_184 : vector<16xf32> to vector<1x16xf32>
        tpu.vector_store %arg8[%swap3A_185, %swap3A_186], %swap3A_189 {strides = array<i32>} : memref<16x128xf32, #tpu.memory_space<vmem>>, vector<1x16xf32>,
        %get3A_190 = arith.index_cast %mul3A_103 : i32 to index
        %get3A_191 = arith.constant 32 : index
        %get3A_192 = tpu.vector_load %arg6[%get3A_190, %get3A_191] {strides = array<i32>} : memref<96x128xf32, #tpu.memory_space<vmem>>, vector<1x16xf32>,
        %get3A_193 = vector.shape_cast %get3A_192 : vector<1x16xf32> to vector<16xf32>
        %add3A_194 = arith.constant 1 : i32
        %add3A_195 = arith.addi %mul3A_103, %add3A_194 : i32
        %get3A_196 = arith.index_cast %add3A_195 : i32 to index
        %get3A_197 = arith.constant 32 : index
        %get3A_198 = tpu.vector_load %arg6[%get3A_196, %get3A_197] {strides = array<i32>} : memref<96x128xf32, #tpu.memory_space<vmem>>, vector<1x16xf32>,
        %get3A_199 = vector.shape_cast %get3A_198 : vector<1x16xf32> to vector<16xf32>
        %add3A_200 = arith.addf %get3A_193, %get3A_199 : vector<16xf32>
        %add3A_201 = arith.constant 2 : i32
        %add3A_202 = arith.addi %mul3A_103, %add3A_201 : i32
        %get3A_203 = arith.index_cast %add3A_202 : i32 to index
        %get3A_204 = arith.constant 32 : index
        %get3A_205 = tpu.vector_load %arg6[%get3A_203, %get3A_204] {strides = array<i32>} : memref<96x128xf32, #tpu.memory_space<vmem>>, vector<1x16xf32>,
        %get3A_206 = vector.shape_cast %get3A_205 : vector<1x16xf32> to vector<16xf32>
        %add3A_207 = arith.addf %add3A_200, %get3A_206 : vector<16xf32>
        %add3A_208 = arith.constant 3 : i32
        %add3A_209 = arith.addi %mul3A_103, %add3A_208 : i32
        %get3A_210 = arith.index_cast %add3A_209 : i32 to index
        %get3A_211 = arith.constant 32 : index
        %get3A_212 = tpu.vector_load %arg6[%get3A_210, %get3A_211] {strides = array<i32>} : memref<96x128xf32, #tpu.memory_space<vmem>>, vector<1x16xf32>,
        %get3A_213 = vector.shape_cast %get3A_212 : vector<1x16xf32> to vector<16xf32>
        %add3A_214 = arith.addf %add3A_207, %get3A_213 : vector<16xf32>
        %add3A_215 = arith.constant 4 : i32
        %add3A_216 = arith.addi %mul3A_103, %add3A_215 : i32
        %get3A_217 = arith.index_cast %add3A_216 : i32 to index
        %get3A_218 = arith.constant 32 : index
        %get3A_219 = tpu.vector_load %arg6[%get3A_217, %get3A_218] {strides = array<i32>} : memref<96x128xf32, #tpu.memory_space<vmem>>, vector<1x16xf32>,
        %get3A_220 = vector.shape_cast %get3A_219 : vector<1x16xf32> to vector<16xf32>
        %add3A_221 = arith.addf %add3A_214, %get3A_220 : vector<16xf32>
        %add3A_222 = arith.constant 5 : i32
        %add3A_223 = arith.addi %mul3A_103, %add3A_222 : i32
        %get3A_224 = arith.index_cast %add3A_223 : i32 to index
        %get3A_225 = arith.constant 32 : index
        %get3A_226 = tpu.vector_load %arg6[%get3A_224, %get3A_225] {strides = array<i32>} : memref<96x128xf32, #tpu.memory_space<vmem>>, vector<1x16xf32>,
        %get3A_227 = vector.shape_cast %get3A_226 : vector<1x16xf32> to vector<16xf32>
        %add3A_228 = arith.addf %add3A_221, %get3A_227 : vector<16xf32>
        %swap3A_229 = arith.index_cast %scan3A_101 : i32 to index
        %swap3A_230 = arith.constant 32 : index
        %swap3A_231 = tpu.vector_load %arg8[%swap3A_229, %swap3A_230] {strides = array<i32>} : memref<16x128xf32, #tpu.memory_space<vmem>>, vector<1x16xf32>,
        %swap3A_232 = vector.shape_cast %swap3A_231 : vector<1x16xf32> to vector<16xf32>
        %swap3A_233 = vector.shape_cast %add3A_228 : vector<16xf32> to vector<1x16xf32>
        tpu.vector_store %arg8[%swap3A_229, %swap3A_230], %swap3A_233 {strides = array<i32>} : memref<16x128xf32, #tpu.memory_space<vmem>>, vector<1x16xf32>,
        %get3A_234 = arith.index_cast %mul3A_103 : i32 to index
        %get3A_235 = arith.constant 48 : index
        %get3A_236 = tpu.vector_load %arg6[%get3A_234, %get3A_235] {strides = array<i32>} : memref<96x128xf32, #tpu.memory_space<vmem>>, vector<1x16xf32>,
        %get3A_237 = vector.shape_cast %get3A_236 : vector<1x16xf32> to vector<16xf32>
        %add3A_238 = arith.constant 1 : i32
        %add3A_239 = arith.addi %mul3A_103, %add3A_238 : i32
        %get3A_240 = arith.index_cast %add3A_239 : i32 to index
        %get3A_241 = arith.constant 48 : index
        %get3A_242 = tpu.vector_load %arg6[%get3A_240, %get3A_241] {strides = array<i32>} : memref<96x128xf32, #tpu.memory_space<vmem>>, vector<1x16xf32>,
        %get3A_243 = vector.shape_cast %get3A_242 : vector<1x16xf32> to vector<16xf32>
        %add3A_244 = arith.addf %get3A_237, %get3A_243 : vector<16xf32>
        %add3A_245 = arith.constant 2 : i32
        %add3A_246 = arith.addi %mul3A_103, %add3A_245 : i32
        %get3A_247 = arith.index_cast %add3A_246 : i32 to index
        %get3A_248 = arith.constant 48 : index
        %get3A_249 = tpu.vector_load %arg6[%get3A_247, %get3A_248] {strides = array<i32>} : memref<96x128xf32, #tpu.memory_space<vmem>>, vector<1x16xf32>,
        %get3A_250 = vector.shape_cast %get3A_249 : vector<1x16xf32> to vector<16xf32>
        %add3A_251 = arith.addf %add3A_244, %get3A_250 : vector<16xf32>
        %add3A_252 = arith.constant 3 : i32
        %add3A_253 = arith.addi %mul3A_103, %add3A_252 : i32
        %get3A_254 = arith.index_cast %add3A_253 : i32 to index
        %get3A_255 = arith.constant 48 : index
        %get3A_256 = tpu.vector_load %arg6[%get3A_254, %get3A_255] {strides = array<i32>} : memref<96x128xf32, #tpu.memory_space<vmem>>, vector<1x16xf32>,
        %get3A_257 = vector.shape_cast %get3A_256 : vector<1x16xf32> to vector<16xf32>
        %add3A_258 = arith.addf %add3A_251, %get3A_257 : vector<16xf32>
        %add3A_259 = arith.constant 4 : i32
        %add3A_260 = arith.addi %mul3A_103, %add3A_259 : i32
        %get3A_261 = arith.index_cast %add3A_260 : i32 to index
        %get3A_262 = arith.constant 48 : index
        %get3A_263 = tpu.vector_load %arg6[%get3A_261, %get3A_262] {strides = array<i32>} : memref<96x128xf32, #tpu.memory_space<vmem>>, vector<1x16xf32>,
        %get3A_264 = vector.shape_cast %get3A_263 : vector<1x16xf32> to vector<16xf32>
        %add3A_265 = arith.addf %add3A_258, %get3A_264 : vector<16xf32>
        %add3A_266 = arith.constant 5 : i32
        %add3A_267 = arith.addi %mul3A_103, %add3A_266 : i32
        %get3A_268 = arith.index_cast %add3A_267 : i32 to index
        %get3A_269 = arith.constant 48 : index
        %get3A_270 = tpu.vector_load %arg6[%get3A_268, %get3A_269] {strides = array<i32>} : memref<96x128xf32, #tpu.memory_space<vmem>>, vector<1x16xf32>,
        %get3A_271 = vector.shape_cast %get3A_270 : vector<1x16xf32> to vector<16xf32>
        %add3A_272 = arith.addf %add3A_265, %get3A_271 : vector<16xf32>
        %swap3A_273 = arith.index_cast %scan3A_101 : i32 to index
        %swap3A_274 = arith.constant 48 : index
        %swap3A_275 = tpu.vector_load %arg8[%swap3A_273, %swap3A_274] {strides = array<i32>} : memref<16x128xf32, #tpu.memory_space<vmem>>, vector<1x16xf32>,
        %swap3A_276 = vector.shape_cast %swap3A_275 : vector<1x16xf32> to vector<16xf32>
        %swap3A_277 = vector.shape_cast %add3A_272 : vector<16xf32> to vector<1x16xf32>
        tpu.vector_store %arg8[%swap3A_273, %swap3A_274], %swap3A_277 {strides = array<i32>} : memref<16x128xf32, #tpu.memory_space<vmem>>, vector<1x16xf32>,
        %get3A_278 = arith.index_cast %mul3A_103 : i32 to index
        %get3A_279 = arith.constant 64 : index
        %get3A_280 = tpu.vector_load %arg6[%get3A_278, %get3A_279] {strides = array<i32>} : memref<96x128xf32, #tpu.memory_space<vmem>>, vector<1x16xf32>,
        %get3A_281 = vector.shape_cast %get3A_280 : vector<1x16xf32> to vector<16xf32>
        %add3A_282 = arith.constant 1 : i32
        %add3A_283 = arith.addi %mul3A_103, %add3A_282 : i32
        %get3A_284 = arith.index_cast %add3A_283 : i32 to index
        %get3A_285 = arith.constant 64 : index
        %get3A_286 = tpu.vector_load %arg6[%get3A_284, %get3A_285] {strides = array<i32>} : memref<96x128xf32, #tpu.memory_space<vmem>>, vector<1x16xf32>,
        %get3A_287 = vector.shape_cast %get3A_286 : vector<1x16xf32> to vector<16xf32>
        %add3A_288 = arith.addf %get3A_281, %get3A_287 : vector<16xf32>
        %add3A_289 = arith.constant 2 : i32
        %add3A_290 = arith.addi %mul3A_103, %add3A_289 : i32
        %get3A_291 = arith.index_cast %add3A_290 : i32 to index
        %get3A_292 = arith.constant 64 : index
        %get3A_293 = tpu.vector_load %arg6[%get3A_291, %get3A_292] {strides = array<i32>} : memref<96x128xf32, #tpu.memory_space<vmem>>, vector<1x16xf32>,
        %get3A_294 = vector.shape_cast %get3A_293 : vector<1x16xf32> to vector<16xf32>
        %add3A_295 = arith.addf %add3A_288, %get3A_294 : vector<16xf32>
        %add3A_296 = arith.constant 3 : i32
        %add3A_297 = arith.addi %mul3A_103, %add3A_296 : i32
        %get3A_298 = arith.index_cast %add3A_297 : i32 to index
        %get3A_299 = arith.constant 64 : index
        %get3A_300 = tpu.vector_load %arg6[%get3A_298, %get3A_299] {strides = array<i32>} : memref<96x128xf32, #tpu.memory_space<vmem>>, vector<1x16xf32>,
        %get3A_301 = vector.shape_cast %get3A_300 : vector<1x16xf32> to vector<16xf32>
        %add3A_302 = arith.addf %add3A_295, %get3A_301 : vector<16xf32>
        %add3A_303 = arith.constant 4 : i32
        %add3A_304 = arith.addi %mul3A_103, %add3A_303 : i32
        %get3A_305 = arith.index_cast %add3A_304 : i32 to index
        %get3A_306 = arith.constant 64 : index
        %get3A_307 = tpu.vector_load %arg6[%get3A_305, %get3A_306] {strides = array<i32>} : memref<96x128xf32, #tpu.memory_space<vmem>>, vector<1x16xf32>,
        %get3A_308 = vector.shape_cast %get3A_307 : vector<1x16xf32> to vector<16xf32>
        %add3A_309 = arith.addf %add3A_302, %get3A_308 : vector<16xf32>
        %add3A_310 = arith.constant 5 : i32
        %add3A_311 = arith.addi %mul3A_103, %add3A_310 : i32
        %get3A_312 = arith.index_cast %add3A_311 : i32 to index
        %get3A_313 = arith.constant 64 : index
        %get3A_314 = tpu.vector_load %arg6[%get3A_312, %get3A_313] {strides = array<i32>} : memref<96x128xf32, #tpu.memory_space<vmem>>, vector<1x16xf32>,
        %get3A_315 = vector.shape_cast %get3A_314 : vector<1x16xf32> to vector<16xf32>
        %add3A_316 = arith.addf %add3A_309, %get3A_315 : vector<16xf32>
        %swap3A_317 = arith.index_cast %scan3A_101 : i32 to index
        %swap3A_318 = arith.constant 64 : index
        %swap3A_319 = tpu.vector_load %arg8[%swap3A_317, %swap3A_318] {strides = array<i32>} : memref<16x128xf32, #tpu.memory_space<vmem>>, vector<1x16xf32>,
        %swap3A_320 = vector.shape_cast %swap3A_319 : vector<1x16xf32> to vector<16xf32>
        %swap3A_321 = vector.shape_cast %add3A_316 : vector<16xf32> to vector<1x16xf32>
        tpu.vector_store %arg8[%swap3A_317, %swap3A_318], %swap3A_321 {strides = array<i32>} : memref<16x128xf32, #tpu.memory_space<vmem>>, vector<1x16xf32>,
        %get3A_322 = arith.index_cast %mul3A_103 : i32 to index
        %get3A_323 = arith.constant 80 : index
        %get3A_324 = tpu.vector_load %arg6[%get3A_322, %get3A_323] {strides = array<i32>} : memref<96x128xf32, #tpu.memory_space<vmem>>, vector<1x16xf32>,
        %get3A_325 = vector.shape_cast %get3A_324 : vector<1x16xf32> to vector<16xf32>
        %add3A_326 = arith.constant 1 : i32
        %add3A_327 = arith.addi %mul3A_103, %add3A_326 : i32
        %get3A_328 = arith.index_cast %add3A_327 : i32 to index
        %get3A_329 = arith.constant 80 : index
        %get3A_330 = tpu.vector_load %arg6[%get3A_328, %get3A_329] {strides = array<i32>} : memref<96x128xf32, #tpu.memory_space<vmem>>, vector<1x16xf32>,
        %get3A_331 = vector.shape_cast %get3A_330 : vector<1x16xf32> to vector<16xf32>
        %add3A_332 = arith.addf %get3A_325, %get3A_331 : vector<16xf32>
        %add3A_333 = arith.constant 2 : i32
        %add3A_334 = arith.addi %mul3A_103, %add3A_333 : i32
        %get3A_335 = arith.index_cast %add3A_334 : i32 to index
        %get3A_336 = arith.constant 80 : index
        %get3A_337 = tpu.vector_load %arg6[%get3A_335, %get3A_336] {strides = array<i32>} : memref<96x128xf32, #tpu.memory_space<vmem>>, vector<1x16xf32>,
        %get3A_338 = vector.shape_cast %get3A_337 : vector<1x16xf32> to vector<16xf32>
        %add3A_339 = arith.addf %add3A_332, %get3A_338 : vector<16xf32>
        %add3A_340 = arith.constant 3 : i32
        %add3A_341 = arith.addi %mul3A_103, %add3A_340 : i32
        %get3A_342 = arith.index_cast %add3A_341 : i32 to index
        %get3A_343 = arith.constant 80 : index
        %get3A_344 = tpu.vector_load %arg6[%get3A_342, %get3A_343] {strides = array<i32>} : memref<96x128xf32, #tpu.memory_space<vmem>>, vector<1x16xf32>,
        %get3A_345 = vector.shape_cast %get3A_344 : vector<1x16xf32> to vector<16xf32>
        %add3A_346 = arith.addf %add3A_339, %get3A_345 : vector<16xf32>
        %add3A_347 = arith.constant 4 : i32
        %add3A_348 = arith.addi %mul3A_103, %add3A_347 : i32
        %get3A_349 = arith.index_cast %add3A_348 : i32 to index
        %get3A_350 = arith.constant 80 : index
        %get3A_351 = tpu.vector_load %arg6[%get3A_349, %get3A_350] {strides = array<i32>} : memref<96x128xf32, #tpu.memory_space<vmem>>, vector<1x16xf32>,
        %get3A_352 = vector.shape_cast %get3A_351 : vector<1x16xf32> to vector<16xf32>
        %add3A_353 = arith.addf %add3A_346, %get3A_352 : vector<16xf32>
        %add3A_354 = arith.constant 5 : i32
        %add3A_355 = arith.addi %mul3A_103, %add3A_354 : i32
        %get3A_356 = arith.index_cast %add3A_355 : i32 to index
        %get3A_357 = arith.constant 80 : index
        %get3A_358 = tpu.vector_load %arg6[%get3A_356, %get3A_357] {strides = array<i32>} : memref<96x128xf32, #tpu.memory_space<vmem>>, vector<1x16xf32>,
        %get3A_359 = vector.shape_cast %get3A_358 : vector<1x16xf32> to vector<16xf32>
        %add3A_360 = arith.addf %add3A_353, %get3A_359 : vector<16xf32>
        %swap3A_361 = arith.index_cast %scan3A_101 : i32 to index
        %swap3A_362 = arith.constant 80 : index
        %swap3A_363 = tpu.vector_load %arg8[%swap3A_361, %swap3A_362] {strides = array<i32>} : memref<16x128xf32, #tpu.memory_space<vmem>>, vector<1x16xf32>,
        %swap3A_364 = vector.shape_cast %swap3A_363 : vector<1x16xf32> to vector<16xf32>
        %swap3A_365 = vector.shape_cast %add3A_360 : vector<16xf32> to vector<1x16xf32>
        tpu.vector_store %arg8[%swap3A_361, %swap3A_362], %swap3A_365 {strides = array<i32>} : memref<16x128xf32, #tpu.memory_space<vmem>>, vector<1x16xf32>,
        %get3A_366 = arith.index_cast %mul3A_103 : i32 to index
        %get3A_367 = arith.constant 96 : index
        %get3A_368 = tpu.vector_load %arg6[%get3A_366, %get3A_367] {strides = array<i32>} : memref<96x128xf32, #tpu.memory_space<vmem>>, vector<1x16xf32>,
        %get3A_369 = vector.shape_cast %get3A_368 : vector<1x16xf32> to vector<16xf32>
        %add3A_370 = arith.constant 1 : i32
        %add3A_371 = arith.addi %mul3A_103, %add3A_370 : i32
        %get3A_372 = arith.index_cast %add3A_371 : i32 to index
        %get3A_373 = arith.constant 96 : index
        %get3A_374 = tpu.vector_load %arg6[%get3A_372, %get3A_373] {strides = array<i32>} : memref<96x128xf32, #tpu.memory_space<vmem>>, vector<1x16xf32>,
        %get3A_375 = vector.shape_cast %get3A_374 : vector<1x16xf32> to vector<16xf32>
        %add3A_376 = arith.addf %get3A_369, %get3A_375 : vector<16xf32>
        %add3A_377 = arith.constant 2 : i32
        %add3A_378 = arith.addi %mul3A_103, %add3A_377 : i32
        %get3A_379 = arith.index_cast %add3A_378 : i32 to index
        %get3A_380 = arith.constant 96 : index
        %get3A_381 = tpu.vector_load %arg6[%get3A_379, %get3A_380] {strides = array<i32>} : memref<96x128xf32, #tpu.memory_space<vmem>>, vector<1x16xf32>,
        %get3A_382 = vector.shape_cast %get3A_381 : vector<1x16xf32> to vector<16xf32>
        %add3A_383 = arith.addf %add3A_376, %get3A_382 : vector<16xf32>
        %add3A_384 = arith.constant 3 : i32
        %add3A_385 = arith.addi %mul3A_103, %add3A_384 : i32
        %get3A_386 = arith.index_cast %add3A_385 : i32 to index
        %get3A_387 = arith.constant 96 : index
        %get3A_388 = tpu.vector_load %arg6[%get3A_386, %get3A_387] {strides = array<i32>} : memref<96x128xf32, #tpu.memory_space<vmem>>, vector<1x16xf32>,
        %get3A_389 = vector.shape_cast %get3A_388 : vector<1x16xf32> to vector<16xf32>
        %add3A_390 = arith.addf %add3A_383, %get3A_389 : vector<16xf32>
        %add3A_391 = arith.constant 4 : i32
        %add3A_392 = arith.addi %mul3A_103, %add3A_391 : i32
        %get3A_393 = arith.index_cast %add3A_392 : i32 to index
        %get3A_394 = arith.constant 96 : index
        %get3A_395 = tpu.vector_load %arg6[%get3A_393, %get3A_394] {strides = array<i32>} : memref<96x128xf32, #tpu.memory_space<vmem>>, vector<1x16xf32>,
        %get3A_396 = vector.shape_cast %get3A_395 : vector<1x16xf32> to vector<16xf32>
        %add3A_397 = arith.addf %add3A_390, %get3A_396 : vector<16xf32>
        %add3A_398 = arith.constant 5 : i32
        %add3A_399 = arith.addi %mul3A_103, %add3A_398 : i32
        %get3A_400 = arith.index_cast %add3A_399 : i32 to index
        %get3A_401 = arith.constant 96 : index
        %get3A_402 = tpu.vector_load %arg6[%get3A_400, %get3A_401] {strides = array<i32>} : memref<96x128xf32, #tpu.memory_space<vmem>>, vector<1x16xf32>,
        %get3A_403 = vector.shape_cast %get3A_402 : vector<1x16xf32> to vector<16xf32>
        %add3A_404 = arith.addf %add3A_397, %get3A_403 : vector<16xf32>
        %swap3A_405 = arith.index_cast %scan3A_101 : i32 to index
        %swap3A_406 = arith.constant 96 : index
        %swap3A_407 = tpu.vector_load %arg8[%swap3A_405, %swap3A_406] {strides = array<i32>} : memref<16x128xf32, #tpu.memory_space<vmem>>, vector<1x16xf32>,
        %swap3A_408 = vector.shape_cast %swap3A_407 : vector<1x16xf32> to vector<16xf32>
        %swap3A_409 = vector.shape_cast %add3A_404 : vector<16xf32> to vector<1x16xf32>
        tpu.vector_store %arg8[%swap3A_405, %swap3A_406], %swap3A_409 {strides = array<i32>} : memref<16x128xf32, #tpu.memory_space<vmem>>, vector<1x16xf32>,
        %get3A_410 = arith.index_cast %mul3A_103 : i32 to index
        %get3A_411 = arith.constant 112 : index
        %get3A_412 = tpu.vector_load %arg6[%get3A_410, %get3A_411] {strides = array<i32>} : memref<96x128xf32, #tpu.memory_space<vmem>>, vector<1x16xf32>,
        %get3A_413 = vector.shape_cast %get3A_412 : vector<1x16xf32> to vector<16xf32>
        %add3A_414 = arith.constant 1 : i32
        %add3A_415 = arith.addi %mul3A_103, %add3A_414 : i32
        %get3A_416 = arith.index_cast %add3A_415 : i32 to index
        %get3A_417 = arith.constant 112 : index
        %get3A_418 = tpu.vector_load %arg6[%get3A_416, %get3A_417] {strides = array<i32>} : memref<96x128xf32, #tpu.memory_space<vmem>>, vector<1x16xf32>,
        %get3A_419 = vector.shape_cast %get3A_418 : vector<1x16xf32> to vector<16xf32>
        %add3A_420 = arith.addf %get3A_413, %get3A_419 : vector<16xf32>
        %add3A_421 = arith.constant 2 : i32
        %add3A_422 = arith.addi %mul3A_103, %add3A_421 : i32
        %get3A_423 = arith.index_cast %add3A_422 : i32 to index
        %get3A_424 = arith.constant 112 : index
        %get3A_425 = tpu.vector_load %arg6[%get3A_423, %get3A_424] {strides = array<i32>} : memref<96x128xf32, #tpu.memory_space<vmem>>, vector<1x16xf32>,
        %get3A_426 = vector.shape_cast %get3A_425 : vector<1x16xf32> to vector<16xf32>
        %add3A_427 = arith.addf %add3A_420, %get3A_426 : vector<16xf32>
        %add3A_428 = arith.constant 3 : i32
        %add3A_429 = arith.addi %mul3A_103, %add3A_428 : i32
        %get3A_430 = arith.index_cast %add3A_429 : i32 to index
        %get3A_431 = arith.constant 112 : index
        %get3A_432 = tpu.vector_load %arg6[%get3A_430, %get3A_431] {strides = array<i32>} : memref<96x128xf32, #tpu.memory_space<vmem>>, vector<1x16xf32>,
        %get3A_433 = vector.shape_cast %get3A_432 : vector<1x16xf32> to vector<16xf32>
        %add3A_434 = arith.addf %add3A_427, %get3A_433 : vector<16xf32>
        %add3A_435 = arith.constant 4 : i32
        %add3A_436 = arith.addi %mul3A_103, %add3A_435 : i32
        %get3A_437 = arith.index_cast %add3A_436 : i32 to index
        %get3A_438 = arith.constant 112 : index
        %get3A_439 = tpu.vector_load %arg6[%get3A_437, %get3A_438] {strides = array<i32>} : memref<96x128xf32, #tpu.memory_space<vmem>>, vector<1x16xf32>,
        %get3A_440 = vector.shape_cast %get3A_439 : vector<1x16xf32> to vector<16xf32>
        %add3A_441 = arith.addf %add3A_434, %get3A_440 : vector<16xf32>
        %add3A_442 = arith.constant 5 : i32
        %add3A_443 = arith.addi %mul3A_103, %add3A_442 : i32
        %get3A_444 = arith.index_cast %add3A_443 : i32 to index
        %get3A_445 = arith.constant 112 : index
        %get3A_446 = tpu.vector_load %arg6[%get3A_444, %get3A_445] {strides = array<i32>} : memref<96x128xf32, #tpu.memory_space<vmem>>, vector<1x16xf32>,
        %get3A_447 = vector.shape_cast %get3A_446 : vector<1x16xf32> to vector<16xf32>
        %add3A_448 = arith.addf %add3A_441, %get3A_447 : vector<16xf32>
        %swap3A_449 = arith.index_cast %scan3A_101 : i32 to index
        %swap3A_450 = arith.constant 112 : index
        %swap3A_451 = tpu.vector_load %arg8[%swap3A_449, %swap3A_450] {strides = array<i32>} : memref<16x128xf32, #tpu.memory_space<vmem>>, vector<1x16xf32>,
        %swap3A_452 = vector.shape_cast %swap3A_451 : vector<1x16xf32> to vector<16xf32>
        %swap3A_453 = vector.shape_cast %add3A_448 : vector<16xf32> to vector<1x16xf32>
        tpu.vector_store %arg8[%swap3A_449, %swap3A_450], %swap3A_453 {strides = array<i32>} : memref<16x128xf32, #tpu.memory_space<vmem>>, vector<1x16xf32>,
      }
      %scan3A_50 = arith.constant 16 : i32
      %mul3A_51 = arith.constant 320 : i32
      %mul3A_52 = arith.muli %add3A, %mul3A_51 : i32
      %mul3A_53 = arith.constant 16 : i32
      %mul3A_54 = arith.muli %mul3A_36, %mul3A_53 : i32
      %add3A_55 = arith.addi %mul3A_52, %mul3A_54 : i32
      %dma_start3A_56 = arith.constant 0 : i32
      %dma_start3A_57 = tpu.memref_slice %arg4[%add3A_55, %dma_start3A_56] : memref<10240x128xf32, #tpu.memory_space<hbm>> -> memref<16x128xf32, #tpu.memory_space<hbm>>
      %dma_start3A_58 = arith.constant 0 : i32
      %dma_start3A_59 = tpu.memref_slice %arg4[%add3A_55, %dma_start3A_58] : memref<10240x128xf32, #tpu.memory_space<hbm>> -> memref<16x128xf32, #tpu.memory_space<hbm>>
      tpu.enqueue_dma source(%arg8 : memref<16x128xf32, #tpu.memory_space<vmem>>) target(%dma_start3A_59 : memref<16x128xf32, #tpu.memory_space<hbm>>) target_semaphore(%arg13 : memref<!tpu.dma_semaphore, #tpu.memory_space<semaphore_mem>>)
      %add3A_60 = arith.constant 2 : i32
      %add3A_61 = arith.addi %mul3A_36, %add3A_60 : i32
      %lt3A = arith.constant 20 : i32
      %lt3A_62 = arith.cmpi slt, %add3A_61, %lt3A : i32
      %convert_element_type3A_63 = arith.extui %lt3A_62 : i1 to i32
      %cond3A_64 = arith.constant 0 : i32
      %cond3A_65 = arith.cmpi ne, %convert_element_type3A_63, %cond3A_64 : i32
      scf.if %cond3A_65 {
        %add3A_101 = arith.constant 2 : i32
        %add3A_102 = arith.addi %mul3A_36, %add3A_101 : i32
        %dma_start3A_103 = arith.constant 0 : i32
        %dma_start3A_104 = tpu.memref_slice %arg5[%add3A_102, %dma_start3A_103] : memref<20x96xi32, #tpu.memory_space<vmem>> -> memref<1x96xi32, #tpu.memory_space<vmem>>
        %dma_start3A_105 = tpu.memref_squeeze %dma_start3A_104 : memref<1x96xi32, #tpu.memory_space<vmem>> -> memref<96xi32, #tpu.memory_space<vmem>>
        %dma_start3A_106 = arith.constant 0 : i32
        %dma_start3A_107 = arith.constant 0 : i32
        %dma_start3A_108 = tpu.memref_slice %arg10[%dma_start3A_106, %dma_start3A_107] : memref<10240x128xf32, #tpu.memory_space<vmem_shared>> -> memref<10240x128xf32, #tpu.memory_space<vmem_shared>>
        tpu.enqueue_indirect_dma source(%dma_start3A_108 : memref<10240x128xf32, #tpu.memory_space<vmem_shared>>) target(%arg6 : memref<96x128xf32, #tpu.memory_space<vmem>>) offsets(%dma_start3A_105 : memref<96xi32, #tpu.memory_space<vmem>>) semaphore(%arg11 : memref<!tpu.dma_semaphore, #tpu.memory_space<semaphore_mem>>)
      } else {
      }
      %add3A_66 = arith.constant 1 : i32
      %add3A_67 = arith.addi %mul3A_36, %add3A_66 : i32
      %dma_wait3A_68 = arith.constant 0 : i32
      %dma_wait3A_69 = tpu.memref_slice %arg5[%add3A_67, %dma_wait3A_68] : memref<20x96xi32, #tpu.memory_space<vmem>> -> memref<1x96xi32, #tpu.memory_space<vmem>>
      %dma_wait3A_70 = tpu.memref_squeeze %dma_wait3A_69 : memref<1x96xi32, #tpu.memory_space<vmem>> -> memref<96xi32, #tpu.memory_space<vmem>>
      %dma_wait3A_71 = arith.constant 0 : i32
      %dma_wait3A_72 = arith.constant 0 : i32
      %dma_wait3A_73 = tpu.memref_slice %arg10[%dma_wait3A_71, %dma_wait3A_72] : memref<10240x128xf32, #tpu.memory_space<vmem_shared>> -> memref<10240x128xf32, #tpu.memory_space<vmem_shared>>
      tpu.wait_indirect_dma semaphore(%arg12 : memref<!tpu.dma_semaphore, #tpu.memory_space<semaphore_mem>>) src(%dma_wait3A_73 : memref<10240x128xf32, #tpu.memory_space<vmem_shared>>) dst(%arg7 : memref<96x128xf32, #tpu.memory_space<vmem>>)
      %ge3A_74 = arith.constant 2 : i32
      %ge3A_75 = arith.cmpi sge, %add3A_67, %ge3A_74 : i32
      %convert_element_type3A_76 = arith.extui %ge3A_75 : i1 to i32
      %cond3A_77 = arith.constant 0 : i32
      %cond3A_78 = arith.cmpi ne, %convert_element_type3A_76, %cond3A_77 : i32
      scf.if %cond3A_78 {
        %dma_wait3A_101 = arith.constant 0 : i32
        %dma_wait3A_102 = arith.constant 0 : i32
        %dma_wait3A_103 = tpu.memref_slice %arg4[%dma_wait3A_101, %dma_wait3A_102] : memref<10240x128xf32, #tpu.memory_space<hbm>> -> memref<16x128xf32, #tpu.memory_space<hbm>>
        %dma_wait3A_104 = arith.constant 0 : i32
        %dma_wait3A_105 = arith.constant 0 : i32
        %dma_wait3A_106 = tpu.memref_slice %arg4[%dma_wait3A_104, %dma_wait3A_105] : memref<10240x128xf32, #tpu.memory_space<hbm>> -> memref<16x128xf32, #tpu.memory_space<hbm>>
        tpu.wait_dma2 semaphore(%arg14 : memref<!tpu.dma_semaphore, #tpu.memory_space<semaphore_mem>>) src(%arg9 : memref<16x128xf32, #tpu.memory_space<vmem>>) dst(%dma_wait3A_106 : memref<16x128xf32, #tpu.memory_space<hbm>>)
      } else {
      }
      %scan3A_79 = arith.constant 0 : i32
      %scan3A_80 = arith.constant 0 : i32
      %scan3A_81 = arith.constant 16 : i32
      %scan3A_82 = arith.addi %scan3A_80, %scan3A_81 : i32
      %scan3A_83 = arith.constant 1 : i32
      scf.for %scan3A_101 = %scan3A_80 to %scan3A_82 step %scan3A_83  : i32 {
        %mul3A_102 = arith.constant 6 : i32
        %mul3A_103 = arith.muli %mul3A_102, %scan3A_101 : i32
        %get3A = arith.index_cast %mul3A_103 : i32 to index
        %get3A_104 = arith.constant 0 : index
        %get3A_105 = tpu.vector_load %arg7[%get3A, %get3A_104] {strides = array<i32>} : memref<96x128xf32, #tpu.memory_space<vmem>>, vector<1x16xf32>,
        %get3A_106 = vector.shape_cast %get3A_105 : vector<1x16xf32> to vector<16xf32>
        %add3A_107 = arith.constant 1 : i32
        %add3A_108 = arith.addi %mul3A_103, %add3A_107 : i32
        %get3A_109 = arith.index_cast %add3A_108 : i32 to index
        %get3A_110 = arith.constant 0 : index
        %get3A_111 = tpu.vector_load %arg7[%get3A_109, %get3A_110] {strides = array<i32>} : memref<96x128xf32, #tpu.memory_space<vmem>>, vector<1x16xf32>,
        %get3A_112 = vector.shape_cast %get3A_111 : vector<1x16xf32> to vector<16xf32>
        %add3A_113 = arith.addf %get3A_106, %get3A_112 : vector<16xf32>
        %add3A_114 = arith.constant 2 : i32
        %add3A_115 = arith.addi %mul3A_103, %add3A_114 : i32
        %get3A_116 = arith.index_cast %add3A_115 : i32 to index
        %get3A_117 = arith.constant 0 : index
        %get3A_118 = tpu.vector_load %arg7[%get3A_116, %get3A_117] {strides = array<i32>} : memref<96x128xf32, #tpu.memory_space<vmem>>, vector<1x16xf32>,
        %get3A_119 = vector.shape_cast %get3A_118 : vector<1x16xf32> to vector<16xf32>
        %add3A_120 = arith.addf %add3A_113, %get3A_119 : vector<16xf32>
        %add3A_121 = arith.constant 3 : i32
        %add3A_122 = arith.addi %mul3A_103, %add3A_121 : i32
        %get3A_123 = arith.index_cast %add3A_122 : i32 to index
        %get3A_124 = arith.constant 0 : index
        %get3A_125 = tpu.vector_load %arg7[%get3A_123, %get3A_124] {strides = array<i32>} : memref<96x128xf32, #tpu.memory_space<vmem>>, vector<1x16xf32>,
        %get3A_126 = vector.shape_cast %get3A_125 : vector<1x16xf32> to vector<16xf32>
        %add3A_127 = arith.addf %add3A_120, %get3A_126 : vector<16xf32>
        %add3A_128 = arith.constant 4 : i32
        %add3A_129 = arith.addi %mul3A_103, %add3A_128 : i32
        %get3A_130 = arith.index_cast %add3A_129 : i32 to index
        %get3A_131 = arith.constant 0 : index
        %get3A_132 = tpu.vector_load %arg7[%get3A_130, %get3A_131] {strides = array<i32>} : memref<96x128xf32, #tpu.memory_space<vmem>>, vector<1x16xf32>,
        %get3A_133 = vector.shape_cast %get3A_132 : vector<1x16xf32> to vector<16xf32>
        %add3A_134 = arith.addf %add3A_127, %get3A_133 : vector<16xf32>
        %add3A_135 = arith.constant 5 : i32
        %add3A_136 = arith.addi %mul3A_103, %add3A_135 : i32
        %get3A_137 = arith.index_cast %add3A_136 : i32 to index
        %get3A_138 = arith.constant 0 : index
        %get3A_139 = tpu.vector_load %arg7[%get3A_137, %get3A_138] {strides = array<i32>} : memref<96x128xf32, #tpu.memory_space<vmem>>, vector<1x16xf32>,
        %get3A_140 = vector.shape_cast %get3A_139 : vector<1x16xf32> to vector<16xf32>
        %add3A_141 = arith.addf %add3A_134, %get3A_140 : vector<16xf32>
        %swap3A = arith.index_cast %scan3A_101 : i32 to index
        %swap3A_142 = arith.constant 0 : index
        %swap3A_143 = tpu.vector_load %arg9[%swap3A, %swap3A_142] {strides = array<i32>} : memref<16x128xf32, #tpu.memory_space<vmem>>, vector<1x16xf32>,
        %swap3A_144 = vector.shape_cast %swap3A_143 : vector<1x16xf32> to vector<16xf32>
        %swap3A_145 = vector.shape_cast %add3A_141 : vector<16xf32> to vector<1x16xf32>
        tpu.vector_store %arg9[%swap3A, %swap3A_142], %swap3A_145 {strides = array<i32>} : memref<16x128xf32, #tpu.memory_space<vmem>>, vector<1x16xf32>,
        %get3A_146 = arith.index_cast %mul3A_103 : i32 to index
        %get3A_147 = arith.constant 16 : index
        %get3A_148 = tpu.vector_load %arg7[%get3A_146, %get3A_147] {strides = array<i32>} : memref<96x128xf32, #tpu.memory_space<vmem>>, vector<1x16xf32>,
        %get3A_149 = vector.shape_cast %get3A_148 : vector<1x16xf32> to vector<16xf32>
        %add3A_150 = arith.constant 1 : i32
        %add3A_151 = arith.addi %mul3A_103, %add3A_150 : i32
        %get3A_152 = arith.index_cast %add3A_151 : i32 to index
        %get3A_153 = arith.constant 16 : index
        %get3A_154 = tpu.vector_load %arg7[%get3A_152, %get3A_153] {strides = array<i32>} : memref<96x128xf32, #tpu.memory_space<vmem>>, vector<1x16xf32>,
        %get3A_155 = vector.shape_cast %get3A_154 : vector<1x16xf32> to vector<16xf32>
        %add3A_156 = arith.addf %get3A_149, %get3A_155 : vector<16xf32>
        %add3A_157 = arith.constant 2 : i32
        %add3A_158 = arith.addi %mul3A_103, %add3A_157 : i32
        %get3A_159 = arith.index_cast %add3A_158 : i32 to index
        %get3A_160 = arith.constant 16 : index
        %get3A_161 = tpu.vector_load %arg7[%get3A_159, %get3A_160] {strides = array<i32>} : memref<96x128xf32, #tpu.memory_space<vmem>>, vector<1x16xf32>,
        %get3A_162 = vector.shape_cast %get3A_161 : vector<1x16xf32> to vector<16xf32>
        %add3A_163 = arith.addf %add3A_156, %get3A_162 : vector<16xf32>
        %add3A_164 = arith.constant 3 : i32
        %add3A_165 = arith.addi %mul3A_103, %add3A_164 : i32
        %get3A_166 = arith.index_cast %add3A_165 : i32 to index
        %get3A_167 = arith.constant 16 : index
        %get3A_168 = tpu.vector_load %arg7[%get3A_166, %get3A_167] {strides = array<i32>} : memref<96x128xf32, #tpu.memory_space<vmem>>, vector<1x16xf32>,
        %get3A_169 = vector.shape_cast %get3A_168 : vector<1x16xf32> to vector<16xf32>
        %add3A_170 = arith.addf %add3A_163, %get3A_169 : vector<16xf32>
        %add3A_171 = arith.constant 4 : i32
        %add3A_172 = arith.addi %mul3A_103, %add3A_171 : i32
        %get3A_173 = arith.index_cast %add3A_172 : i32 to index
        %get3A_174 = arith.constant 16 : index
        %get3A_175 = tpu.vector_load %arg7[%get3A_173, %get3A_174] {strides = array<i32>} : memref<96x128xf32, #tpu.memory_space<vmem>>, vector<1x16xf32>,
        %get3A_176 = vector.shape_cast %get3A_175 : vector<1x16xf32> to vector<16xf32>
        %add3A_177 = arith.addf %add3A_170, %get3A_176 : vector<16xf32>
        %add3A_178 = arith.constant 5 : i32
        %add3A_179 = arith.addi %mul3A_103, %add3A_178 : i32
        %get3A_180 = arith.index_cast %add3A_179 : i32 to index
        %get3A_181 = arith.constant 16 : index
        %get3A_182 = tpu.vector_load %arg7[%get3A_180, %get3A_181] {strides = array<i32>} : memref<96x128xf32, #tpu.memory_space<vmem>>, vector<1x16xf32>,
        %get3A_183 = vector.shape_cast %get3A_182 : vector<1x16xf32> to vector<16xf32>
        %add3A_184 = arith.addf %add3A_177, %get3A_183 : vector<16xf32>
        %swap3A_185 = arith.index_cast %scan3A_101 : i32 to index
        %swap3A_186 = arith.constant 16 : index
        %swap3A_187 = tpu.vector_load %arg9[%swap3A_185, %swap3A_186] {strides = array<i32>} : memref<16x128xf32, #tpu.memory_space<vmem>>, vector<1x16xf32>,
        %swap3A_188 = vector.shape_cast %swap3A_187 : vector<1x16xf32> to vector<16xf32>
        %swap3A_189 = vector.shape_cast %add3A_184 : vector<16xf32> to vector<1x16xf32>
        tpu.vector_store %arg9[%swap3A_185, %swap3A_186], %swap3A_189 {strides = array<i32>} : memref<16x128xf32, #tpu.memory_space<vmem>>, vector<1x16xf32>,
        %get3A_190 = arith.index_cast %mul3A_103 : i32 to index
        %get3A_191 = arith.constant 32 : index
        %get3A_192 = tpu.vector_load %arg7[%get3A_190, %get3A_191] {strides = array<i32>} : memref<96x128xf32, #tpu.memory_space<vmem>>, vector<1x16xf32>,
        %get3A_193 = vector.shape_cast %get3A_192 : vector<1x16xf32> to vector<16xf32>
        %add3A_194 = arith.constant 1 : i32
        %add3A_195 = arith.addi %mul3A_103, %add3A_194 : i32
        %get3A_196 = arith.index_cast %add3A_195 : i32 to index
        %get3A_197 = arith.constant 32 : index
        %get3A_198 = tpu.vector_load %arg7[%get3A_196, %get3A_197] {strides = array<i32>} : memref<96x128xf32, #tpu.memory_space<vmem>>, vector<1x16xf32>,
        %get3A_199 = vector.shape_cast %get3A_198 : vector<1x16xf32> to vector<16xf32>
        %add3A_200 = arith.addf %get3A_193, %get3A_199 : vector<16xf32>
        %add3A_201 = arith.constant 2 : i32
        %add3A_202 = arith.addi %mul3A_103, %add3A_201 : i32
        %get3A_203 = arith.index_cast %add3A_202 : i32 to index
        %get3A_204 = arith.constant 32 : index
        %get3A_205 = tpu.vector_load %arg7[%get3A_203, %get3A_204] {strides = array<i32>} : memref<96x128xf32, #tpu.memory_space<vmem>>, vector<1x16xf32>,
        %get3A_206 = vector.shape_cast %get3A_205 : vector<1x16xf32> to vector<16xf32>
        %add3A_207 = arith.addf %add3A_200, %get3A_206 : vector<16xf32>
        %add3A_208 = arith.constant 3 : i32
        %add3A_209 = arith.addi %mul3A_103, %add3A_208 : i32
        %get3A_210 = arith.index_cast %add3A_209 : i32 to index
        %get3A_211 = arith.constant 32 : index
        %get3A_212 = tpu.vector_load %arg7[%get3A_210, %get3A_211] {strides = array<i32>} : memref<96x128xf32, #tpu.memory_space<vmem>>, vector<1x16xf32>,
        %get3A_213 = vector.shape_cast %get3A_212 : vector<1x16xf32> to vector<16xf32>
        %add3A_214 = arith.addf %add3A_207, %get3A_213 : vector<16xf32>
        %add3A_215 = arith.constant 4 : i32
        %add3A_216 = arith.addi %mul3A_103, %add3A_215 : i32
        %get3A_217 = arith.index_cast %add3A_216 : i32 to index
        %get3A_218 = arith.constant 32 : index
        %get3A_219 = tpu.vector_load %arg7[%get3A_217, %get3A_218] {strides = array<i32>} : memref<96x128xf32, #tpu.memory_space<vmem>>, vector<1x16xf32>,
        %get3A_220 = vector.shape_cast %get3A_219 : vector<1x16xf32> to vector<16xf32>
        %add3A_221 = arith.addf %add3A_214, %get3A_220 : vector<16xf32>
        %add3A_222 = arith.constant 5 : i32
        %add3A_223 = arith.addi %mul3A_103, %add3A_222 : i32
        %get3A_224 = arith.index_cast %add3A_223 : i32 to index
        %get3A_225 = arith.constant 32 : index
        %get3A_226 = tpu.vector_load %arg7[%get3A_224, %get3A_225] {strides = array<i32>} : memref<96x128xf32, #tpu.memory_space<vmem>>, vector<1x16xf32>,
        %get3A_227 = vector.shape_cast %get3A_226 : vector<1x16xf32> to vector<16xf32>
        %add3A_228 = arith.addf %add3A_221, %get3A_227 : vector<16xf32>
        %swap3A_229 = arith.index_cast %scan3A_101 : i32 to index
        %swap3A_230 = arith.constant 32 : index
        %swap3A_231 = tpu.vector_load %arg9[%swap3A_229, %swap3A_230] {strides = array<i32>} : memref<16x128xf32, #tpu.memory_space<vmem>>, vector<1x16xf32>,
        %swap3A_232 = vector.shape_cast %swap3A_231 : vector<1x16xf32> to vector<16xf32>
        %swap3A_233 = vector.shape_cast %add3A_228 : vector<16xf32> to vector<1x16xf32>
        tpu.vector_store %arg9[%swap3A_229, %swap3A_230], %swap3A_233 {strides = array<i32>} : memref<16x128xf32, #tpu.memory_space<vmem>>, vector<1x16xf32>,
        %get3A_234 = arith.index_cast %mul3A_103 : i32 to index
        %get3A_235 = arith.constant 48 : index
        %get3A_236 = tpu.vector_load %arg7[%get3A_234, %get3A_235] {strides = array<i32>} : memref<96x128xf32, #tpu.memory_space<vmem>>, vector<1x16xf32>,
        %get3A_237 = vector.shape_cast %get3A_236 : vector<1x16xf32> to vector<16xf32>
        %add3A_238 = arith.constant 1 : i32
        %add3A_239 = arith.addi %mul3A_103, %add3A_238 : i32
        %get3A_240 = arith.index_cast %add3A_239 : i32 to index
        %get3A_241 = arith.constant 48 : index
        %get3A_242 = tpu.vector_load %arg7[%get3A_240, %get3A_241] {strides = array<i32>} : memref<96x128xf32, #tpu.memory_space<vmem>>, vector<1x16xf32>,
        %get3A_243 = vector.shape_cast %get3A_242 : vector<1x16xf32> to vector<16xf32>
        %add3A_244 = arith.addf %get3A_237, %get3A_243 : vector<16xf32>
        %add3A_245 = arith.constant 2 : i32
        %add3A_246 = arith.addi %mul3A_103, %add3A_245 : i32
        %get3A_247 = arith.index_cast %add3A_246 : i32 to index
        %get3A_248 = arith.constant 48 : index
        %get3A_249 = tpu.vector_load %arg7[%get3A_247, %get3A_248] {strides = array<i32>} : memref<96x128xf32, #tpu.memory_space<vmem>>, vector<1x16xf32>,
        %get3A_250 = vector.shape_cast %get3A_249 : vector<1x16xf32> to vector<16xf32>
        %add3A_251 = arith.addf %add3A_244, %get3A_250 : vector<16xf32>
        %add3A_252 = arith.constant 3 : i32
        %add3A_253 = arith.addi %mul3A_103, %add3A_252 : i32
        %get3A_254 = arith.index_cast %add3A_253 : i32 to index
        %get3A_255 = arith.constant 48 : index
        %get3A_256 = tpu.vector_load %arg7[%get3A_254, %get3A_255] {strides = array<i32>} : memref<96x128xf32, #tpu.memory_space<vmem>>, vector<1x16xf32>,
        %get3A_257 = vector.shape_cast %get3A_256 : vector<1x16xf32> to vector<16xf32>
        %add3A_258 = arith.addf %add3A_251, %get3A_257 : vector<16xf32>
        %add3A_259 = arith.constant 4 : i32
        %add3A_260 = arith.addi %mul3A_103, %add3A_259 : i32
        %get3A_261 = arith.index_cast %add3A_260 : i32 to index
        %get3A_262 = arith.constant 48 : index
        %get3A_263 = tpu.vector_load %arg7[%get3A_261, %get3A_262] {strides = array<i32>} : memref<96x128xf32, #tpu.memory_space<vmem>>, vector<1x16xf32>,
        %get3A_264 = vector.shape_cast %get3A_263 : vector<1x16xf32> to vector<16xf32>
        %add3A_265 = arith.addf %add3A_258, %get3A_264 : vector<16xf32>
        %add3A_266 = arith.constant 5 : i32
        %add3A_267 = arith.addi %mul3A_103, %add3A_266 : i32
        %get3A_268 = arith.index_cast %add3A_267 : i32 to index
        %get3A_269 = arith.constant 48 : index
        %get3A_270 = tpu.vector_load %arg7[%get3A_268, %get3A_269] {strides = array<i32>} : memref<96x128xf32, #tpu.memory_space<vmem>>, vector<1x16xf32>,
        %get3A_271 = vector.shape_cast %get3A_270 : vector<1x16xf32> to vector<16xf32>
        %add3A_272 = arith.addf %add3A_265, %get3A_271 : vector<16xf32>
        %swap3A_273 = arith.index_cast %scan3A_101 : i32 to index
        %swap3A_274 = arith.constant 48 : index
        %swap3A_275 = tpu.vector_load %arg9[%swap3A_273, %swap3A_274] {strides = array<i32>} : memref<16x128xf32, #tpu.memory_space<vmem>>, vector<1x16xf32>,
        %swap3A_276 = vector.shape_cast %swap3A_275 : vector<1x16xf32> to vector<16xf32>
        %swap3A_277 = vector.shape_cast %add3A_272 : vector<16xf32> to vector<1x16xf32>
        tpu.vector_store %arg9[%swap3A_273, %swap3A_274], %swap3A_277 {strides = array<i32>} : memref<16x128xf32, #tpu.memory_space<vmem>>, vector<1x16xf32>,
        %get3A_278 = arith.index_cast %mul3A_103 : i32 to index
        %get3A_279 = arith.constant 64 : index
        %get3A_280 = tpu.vector_load %arg7[%get3A_278, %get3A_279] {strides = array<i32>} : memref<96x128xf32, #tpu.memory_space<vmem>>, vector<1x16xf32>,
        %get3A_281 = vector.shape_cast %get3A_280 : vector<1x16xf32> to vector<16xf32>
        %add3A_282 = arith.constant 1 : i32
        %add3A_283 = arith.addi %mul3A_103, %add3A_282 : i32
        %get3A_284 = arith.index_cast %add3A_283 : i32 to index
        %get3A_285 = arith.constant 64 : index
        %get3A_286 = tpu.vector_load %arg7[%get3A_284, %get3A_285] {strides = array<i32>} : memref<96x128xf32, #tpu.memory_space<vmem>>, vector<1x16xf32>,
        %get3A_287 = vector.shape_cast %get3A_286 : vector<1x16xf32> to vector<16xf32>
        %add3A_288 = arith.addf %get3A_281, %get3A_287 : vector<16xf32>
        %add3A_289 = arith.constant 2 : i32
        %add3A_290 = arith.addi %mul3A_103, %add3A_289 : i32
        %get3A_291 = arith.index_cast %add3A_290 : i32 to index
        %get3A_292 = arith.constant 64 : index
        %get3A_293 = tpu.vector_load %arg7[%get3A_291, %get3A_292] {strides = array<i32>} : memref<96x128xf32, #tpu.memory_space<vmem>>, vector<1x16xf32>,
        %get3A_294 = vector.shape_cast %get3A_293 : vector<1x16xf32> to vector<16xf32>
        %add3A_295 = arith.addf %add3A_288, %get3A_294 : vector<16xf32>
        %add3A_296 = arith.constant 3 : i32
        %add3A_297 = arith.addi %mul3A_103, %add3A_296 : i32
        %get3A_298 = arith.index_cast %add3A_297 : i32 to index
        %get3A_299 = arith.constant 64 : index
        %get3A_300 = tpu.vector_load %arg7[%get3A_298, %get3A_299] {strides = array<i32>} : memref<96x128xf32, #tpu.memory_space<vmem>>, vector<1x16xf32>,
        %get3A_301 = vector.shape_cast %get3A_300 : vector<1x16xf32> to vector<16xf32>
        %add3A_302 = arith.addf %add3A_295, %get3A_301 : vector<16xf32>
        %add3A_303 = arith.constant 4 : i32
        %add3A_304 = arith.addi %mul3A_103, %add3A_303 : i32
        %get3A_305 = arith.index_cast %add3A_304 : i32 to index
        %get3A_306 = arith.constant 64 : index
        %get3A_307 = tpu.vector_load %arg7[%get3A_305, %get3A_306] {strides = array<i32>} : memref<96x128xf32, #tpu.memory_space<vmem>>, vector<1x16xf32>,
        %get3A_308 = vector.shape_cast %get3A_307 : vector<1x16xf32> to vector<16xf32>
        %add3A_309 = arith.addf %add3A_302, %get3A_308 : vector<16xf32>
        %add3A_310 = arith.constant 5 : i32
        %add3A_311 = arith.addi %mul3A_103, %add3A_310 : i32
        %get3A_312 = arith.index_cast %add3A_311 : i32 to index
        %get3A_313 = arith.constant 64 : index
        %get3A_314 = tpu.vector_load %arg7[%get3A_312, %get3A_313] {strides = array<i32>} : memref<96x128xf32, #tpu.memory_space<vmem>>, vector<1x16xf32>,
        %get3A_315 = vector.shape_cast %get3A_314 : vector<1x16xf32> to vector<16xf32>
        %add3A_316 = arith.addf %add3A_309, %get3A_315 : vector<16xf32>
        %swap3A_317 = arith.index_cast %scan3A_101 : i32 to index
        %swap3A_318 = arith.constant 64 : index
        %swap3A_319 = tpu.vector_load %arg9[%swap3A_317, %swap3A_318] {strides = array<i32>} : memref<16x128xf32, #tpu.memory_space<vmem>>, vector<1x16xf32>,
        %swap3A_320 = vector.shape_cast %swap3A_319 : vector<1x16xf32> to vector<16xf32>
        %swap3A_321 = vector.shape_cast %add3A_316 : vector<16xf32> to vector<1x16xf32>
        tpu.vector_store %arg9[%swap3A_317, %swap3A_318], %swap3A_321 {strides = array<i32>} : memref<16x128xf32, #tpu.memory_space<vmem>>, vector<1x16xf32>,
        %get3A_322 = arith.index_cast %mul3A_103 : i32 to index
        %get3A_323 = arith.constant 80 : index
        %get3A_324 = tpu.vector_load %arg7[%get3A_322, %get3A_323] {strides = array<i32>} : memref<96x128xf32, #tpu.memory_space<vmem>>, vector<1x16xf32>,
        %get3A_325 = vector.shape_cast %get3A_324 : vector<1x16xf32> to vector<16xf32>
        %add3A_326 = arith.constant 1 : i32
        %add3A_327 = arith.addi %mul3A_103, %add3A_326 : i32
        %get3A_328 = arith.index_cast %add3A_327 : i32 to index
        %get3A_329 = arith.constant 80 : index
        %get3A_330 = tpu.vector_load %arg7[%get3A_328, %get3A_329] {strides = array<i32>} : memref<96x128xf32, #tpu.memory_space<vmem>>, vector<1x16xf32>,
        %get3A_331 = vector.shape_cast %get3A_330 : vector<1x16xf32> to vector<16xf32>
        %add3A_332 = arith.addf %get3A_325, %get3A_331 : vector<16xf32>
        %add3A_333 = arith.constant 2 : i32
        %add3A_334 = arith.addi %mul3A_103, %add3A_333 : i32
        %get3A_335 = arith.index_cast %add3A_334 : i32 to index
        %get3A_336 = arith.constant 80 : index
        %get3A_337 = tpu.vector_load %arg7[%get3A_335, %get3A_336] {strides = array<i32>} : memref<96x128xf32, #tpu.memory_space<vmem>>, vector<1x16xf32>,
        %get3A_338 = vector.shape_cast %get3A_337 : vector<1x16xf32> to vector<16xf32>
        %add3A_339 = arith.addf %add3A_332, %get3A_338 : vector<16xf32>
        %add3A_340 = arith.constant 3 : i32
        %add3A_341 = arith.addi %mul3A_103, %add3A_340 : i32
        %get3A_342 = arith.index_cast %add3A_341 : i32 to index
        %get3A_343 = arith.constant 80 : index
        %get3A_344 = tpu.vector_load %arg7[%get3A_342, %get3A_343] {strides = array<i32>} : memref<96x128xf32, #tpu.memory_space<vmem>>, vector<1x16xf32>,
        %get3A_345 = vector.shape_cast %get3A_344 : vector<1x16xf32> to vector<16xf32>
        %add3A_346 = arith.addf %add3A_339, %get3A_345 : vector<16xf32>
        %add3A_347 = arith.constant 4 : i32
        %add3A_348 = arith.addi %mul3A_103, %add3A_347 : i32
        %get3A_349 = arith.index_cast %add3A_348 : i32 to index
        %get3A_350 = arith.constant 80 : index
        %get3A_351 = tpu.vector_load %arg7[%get3A_349, %get3A_350] {strides = array<i32>} : memref<96x128xf32, #tpu.memory_space<vmem>>, vector<1x16xf32>,
        %get3A_352 = vector.shape_cast %get3A_351 : vector<1x16xf32> to vector<16xf32>
        %add3A_353 = arith.addf %add3A_346, %get3A_352 : vector<16xf32>
        %add3A_354 = arith.constant 5 : i32
        %add3A_355 = arith.addi %mul3A_103, %add3A_354 : i32
        %get3A_356 = arith.index_cast %add3A_355 : i32 to index
        %get3A_357 = arith.constant 80 : index
        %get3A_358 = tpu.vector_load %arg7[%get3A_356, %get3A_357] {strides = array<i32>} : memref<96x128xf32, #tpu.memory_space<vmem>>, vector<1x16xf32>,
        %get3A_359 = vector.shape_cast %get3A_358 : vector<1x16xf32> to vector<16xf32>
        %add3A_360 = arith.addf %add3A_353, %get3A_359 : vector<16xf32>
        %swap3A_361 = arith.index_cast %scan3A_101 : i32 to index
        %swap3A_362 = arith.constant 80 : index
        %swap3A_363 = tpu.vector_load %arg9[%swap3A_361, %swap3A_362] {strides = array<i32>} : memref<16x128xf32, #tpu.memory_space<vmem>>, vector<1x16xf32>,
        %swap3A_364 = vector.shape_cast %swap3A_363 : vector<1x16xf32> to vector<16xf32>
        %swap3A_365 = vector.shape_cast %add3A_360 : vector<16xf32> to vector<1x16xf32>
        tpu.vector_store %arg9[%swap3A_361, %swap3A_362], %swap3A_365 {strides = array<i32>} : memref<16x128xf32, #tpu.memory_space<vmem>>, vector<1x16xf32>,
        %get3A_366 = arith.index_cast %mul3A_103 : i32 to index
        %get3A_367 = arith.constant 96 : index
        %get3A_368 = tpu.vector_load %arg7[%get3A_366, %get3A_367] {strides = array<i32>} : memref<96x128xf32, #tpu.memory_space<vmem>>, vector<1x16xf32>,
        %get3A_369 = vector.shape_cast %get3A_368 : vector<1x16xf32> to vector<16xf32>
        %add3A_370 = arith.constant 1 : i32
        %add3A_371 = arith.addi %mul3A_103, %add3A_370 : i32
        %get3A_372 = arith.index_cast %add3A_371 : i32 to index
        %get3A_373 = arith.constant 96 : index
        %get3A_374 = tpu.vector_load %arg7[%get3A_372, %get3A_373] {strides = array<i32>} : memref<96x128xf32, #tpu.memory_space<vmem>>, vector<1x16xf32>,
        %get3A_375 = vector.shape_cast %get3A_374 : vector<1x16xf32> to vector<16xf32>
        %add3A_376 = arith.addf %get3A_369, %get3A_375 : vector<16xf32>
        %add3A_377 = arith.constant 2 : i32
        %add3A_378 = arith.addi %mul3A_103, %add3A_377 : i32
        %get3A_379 = arith.index_cast %add3A_378 : i32 to index
        %get3A_380 = arith.constant 96 : index
        %get3A_381 = tpu.vector_load %arg7[%get3A_379, %get3A_380] {strides = array<i32>} : memref<96x128xf32, #tpu.memory_space<vmem>>, vector<1x16xf32>,
        %get3A_382 = vector.shape_cast %get3A_381 : vector<1x16xf32> to vector<16xf32>
        %add3A_383 = arith.addf %add3A_376, %get3A_382 : vector<16xf32>
        %add3A_384 = arith.constant 3 : i32
        %add3A_385 = arith.addi %mul3A_103, %add3A_384 : i32
        %get3A_386 = arith.index_cast %add3A_385 : i32 to index
        %get3A_387 = arith.constant 96 : index
        %get3A_388 = tpu.vector_load %arg7[%get3A_386, %get3A_387] {strides = array<i32>} : memref<96x128xf32, #tpu.memory_space<vmem>>, vector<1x16xf32>,
        %get3A_389 = vector.shape_cast %get3A_388 : vector<1x16xf32> to vector<16xf32>
        %add3A_390 = arith.addf %add3A_383, %get3A_389 : vector<16xf32>
        %add3A_391 = arith.constant 4 : i32
        %add3A_392 = arith.addi %mul3A_103, %add3A_391 : i32
        %get3A_393 = arith.index_cast %add3A_392 : i32 to index
        %get3A_394 = arith.constant 96 : index
        %get3A_395 = tpu.vector_load %arg7[%get3A_393, %get3A_394] {strides = array<i32>} : memref<96x128xf32, #tpu.memory_space<vmem>>, vector<1x16xf32>,
        %get3A_396 = vector.shape_cast %get3A_395 : vector<1x16xf32> to vector<16xf32>
        %add3A_397 = arith.addf %add3A_390, %get3A_396 : vector<16xf32>
        %add3A_398 = arith.constant 5 : i32
        %add3A_399 = arith.addi %mul3A_103, %add3A_398 : i32
        %get3A_400 = arith.index_cast %add3A_399 : i32 to index
        %get3A_401 = arith.constant 96 : index
        %get3A_402 = tpu.vector_load %arg7[%get3A_400, %get3A_401] {strides = array<i32>} : memref<96x128xf32, #tpu.memory_space<vmem>>, vector<1x16xf32>,
        %get3A_403 = vector.shape_cast %get3A_402 : vector<1x16xf32> to vector<16xf32>
        %add3A_404 = arith.addf %add3A_397, %get3A_403 : vector<16xf32>
        %swap3A_405 = arith.index_cast %scan3A_101 : i32 to index
        %swap3A_406 = arith.constant 96 : index
        %swap3A_407 = tpu.vector_load %arg9[%swap3A_405, %swap3A_406] {strides = array<i32>} : memref<16x128xf32, #tpu.memory_space<vmem>>, vector<1x16xf32>,
        %swap3A_408 = vector.shape_cast %swap3A_407 : vector<1x16xf32> to vector<16xf32>
        %swap3A_409 = vector.shape_cast %add3A_404 : vector<16xf32> to vector<1x16xf32>
        tpu.vector_store %arg9[%swap3A_405, %swap3A_406], %swap3A_409 {strides = array<i32>} : memref<16x128xf32, #tpu.memory_space<vmem>>, vector<1x16xf32>,
        %get3A_410 = arith.index_cast %mul3A_103 : i32 to index
        %get3A_411 = arith.constant 112 : index
        %get3A_412 = tpu.vector_load %arg7[%get3A_410, %get3A_411] {strides = array<i32>} : memref<96x128xf32, #tpu.memory_space<vmem>>, vector<1x16xf32>,
        %get3A_413 = vector.shape_cast %get3A_412 : vector<1x16xf32> to vector<16xf32>
        %add3A_414 = arith.constant 1 : i32
        %add3A_415 = arith.addi %mul3A_103, %add3A_414 : i32
        %get3A_416 = arith.index_cast %add3A_415 : i32 to index
        %get3A_417 = arith.constant 112 : index
        %get3A_418 = tpu.vector_load %arg7[%get3A_416, %get3A_417] {strides = array<i32>} : memref<96x128xf32, #tpu.memory_space<vmem>>, vector<1x16xf32>,
        %get3A_419 = vector.shape_cast %get3A_418 : vector<1x16xf32> to vector<16xf32>
        %add3A_420 = arith.addf %get3A_413, %get3A_419 : vector<16xf32>
        %add3A_421 = arith.constant 2 : i32
        %add3A_422 = arith.addi %mul3A_103, %add3A_421 : i32
        %get3A_423 = arith.index_cast %add3A_422 : i32 to index
        %get3A_424 = arith.constant 112 : index
        %get3A_425 = tpu.vector_load %arg7[%get3A_423, %get3A_424] {strides = array<i32>} : memref<96x128xf32, #tpu.memory_space<vmem>>, vector<1x16xf32>,
        %get3A_426 = vector.shape_cast %get3A_425 : vector<1x16xf32> to vector<16xf32>
        %add3A_427 = arith.addf %add3A_420, %get3A_426 : vector<16xf32>
        %add3A_428 = arith.constant 3 : i32
        %add3A_429 = arith.addi %mul3A_103, %add3A_428 : i32
        %get3A_430 = arith.index_cast %add3A_429 : i32 to index
        %get3A_431 = arith.constant 112 : index
        %get3A_432 = tpu.vector_load %arg7[%get3A_430, %get3A_431] {strides = array<i32>} : memref<96x128xf32, #tpu.memory_space<vmem>>, vector<1x16xf32>,
        %get3A_433 = vector.shape_cast %get3A_432 : vector<1x16xf32> to vector<16xf32>
        %add3A_434 = arith.addf %add3A_427, %get3A_433 : vector<16xf32>
        %add3A_435 = arith.constant 4 : i32
        %add3A_436 = arith.addi %mul3A_103, %add3A_435 : i32
        %get3A_437 = arith.index_cast %add3A_436 : i32 to index
        %get3A_438 = arith.constant 112 : index
        %get3A_439 = tpu.vector_load %arg7[%get3A_437, %get3A_438] {strides = array<i32>} : memref<96x128xf32, #tpu.memory_space<vmem>>, vector<1x16xf32>,
        %get3A_440 = vector.shape_cast %get3A_439 : vector<1x16xf32> to vector<16xf32>
        %add3A_441 = arith.addf %add3A_434, %get3A_440 : vector<16xf32>
        %add3A_442 = arith.constant 5 : i32
        %add3A_443 = arith.addi %mul3A_103, %add3A_442 : i32
        %get3A_444 = arith.index_cast %add3A_443 : i32 to index
        %get3A_445 = arith.constant 112 : index
        %get3A_446 = tpu.vector_load %arg7[%get3A_444, %get3A_445] {strides = array<i32>} : memref<96x128xf32, #tpu.memory_space<vmem>>, vector<1x16xf32>,
        %get3A_447 = vector.shape_cast %get3A_446 : vector<1x16xf32> to vector<16xf32>
        %add3A_448 = arith.addf %add3A_441, %get3A_447 : vector<16xf32>
        %swap3A_449 = arith.index_cast %scan3A_101 : i32 to index
        %swap3A_450 = arith.constant 112 : index
        %swap3A_451 = tpu.vector_load %arg9[%swap3A_449, %swap3A_450] {strides = array<i32>} : memref<16x128xf32, #tpu.memory_space<vmem>>, vector<1x16xf32>,
        %swap3A_452 = vector.shape_cast %swap3A_451 : vector<1x16xf32> to vector<16xf32>
        %swap3A_453 = vector.shape_cast %add3A_448 : vector<16xf32> to vector<1x16xf32>
        tpu.vector_store %arg9[%swap3A_449, %swap3A_450], %swap3A_453 {strides = array<i32>} : memref<16x128xf32, #tpu.memory_space<vmem>>, vector<1x16xf32>,
      }
      %scan3A_84 = arith.constant 16 : i32
      %mul3A_85 = arith.constant 320 : i32
      %mul3A_86 = arith.muli %add3A, %mul3A_85 : i32
      %mul3A_87 = arith.constant 16 : i32
      %mul3A_88 = arith.muli %add3A_67, %mul3A_87 : i32
      %add3A_89 = arith.addi %mul3A_86, %mul3A_88 : i32
      %dma_start3A_90 = arith.constant 0 : i32
      %dma_start3A_91 = tpu.memref_slice %arg4[%add3A_89, %dma_start3A_90] : memref<10240x128xf32, #tpu.memory_space<hbm>> -> memref<16x128xf32, #tpu.memory_space<hbm>>
      %dma_start3A_92 = arith.constant 0 : i32
      %dma_start3A_93 = tpu.memref_slice %arg4[%add3A_89, %dma_start3A_92] : memref<10240x128xf32, #tpu.memory_space<hbm>> -> memref<16x128xf32, #tpu.memory_space<hbm>>
      tpu.enqueue_dma source(%arg9 : memref<16x128xf32, #tpu.memory_space<vmem>>) target(%dma_start3A_93 : memref<16x128xf32, #tpu.memory_space<hbm>>) target_semaphore(%arg14 : memref<!tpu.dma_semaphore, #tpu.memory_space<semaphore_mem>>)
      %add3A_94 = arith.constant 2 : i32
      %add3A_95 = arith.addi %add3A_67, %add3A_94 : i32
      %lt3A_96 = arith.constant 20 : i32
      %lt3A_97 = arith.cmpi slt, %add3A_95, %lt3A_96 : i32
      %convert_element_type3A_98 = arith.extui %lt3A_97 : i1 to i32
      %cond3A_99 = arith.constant 0 : i32
      %cond3A_100 = arith.cmpi ne, %convert_element_type3A_98, %cond3A_99 : i32
      scf.if %cond3A_100 {
        %add3A_101 = arith.constant 2 : i32
        %add3A_102 = arith.addi %add3A_67, %add3A_101 : i32
        %dma_start3A_103 = arith.constant 0 : i32
        %dma_start3A_104 = tpu.memref_slice %arg5[%add3A_102, %dma_start3A_103] : memref<20x96xi32, #tpu.memory_space<vmem>> -> memref<1x96xi32, #tpu.memory_space<vmem>>
        %dma_start3A_105 = tpu.memref_squeeze %dma_start3A_104 : memref<1x96xi32, #tpu.memory_space<vmem>> -> memref<96xi32, #tpu.memory_space<vmem>>
        %dma_start3A_106 = arith.constant 0 : i32
        %dma_start3A_107 = arith.constant 0 : i32
        %dma_start3A_108 = tpu.memref_slice %arg10[%dma_start3A_106, %dma_start3A_107] : memref<10240x128xf32, #tpu.memory_space<vmem_shared>> -> memref<10240x128xf32, #tpu.memory_space<vmem_shared>>
        tpu.enqueue_indirect_dma source(%dma_start3A_108 : memref<10240x128xf32, #tpu.memory_space<vmem_shared>>) target(%arg7 : memref<96x128xf32, #tpu.memory_space<vmem>>) offsets(%dma_start3A_105 : memref<96xi32, #tpu.memory_space<vmem>>) semaphore(%arg12 : memref<!tpu.dma_semaphore, #tpu.memory_space<semaphore_mem>>)
      } else {
      }
    }
    %scan3A_22 = arith.constant 10 : i32
    %dma_wait3A = arith.constant 0 : i32
    %dma_wait3A_23 = arith.constant 0 : i32
    %dma_wait3A_24 = tpu.memref_slice %arg4[%dma_wait3A, %dma_wait3A_23] : memref<10240x128xf32, #tpu.memory_space<hbm>> -> memref<16x128xf32, #tpu.memory_space<hbm>>
    %dma_wait3A_25 = arith.constant 0 : i32
    %dma_wait3A_26 = arith.constant 0 : i32
    %dma_wait3A_27 = tpu.memref_slice %arg4[%dma_wait3A_25, %dma_wait3A_26] : memref<10240x128xf32, #tpu.memory_space<hbm>> -> memref<16x128xf32, #tpu.memory_space<hbm>>
    tpu.wait_dma2 semaphore(%arg13 : memref<!tpu.dma_semaphore, #tpu.memory_space<semaphore_mem>>) src(%arg8 : memref<16x128xf32, #tpu.memory_space<vmem>>) dst(%dma_wait3A_27 : memref<16x128xf32, #tpu.memory_space<hbm>>)
    %dma_wait3A_28 = arith.constant 0 : i32
    %dma_wait3A_29 = arith.constant 0 : i32
    %dma_wait3A_30 = tpu.memref_slice %arg4[%dma_wait3A_28, %dma_wait3A_29] : memref<10240x128xf32, #tpu.memory_space<hbm>> -> memref<16x128xf32, #tpu.memory_space<hbm>>
    %dma_wait3A_31 = arith.constant 0 : i32
    %dma_wait3A_32 = arith.constant 0 : i32
    %dma_wait3A_33 = tpu.memref_slice %arg4[%dma_wait3A_31, %dma_wait3A_32] : memref<10240x128xf32, #tpu.memory_space<hbm>> -> memref<16x128xf32, #tpu.memory_space<hbm>>
    tpu.wait_dma2 semaphore(%arg14 : memref<!tpu.dma_semaphore, #tpu.memory_space<semaphore_mem>>) src(%arg9 : memref<16x128xf32, #tpu.memory_space<vmem>>) dst(%dma_wait3A_33 : memref<16x128xf32, #tpu.memory_space<hbm>>)
    return
  }
}

#map = affine_map<(d0, d1) -> (0, 0)>
#map1 = affine_map<(d0, d1) -> (0, 0, 0)>
module attributes {stable_mosaic.version = 14 : i64} {
  func.func @_sc_agg_body(%arg0: i32, %arg1: i32, %arg2: memref<10240x128xf32, #tpu.memory_space<hbm>>, %arg3: memref<32x20x96xi32, #tpu.memory_space<hbm>>, %arg4: memref<10240x128xf32, #tpu.memory_space<hbm>>, %arg5: memref<20x96xi32, #tpu.memory_space<vmem>>, %arg6: memref<96x128xf32, #tpu.memory_space<vmem>>, %arg7: memref<96x128xf32, #tpu.memory_space<vmem>>, %arg8: memref<16x128xf32, #tpu.memory_space<vmem>>, %arg9: memref<16x128xf32, #tpu.memory_space<vmem>>, %arg10: memref<10240x128xf32, #tpu.memory_space<vmem_shared>>, %arg11: memref<!tpu.dma_semaphore, #tpu.memory_space<semaphore_mem>>, %arg12: memref<!tpu.dma_semaphore, #tpu.memory_space<semaphore_mem>>, %arg13: memref<!tpu.dma_semaphore, #tpu.memory_space<semaphore_mem>>, %arg14: memref<!tpu.dma_semaphore, #tpu.memory_space<semaphore_mem>>) attributes {dimension_semantics = [#tpu.dimension_semantics<core_parallel>, #tpu.dimension_semantics<subcore_parallel>], iteration_bounds = array<i64: 2, 16>, scalar_prefetch = 0 : i64, scratch_operands = 10 : i64, tpu.core_type = #tpu.core_type<sc_vector_subcore>, window_params = [{transform_indices = #map}, {transform_indices = #map1}, {transform_indices = #map}]} {
    %mul3A = arith.constant 2 : i32
    %mul3A_0 = arith.muli %arg1, %mul3A : i32
    %add3A = arith.addi %mul3A_0, %arg0 : i32
    %mul3A_1 = arith.constant 640 : i32
    %mul3A_2 = arith.muli %arg1, %mul3A_1 : i32
    %mul3A_3 = arith.constant 640 : i32
    %mul3A_4 = arith.muli %arg1, %mul3A_3 : i32
    "tpu.region"() ({
      %run_scoped3A = tpu.sem_alloc : memref<!tpu.dma_semaphore, #tpu.memory_space<semaphore_mem>>
      %dma_start3A_34 = arith.constant 0 : i32
      %dma_start3A_35 = tpu.memref_slice %arg10[%mul3A_4, %dma_start3A_34] : memref<10240x128xf32, #tpu.memory_space<vmem_shared>> -> memref<640x128xf32, #tpu.memory_space<vmem_shared>>
      %dma_start3A_36 = arith.constant 0 : i32
      %dma_start3A_37 = tpu.memref_slice %arg2[%mul3A_2, %dma_start3A_36] : memref<10240x128xf32, #tpu.memory_space<hbm>> -> memref<640x128xf32, #tpu.memory_space<hbm>>
      tpu.enqueue_dma source(%dma_start3A_37 : memref<640x128xf32, #tpu.memory_space<hbm>>) target(%dma_start3A_35 : memref<640x128xf32, #tpu.memory_space<vmem_shared>>) target_semaphore(%run_scoped3A : memref<!tpu.dma_semaphore, #tpu.memory_space<semaphore_mem>>)
      %dma_wait3A_38 = arith.constant 0 : i32
      %dma_wait3A_39 = tpu.memref_slice %arg10[%mul3A_4, %dma_wait3A_38] : memref<10240x128xf32, #tpu.memory_space<vmem_shared>> -> memref<640x128xf32, #tpu.memory_space<vmem_shared>>
      %dma_wait3A_40 = arith.constant 0 : i32
      %dma_wait3A_41 = tpu.memref_slice %arg2[%mul3A_2, %dma_wait3A_40] : memref<10240x128xf32, #tpu.memory_space<hbm>> -> memref<640x128xf32, #tpu.memory_space<hbm>>
      tpu.wait_dma2 semaphore(%run_scoped3A : memref<!tpu.dma_semaphore, #tpu.memory_space<semaphore_mem>>) src(%dma_wait3A_41 : memref<640x128xf32, #tpu.memory_space<hbm>>) dst(%dma_wait3A_39 : memref<640x128xf32, #tpu.memory_space<vmem_shared>>)
      tpu.yield
    }) : () -> ()
    "tpu.region"() ({
      %run_scoped3A = tpu.sem_alloc : memref<!tpu.dma_semaphore, #tpu.memory_space<semaphore_mem>>
      %dma_start3A_34 = arith.constant 0 : i32
      %dma_start3A_35 = arith.constant 0 : i32
      %dma_start3A_36 = tpu.memref_slice %arg3[%add3A, %dma_start3A_34, %dma_start3A_35] : memref<32x20x96xi32, #tpu.memory_space<hbm>> -> memref<1x20x96xi32, #tpu.memory_space<hbm>>
      %dma_start3A_37 = tpu.memref_squeeze %dma_start3A_36 : memref<1x20x96xi32, #tpu.memory_space<hbm>> -> memref<20x96xi32, #tpu.memory_space<hbm>>
      %dma_start3A_38 = arith.constant 0 : i32
      %dma_start3A_39 = arith.constant 0 : i32
      %dma_start3A_40 = tpu.memref_slice %arg3[%add3A, %dma_start3A_38, %dma_start3A_39] : memref<32x20x96xi32, #tpu.memory_space<hbm>> -> memref<1x20x96xi32, #tpu.memory_space<hbm>>
      %dma_start3A_41 = tpu.memref_squeeze %dma_start3A_40 : memref<1x20x96xi32, #tpu.memory_space<hbm>> -> memref<20x96xi32, #tpu.memory_space<hbm>>
      tpu.enqueue_dma source(%dma_start3A_41 : memref<20x96xi32, #tpu.memory_space<hbm>>) target(%arg5 : memref<20x96xi32, #tpu.memory_space<vmem>>) target_semaphore(%run_scoped3A : memref<!tpu.dma_semaphore, #tpu.memory_space<semaphore_mem>>)
      %dma_wait3A_42 = arith.constant 0 : i32
      %dma_wait3A_43 = arith.constant 0 : i32
      %dma_wait3A_44 = tpu.memref_slice %arg3[%add3A, %dma_wait3A_42, %dma_wait3A_43] : memref<32x20x96xi32, #tpu.memory_space<hbm>> -> memref<1x20x96xi32, #tpu.memory_space<hbm>>
      %dma_wait3A_45 = tpu.memref_squeeze %dma_wait3A_44 : memref<1x20x96xi32, #tpu.memory_space<hbm>> -> memref<20x96xi32, #tpu.memory_space<hbm>>
      %dma_wait3A_46 = arith.constant 0 : i32
      %dma_wait3A_47 = arith.constant 0 : i32
      %dma_wait3A_48 = tpu.memref_slice %arg3[%add3A, %dma_wait3A_46, %dma_wait3A_47] : memref<32x20x96xi32, #tpu.memory_space<hbm>> -> memref<1x20x96xi32, #tpu.memory_space<hbm>>
      %dma_wait3A_49 = tpu.memref_squeeze %dma_wait3A_48 : memref<1x20x96xi32, #tpu.memory_space<hbm>> -> memref<20x96xi32, #tpu.memory_space<hbm>>
      tpu.wait_dma2 semaphore(%run_scoped3A : memref<!tpu.dma_semaphore, #tpu.memory_space<semaphore_mem>>) src(%dma_wait3A_49 : memref<20x96xi32, #tpu.memory_space<hbm>>) dst(%arg5 : memref<20x96xi32, #tpu.memory_space<vmem>>)
      tpu.yield
    }) : () -> ()
    %barrier3A = arith.constant 0 : index
    tpu.barrier barrier_id(%barrier3A)
    %dma_start3A = arith.constant 0 : i32
    %dma_start3A_5 = arith.constant 0 : i32
    %dma_start3A_6 = tpu.memref_slice %arg5[%dma_start3A, %dma_start3A_5] : memref<20x96xi32, #tpu.memory_space<vmem>> -> memref<1x96xi32, #tpu.memory_space<vmem>>
    %dma_start3A_7 = tpu.memref_squeeze %dma_start3A_6 : memref<1x96xi32, #tpu.memory_space<vmem>> -> memref<96xi32, #tpu.memory_space<vmem>>
    %dma_start3A_8 = arith.constant 0 : i32
    %dma_start3A_9 = arith.constant 0 : i32
    %dma_start3A_10 = tpu.memref_slice %arg10[%dma_start3A_8, %dma_start3A_9] : memref<10240x128xf32, #tpu.memory_space<vmem_shared>> -> memref<10240x128xf32, #tpu.memory_space<vmem_shared>>
    tpu.enqueue_indirect_dma source(%dma_start3A_10 : memref<10240x128xf32, #tpu.memory_space<vmem_shared>>) target(%arg6 : memref<96x128xf32, #tpu.memory_space<vmem>>) offsets(%dma_start3A_7 : memref<96xi32, #tpu.memory_space<vmem>>) semaphore(%arg11 : memref<!tpu.dma_semaphore, #tpu.memory_space<semaphore_mem>>)
    %dma_start3A_11 = arith.constant 1 : i32
    %dma_start3A_12 = arith.constant 0 : i32
    %dma_start3A_13 = tpu.memref_slice %arg5[%dma_start3A_11, %dma_start3A_12] : memref<20x96xi32, #tpu.memory_space<vmem>> -> memref<1x96xi32, #tpu.memory_space<vmem>>
    %dma_start3A_14 = tpu.memref_squeeze %dma_start3A_13 : memref<1x96xi32, #tpu.memory_space<vmem>> -> memref<96xi32, #tpu.memory_space<vmem>>
    %dma_start3A_15 = arith.constant 0 : i32
    %dma_start3A_16 = arith.constant 0 : i32
    %dma_start3A_17 = tpu.memref_slice %arg10[%dma_start3A_15, %dma_start3A_16] : memref<10240x128xf32, #tpu.memory_space<vmem_shared>> -> memref<10240x128xf32, #tpu.memory_space<vmem_shared>>
    tpu.enqueue_indirect_dma source(%dma_start3A_17 : memref<10240x128xf32, #tpu.memory_space<vmem_shared>>) target(%arg7 : memref<96x128xf32, #tpu.memory_space<vmem>>) offsets(%dma_start3A_14 : memref<96xi32, #tpu.memory_space<vmem>>) semaphore(%arg12 : memref<!tpu.dma_semaphore, #tpu.memory_space<semaphore_mem>>)
    %scan3A = arith.constant 0 : i32
    %scan3A_18 = arith.constant 0 : i32
    %scan3A_19 = arith.constant 10 : i32
    %scan3A_20 = arith.addi %scan3A_18, %scan3A_19 : i32
    %scan3A_21 = arith.constant 1 : i32
    scf.for %scan3A_34 = %scan3A_18 to %scan3A_20 step %scan3A_21  : i32 {
      %mul3A_35 = arith.constant 2 : i32
      %mul3A_36 = arith.muli %mul3A_35, %scan3A_34 : i32
      %dma_wait3A_37 = arith.constant 0 : i32
      %dma_wait3A_38 = tpu.memref_slice %arg5[%mul3A_36, %dma_wait3A_37] : memref<20x96xi32, #tpu.memory_space<vmem>> -> memref<1x96xi32, #tpu.memory_space<vmem>>
      %dma_wait3A_39 = tpu.memref_squeeze %dma_wait3A_38 : memref<1x96xi32, #tpu.memory_space<vmem>> -> memref<96xi32, #tpu.memory_space<vmem>>
      %dma_wait3A_40 = arith.constant 0 : i32
      %dma_wait3A_41 = arith.constant 0 : i32
      %dma_wait3A_42 = tpu.memref_slice %arg10[%dma_wait3A_40, %dma_wait3A_41] : memref<10240x128xf32, #tpu.memory_space<vmem_shared>> -> memref<10240x128xf32, #tpu.memory_space<vmem_shared>>
      tpu.wait_indirect_dma semaphore(%arg11 : memref<!tpu.dma_semaphore, #tpu.memory_space<semaphore_mem>>) src(%dma_wait3A_42 : memref<10240x128xf32, #tpu.memory_space<vmem_shared>>) dst(%arg6 : memref<96x128xf32, #tpu.memory_space<vmem>>)
      %ge3A = arith.constant 2 : i32
      %ge3A_43 = arith.cmpi sge, %mul3A_36, %ge3A : i32
      %convert_element_type3A = arith.extui %ge3A_43 : i1 to i32
      %cond3A = arith.constant 0 : i32
      %cond3A_44 = arith.cmpi ne, %convert_element_type3A, %cond3A : i32
      scf.if %cond3A_44 {
        %dma_wait3A_101 = arith.constant 0 : i32
        %dma_wait3A_102 = arith.constant 0 : i32
        %dma_wait3A_103 = tpu.memref_slice %arg4[%dma_wait3A_101, %dma_wait3A_102] : memref<10240x128xf32, #tpu.memory_space<hbm>> -> memref<16x128xf32, #tpu.memory_space<hbm>>
        %dma_wait3A_104 = arith.constant 0 : i32
        %dma_wait3A_105 = arith.constant 0 : i32
        %dma_wait3A_106 = tpu.memref_slice %arg4[%dma_wait3A_104, %dma_wait3A_105] : memref<10240x128xf32, #tpu.memory_space<hbm>> -> memref<16x128xf32, #tpu.memory_space<hbm>>
        tpu.wait_dma2 semaphore(%arg13 : memref<!tpu.dma_semaphore, #tpu.memory_space<semaphore_mem>>) src(%arg8 : memref<16x128xf32, #tpu.memory_space<vmem>>) dst(%dma_wait3A_106 : memref<16x128xf32, #tpu.memory_space<hbm>>)
      } else {
      }
      %scan3A_45 = arith.constant 0 : i32
      %scan3A_46 = arith.constant 0 : i32
      %scan3A_47 = arith.constant 16 : i32
      %scan3A_48 = arith.addi %scan3A_46, %scan3A_47 : i32
      %scan3A_49 = arith.constant 1 : i32
      scf.for %scan3A_101 = %scan3A_46 to %scan3A_48 step %scan3A_49  : i32 {
        %mul3A_102 = arith.constant 6 : i32
        %mul3A_103 = arith.muli %mul3A_102, %scan3A_101 : i32
        %get3A = arith.index_cast %mul3A_103 : i32 to index
        %get3A_104 = arith.constant 0 : index
        %get3A_105 = tpu.vector_load %arg6[%get3A, %get3A_104] {strides = array<i32>} : memref<96x128xf32, #tpu.memory_space<vmem>>, vector<1x16xf32>,
        %get3A_106 = vector.shape_cast %get3A_105 : vector<1x16xf32> to vector<16xf32>
        %add3A_107 = arith.constant 1 : i32
        %add3A_108 = arith.addi %mul3A_103, %add3A_107 : i32
        %get3A_109 = arith.index_cast %add3A_108 : i32 to index
        %get3A_110 = arith.constant 0 : index
        %get3A_111 = tpu.vector_load %arg6[%get3A_109, %get3A_110] {strides = array<i32>} : memref<96x128xf32, #tpu.memory_space<vmem>>, vector<1x16xf32>,
        %get3A_112 = vector.shape_cast %get3A_111 : vector<1x16xf32> to vector<16xf32>
        %add3A_113 = arith.addf %get3A_106, %get3A_112 : vector<16xf32>
        %add3A_114 = arith.constant 2 : i32
        %add3A_115 = arith.addi %mul3A_103, %add3A_114 : i32
        %get3A_116 = arith.index_cast %add3A_115 : i32 to index
        %get3A_117 = arith.constant 0 : index
        %get3A_118 = tpu.vector_load %arg6[%get3A_116, %get3A_117] {strides = array<i32>} : memref<96x128xf32, #tpu.memory_space<vmem>>, vector<1x16xf32>,
        %get3A_119 = vector.shape_cast %get3A_118 : vector<1x16xf32> to vector<16xf32>
        %add3A_120 = arith.addf %add3A_113, %get3A_119 : vector<16xf32>
        %add3A_121 = arith.constant 3 : i32
        %add3A_122 = arith.addi %mul3A_103, %add3A_121 : i32
        %get3A_123 = arith.index_cast %add3A_122 : i32 to index
        %get3A_124 = arith.constant 0 : index
        %get3A_125 = tpu.vector_load %arg6[%get3A_123, %get3A_124] {strides = array<i32>} : memref<96x128xf32, #tpu.memory_space<vmem>>, vector<1x16xf32>,
        %get3A_126 = vector.shape_cast %get3A_125 : vector<1x16xf32> to vector<16xf32>
        %add3A_127 = arith.addf %add3A_120, %get3A_126 : vector<16xf32>
        %add3A_128 = arith.constant 4 : i32
        %add3A_129 = arith.addi %mul3A_103, %add3A_128 : i32
        %get3A_130 = arith.index_cast %add3A_129 : i32 to index
        %get3A_131 = arith.constant 0 : index
        %get3A_132 = tpu.vector_load %arg6[%get3A_130, %get3A_131] {strides = array<i32>} : memref<96x128xf32, #tpu.memory_space<vmem>>, vector<1x16xf32>,
        %get3A_133 = vector.shape_cast %get3A_132 : vector<1x16xf32> to vector<16xf32>
        %add3A_134 = arith.addf %add3A_127, %get3A_133 : vector<16xf32>
        %add3A_135 = arith.constant 5 : i32
        %add3A_136 = arith.addi %mul3A_103, %add3A_135 : i32
        %get3A_137 = arith.index_cast %add3A_136 : i32 to index
        %get3A_138 = arith.constant 0 : index
        %get3A_139 = tpu.vector_load %arg6[%get3A_137, %get3A_138] {strides = array<i32>} : memref<96x128xf32, #tpu.memory_space<vmem>>, vector<1x16xf32>,
        %get3A_140 = vector.shape_cast %get3A_139 : vector<1x16xf32> to vector<16xf32>
        %add3A_141 = arith.addf %add3A_134, %get3A_140 : vector<16xf32>
        %swap3A = arith.index_cast %scan3A_101 : i32 to index
        %swap3A_142 = arith.constant 0 : index
        %swap3A_143 = tpu.vector_load %arg8[%swap3A, %swap3A_142] {strides = array<i32>} : memref<16x128xf32, #tpu.memory_space<vmem>>, vector<1x16xf32>,
        %swap3A_144 = vector.shape_cast %swap3A_143 : vector<1x16xf32> to vector<16xf32>
        %swap3A_145 = vector.shape_cast %add3A_141 : vector<16xf32> to vector<1x16xf32>
        tpu.vector_store %arg8[%swap3A, %swap3A_142], %swap3A_145 {strides = array<i32>} : memref<16x128xf32, #tpu.memory_space<vmem>>, vector<1x16xf32>,
        %get3A_146 = arith.index_cast %mul3A_103 : i32 to index
        %get3A_147 = arith.constant 16 : index
        %get3A_148 = tpu.vector_load %arg6[%get3A_146, %get3A_147] {strides = array<i32>} : memref<96x128xf32, #tpu.memory_space<vmem>>, vector<1x16xf32>,
        %get3A_149 = vector.shape_cast %get3A_148 : vector<1x16xf32> to vector<16xf32>
        %add3A_150 = arith.constant 1 : i32
        %add3A_151 = arith.addi %mul3A_103, %add3A_150 : i32
        %get3A_152 = arith.index_cast %add3A_151 : i32 to index
        %get3A_153 = arith.constant 16 : index
        %get3A_154 = tpu.vector_load %arg6[%get3A_152, %get3A_153] {strides = array<i32>} : memref<96x128xf32, #tpu.memory_space<vmem>>, vector<1x16xf32>,
        %get3A_155 = vector.shape_cast %get3A_154 : vector<1x16xf32> to vector<16xf32>
        %add3A_156 = arith.addf %get3A_149, %get3A_155 : vector<16xf32>
        %add3A_157 = arith.constant 2 : i32
        %add3A_158 = arith.addi %mul3A_103, %add3A_157 : i32
        %get3A_159 = arith.index_cast %add3A_158 : i32 to index
        %get3A_160 = arith.constant 16 : index
        %get3A_161 = tpu.vector_load %arg6[%get3A_159, %get3A_160] {strides = array<i32>} : memref<96x128xf32, #tpu.memory_space<vmem>>, vector<1x16xf32>,
        %get3A_162 = vector.shape_cast %get3A_161 : vector<1x16xf32> to vector<16xf32>
        %add3A_163 = arith.addf %add3A_156, %get3A_162 : vector<16xf32>
        %add3A_164 = arith.constant 3 : i32
        %add3A_165 = arith.addi %mul3A_103, %add3A_164 : i32
        %get3A_166 = arith.index_cast %add3A_165 : i32 to index
        %get3A_167 = arith.constant 16 : index
        %get3A_168 = tpu.vector_load %arg6[%get3A_166, %get3A_167] {strides = array<i32>} : memref<96x128xf32, #tpu.memory_space<vmem>>, vector<1x16xf32>,
        %get3A_169 = vector.shape_cast %get3A_168 : vector<1x16xf32> to vector<16xf32>
        %add3A_170 = arith.addf %add3A_163, %get3A_169 : vector<16xf32>
        %add3A_171 = arith.constant 4 : i32
        %add3A_172 = arith.addi %mul3A_103, %add3A_171 : i32
        %get3A_173 = arith.index_cast %add3A_172 : i32 to index
        %get3A_174 = arith.constant 16 : index
        %get3A_175 = tpu.vector_load %arg6[%get3A_173, %get3A_174] {strides = array<i32>} : memref<96x128xf32, #tpu.memory_space<vmem>>, vector<1x16xf32>,
        %get3A_176 = vector.shape_cast %get3A_175 : vector<1x16xf32> to vector<16xf32>
        %add3A_177 = arith.addf %add3A_170, %get3A_176 : vector<16xf32>
        %add3A_178 = arith.constant 5 : i32
        %add3A_179 = arith.addi %mul3A_103, %add3A_178 : i32
        %get3A_180 = arith.index_cast %add3A_179 : i32 to index
        %get3A_181 = arith.constant 16 : index
        %get3A_182 = tpu.vector_load %arg6[%get3A_180, %get3A_181] {strides = array<i32>} : memref<96x128xf32, #tpu.memory_space<vmem>>, vector<1x16xf32>,
        %get3A_183 = vector.shape_cast %get3A_182 : vector<1x16xf32> to vector<16xf32>
        %add3A_184 = arith.addf %add3A_177, %get3A_183 : vector<16xf32>
        %swap3A_185 = arith.index_cast %scan3A_101 : i32 to index
        %swap3A_186 = arith.constant 16 : index
        %swap3A_187 = tpu.vector_load %arg8[%swap3A_185, %swap3A_186] {strides = array<i32>} : memref<16x128xf32, #tpu.memory_space<vmem>>, vector<1x16xf32>,
        %swap3A_188 = vector.shape_cast %swap3A_187 : vector<1x16xf32> to vector<16xf32>
        %swap3A_189 = vector.shape_cast %add3A_184 : vector<16xf32> to vector<1x16xf32>
        tpu.vector_store %arg8[%swap3A_185, %swap3A_186], %swap3A_189 {strides = array<i32>} : memref<16x128xf32, #tpu.memory_space<vmem>>, vector<1x16xf32>,
        %get3A_190 = arith.index_cast %mul3A_103 : i32 to index
        %get3A_191 = arith.constant 32 : index
        %get3A_192 = tpu.vector_load %arg6[%get3A_190, %get3A_191] {strides = array<i32>} : memref<96x128xf32, #tpu.memory_space<vmem>>, vector<1x16xf32>,
        %get3A_193 = vector.shape_cast %get3A_192 : vector<1x16xf32> to vector<16xf32>
        %add3A_194 = arith.constant 1 : i32
        %add3A_195 = arith.addi %mul3A_103, %add3A_194 : i32
        %get3A_196 = arith.index_cast %add3A_195 : i32 to index
        %get3A_197 = arith.constant 32 : index
        %get3A_198 = tpu.vector_load %arg6[%get3A_196, %get3A_197] {strides = array<i32>} : memref<96x128xf32, #tpu.memory_space<vmem>>, vector<1x16xf32>,
        %get3A_199 = vector.shape_cast %get3A_198 : vector<1x16xf32> to vector<16xf32>
        %add3A_200 = arith.addf %get3A_193, %get3A_199 : vector<16xf32>
        %add3A_201 = arith.constant 2 : i32
        %add3A_202 = arith.addi %mul3A_103, %add3A_201 : i32
        %get3A_203 = arith.index_cast %add3A_202 : i32 to index
        %get3A_204 = arith.constant 32 : index
        %get3A_205 = tpu.vector_load %arg6[%get3A_203, %get3A_204] {strides = array<i32>} : memref<96x128xf32, #tpu.memory_space<vmem>>, vector<1x16xf32>,
        %get3A_206 = vector.shape_cast %get3A_205 : vector<1x16xf32> to vector<16xf32>
        %add3A_207 = arith.addf %add3A_200, %get3A_206 : vector<16xf32>
        %add3A_208 = arith.constant 3 : i32
        %add3A_209 = arith.addi %mul3A_103, %add3A_208 : i32
        %get3A_210 = arith.index_cast %add3A_209 : i32 to index
        %get3A_211 = arith.constant 32 : index
        %get3A_212 = tpu.vector_load %arg6[%get3A_210, %get3A_211] {strides = array<i32>} : memref<96x128xf32, #tpu.memory_space<vmem>>, vector<1x16xf32>,
        %get3A_213 = vector.shape_cast %get3A_212 : vector<1x16xf32> to vector<16xf32>
        %add3A_214 = arith.addf %add3A_207, %get3A_213 : vector<16xf32>
        %add3A_215 = arith.constant 4 : i32
        %add3A_216 = arith.addi %mul3A_103, %add3A_215 : i32
        %get3A_217 = arith.index_cast %add3A_216 : i32 to index
        %get3A_218 = arith.constant 32 : index
        %get3A_219 = tpu.vector_load %arg6[%get3A_217, %get3A_218] {strides = array<i32>} : memref<96x128xf32, #tpu.memory_space<vmem>>, vector<1x16xf32>,
        %get3A_220 = vector.shape_cast %get3A_219 : vector<1x16xf32> to vector<16xf32>
        %add3A_221 = arith.addf %add3A_214, %get3A_220 : vector<16xf32>
        %add3A_222 = arith.constant 5 : i32
        %add3A_223 = arith.addi %mul3A_103, %add3A_222 : i32
        %get3A_224 = arith.index_cast %add3A_223 : i32 to index
        %get3A_225 = arith.constant 32 : index
        %get3A_226 = tpu.vector_load %arg6[%get3A_224, %get3A_225] {strides = array<i32>} : memref<96x128xf32, #tpu.memory_space<vmem>>, vector<1x16xf32>,
        %get3A_227 = vector.shape_cast %get3A_226 : vector<1x16xf32> to vector<16xf32>
        %add3A_228 = arith.addf %add3A_221, %get3A_227 : vector<16xf32>
        %swap3A_229 = arith.index_cast %scan3A_101 : i32 to index
        %swap3A_230 = arith.constant 32 : index
        %swap3A_231 = tpu.vector_load %arg8[%swap3A_229, %swap3A_230] {strides = array<i32>} : memref<16x128xf32, #tpu.memory_space<vmem>>, vector<1x16xf32>,
        %swap3A_232 = vector.shape_cast %swap3A_231 : vector<1x16xf32> to vector<16xf32>
        %swap3A_233 = vector.shape_cast %add3A_228 : vector<16xf32> to vector<1x16xf32>
        tpu.vector_store %arg8[%swap3A_229, %swap3A_230], %swap3A_233 {strides = array<i32>} : memref<16x128xf32, #tpu.memory_space<vmem>>, vector<1x16xf32>,
        %get3A_234 = arith.index_cast %mul3A_103 : i32 to index
        %get3A_235 = arith.constant 48 : index
        %get3A_236 = tpu.vector_load %arg6[%get3A_234, %get3A_235] {strides = array<i32>} : memref<96x128xf32, #tpu.memory_space<vmem>>, vector<1x16xf32>,
        %get3A_237 = vector.shape_cast %get3A_236 : vector<1x16xf32> to vector<16xf32>
        %add3A_238 = arith.constant 1 : i32
        %add3A_239 = arith.addi %mul3A_103, %add3A_238 : i32
        %get3A_240 = arith.index_cast %add3A_239 : i32 to index
        %get3A_241 = arith.constant 48 : index
        %get3A_242 = tpu.vector_load %arg6[%get3A_240, %get3A_241] {strides = array<i32>} : memref<96x128xf32, #tpu.memory_space<vmem>>, vector<1x16xf32>,
        %get3A_243 = vector.shape_cast %get3A_242 : vector<1x16xf32> to vector<16xf32>
        %add3A_244 = arith.addf %get3A_237, %get3A_243 : vector<16xf32>
        %add3A_245 = arith.constant 2 : i32
        %add3A_246 = arith.addi %mul3A_103, %add3A_245 : i32
        %get3A_247 = arith.index_cast %add3A_246 : i32 to index
        %get3A_248 = arith.constant 48 : index
        %get3A_249 = tpu.vector_load %arg6[%get3A_247, %get3A_248] {strides = array<i32>} : memref<96x128xf32, #tpu.memory_space<vmem>>, vector<1x16xf32>,
        %get3A_250 = vector.shape_cast %get3A_249 : vector<1x16xf32> to vector<16xf32>
        %add3A_251 = arith.addf %add3A_244, %get3A_250 : vector<16xf32>
        %add3A_252 = arith.constant 3 : i32
        %add3A_253 = arith.addi %mul3A_103, %add3A_252 : i32
        %get3A_254 = arith.index_cast %add3A_253 : i32 to index
        %get3A_255 = arith.constant 48 : index
        %get3A_256 = tpu.vector_load %arg6[%get3A_254, %get3A_255] {strides = array<i32>} : memref<96x128xf32, #tpu.memory_space<vmem>>, vector<1x16xf32>,
        %get3A_257 = vector.shape_cast %get3A_256 : vector<1x16xf32> to vector<16xf32>
        %add3A_258 = arith.addf %add3A_251, %get3A_257 : vector<16xf32>
        %add3A_259 = arith.constant 4 : i32
        %add3A_260 = arith.addi %mul3A_103, %add3A_259 : i32
        %get3A_261 = arith.index_cast %add3A_260 : i32 to index
        %get3A_262 = arith.constant 48 : index
        %get3A_263 = tpu.vector_load %arg6[%get3A_261, %get3A_262] {strides = array<i32>} : memref<96x128xf32, #tpu.memory_space<vmem>>, vector<1x16xf32>,
        %get3A_264 = vector.shape_cast %get3A_263 : vector<1x16xf32> to vector<16xf32>
        %add3A_265 = arith.addf %add3A_258, %get3A_264 : vector<16xf32>
        %add3A_266 = arith.constant 5 : i32
        %add3A_267 = arith.addi %mul3A_103, %add3A_266 : i32
        %get3A_268 = arith.index_cast %add3A_267 : i32 to index
        %get3A_269 = arith.constant 48 : index
        %get3A_270 = tpu.vector_load %arg6[%get3A_268, %get3A_269] {strides = array<i32>} : memref<96x128xf32, #tpu.memory_space<vmem>>, vector<1x16xf32>,
        %get3A_271 = vector.shape_cast %get3A_270 : vector<1x16xf32> to vector<16xf32>
        %add3A_272 = arith.addf %add3A_265, %get3A_271 : vector<16xf32>
        %swap3A_273 = arith.index_cast %scan3A_101 : i32 to index
        %swap3A_274 = arith.constant 48 : index
        %swap3A_275 = tpu.vector_load %arg8[%swap3A_273, %swap3A_274] {strides = array<i32>} : memref<16x128xf32, #tpu.memory_space<vmem>>, vector<1x16xf32>,
        %swap3A_276 = vector.shape_cast %swap3A_275 : vector<1x16xf32> to vector<16xf32>
        %swap3A_277 = vector.shape_cast %add3A_272 : vector<16xf32> to vector<1x16xf32>
        tpu.vector_store %arg8[%swap3A_273, %swap3A_274], %swap3A_277 {strides = array<i32>} : memref<16x128xf32, #tpu.memory_space<vmem>>, vector<1x16xf32>,
        %get3A_278 = arith.index_cast %mul3A_103 : i32 to index
        %get3A_279 = arith.constant 64 : index
        %get3A_280 = tpu.vector_load %arg6[%get3A_278, %get3A_279] {strides = array<i32>} : memref<96x128xf32, #tpu.memory_space<vmem>>, vector<1x16xf32>,
        %get3A_281 = vector.shape_cast %get3A_280 : vector<1x16xf32> to vector<16xf32>
        %add3A_282 = arith.constant 1 : i32
        %add3A_283 = arith.addi %mul3A_103, %add3A_282 : i32
        %get3A_284 = arith.index_cast %add3A_283 : i32 to index
        %get3A_285 = arith.constant 64 : index
        %get3A_286 = tpu.vector_load %arg6[%get3A_284, %get3A_285] {strides = array<i32>} : memref<96x128xf32, #tpu.memory_space<vmem>>, vector<1x16xf32>,
        %get3A_287 = vector.shape_cast %get3A_286 : vector<1x16xf32> to vector<16xf32>
        %add3A_288 = arith.addf %get3A_281, %get3A_287 : vector<16xf32>
        %add3A_289 = arith.constant 2 : i32
        %add3A_290 = arith.addi %mul3A_103, %add3A_289 : i32
        %get3A_291 = arith.index_cast %add3A_290 : i32 to index
        %get3A_292 = arith.constant 64 : index
        %get3A_293 = tpu.vector_load %arg6[%get3A_291, %get3A_292] {strides = array<i32>} : memref<96x128xf32, #tpu.memory_space<vmem>>, vector<1x16xf32>,
        %get3A_294 = vector.shape_cast %get3A_293 : vector<1x16xf32> to vector<16xf32>
        %add3A_295 = arith.addf %add3A_288, %get3A_294 : vector<16xf32>
        %add3A_296 = arith.constant 3 : i32
        %add3A_297 = arith.addi %mul3A_103, %add3A_296 : i32
        %get3A_298 = arith.index_cast %add3A_297 : i32 to index
        %get3A_299 = arith.constant 64 : index
        %get3A_300 = tpu.vector_load %arg6[%get3A_298, %get3A_299] {strides = array<i32>} : memref<96x128xf32, #tpu.memory_space<vmem>>, vector<1x16xf32>,
        %get3A_301 = vector.shape_cast %get3A_300 : vector<1x16xf32> to vector<16xf32>
        %add3A_302 = arith.addf %add3A_295, %get3A_301 : vector<16xf32>
        %add3A_303 = arith.constant 4 : i32
        %add3A_304 = arith.addi %mul3A_103, %add3A_303 : i32
        %get3A_305 = arith.index_cast %add3A_304 : i32 to index
        %get3A_306 = arith.constant 64 : index
        %get3A_307 = tpu.vector_load %arg6[%get3A_305, %get3A_306] {strides = array<i32>} : memref<96x128xf32, #tpu.memory_space<vmem>>, vector<1x16xf32>,
        %get3A_308 = vector.shape_cast %get3A_307 : vector<1x16xf32> to vector<16xf32>
        %add3A_309 = arith.addf %add3A_302, %get3A_308 : vector<16xf32>
        %add3A_310 = arith.constant 5 : i32
        %add3A_311 = arith.addi %mul3A_103, %add3A_310 : i32
        %get3A_312 = arith.index_cast %add3A_311 : i32 to index
        %get3A_313 = arith.constant 64 : index
        %get3A_314 = tpu.vector_load %arg6[%get3A_312, %get3A_313] {strides = array<i32>} : memref<96x128xf32, #tpu.memory_space<vmem>>, vector<1x16xf32>,
        %get3A_315 = vector.shape_cast %get3A_314 : vector<1x16xf32> to vector<16xf32>
        %add3A_316 = arith.addf %add3A_309, %get3A_315 : vector<16xf32>
        %swap3A_317 = arith.index_cast %scan3A_101 : i32 to index
        %swap3A_318 = arith.constant 64 : index
        %swap3A_319 = tpu.vector_load %arg8[%swap3A_317, %swap3A_318] {strides = array<i32>} : memref<16x128xf32, #tpu.memory_space<vmem>>, vector<1x16xf32>,
        %swap3A_320 = vector.shape_cast %swap3A_319 : vector<1x16xf32> to vector<16xf32>
        %swap3A_321 = vector.shape_cast %add3A_316 : vector<16xf32> to vector<1x16xf32>
        tpu.vector_store %arg8[%swap3A_317, %swap3A_318], %swap3A_321 {strides = array<i32>} : memref<16x128xf32, #tpu.memory_space<vmem>>, vector<1x16xf32>,
        %get3A_322 = arith.index_cast %mul3A_103 : i32 to index
        %get3A_323 = arith.constant 80 : index
        %get3A_324 = tpu.vector_load %arg6[%get3A_322, %get3A_323] {strides = array<i32>} : memref<96x128xf32, #tpu.memory_space<vmem>>, vector<1x16xf32>,
        %get3A_325 = vector.shape_cast %get3A_324 : vector<1x16xf32> to vector<16xf32>
        %add3A_326 = arith.constant 1 : i32
        %add3A_327 = arith.addi %mul3A_103, %add3A_326 : i32
        %get3A_328 = arith.index_cast %add3A_327 : i32 to index
        %get3A_329 = arith.constant 80 : index
        %get3A_330 = tpu.vector_load %arg6[%get3A_328, %get3A_329] {strides = array<i32>} : memref<96x128xf32, #tpu.memory_space<vmem>>, vector<1x16xf32>,
        %get3A_331 = vector.shape_cast %get3A_330 : vector<1x16xf32> to vector<16xf32>
        %add3A_332 = arith.addf %get3A_325, %get3A_331 : vector<16xf32>
        %add3A_333 = arith.constant 2 : i32
        %add3A_334 = arith.addi %mul3A_103, %add3A_333 : i32
        %get3A_335 = arith.index_cast %add3A_334 : i32 to index
        %get3A_336 = arith.constant 80 : index
        %get3A_337 = tpu.vector_load %arg6[%get3A_335, %get3A_336] {strides = array<i32>} : memref<96x128xf32, #tpu.memory_space<vmem>>, vector<1x16xf32>,
        %get3A_338 = vector.shape_cast %get3A_337 : vector<1x16xf32> to vector<16xf32>
        %add3A_339 = arith.addf %add3A_332, %get3A_338 : vector<16xf32>
        %add3A_340 = arith.constant 3 : i32
        %add3A_341 = arith.addi %mul3A_103, %add3A_340 : i32
        %get3A_342 = arith.index_cast %add3A_341 : i32 to index
        %get3A_343 = arith.constant 80 : index
        %get3A_344 = tpu.vector_load %arg6[%get3A_342, %get3A_343] {strides = array<i32>} : memref<96x128xf32, #tpu.memory_space<vmem>>, vector<1x16xf32>,
        %get3A_345 = vector.shape_cast %get3A_344 : vector<1x16xf32> to vector<16xf32>
        %add3A_346 = arith.addf %add3A_339, %get3A_345 : vector<16xf32>
        %add3A_347 = arith.constant 4 : i32
        %add3A_348 = arith.addi %mul3A_103, %add3A_347 : i32
        %get3A_349 = arith.index_cast %add3A_348 : i32 to index
        %get3A_350 = arith.constant 80 : index
        %get3A_351 = tpu.vector_load %arg6[%get3A_349, %get3A_350] {strides = array<i32>} : memref<96x128xf32, #tpu.memory_space<vmem>>, vector<1x16xf32>,
        %get3A_352 = vector.shape_cast %get3A_351 : vector<1x16xf32> to vector<16xf32>
        %add3A_353 = arith.addf %add3A_346, %get3A_352 : vector<16xf32>
        %add3A_354 = arith.constant 5 : i32
        %add3A_355 = arith.addi %mul3A_103, %add3A_354 : i32
        %get3A_356 = arith.index_cast %add3A_355 : i32 to index
        %get3A_357 = arith.constant 80 : index
        %get3A_358 = tpu.vector_load %arg6[%get3A_356, %get3A_357] {strides = array<i32>} : memref<96x128xf32, #tpu.memory_space<vmem>>, vector<1x16xf32>,
        %get3A_359 = vector.shape_cast %get3A_358 : vector<1x16xf32> to vector<16xf32>
        %add3A_360 = arith.addf %add3A_353, %get3A_359 : vector<16xf32>
        %swap3A_361 = arith.index_cast %scan3A_101 : i32 to index
        %swap3A_362 = arith.constant 80 : index
        %swap3A_363 = tpu.vector_load %arg8[%swap3A_361, %swap3A_362] {strides = array<i32>} : memref<16x128xf32, #tpu.memory_space<vmem>>, vector<1x16xf32>,
        %swap3A_364 = vector.shape_cast %swap3A_363 : vector<1x16xf32> to vector<16xf32>
        %swap3A_365 = vector.shape_cast %add3A_360 : vector<16xf32> to vector<1x16xf32>
        tpu.vector_store %arg8[%swap3A_361, %swap3A_362], %swap3A_365 {strides = array<i32>} : memref<16x128xf32, #tpu.memory_space<vmem>>, vector<1x16xf32>,
        %get3A_366 = arith.index_cast %mul3A_103 : i32 to index
        %get3A_367 = arith.constant 96 : index
        %get3A_368 = tpu.vector_load %arg6[%get3A_366, %get3A_367] {strides = array<i32>} : memref<96x128xf32, #tpu.memory_space<vmem>>, vector<1x16xf32>,
        %get3A_369 = vector.shape_cast %get3A_368 : vector<1x16xf32> to vector<16xf32>
        %add3A_370 = arith.constant 1 : i32
        %add3A_371 = arith.addi %mul3A_103, %add3A_370 : i32
        %get3A_372 = arith.index_cast %add3A_371 : i32 to index
        %get3A_373 = arith.constant 96 : index
        %get3A_374 = tpu.vector_load %arg6[%get3A_372, %get3A_373] {strides = array<i32>} : memref<96x128xf32, #tpu.memory_space<vmem>>, vector<1x16xf32>,
        %get3A_375 = vector.shape_cast %get3A_374 : vector<1x16xf32> to vector<16xf32>
        %add3A_376 = arith.addf %get3A_369, %get3A_375 : vector<16xf32>
        %add3A_377 = arith.constant 2 : i32
        %add3A_378 = arith.addi %mul3A_103, %add3A_377 : i32
        %get3A_379 = arith.index_cast %add3A_378 : i32 to index
        %get3A_380 = arith.constant 96 : index
        %get3A_381 = tpu.vector_load %arg6[%get3A_379, %get3A_380] {strides = array<i32>} : memref<96x128xf32, #tpu.memory_space<vmem>>, vector<1x16xf32>,
        %get3A_382 = vector.shape_cast %get3A_381 : vector<1x16xf32> to vector<16xf32>
        %add3A_383 = arith.addf %add3A_376, %get3A_382 : vector<16xf32>
        %add3A_384 = arith.constant 3 : i32
        %add3A_385 = arith.addi %mul3A_103, %add3A_384 : i32
        %get3A_386 = arith.index_cast %add3A_385 : i32 to index
        %get3A_387 = arith.constant 96 : index
        %get3A_388 = tpu.vector_load %arg6[%get3A_386, %get3A_387] {strides = array<i32>} : memref<96x128xf32, #tpu.memory_space<vmem>>, vector<1x16xf32>,
        %get3A_389 = vector.shape_cast %get3A_388 : vector<1x16xf32> to vector<16xf32>
        %add3A_390 = arith.addf %add3A_383, %get3A_389 : vector<16xf32>
        %add3A_391 = arith.constant 4 : i32
        %add3A_392 = arith.addi %mul3A_103, %add3A_391 : i32
        %get3A_393 = arith.index_cast %add3A_392 : i32 to index
        %get3A_394 = arith.constant 96 : index
        %get3A_395 = tpu.vector_load %arg6[%get3A_393, %get3A_394] {strides = array<i32>} : memref<96x128xf32, #tpu.memory_space<vmem>>, vector<1x16xf32>,
        %get3A_396 = vector.shape_cast %get3A_395 : vector<1x16xf32> to vector<16xf32>
        %add3A_397 = arith.addf %add3A_390, %get3A_396 : vector<16xf32>
        %add3A_398 = arith.constant 5 : i32
        %add3A_399 = arith.addi %mul3A_103, %add3A_398 : i32
        %get3A_400 = arith.index_cast %add3A_399 : i32 to index
        %get3A_401 = arith.constant 96 : index
        %get3A_402 = tpu.vector_load %arg6[%get3A_400, %get3A_401] {strides = array<i32>} : memref<96x128xf32, #tpu.memory_space<vmem>>, vector<1x16xf32>,
        %get3A_403 = vector.shape_cast %get3A_402 : vector<1x16xf32> to vector<16xf32>
        %add3A_404 = arith.addf %add3A_397, %get3A_403 : vector<16xf32>
        %swap3A_405 = arith.index_cast %scan3A_101 : i32 to index
        %swap3A_406 = arith.constant 96 : index
        %swap3A_407 = tpu.vector_load %arg8[%swap3A_405, %swap3A_406] {strides = array<i32>} : memref<16x128xf32, #tpu.memory_space<vmem>>, vector<1x16xf32>,
        %swap3A_408 = vector.shape_cast %swap3A_407 : vector<1x16xf32> to vector<16xf32>
        %swap3A_409 = vector.shape_cast %add3A_404 : vector<16xf32> to vector<1x16xf32>
        tpu.vector_store %arg8[%swap3A_405, %swap3A_406], %swap3A_409 {strides = array<i32>} : memref<16x128xf32, #tpu.memory_space<vmem>>, vector<1x16xf32>,
        %get3A_410 = arith.index_cast %mul3A_103 : i32 to index
        %get3A_411 = arith.constant 112 : index
        %get3A_412 = tpu.vector_load %arg6[%get3A_410, %get3A_411] {strides = array<i32>} : memref<96x128xf32, #tpu.memory_space<vmem>>, vector<1x16xf32>,
        %get3A_413 = vector.shape_cast %get3A_412 : vector<1x16xf32> to vector<16xf32>
        %add3A_414 = arith.constant 1 : i32
        %add3A_415 = arith.addi %mul3A_103, %add3A_414 : i32
        %get3A_416 = arith.index_cast %add3A_415 : i32 to index
        %get3A_417 = arith.constant 112 : index
        %get3A_418 = tpu.vector_load %arg6[%get3A_416, %get3A_417] {strides = array<i32>} : memref<96x128xf32, #tpu.memory_space<vmem>>, vector<1x16xf32>,
        %get3A_419 = vector.shape_cast %get3A_418 : vector<1x16xf32> to vector<16xf32>
        %add3A_420 = arith.addf %get3A_413, %get3A_419 : vector<16xf32>
        %add3A_421 = arith.constant 2 : i32
        %add3A_422 = arith.addi %mul3A_103, %add3A_421 : i32
        %get3A_423 = arith.index_cast %add3A_422 : i32 to index
        %get3A_424 = arith.constant 112 : index
        %get3A_425 = tpu.vector_load %arg6[%get3A_423, %get3A_424] {strides = array<i32>} : memref<96x128xf32, #tpu.memory_space<vmem>>, vector<1x16xf32>,
        %get3A_426 = vector.shape_cast %get3A_425 : vector<1x16xf32> to vector<16xf32>
        %add3A_427 = arith.addf %add3A_420, %get3A_426 : vector<16xf32>
        %add3A_428 = arith.constant 3 : i32
        %add3A_429 = arith.addi %mul3A_103, %add3A_428 : i32
        %get3A_430 = arith.index_cast %add3A_429 : i32 to index
        %get3A_431 = arith.constant 112 : index
        %get3A_432 = tpu.vector_load %arg6[%get3A_430, %get3A_431] {strides = array<i32>} : memref<96x128xf32, #tpu.memory_space<vmem>>, vector<1x16xf32>,
        %get3A_433 = vector.shape_cast %get3A_432 : vector<1x16xf32> to vector<16xf32>
        %add3A_434 = arith.addf %add3A_427, %get3A_433 : vector<16xf32>
        %add3A_435 = arith.constant 4 : i32
        %add3A_436 = arith.addi %mul3A_103, %add3A_435 : i32
        %get3A_437 = arith.index_cast %add3A_436 : i32 to index
        %get3A_438 = arith.constant 112 : index
        %get3A_439 = tpu.vector_load %arg6[%get3A_437, %get3A_438] {strides = array<i32>} : memref<96x128xf32, #tpu.memory_space<vmem>>, vector<1x16xf32>,
        %get3A_440 = vector.shape_cast %get3A_439 : vector<1x16xf32> to vector<16xf32>
        %add3A_441 = arith.addf %add3A_434, %get3A_440 : vector<16xf32>
        %add3A_442 = arith.constant 5 : i32
        %add3A_443 = arith.addi %mul3A_103, %add3A_442 : i32
        %get3A_444 = arith.index_cast %add3A_443 : i32 to index
        %get3A_445 = arith.constant 112 : index
        %get3A_446 = tpu.vector_load %arg6[%get3A_444, %get3A_445] {strides = array<i32>} : memref<96x128xf32, #tpu.memory_space<vmem>>, vector<1x16xf32>,
        %get3A_447 = vector.shape_cast %get3A_446 : vector<1x16xf32> to vector<16xf32>
        %add3A_448 = arith.addf %add3A_441, %get3A_447 : vector<16xf32>
        %swap3A_449 = arith.index_cast %scan3A_101 : i32 to index
        %swap3A_450 = arith.constant 112 : index
        %swap3A_451 = tpu.vector_load %arg8[%swap3A_449, %swap3A_450] {strides = array<i32>} : memref<16x128xf32, #tpu.memory_space<vmem>>, vector<1x16xf32>,
        %swap3A_452 = vector.shape_cast %swap3A_451 : vector<1x16xf32> to vector<16xf32>
        %swap3A_453 = vector.shape_cast %add3A_448 : vector<16xf32> to vector<1x16xf32>
        tpu.vector_store %arg8[%swap3A_449, %swap3A_450], %swap3A_453 {strides = array<i32>} : memref<16x128xf32, #tpu.memory_space<vmem>>, vector<1x16xf32>,
      }
      %scan3A_50 = arith.constant 16 : i32
      %mul3A_51 = arith.constant 320 : i32
      %mul3A_52 = arith.muli %add3A, %mul3A_51 : i32
      %mul3A_53 = arith.constant 16 : i32
      %mul3A_54 = arith.muli %mul3A_36, %mul3A_53 : i32
      %add3A_55 = arith.addi %mul3A_52, %mul3A_54 : i32
      %dma_start3A_56 = arith.constant 0 : i32
      %dma_start3A_57 = tpu.memref_slice %arg4[%add3A_55, %dma_start3A_56] : memref<10240x128xf32, #tpu.memory_space<hbm>> -> memref<16x128xf32, #tpu.memory_space<hbm>>
      %dma_start3A_58 = arith.constant 0 : i32
      %dma_start3A_59 = tpu.memref_slice %arg4[%add3A_55, %dma_start3A_58] : memref<10240x128xf32, #tpu.memory_space<hbm>> -> memref<16x128xf32, #tpu.memory_space<hbm>>
      tpu.enqueue_dma source(%arg8 : memref<16x128xf32, #tpu.memory_space<vmem>>) target(%dma_start3A_59 : memref<16x128xf32, #tpu.memory_space<hbm>>) target_semaphore(%arg13 : memref<!tpu.dma_semaphore, #tpu.memory_space<semaphore_mem>>)
      %add3A_60 = arith.constant 2 : i32
      %add3A_61 = arith.addi %mul3A_36, %add3A_60 : i32
      %lt3A = arith.constant 20 : i32
      %lt3A_62 = arith.cmpi slt, %add3A_61, %lt3A : i32
      %convert_element_type3A_63 = arith.extui %lt3A_62 : i1 to i32
      %cond3A_64 = arith.constant 0 : i32
      %cond3A_65 = arith.cmpi ne, %convert_element_type3A_63, %cond3A_64 : i32
      scf.if %cond3A_65 {
        %add3A_101 = arith.constant 2 : i32
        %add3A_102 = arith.addi %mul3A_36, %add3A_101 : i32
        %dma_start3A_103 = arith.constant 0 : i32
        %dma_start3A_104 = tpu.memref_slice %arg5[%add3A_102, %dma_start3A_103] : memref<20x96xi32, #tpu.memory_space<vmem>> -> memref<1x96xi32, #tpu.memory_space<vmem>>
        %dma_start3A_105 = tpu.memref_squeeze %dma_start3A_104 : memref<1x96xi32, #tpu.memory_space<vmem>> -> memref<96xi32, #tpu.memory_space<vmem>>
        %dma_start3A_106 = arith.constant 0 : i32
        %dma_start3A_107 = arith.constant 0 : i32
        %dma_start3A_108 = tpu.memref_slice %arg10[%dma_start3A_106, %dma_start3A_107] : memref<10240x128xf32, #tpu.memory_space<vmem_shared>> -> memref<10240x128xf32, #tpu.memory_space<vmem_shared>>
        tpu.enqueue_indirect_dma source(%dma_start3A_108 : memref<10240x128xf32, #tpu.memory_space<vmem_shared>>) target(%arg6 : memref<96x128xf32, #tpu.memory_space<vmem>>) offsets(%dma_start3A_105 : memref<96xi32, #tpu.memory_space<vmem>>) semaphore(%arg11 : memref<!tpu.dma_semaphore, #tpu.memory_space<semaphore_mem>>)
      } else {
      }
      %add3A_66 = arith.constant 1 : i32
      %add3A_67 = arith.addi %mul3A_36, %add3A_66 : i32
      %dma_wait3A_68 = arith.constant 0 : i32
      %dma_wait3A_69 = tpu.memref_slice %arg5[%add3A_67, %dma_wait3A_68] : memref<20x96xi32, #tpu.memory_space<vmem>> -> memref<1x96xi32, #tpu.memory_space<vmem>>
      %dma_wait3A_70 = tpu.memref_squeeze %dma_wait3A_69 : memref<1x96xi32, #tpu.memory_space<vmem>> -> memref<96xi32, #tpu.memory_space<vmem>>
      %dma_wait3A_71 = arith.constant 0 : i32
      %dma_wait3A_72 = arith.constant 0 : i32
      %dma_wait3A_73 = tpu.memref_slice %arg10[%dma_wait3A_71, %dma_wait3A_72] : memref<10240x128xf32, #tpu.memory_space<vmem_shared>> -> memref<10240x128xf32, #tpu.memory_space<vmem_shared>>
      tpu.wait_indirect_dma semaphore(%arg12 : memref<!tpu.dma_semaphore, #tpu.memory_space<semaphore_mem>>) src(%dma_wait3A_73 : memref<10240x128xf32, #tpu.memory_space<vmem_shared>>) dst(%arg7 : memref<96x128xf32, #tpu.memory_space<vmem>>)
      %ge3A_74 = arith.constant 2 : i32
      %ge3A_75 = arith.cmpi sge, %add3A_67, %ge3A_74 : i32
      %convert_element_type3A_76 = arith.extui %ge3A_75 : i1 to i32
      %cond3A_77 = arith.constant 0 : i32
      %cond3A_78 = arith.cmpi ne, %convert_element_type3A_76, %cond3A_77 : i32
      scf.if %cond3A_78 {
        %dma_wait3A_101 = arith.constant 0 : i32
        %dma_wait3A_102 = arith.constant 0 : i32
        %dma_wait3A_103 = tpu.memref_slice %arg4[%dma_wait3A_101, %dma_wait3A_102] : memref<10240x128xf32, #tpu.memory_space<hbm>> -> memref<16x128xf32, #tpu.memory_space<hbm>>
        %dma_wait3A_104 = arith.constant 0 : i32
        %dma_wait3A_105 = arith.constant 0 : i32
        %dma_wait3A_106 = tpu.memref_slice %arg4[%dma_wait3A_104, %dma_wait3A_105] : memref<10240x128xf32, #tpu.memory_space<hbm>> -> memref<16x128xf32, #tpu.memory_space<hbm>>
        tpu.wait_dma2 semaphore(%arg14 : memref<!tpu.dma_semaphore, #tpu.memory_space<semaphore_mem>>) src(%arg9 : memref<16x128xf32, #tpu.memory_space<vmem>>) dst(%dma_wait3A_106 : memref<16x128xf32, #tpu.memory_space<hbm>>)
      } else {
      }
      %scan3A_79 = arith.constant 0 : i32
      %scan3A_80 = arith.constant 0 : i32
      %scan3A_81 = arith.constant 16 : i32
      %scan3A_82 = arith.addi %scan3A_80, %scan3A_81 : i32
      %scan3A_83 = arith.constant 1 : i32
      scf.for %scan3A_101 = %scan3A_80 to %scan3A_82 step %scan3A_83  : i32 {
        %mul3A_102 = arith.constant 6 : i32
        %mul3A_103 = arith.muli %mul3A_102, %scan3A_101 : i32
        %get3A = arith.index_cast %mul3A_103 : i32 to index
        %get3A_104 = arith.constant 0 : index
        %get3A_105 = tpu.vector_load %arg7[%get3A, %get3A_104] {strides = array<i32>} : memref<96x128xf32, #tpu.memory_space<vmem>>, vector<1x16xf32>,
        %get3A_106 = vector.shape_cast %get3A_105 : vector<1x16xf32> to vector<16xf32>
        %add3A_107 = arith.constant 1 : i32
        %add3A_108 = arith.addi %mul3A_103, %add3A_107 : i32
        %get3A_109 = arith.index_cast %add3A_108 : i32 to index
        %get3A_110 = arith.constant 0 : index
        %get3A_111 = tpu.vector_load %arg7[%get3A_109, %get3A_110] {strides = array<i32>} : memref<96x128xf32, #tpu.memory_space<vmem>>, vector<1x16xf32>,
        %get3A_112 = vector.shape_cast %get3A_111 : vector<1x16xf32> to vector<16xf32>
        %add3A_113 = arith.addf %get3A_106, %get3A_112 : vector<16xf32>
        %add3A_114 = arith.constant 2 : i32
        %add3A_115 = arith.addi %mul3A_103, %add3A_114 : i32
        %get3A_116 = arith.index_cast %add3A_115 : i32 to index
        %get3A_117 = arith.constant 0 : index
        %get3A_118 = tpu.vector_load %arg7[%get3A_116, %get3A_117] {strides = array<i32>} : memref<96x128xf32, #tpu.memory_space<vmem>>, vector<1x16xf32>,
        %get3A_119 = vector.shape_cast %get3A_118 : vector<1x16xf32> to vector<16xf32>
        %add3A_120 = arith.addf %add3A_113, %get3A_119 : vector<16xf32>
        %add3A_121 = arith.constant 3 : i32
        %add3A_122 = arith.addi %mul3A_103, %add3A_121 : i32
        %get3A_123 = arith.index_cast %add3A_122 : i32 to index
        %get3A_124 = arith.constant 0 : index
        %get3A_125 = tpu.vector_load %arg7[%get3A_123, %get3A_124] {strides = array<i32>} : memref<96x128xf32, #tpu.memory_space<vmem>>, vector<1x16xf32>,
        %get3A_126 = vector.shape_cast %get3A_125 : vector<1x16xf32> to vector<16xf32>
        %add3A_127 = arith.addf %add3A_120, %get3A_126 : vector<16xf32>
        %add3A_128 = arith.constant 4 : i32
        %add3A_129 = arith.addi %mul3A_103, %add3A_128 : i32
        %get3A_130 = arith.index_cast %add3A_129 : i32 to index
        %get3A_131 = arith.constant 0 : index
        %get3A_132 = tpu.vector_load %arg7[%get3A_130, %get3A_131] {strides = array<i32>} : memref<96x128xf32, #tpu.memory_space<vmem>>, vector<1x16xf32>,
        %get3A_133 = vector.shape_cast %get3A_132 : vector<1x16xf32> to vector<16xf32>
        %add3A_134 = arith.addf %add3A_127, %get3A_133 : vector<16xf32>
        %add3A_135 = arith.constant 5 : i32
        %add3A_136 = arith.addi %mul3A_103, %add3A_135 : i32
        %get3A_137 = arith.index_cast %add3A_136 : i32 to index
        %get3A_138 = arith.constant 0 : index
        %get3A_139 = tpu.vector_load %arg7[%get3A_137, %get3A_138] {strides = array<i32>} : memref<96x128xf32, #tpu.memory_space<vmem>>, vector<1x16xf32>,
        %get3A_140 = vector.shape_cast %get3A_139 : vector<1x16xf32> to vector<16xf32>
        %add3A_141 = arith.addf %add3A_134, %get3A_140 : vector<16xf32>
        %swap3A = arith.index_cast %scan3A_101 : i32 to index
        %swap3A_142 = arith.constant 0 : index
        %swap3A_143 = tpu.vector_load %arg9[%swap3A, %swap3A_142] {strides = array<i32>} : memref<16x128xf32, #tpu.memory_space<vmem>>, vector<1x16xf32>,
        %swap3A_144 = vector.shape_cast %swap3A_143 : vector<1x16xf32> to vector<16xf32>
        %swap3A_145 = vector.shape_cast %add3A_141 : vector<16xf32> to vector<1x16xf32>
        tpu.vector_store %arg9[%swap3A, %swap3A_142], %swap3A_145 {strides = array<i32>} : memref<16x128xf32, #tpu.memory_space<vmem>>, vector<1x16xf32>,
        %get3A_146 = arith.index_cast %mul3A_103 : i32 to index
        %get3A_147 = arith.constant 16 : index
        %get3A_148 = tpu.vector_load %arg7[%get3A_146, %get3A_147] {strides = array<i32>} : memref<96x128xf32, #tpu.memory_space<vmem>>, vector<1x16xf32>,
        %get3A_149 = vector.shape_cast %get3A_148 : vector<1x16xf32> to vector<16xf32>
        %add3A_150 = arith.constant 1 : i32
        %add3A_151 = arith.addi %mul3A_103, %add3A_150 : i32
        %get3A_152 = arith.index_cast %add3A_151 : i32 to index
        %get3A_153 = arith.constant 16 : index
        %get3A_154 = tpu.vector_load %arg7[%get3A_152, %get3A_153] {strides = array<i32>} : memref<96x128xf32, #tpu.memory_space<vmem>>, vector<1x16xf32>,
        %get3A_155 = vector.shape_cast %get3A_154 : vector<1x16xf32> to vector<16xf32>
        %add3A_156 = arith.addf %get3A_149, %get3A_155 : vector<16xf32>
        %add3A_157 = arith.constant 2 : i32
        %add3A_158 = arith.addi %mul3A_103, %add3A_157 : i32
        %get3A_159 = arith.index_cast %add3A_158 : i32 to index
        %get3A_160 = arith.constant 16 : index
        %get3A_161 = tpu.vector_load %arg7[%get3A_159, %get3A_160] {strides = array<i32>} : memref<96x128xf32, #tpu.memory_space<vmem>>, vector<1x16xf32>,
        %get3A_162 = vector.shape_cast %get3A_161 : vector<1x16xf32> to vector<16xf32>
        %add3A_163 = arith.addf %add3A_156, %get3A_162 : vector<16xf32>
        %add3A_164 = arith.constant 3 : i32
        %add3A_165 = arith.addi %mul3A_103, %add3A_164 : i32
        %get3A_166 = arith.index_cast %add3A_165 : i32 to index
        %get3A_167 = arith.constant 16 : index
        %get3A_168 = tpu.vector_load %arg7[%get3A_166, %get3A_167] {strides = array<i32>} : memref<96x128xf32, #tpu.memory_space<vmem>>, vector<1x16xf32>,
        %get3A_169 = vector.shape_cast %get3A_168 : vector<1x16xf32> to vector<16xf32>
        %add3A_170 = arith.addf %add3A_163, %get3A_169 : vector<16xf32>
        %add3A_171 = arith.constant 4 : i32
        %add3A_172 = arith.addi %mul3A_103, %add3A_171 : i32
        %get3A_173 = arith.index_cast %add3A_172 : i32 to index
        %get3A_174 = arith.constant 16 : index
        %get3A_175 = tpu.vector_load %arg7[%get3A_173, %get3A_174] {strides = array<i32>} : memref<96x128xf32, #tpu.memory_space<vmem>>, vector<1x16xf32>,
        %get3A_176 = vector.shape_cast %get3A_175 : vector<1x16xf32> to vector<16xf32>
        %add3A_177 = arith.addf %add3A_170, %get3A_176 : vector<16xf32>
        %add3A_178 = arith.constant 5 : i32
        %add3A_179 = arith.addi %mul3A_103, %add3A_178 : i32
        %get3A_180 = arith.index_cast %add3A_179 : i32 to index
        %get3A_181 = arith.constant 16 : index
        %get3A_182 = tpu.vector_load %arg7[%get3A_180, %get3A_181] {strides = array<i32>} : memref<96x128xf32, #tpu.memory_space<vmem>>, vector<1x16xf32>,
        %get3A_183 = vector.shape_cast %get3A_182 : vector<1x16xf32> to vector<16xf32>
        %add3A_184 = arith.addf %add3A_177, %get3A_183 : vector<16xf32>
        %swap3A_185 = arith.index_cast %scan3A_101 : i32 to index
        %swap3A_186 = arith.constant 16 : index
        %swap3A_187 = tpu.vector_load %arg9[%swap3A_185, %swap3A_186] {strides = array<i32>} : memref<16x128xf32, #tpu.memory_space<vmem>>, vector<1x16xf32>,
        %swap3A_188 = vector.shape_cast %swap3A_187 : vector<1x16xf32> to vector<16xf32>
        %swap3A_189 = vector.shape_cast %add3A_184 : vector<16xf32> to vector<1x16xf32>
        tpu.vector_store %arg9[%swap3A_185, %swap3A_186], %swap3A_189 {strides = array<i32>} : memref<16x128xf32, #tpu.memory_space<vmem>>, vector<1x16xf32>,
        %get3A_190 = arith.index_cast %mul3A_103 : i32 to index
        %get3A_191 = arith.constant 32 : index
        %get3A_192 = tpu.vector_load %arg7[%get3A_190, %get3A_191] {strides = array<i32>} : memref<96x128xf32, #tpu.memory_space<vmem>>, vector<1x16xf32>,
        %get3A_193 = vector.shape_cast %get3A_192 : vector<1x16xf32> to vector<16xf32>
        %add3A_194 = arith.constant 1 : i32
        %add3A_195 = arith.addi %mul3A_103, %add3A_194 : i32
        %get3A_196 = arith.index_cast %add3A_195 : i32 to index
        %get3A_197 = arith.constant 32 : index
        %get3A_198 = tpu.vector_load %arg7[%get3A_196, %get3A_197] {strides = array<i32>} : memref<96x128xf32, #tpu.memory_space<vmem>>, vector<1x16xf32>,
        %get3A_199 = vector.shape_cast %get3A_198 : vector<1x16xf32> to vector<16xf32>
        %add3A_200 = arith.addf %get3A_193, %get3A_199 : vector<16xf32>
        %add3A_201 = arith.constant 2 : i32
        %add3A_202 = arith.addi %mul3A_103, %add3A_201 : i32
        %get3A_203 = arith.index_cast %add3A_202 : i32 to index
        %get3A_204 = arith.constant 32 : index
        %get3A_205 = tpu.vector_load %arg7[%get3A_203, %get3A_204] {strides = array<i32>} : memref<96x128xf32, #tpu.memory_space<vmem>>, vector<1x16xf32>,
        %get3A_206 = vector.shape_cast %get3A_205 : vector<1x16xf32> to vector<16xf32>
        %add3A_207 = arith.addf %add3A_200, %get3A_206 : vector<16xf32>
        %add3A_208 = arith.constant 3 : i32
        %add3A_209 = arith.addi %mul3A_103, %add3A_208 : i32
        %get3A_210 = arith.index_cast %add3A_209 : i32 to index
        %get3A_211 = arith.constant 32 : index
        %get3A_212 = tpu.vector_load %arg7[%get3A_210, %get3A_211] {strides = array<i32>} : memref<96x128xf32, #tpu.memory_space<vmem>>, vector<1x16xf32>,
        %get3A_213 = vector.shape_cast %get3A_212 : vector<1x16xf32> to vector<16xf32>
        %add3A_214 = arith.addf %add3A_207, %get3A_213 : vector<16xf32>
        %add3A_215 = arith.constant 4 : i32
        %add3A_216 = arith.addi %mul3A_103, %add3A_215 : i32
        %get3A_217 = arith.index_cast %add3A_216 : i32 to index
        %get3A_218 = arith.constant 32 : index
        %get3A_219 = tpu.vector_load %arg7[%get3A_217, %get3A_218] {strides = array<i32>} : memref<96x128xf32, #tpu.memory_space<vmem>>, vector<1x16xf32>,
        %get3A_220 = vector.shape_cast %get3A_219 : vector<1x16xf32> to vector<16xf32>
        %add3A_221 = arith.addf %add3A_214, %get3A_220 : vector<16xf32>
        %add3A_222 = arith.constant 5 : i32
        %add3A_223 = arith.addi %mul3A_103, %add3A_222 : i32
        %get3A_224 = arith.index_cast %add3A_223 : i32 to index
        %get3A_225 = arith.constant 32 : index
        %get3A_226 = tpu.vector_load %arg7[%get3A_224, %get3A_225] {strides = array<i32>} : memref<96x128xf32, #tpu.memory_space<vmem>>, vector<1x16xf32>,
        %get3A_227 = vector.shape_cast %get3A_226 : vector<1x16xf32> to vector<16xf32>
        %add3A_228 = arith.addf %add3A_221, %get3A_227 : vector<16xf32>
        %swap3A_229 = arith.index_cast %scan3A_101 : i32 to index
        %swap3A_230 = arith.constant 32 : index
        %swap3A_231 = tpu.vector_load %arg9[%swap3A_229, %swap3A_230] {strides = array<i32>} : memref<16x128xf32, #tpu.memory_space<vmem>>, vector<1x16xf32>,
        %swap3A_232 = vector.shape_cast %swap3A_231 : vector<1x16xf32> to vector<16xf32>
        %swap3A_233 = vector.shape_cast %add3A_228 : vector<16xf32> to vector<1x16xf32>
        tpu.vector_store %arg9[%swap3A_229, %swap3A_230], %swap3A_233 {strides = array<i32>} : memref<16x128xf32, #tpu.memory_space<vmem>>, vector<1x16xf32>,
        %get3A_234 = arith.index_cast %mul3A_103 : i32 to index
        %get3A_235 = arith.constant 48 : index
        %get3A_236 = tpu.vector_load %arg7[%get3A_234, %get3A_235] {strides = array<i32>} : memref<96x128xf32, #tpu.memory_space<vmem>>, vector<1x16xf32>,
        %get3A_237 = vector.shape_cast %get3A_236 : vector<1x16xf32> to vector<16xf32>
        %add3A_238 = arith.constant 1 : i32
        %add3A_239 = arith.addi %mul3A_103, %add3A_238 : i32
        %get3A_240 = arith.index_cast %add3A_239 : i32 to index
        %get3A_241 = arith.constant 48 : index
        %get3A_242 = tpu.vector_load %arg7[%get3A_240, %get3A_241] {strides = array<i32>} : memref<96x128xf32, #tpu.memory_space<vmem>>, vector<1x16xf32>,
        %get3A_243 = vector.shape_cast %get3A_242 : vector<1x16xf32> to vector<16xf32>
        %add3A_244 = arith.addf %get3A_237, %get3A_243 : vector<16xf32>
        %add3A_245 = arith.constant 2 : i32
        %add3A_246 = arith.addi %mul3A_103, %add3A_245 : i32
        %get3A_247 = arith.index_cast %add3A_246 : i32 to index
        %get3A_248 = arith.constant 48 : index
        %get3A_249 = tpu.vector_load %arg7[%get3A_247, %get3A_248] {strides = array<i32>} : memref<96x128xf32, #tpu.memory_space<vmem>>, vector<1x16xf32>,
        %get3A_250 = vector.shape_cast %get3A_249 : vector<1x16xf32> to vector<16xf32>
        %add3A_251 = arith.addf %add3A_244, %get3A_250 : vector<16xf32>
        %add3A_252 = arith.constant 3 : i32
        %add3A_253 = arith.addi %mul3A_103, %add3A_252 : i32
        %get3A_254 = arith.index_cast %add3A_253 : i32 to index
        %get3A_255 = arith.constant 48 : index
        %get3A_256 = tpu.vector_load %arg7[%get3A_254, %get3A_255] {strides = array<i32>} : memref<96x128xf32, #tpu.memory_space<vmem>>, vector<1x16xf32>,
        %get3A_257 = vector.shape_cast %get3A_256 : vector<1x16xf32> to vector<16xf32>
        %add3A_258 = arith.addf %add3A_251, %get3A_257 : vector<16xf32>
        %add3A_259 = arith.constant 4 : i32
        %add3A_260 = arith.addi %mul3A_103, %add3A_259 : i32
        %get3A_261 = arith.index_cast %add3A_260 : i32 to index
        %get3A_262 = arith.constant 48 : index
        %get3A_263 = tpu.vector_load %arg7[%get3A_261, %get3A_262] {strides = array<i32>} : memref<96x128xf32, #tpu.memory_space<vmem>>, vector<1x16xf32>,
        %get3A_264 = vector.shape_cast %get3A_263 : vector<1x16xf32> to vector<16xf32>
        %add3A_265 = arith.addf %add3A_258, %get3A_264 : vector<16xf32>
        %add3A_266 = arith.constant 5 : i32
        %add3A_267 = arith.addi %mul3A_103, %add3A_266 : i32
        %get3A_268 = arith.index_cast %add3A_267 : i32 to index
        %get3A_269 = arith.constant 48 : index
        %get3A_270 = tpu.vector_load %arg7[%get3A_268, %get3A_269] {strides = array<i32>} : memref<96x128xf32, #tpu.memory_space<vmem>>, vector<1x16xf32>,
        %get3A_271 = vector.shape_cast %get3A_270 : vector<1x16xf32> to vector<16xf32>
        %add3A_272 = arith.addf %add3A_265, %get3A_271 : vector<16xf32>
        %swap3A_273 = arith.index_cast %scan3A_101 : i32 to index
        %swap3A_274 = arith.constant 48 : index
        %swap3A_275 = tpu.vector_load %arg9[%swap3A_273, %swap3A_274] {strides = array<i32>} : memref<16x128xf32, #tpu.memory_space<vmem>>, vector<1x16xf32>,
        %swap3A_276 = vector.shape_cast %swap3A_275 : vector<1x16xf32> to vector<16xf32>
        %swap3A_277 = vector.shape_cast %add3A_272 : vector<16xf32> to vector<1x16xf32>
        tpu.vector_store %arg9[%swap3A_273, %swap3A_274], %swap3A_277 {strides = array<i32>} : memref<16x128xf32, #tpu.memory_space<vmem>>, vector<1x16xf32>,
        %get3A_278 = arith.index_cast %mul3A_103 : i32 to index
        %get3A_279 = arith.constant 64 : index
        %get3A_280 = tpu.vector_load %arg7[%get3A_278, %get3A_279] {strides = array<i32>} : memref<96x128xf32, #tpu.memory_space<vmem>>, vector<1x16xf32>,
        %get3A_281 = vector.shape_cast %get3A_280 : vector<1x16xf32> to vector<16xf32>
        %add3A_282 = arith.constant 1 : i32
        %add3A_283 = arith.addi %mul3A_103, %add3A_282 : i32
        %get3A_284 = arith.index_cast %add3A_283 : i32 to index
        %get3A_285 = arith.constant 64 : index
        %get3A_286 = tpu.vector_load %arg7[%get3A_284, %get3A_285] {strides = array<i32>} : memref<96x128xf32, #tpu.memory_space<vmem>>, vector<1x16xf32>,
        %get3A_287 = vector.shape_cast %get3A_286 : vector<1x16xf32> to vector<16xf32>
        %add3A_288 = arith.addf %get3A_281, %get3A_287 : vector<16xf32>
        %add3A_289 = arith.constant 2 : i32
        %add3A_290 = arith.addi %mul3A_103, %add3A_289 : i32
        %get3A_291 = arith.index_cast %add3A_290 : i32 to index
        %get3A_292 = arith.constant 64 : index
        %get3A_293 = tpu.vector_load %arg7[%get3A_291, %get3A_292] {strides = array<i32>} : memref<96x128xf32, #tpu.memory_space<vmem>>, vector<1x16xf32>,
        %get3A_294 = vector.shape_cast %get3A_293 : vector<1x16xf32> to vector<16xf32>
        %add3A_295 = arith.addf %add3A_288, %get3A_294 : vector<16xf32>
        %add3A_296 = arith.constant 3 : i32
        %add3A_297 = arith.addi %mul3A_103, %add3A_296 : i32
        %get3A_298 = arith.index_cast %add3A_297 : i32 to index
        %get3A_299 = arith.constant 64 : index
        %get3A_300 = tpu.vector_load %arg7[%get3A_298, %get3A_299] {strides = array<i32>} : memref<96x128xf32, #tpu.memory_space<vmem>>, vector<1x16xf32>,
        %get3A_301 = vector.shape_cast %get3A_300 : vector<1x16xf32> to vector<16xf32>
        %add3A_302 = arith.addf %add3A_295, %get3A_301 : vector<16xf32>
        %add3A_303 = arith.constant 4 : i32
        %add3A_304 = arith.addi %mul3A_103, %add3A_303 : i32
        %get3A_305 = arith.index_cast %add3A_304 : i32 to index
        %get3A_306 = arith.constant 64 : index
        %get3A_307 = tpu.vector_load %arg7[%get3A_305, %get3A_306] {strides = array<i32>} : memref<96x128xf32, #tpu.memory_space<vmem>>, vector<1x16xf32>,
        %get3A_308 = vector.shape_cast %get3A_307 : vector<1x16xf32> to vector<16xf32>
        %add3A_309 = arith.addf %add3A_302, %get3A_308 : vector<16xf32>
        %add3A_310 = arith.constant 5 : i32
        %add3A_311 = arith.addi %mul3A_103, %add3A_310 : i32
        %get3A_312 = arith.index_cast %add3A_311 : i32 to index
        %get3A_313 = arith.constant 64 : index
        %get3A_314 = tpu.vector_load %arg7[%get3A_312, %get3A_313] {strides = array<i32>} : memref<96x128xf32, #tpu.memory_space<vmem>>, vector<1x16xf32>,
        %get3A_315 = vector.shape_cast %get3A_314 : vector<1x16xf32> to vector<16xf32>
        %add3A_316 = arith.addf %add3A_309, %get3A_315 : vector<16xf32>
        %swap3A_317 = arith.index_cast %scan3A_101 : i32 to index
        %swap3A_318 = arith.constant 64 : index
        %swap3A_319 = tpu.vector_load %arg9[%swap3A_317, %swap3A_318] {strides = array<i32>} : memref<16x128xf32, #tpu.memory_space<vmem>>, vector<1x16xf32>,
        %swap3A_320 = vector.shape_cast %swap3A_319 : vector<1x16xf32> to vector<16xf32>
        %swap3A_321 = vector.shape_cast %add3A_316 : vector<16xf32> to vector<1x16xf32>
        tpu.vector_store %arg9[%swap3A_317, %swap3A_318], %swap3A_321 {strides = array<i32>} : memref<16x128xf32, #tpu.memory_space<vmem>>, vector<1x16xf32>,
        %get3A_322 = arith.index_cast %mul3A_103 : i32 to index
        %get3A_323 = arith.constant 80 : index
        %get3A_324 = tpu.vector_load %arg7[%get3A_322, %get3A_323] {strides = array<i32>} : memref<96x128xf32, #tpu.memory_space<vmem>>, vector<1x16xf32>,
        %get3A_325 = vector.shape_cast %get3A_324 : vector<1x16xf32> to vector<16xf32>
        %add3A_326 = arith.constant 1 : i32
        %add3A_327 = arith.addi %mul3A_103, %add3A_326 : i32
        %get3A_328 = arith.index_cast %add3A_327 : i32 to index
        %get3A_329 = arith.constant 80 : index
        %get3A_330 = tpu.vector_load %arg7[%get3A_328, %get3A_329] {strides = array<i32>} : memref<96x128xf32, #tpu.memory_space<vmem>>, vector<1x16xf32>,
        %get3A_331 = vector.shape_cast %get3A_330 : vector<1x16xf32> to vector<16xf32>
        %add3A_332 = arith.addf %get3A_325, %get3A_331 : vector<16xf32>
        %add3A_333 = arith.constant 2 : i32
        %add3A_334 = arith.addi %mul3A_103, %add3A_333 : i32
        %get3A_335 = arith.index_cast %add3A_334 : i32 to index
        %get3A_336 = arith.constant 80 : index
        %get3A_337 = tpu.vector_load %arg7[%get3A_335, %get3A_336] {strides = array<i32>} : memref<96x128xf32, #tpu.memory_space<vmem>>, vector<1x16xf32>,
        %get3A_338 = vector.shape_cast %get3A_337 : vector<1x16xf32> to vector<16xf32>
        %add3A_339 = arith.addf %add3A_332, %get3A_338 : vector<16xf32>
        %add3A_340 = arith.constant 3 : i32
        %add3A_341 = arith.addi %mul3A_103, %add3A_340 : i32
        %get3A_342 = arith.index_cast %add3A_341 : i32 to index
        %get3A_343 = arith.constant 80 : index
        %get3A_344 = tpu.vector_load %arg7[%get3A_342, %get3A_343] {strides = array<i32>} : memref<96x128xf32, #tpu.memory_space<vmem>>, vector<1x16xf32>,
        %get3A_345 = vector.shape_cast %get3A_344 : vector<1x16xf32> to vector<16xf32>
        %add3A_346 = arith.addf %add3A_339, %get3A_345 : vector<16xf32>
        %add3A_347 = arith.constant 4 : i32
        %add3A_348 = arith.addi %mul3A_103, %add3A_347 : i32
        %get3A_349 = arith.index_cast %add3A_348 : i32 to index
        %get3A_350 = arith.constant 80 : index
        %get3A_351 = tpu.vector_load %arg7[%get3A_349, %get3A_350] {strides = array<i32>} : memref<96x128xf32, #tpu.memory_space<vmem>>, vector<1x16xf32>,
        %get3A_352 = vector.shape_cast %get3A_351 : vector<1x16xf32> to vector<16xf32>
        %add3A_353 = arith.addf %add3A_346, %get3A_352 : vector<16xf32>
        %add3A_354 = arith.constant 5 : i32
        %add3A_355 = arith.addi %mul3A_103, %add3A_354 : i32
        %get3A_356 = arith.index_cast %add3A_355 : i32 to index
        %get3A_357 = arith.constant 80 : index
        %get3A_358 = tpu.vector_load %arg7[%get3A_356, %get3A_357] {strides = array<i32>} : memref<96x128xf32, #tpu.memory_space<vmem>>, vector<1x16xf32>,
        %get3A_359 = vector.shape_cast %get3A_358 : vector<1x16xf32> to vector<16xf32>
        %add3A_360 = arith.addf %add3A_353, %get3A_359 : vector<16xf32>
        %swap3A_361 = arith.index_cast %scan3A_101 : i32 to index
        %swap3A_362 = arith.constant 80 : index
        %swap3A_363 = tpu.vector_load %arg9[%swap3A_361, %swap3A_362] {strides = array<i32>} : memref<16x128xf32, #tpu.memory_space<vmem>>, vector<1x16xf32>,
        %swap3A_364 = vector.shape_cast %swap3A_363 : vector<1x16xf32> to vector<16xf32>
        %swap3A_365 = vector.shape_cast %add3A_360 : vector<16xf32> to vector<1x16xf32>
        tpu.vector_store %arg9[%swap3A_361, %swap3A_362], %swap3A_365 {strides = array<i32>} : memref<16x128xf32, #tpu.memory_space<vmem>>, vector<1x16xf32>,
        %get3A_366 = arith.index_cast %mul3A_103 : i32 to index
        %get3A_367 = arith.constant 96 : index
        %get3A_368 = tpu.vector_load %arg7[%get3A_366, %get3A_367] {strides = array<i32>} : memref<96x128xf32, #tpu.memory_space<vmem>>, vector<1x16xf32>,
        %get3A_369 = vector.shape_cast %get3A_368 : vector<1x16xf32> to vector<16xf32>
        %add3A_370 = arith.constant 1 : i32
        %add3A_371 = arith.addi %mul3A_103, %add3A_370 : i32
        %get3A_372 = arith.index_cast %add3A_371 : i32 to index
        %get3A_373 = arith.constant 96 : index
        %get3A_374 = tpu.vector_load %arg7[%get3A_372, %get3A_373] {strides = array<i32>} : memref<96x128xf32, #tpu.memory_space<vmem>>, vector<1x16xf32>,
        %get3A_375 = vector.shape_cast %get3A_374 : vector<1x16xf32> to vector<16xf32>
        %add3A_376 = arith.addf %get3A_369, %get3A_375 : vector<16xf32>
        %add3A_377 = arith.constant 2 : i32
        %add3A_378 = arith.addi %mul3A_103, %add3A_377 : i32
        %get3A_379 = arith.index_cast %add3A_378 : i32 to index
        %get3A_380 = arith.constant 96 : index
        %get3A_381 = tpu.vector_load %arg7[%get3A_379, %get3A_380] {strides = array<i32>} : memref<96x128xf32, #tpu.memory_space<vmem>>, vector<1x16xf32>,
        %get3A_382 = vector.shape_cast %get3A_381 : vector<1x16xf32> to vector<16xf32>
        %add3A_383 = arith.addf %add3A_376, %get3A_382 : vector<16xf32>
        %add3A_384 = arith.constant 3 : i32
        %add3A_385 = arith.addi %mul3A_103, %add3A_384 : i32
        %get3A_386 = arith.index_cast %add3A_385 : i32 to index
        %get3A_387 = arith.constant 96 : index
        %get3A_388 = tpu.vector_load %arg7[%get3A_386, %get3A_387] {strides = array<i32>} : memref<96x128xf32, #tpu.memory_space<vmem>>, vector<1x16xf32>,
        %get3A_389 = vector.shape_cast %get3A_388 : vector<1x16xf32> to vector<16xf32>
        %add3A_390 = arith.addf %add3A_383, %get3A_389 : vector<16xf32>
        %add3A_391 = arith.constant 4 : i32
        %add3A_392 = arith.addi %mul3A_103, %add3A_391 : i32
        %get3A_393 = arith.index_cast %add3A_392 : i32 to index
        %get3A_394 = arith.constant 96 : index
        %get3A_395 = tpu.vector_load %arg7[%get3A_393, %get3A_394] {strides = array<i32>} : memref<96x128xf32, #tpu.memory_space<vmem>>, vector<1x16xf32>,
        %get3A_396 = vector.shape_cast %get3A_395 : vector<1x16xf32> to vector<16xf32>
        %add3A_397 = arith.addf %add3A_390, %get3A_396 : vector<16xf32>
        %add3A_398 = arith.constant 5 : i32
        %add3A_399 = arith.addi %mul3A_103, %add3A_398 : i32
        %get3A_400 = arith.index_cast %add3A_399 : i32 to index
        %get3A_401 = arith.constant 96 : index
        %get3A_402 = tpu.vector_load %arg7[%get3A_400, %get3A_401] {strides = array<i32>} : memref<96x128xf32, #tpu.memory_space<vmem>>, vector<1x16xf32>,
        %get3A_403 = vector.shape_cast %get3A_402 : vector<1x16xf32> to vector<16xf32>
        %add3A_404 = arith.addf %add3A_397, %get3A_403 : vector<16xf32>
        %swap3A_405 = arith.index_cast %scan3A_101 : i32 to index
        %swap3A_406 = arith.constant 96 : index
        %swap3A_407 = tpu.vector_load %arg9[%swap3A_405, %swap3A_406] {strides = array<i32>} : memref<16x128xf32, #tpu.memory_space<vmem>>, vector<1x16xf32>,
        %swap3A_408 = vector.shape_cast %swap3A_407 : vector<1x16xf32> to vector<16xf32>
        %swap3A_409 = vector.shape_cast %add3A_404 : vector<16xf32> to vector<1x16xf32>
        tpu.vector_store %arg9[%swap3A_405, %swap3A_406], %swap3A_409 {strides = array<i32>} : memref<16x128xf32, #tpu.memory_space<vmem>>, vector<1x16xf32>,
        %get3A_410 = arith.index_cast %mul3A_103 : i32 to index
        %get3A_411 = arith.constant 112 : index
        %get3A_412 = tpu.vector_load %arg7[%get3A_410, %get3A_411] {strides = array<i32>} : memref<96x128xf32, #tpu.memory_space<vmem>>, vector<1x16xf32>,
        %get3A_413 = vector.shape_cast %get3A_412 : vector<1x16xf32> to vector<16xf32>
        %add3A_414 = arith.constant 1 : i32
        %add3A_415 = arith.addi %mul3A_103, %add3A_414 : i32
        %get3A_416 = arith.index_cast %add3A_415 : i32 to index
        %get3A_417 = arith.constant 112 : index
        %get3A_418 = tpu.vector_load %arg7[%get3A_416, %get3A_417] {strides = array<i32>} : memref<96x128xf32, #tpu.memory_space<vmem>>, vector<1x16xf32>,
        %get3A_419 = vector.shape_cast %get3A_418 : vector<1x16xf32> to vector<16xf32>
        %add3A_420 = arith.addf %get3A_413, %get3A_419 : vector<16xf32>
        %add3A_421 = arith.constant 2 : i32
        %add3A_422 = arith.addi %mul3A_103, %add3A_421 : i32
        %get3A_423 = arith.index_cast %add3A_422 : i32 to index
        %get3A_424 = arith.constant 112 : index
        %get3A_425 = tpu.vector_load %arg7[%get3A_423, %get3A_424] {strides = array<i32>} : memref<96x128xf32, #tpu.memory_space<vmem>>, vector<1x16xf32>,
        %get3A_426 = vector.shape_cast %get3A_425 : vector<1x16xf32> to vector<16xf32>
        %add3A_427 = arith.addf %add3A_420, %get3A_426 : vector<16xf32>
        %add3A_428 = arith.constant 3 : i32
        %add3A_429 = arith.addi %mul3A_103, %add3A_428 : i32
        %get3A_430 = arith.index_cast %add3A_429 : i32 to index
        %get3A_431 = arith.constant 112 : index
        %get3A_432 = tpu.vector_load %arg7[%get3A_430, %get3A_431] {strides = array<i32>} : memref<96x128xf32, #tpu.memory_space<vmem>>, vector<1x16xf32>,
        %get3A_433 = vector.shape_cast %get3A_432 : vector<1x16xf32> to vector<16xf32>
        %add3A_434 = arith.addf %add3A_427, %get3A_433 : vector<16xf32>
        %add3A_435 = arith.constant 4 : i32
        %add3A_436 = arith.addi %mul3A_103, %add3A_435 : i32
        %get3A_437 = arith.index_cast %add3A_436 : i32 to index
        %get3A_438 = arith.constant 112 : index
        %get3A_439 = tpu.vector_load %arg7[%get3A_437, %get3A_438] {strides = array<i32>} : memref<96x128xf32, #tpu.memory_space<vmem>>, vector<1x16xf32>,
        %get3A_440 = vector.shape_cast %get3A_439 : vector<1x16xf32> to vector<16xf32>
        %add3A_441 = arith.addf %add3A_434, %get3A_440 : vector<16xf32>
        %add3A_442 = arith.constant 5 : i32
        %add3A_443 = arith.addi %mul3A_103, %add3A_442 : i32
        %get3A_444 = arith.index_cast %add3A_443 : i32 to index
        %get3A_445 = arith.constant 112 : index
        %get3A_446 = tpu.vector_load %arg7[%get3A_444, %get3A_445] {strides = array<i32>} : memref<96x128xf32, #tpu.memory_space<vmem>>, vector<1x16xf32>,
        %get3A_447 = vector.shape_cast %get3A_446 : vector<1x16xf32> to vector<16xf32>
        %add3A_448 = arith.addf %add3A_441, %get3A_447 : vector<16xf32>
        %swap3A_449 = arith.index_cast %scan3A_101 : i32 to index
        %swap3A_450 = arith.constant 112 : index
        %swap3A_451 = tpu.vector_load %arg9[%swap3A_449, %swap3A_450] {strides = array<i32>} : memref<16x128xf32, #tpu.memory_space<vmem>>, vector<1x16xf32>,
        %swap3A_452 = vector.shape_cast %swap3A_451 : vector<1x16xf32> to vector<16xf32>
        %swap3A_453 = vector.shape_cast %add3A_448 : vector<16xf32> to vector<1x16xf32>
        tpu.vector_store %arg9[%swap3A_449, %swap3A_450], %swap3A_453 {strides = array<i32>} : memref<16x128xf32, #tpu.memory_space<vmem>>, vector<1x16xf32>,
      }
      %scan3A_84 = arith.constant 16 : i32
      %mul3A_85 = arith.constant 320 : i32
      %mul3A_86 = arith.muli %add3A, %mul3A_85 : i32
      %mul3A_87 = arith.constant 16 : i32
      %mul3A_88 = arith.muli %add3A_67, %mul3A_87 : i32
      %add3A_89 = arith.addi %mul3A_86, %mul3A_88 : i32
      %dma_start3A_90 = arith.constant 0 : i32
      %dma_start3A_91 = tpu.memref_slice %arg4[%add3A_89, %dma_start3A_90] : memref<10240x128xf32, #tpu.memory_space<hbm>> -> memref<16x128xf32, #tpu.memory_space<hbm>>
      %dma_start3A_92 = arith.constant 0 : i32
      %dma_start3A_93 = tpu.memref_slice %arg4[%add3A_89, %dma_start3A_92] : memref<10240x128xf32, #tpu.memory_space<hbm>> -> memref<16x128xf32, #tpu.memory_space<hbm>>
      tpu.enqueue_dma source(%arg9 : memref<16x128xf32, #tpu.memory_space<vmem>>) target(%dma_start3A_93 : memref<16x128xf32, #tpu.memory_space<hbm>>) target_semaphore(%arg14 : memref<!tpu.dma_semaphore, #tpu.memory_space<semaphore_mem>>)
      %add3A_94 = arith.constant 2 : i32
      %add3A_95 = arith.addi %add3A_67, %add3A_94 : i32
      %lt3A_96 = arith.constant 20 : i32
      %lt3A_97 = arith.cmpi slt, %add3A_95, %lt3A_96 : i32
      %convert_element_type3A_98 = arith.extui %lt3A_97 : i1 to i32
      %cond3A_99 = arith.constant 0 : i32
      %cond3A_100 = arith.cmpi ne, %convert_element_type3A_98, %cond3A_99 : i32
      scf.if %cond3A_100 {
        %add3A_101 = arith.constant 2 : i32
        %add3A_102 = arith.addi %add3A_67, %add3A_101 : i32
        %dma_start3A_103 = arith.constant 0 : i32
        %dma_start3A_104 = tpu.memref_slice %arg5[%add3A_102, %dma_start3A_103] : memref<20x96xi32, #tpu.memory_space<vmem>> -> memref<1x96xi32, #tpu.memory_space<vmem>>
        %dma_start3A_105 = tpu.memref_squeeze %dma_start3A_104 : memref<1x96xi32, #tpu.memory_space<vmem>> -> memref<96xi32, #tpu.memory_space<vmem>>
        %dma_start3A_106 = arith.constant 0 : i32
        %dma_start3A_107 = arith.constant 0 : i32
        %dma_start3A_108 = tpu.memref_slice %arg10[%dma_start3A_106, %dma_start3A_107] : memref<10240x128xf32, #tpu.memory_space<vmem_shared>> -> memref<10240x128xf32, #tpu.memory_space<vmem_shared>>
        tpu.enqueue_indirect_dma source(%dma_start3A_108 : memref<10240x128xf32, #tpu.memory_space<vmem_shared>>) target(%arg7 : memref<96x128xf32, #tpu.memory_space<vmem>>) offsets(%dma_start3A_105 : memref<96xi32, #tpu.memory_space<vmem>>) semaphore(%arg12 : memref<!tpu.dma_semaphore, #tpu.memory_space<semaphore_mem>>)
      } else {
      }
    }
    %scan3A_22 = arith.constant 10 : i32
    %dma_wait3A = arith.constant 0 : i32
    %dma_wait3A_23 = arith.constant 0 : i32
    %dma_wait3A_24 = tpu.memref_slice %arg4[%dma_wait3A, %dma_wait3A_23] : memref<10240x128xf32, #tpu.memory_space<hbm>> -> memref<16x128xf32, #tpu.memory_space<hbm>>
    %dma_wait3A_25 = arith.constant 0 : i32
    %dma_wait3A_26 = arith.constant 0 : i32
    %dma_wait3A_27 = tpu.memref_slice %arg4[%dma_wait3A_25, %dma_wait3A_26] : memref<10240x128xf32, #tpu.memory_space<hbm>> -> memref<16x128xf32, #tpu.memory_space<hbm>>
    tpu.wait_dma2 semaphore(%arg13 : memref<!tpu.dma_semaphore, #tpu.memory_space<semaphore_mem>>) src(%arg8 : memref<16x128xf32, #tpu.memory_space<vmem>>) dst(%dma_wait3A_27 : memref<16x128xf32, #tpu.memory_space<hbm>>)
    %dma_wait3A_28 = arith.constant 0 : i32
    %dma_wait3A_29 = arith.constant 0 : i32
    %dma_wait3A_30 = tpu.memref_slice %arg4[%dma_wait3A_28, %dma_wait3A_29] : memref<10240x128xf32, #tpu.memory_space<hbm>> -> memref<16x128xf32, #tpu.memory_space<hbm>>
    %dma_wait3A_31 = arith.constant 0 : i32
    %dma_wait3A_32 = arith.constant 0 : i32
    %dma_wait3A_33 = tpu.memref_slice %arg4[%dma_wait3A_31, %dma_wait3A_32] : memref<10240x128xf32, #tpu.memory_space<hbm>> -> memref<16x128xf32, #tpu.memory_space<hbm>>
    tpu.wait_dma2 semaphore(%arg14 : memref<!tpu.dma_semaphore, #tpu.memory_space<semaphore_mem>>) src(%arg9 : memref<16x128xf32, #tpu.memory_space<vmem>>) dst(%dma_wait3A_33 : memref<16x128xf32, #tpu.memory_space<hbm>>)
    return
  }
}

#map = affine_map<(d0, d1) -> (0, 0)>
#map1 = affine_map<(d0, d1) -> (0, 0, 0)>
module attributes {stable_mosaic.version = 14 : i64} {
  func.func @_sc_agg_body(%arg0: i32, %arg1: i32, %arg2: memref<10240x128xf32, #tpu.memory_space<hbm>>, %arg3: memref<32x20x96xi32, #tpu.memory_space<hbm>>, %arg4: memref<10240x128xf32, #tpu.memory_space<hbm>>, %arg5: memref<20x96xi32, #tpu.memory_space<vmem>>, %arg6: memref<96x128xf32, #tpu.memory_space<vmem>>, %arg7: memref<96x128xf32, #tpu.memory_space<vmem>>, %arg8: memref<16x128xf32, #tpu.memory_space<vmem>>, %arg9: memref<16x128xf32, #tpu.memory_space<vmem>>, %arg10: memref<10240x128xf32, #tpu.memory_space<vmem_shared>>, %arg11: memref<!tpu.dma_semaphore, #tpu.memory_space<semaphore_mem>>, %arg12: memref<!tpu.dma_semaphore, #tpu.memory_space<semaphore_mem>>, %arg13: memref<!tpu.dma_semaphore, #tpu.memory_space<semaphore_mem>>, %arg14: memref<!tpu.dma_semaphore, #tpu.memory_space<semaphore_mem>>) attributes {dimension_semantics = [#tpu.dimension_semantics<core_parallel>, #tpu.dimension_semantics<subcore_parallel>], iteration_bounds = array<i64: 2, 16>, scalar_prefetch = 0 : i64, scratch_operands = 10 : i64, tpu.core_type = #tpu.core_type<sc_vector_subcore>, window_params = [{transform_indices = #map}, {transform_indices = #map1}, {transform_indices = #map}]} {
    %mul3A = arith.constant 2 : i32
    %mul3A_0 = arith.muli %arg1, %mul3A : i32
    %add3A = arith.addi %mul3A_0, %arg0 : i32
    %mul3A_1 = arith.constant 640 : i32
    %mul3A_2 = arith.muli %arg1, %mul3A_1 : i32
    %mul3A_3 = arith.constant 640 : i32
    %mul3A_4 = arith.muli %arg1, %mul3A_3 : i32
    "tpu.region"() ({
      %run_scoped3A = tpu.sem_alloc : memref<!tpu.dma_semaphore, #tpu.memory_space<semaphore_mem>>
      %dma_start3A_34 = arith.constant 0 : i32
      %dma_start3A_35 = tpu.memref_slice %arg10[%mul3A_4, %dma_start3A_34] : memref<10240x128xf32, #tpu.memory_space<vmem_shared>> -> memref<640x128xf32, #tpu.memory_space<vmem_shared>>
      %dma_start3A_36 = arith.constant 0 : i32
      %dma_start3A_37 = tpu.memref_slice %arg2[%mul3A_2, %dma_start3A_36] : memref<10240x128xf32, #tpu.memory_space<hbm>> -> memref<640x128xf32, #tpu.memory_space<hbm>>
      tpu.enqueue_dma source(%dma_start3A_37 : memref<640x128xf32, #tpu.memory_space<hbm>>) target(%dma_start3A_35 : memref<640x128xf32, #tpu.memory_space<vmem_shared>>) target_semaphore(%run_scoped3A : memref<!tpu.dma_semaphore, #tpu.memory_space<semaphore_mem>>)
      %dma_wait3A_38 = arith.constant 0 : i32
      %dma_wait3A_39 = tpu.memref_slice %arg10[%mul3A_4, %dma_wait3A_38] : memref<10240x128xf32, #tpu.memory_space<vmem_shared>> -> memref<640x128xf32, #tpu.memory_space<vmem_shared>>
      %dma_wait3A_40 = arith.constant 0 : i32
      %dma_wait3A_41 = tpu.memref_slice %arg2[%mul3A_2, %dma_wait3A_40] : memref<10240x128xf32, #tpu.memory_space<hbm>> -> memref<640x128xf32, #tpu.memory_space<hbm>>
      tpu.wait_dma2 semaphore(%run_scoped3A : memref<!tpu.dma_semaphore, #tpu.memory_space<semaphore_mem>>) src(%dma_wait3A_41 : memref<640x128xf32, #tpu.memory_space<hbm>>) dst(%dma_wait3A_39 : memref<640x128xf32, #tpu.memory_space<vmem_shared>>)
      tpu.yield
    }) : () -> ()
    "tpu.region"() ({
      %run_scoped3A = tpu.sem_alloc : memref<!tpu.dma_semaphore, #tpu.memory_space<semaphore_mem>>
      %dma_start3A_34 = arith.constant 0 : i32
      %dma_start3A_35 = arith.constant 0 : i32
      %dma_start3A_36 = tpu.memref_slice %arg3[%add3A, %dma_start3A_34, %dma_start3A_35] : memref<32x20x96xi32, #tpu.memory_space<hbm>> -> memref<1x20x96xi32, #tpu.memory_space<hbm>>
      %dma_start3A_37 = tpu.memref_squeeze %dma_start3A_36 : memref<1x20x96xi32, #tpu.memory_space<hbm>> -> memref<20x96xi32, #tpu.memory_space<hbm>>
      %dma_start3A_38 = arith.constant 0 : i32
      %dma_start3A_39 = arith.constant 0 : i32
      %dma_start3A_40 = tpu.memref_slice %arg3[%add3A, %dma_start3A_38, %dma_start3A_39] : memref<32x20x96xi32, #tpu.memory_space<hbm>> -> memref<1x20x96xi32, #tpu.memory_space<hbm>>
      %dma_start3A_41 = tpu.memref_squeeze %dma_start3A_40 : memref<1x20x96xi32, #tpu.memory_space<hbm>> -> memref<20x96xi32, #tpu.memory_space<hbm>>
      tpu.enqueue_dma source(%dma_start3A_41 : memref<20x96xi32, #tpu.memory_space<hbm>>) target(%arg5 : memref<20x96xi32, #tpu.memory_space<vmem>>) target_semaphore(%run_scoped3A : memref<!tpu.dma_semaphore, #tpu.memory_space<semaphore_mem>>)
      %dma_wait3A_42 = arith.constant 0 : i32
      %dma_wait3A_43 = arith.constant 0 : i32
      %dma_wait3A_44 = tpu.memref_slice %arg3[%add3A, %dma_wait3A_42, %dma_wait3A_43] : memref<32x20x96xi32, #tpu.memory_space<hbm>> -> memref<1x20x96xi32, #tpu.memory_space<hbm>>
      %dma_wait3A_45 = tpu.memref_squeeze %dma_wait3A_44 : memref<1x20x96xi32, #tpu.memory_space<hbm>> -> memref<20x96xi32, #tpu.memory_space<hbm>>
      %dma_wait3A_46 = arith.constant 0 : i32
      %dma_wait3A_47 = arith.constant 0 : i32
      %dma_wait3A_48 = tpu.memref_slice %arg3[%add3A, %dma_wait3A_46, %dma_wait3A_47] : memref<32x20x96xi32, #tpu.memory_space<hbm>> -> memref<1x20x96xi32, #tpu.memory_space<hbm>>
      %dma_wait3A_49 = tpu.memref_squeeze %dma_wait3A_48 : memref<1x20x96xi32, #tpu.memory_space<hbm>> -> memref<20x96xi32, #tpu.memory_space<hbm>>
      tpu.wait_dma2 semaphore(%run_scoped3A : memref<!tpu.dma_semaphore, #tpu.memory_space<semaphore_mem>>) src(%dma_wait3A_49 : memref<20x96xi32, #tpu.memory_space<hbm>>) dst(%arg5 : memref<20x96xi32, #tpu.memory_space<vmem>>)
      tpu.yield
    }) : () -> ()
    %barrier3A = arith.constant 0 : index
    tpu.barrier barrier_id(%barrier3A)
    %dma_start3A = arith.constant 0 : i32
    %dma_start3A_5 = arith.constant 0 : i32
    %dma_start3A_6 = tpu.memref_slice %arg5[%dma_start3A, %dma_start3A_5] : memref<20x96xi32, #tpu.memory_space<vmem>> -> memref<1x96xi32, #tpu.memory_space<vmem>>
    %dma_start3A_7 = tpu.memref_squeeze %dma_start3A_6 : memref<1x96xi32, #tpu.memory_space<vmem>> -> memref<96xi32, #tpu.memory_space<vmem>>
    %dma_start3A_8 = arith.constant 0 : i32
    %dma_start3A_9 = arith.constant 0 : i32
    %dma_start3A_10 = tpu.memref_slice %arg10[%dma_start3A_8, %dma_start3A_9] : memref<10240x128xf32, #tpu.memory_space<vmem_shared>> -> memref<10240x128xf32, #tpu.memory_space<vmem_shared>>
    tpu.enqueue_indirect_dma source(%dma_start3A_10 : memref<10240x128xf32, #tpu.memory_space<vmem_shared>>) target(%arg6 : memref<96x128xf32, #tpu.memory_space<vmem>>) offsets(%dma_start3A_7 : memref<96xi32, #tpu.memory_space<vmem>>) semaphore(%arg11 : memref<!tpu.dma_semaphore, #tpu.memory_space<semaphore_mem>>)
    %dma_start3A_11 = arith.constant 1 : i32
    %dma_start3A_12 = arith.constant 0 : i32
    %dma_start3A_13 = tpu.memref_slice %arg5[%dma_start3A_11, %dma_start3A_12] : memref<20x96xi32, #tpu.memory_space<vmem>> -> memref<1x96xi32, #tpu.memory_space<vmem>>
    %dma_start3A_14 = tpu.memref_squeeze %dma_start3A_13 : memref<1x96xi32, #tpu.memory_space<vmem>> -> memref<96xi32, #tpu.memory_space<vmem>>
    %dma_start3A_15 = arith.constant 0 : i32
    %dma_start3A_16 = arith.constant 0 : i32
    %dma_start3A_17 = tpu.memref_slice %arg10[%dma_start3A_15, %dma_start3A_16] : memref<10240x128xf32, #tpu.memory_space<vmem_shared>> -> memref<10240x128xf32, #tpu.memory_space<vmem_shared>>
    tpu.enqueue_indirect_dma source(%dma_start3A_17 : memref<10240x128xf32, #tpu.memory_space<vmem_shared>>) target(%arg7 : memref<96x128xf32, #tpu.memory_space<vmem>>) offsets(%dma_start3A_14 : memref<96xi32, #tpu.memory_space<vmem>>) semaphore(%arg12 : memref<!tpu.dma_semaphore, #tpu.memory_space<semaphore_mem>>)
    %scan3A = arith.constant 0 : i32
    %scan3A_18 = arith.constant 0 : i32
    %scan3A_19 = arith.constant 10 : i32
    %scan3A_20 = arith.addi %scan3A_18, %scan3A_19 : i32
    %scan3A_21 = arith.constant 1 : i32
    scf.for %scan3A_34 = %scan3A_18 to %scan3A_20 step %scan3A_21  : i32 {
      %mul3A_35 = arith.constant 2 : i32
      %mul3A_36 = arith.muli %mul3A_35, %scan3A_34 : i32
      %dma_wait3A_37 = arith.constant 0 : i32
      %dma_wait3A_38 = tpu.memref_slice %arg5[%mul3A_36, %dma_wait3A_37] : memref<20x96xi32, #tpu.memory_space<vmem>> -> memref<1x96xi32, #tpu.memory_space<vmem>>
      %dma_wait3A_39 = tpu.memref_squeeze %dma_wait3A_38 : memref<1x96xi32, #tpu.memory_space<vmem>> -> memref<96xi32, #tpu.memory_space<vmem>>
      %dma_wait3A_40 = arith.constant 0 : i32
      %dma_wait3A_41 = arith.constant 0 : i32
      %dma_wait3A_42 = tpu.memref_slice %arg10[%dma_wait3A_40, %dma_wait3A_41] : memref<10240x128xf32, #tpu.memory_space<vmem_shared>> -> memref<10240x128xf32, #tpu.memory_space<vmem_shared>>
      tpu.wait_indirect_dma semaphore(%arg11 : memref<!tpu.dma_semaphore, #tpu.memory_space<semaphore_mem>>) src(%dma_wait3A_42 : memref<10240x128xf32, #tpu.memory_space<vmem_shared>>) dst(%arg6 : memref<96x128xf32, #tpu.memory_space<vmem>>)
      %ge3A = arith.constant 2 : i32
      %ge3A_43 = arith.cmpi sge, %mul3A_36, %ge3A : i32
      %convert_element_type3A = arith.extui %ge3A_43 : i1 to i32
      %cond3A = arith.constant 0 : i32
      %cond3A_44 = arith.cmpi ne, %convert_element_type3A, %cond3A : i32
      scf.if %cond3A_44 {
        %dma_wait3A_101 = arith.constant 0 : i32
        %dma_wait3A_102 = arith.constant 0 : i32
        %dma_wait3A_103 = tpu.memref_slice %arg4[%dma_wait3A_101, %dma_wait3A_102] : memref<10240x128xf32, #tpu.memory_space<hbm>> -> memref<16x128xf32, #tpu.memory_space<hbm>>
        %dma_wait3A_104 = arith.constant 0 : i32
        %dma_wait3A_105 = arith.constant 0 : i32
        %dma_wait3A_106 = tpu.memref_slice %arg4[%dma_wait3A_104, %dma_wait3A_105] : memref<10240x128xf32, #tpu.memory_space<hbm>> -> memref<16x128xf32, #tpu.memory_space<hbm>>
        tpu.wait_dma2 semaphore(%arg13 : memref<!tpu.dma_semaphore, #tpu.memory_space<semaphore_mem>>) src(%arg8 : memref<16x128xf32, #tpu.memory_space<vmem>>) dst(%dma_wait3A_106 : memref<16x128xf32, #tpu.memory_space<hbm>>)
      } else {
      }
      %scan3A_45 = arith.constant 0 : i32
      %scan3A_46 = arith.constant 0 : i32
      %scan3A_47 = arith.constant 16 : i32
      %scan3A_48 = arith.addi %scan3A_46, %scan3A_47 : i32
      %scan3A_49 = arith.constant 1 : i32
      scf.for %scan3A_101 = %scan3A_46 to %scan3A_48 step %scan3A_49  : i32 {
        %mul3A_102 = arith.constant 6 : i32
        %mul3A_103 = arith.muli %mul3A_102, %scan3A_101 : i32
        %get3A = arith.index_cast %mul3A_103 : i32 to index
        %get3A_104 = arith.constant 0 : index
        %get3A_105 = tpu.vector_load %arg6[%get3A, %get3A_104] {strides = array<i32>} : memref<96x128xf32, #tpu.memory_space<vmem>>, vector<1x16xf32>,
        %get3A_106 = vector.shape_cast %get3A_105 : vector<1x16xf32> to vector<16xf32>
        %add3A_107 = arith.constant 1 : i32
        %add3A_108 = arith.addi %mul3A_103, %add3A_107 : i32
        %get3A_109 = arith.index_cast %add3A_108 : i32 to index
        %get3A_110 = arith.constant 0 : index
        %get3A_111 = tpu.vector_load %arg6[%get3A_109, %get3A_110] {strides = array<i32>} : memref<96x128xf32, #tpu.memory_space<vmem>>, vector<1x16xf32>,
        %get3A_112 = vector.shape_cast %get3A_111 : vector<1x16xf32> to vector<16xf32>
        %add3A_113 = arith.addf %get3A_106, %get3A_112 : vector<16xf32>
        %add3A_114 = arith.constant 2 : i32
        %add3A_115 = arith.addi %mul3A_103, %add3A_114 : i32
        %get3A_116 = arith.index_cast %add3A_115 : i32 to index
        %get3A_117 = arith.constant 0 : index
        %get3A_118 = tpu.vector_load %arg6[%get3A_116, %get3A_117] {strides = array<i32>} : memref<96x128xf32, #tpu.memory_space<vmem>>, vector<1x16xf32>,
        %get3A_119 = vector.shape_cast %get3A_118 : vector<1x16xf32> to vector<16xf32>
        %add3A_120 = arith.addf %add3A_113, %get3A_119 : vector<16xf32>
        %add3A_121 = arith.constant 3 : i32
        %add3A_122 = arith.addi %mul3A_103, %add3A_121 : i32
        %get3A_123 = arith.index_cast %add3A_122 : i32 to index
        %get3A_124 = arith.constant 0 : index
        %get3A_125 = tpu.vector_load %arg6[%get3A_123, %get3A_124] {strides = array<i32>} : memref<96x128xf32, #tpu.memory_space<vmem>>, vector<1x16xf32>,
        %get3A_126 = vector.shape_cast %get3A_125 : vector<1x16xf32> to vector<16xf32>
        %add3A_127 = arith.addf %add3A_120, %get3A_126 : vector<16xf32>
        %add3A_128 = arith.constant 4 : i32
        %add3A_129 = arith.addi %mul3A_103, %add3A_128 : i32
        %get3A_130 = arith.index_cast %add3A_129 : i32 to index
        %get3A_131 = arith.constant 0 : index
        %get3A_132 = tpu.vector_load %arg6[%get3A_130, %get3A_131] {strides = array<i32>} : memref<96x128xf32, #tpu.memory_space<vmem>>, vector<1x16xf32>,
        %get3A_133 = vector.shape_cast %get3A_132 : vector<1x16xf32> to vector<16xf32>
        %add3A_134 = arith.addf %add3A_127, %get3A_133 : vector<16xf32>
        %add3A_135 = arith.constant 5 : i32
        %add3A_136 = arith.addi %mul3A_103, %add3A_135 : i32
        %get3A_137 = arith.index_cast %add3A_136 : i32 to index
        %get3A_138 = arith.constant 0 : index
        %get3A_139 = tpu.vector_load %arg6[%get3A_137, %get3A_138] {strides = array<i32>} : memref<96x128xf32, #tpu.memory_space<vmem>>, vector<1x16xf32>,
        %get3A_140 = vector.shape_cast %get3A_139 : vector<1x16xf32> to vector<16xf32>
        %add3A_141 = arith.addf %add3A_134, %get3A_140 : vector<16xf32>
        %swap3A = arith.index_cast %scan3A_101 : i32 to index
        %swap3A_142 = arith.constant 0 : index
        %swap3A_143 = tpu.vector_load %arg8[%swap3A, %swap3A_142] {strides = array<i32>} : memref<16x128xf32, #tpu.memory_space<vmem>>, vector<1x16xf32>,
        %swap3A_144 = vector.shape_cast %swap3A_143 : vector<1x16xf32> to vector<16xf32>
        %swap3A_145 = vector.shape_cast %add3A_141 : vector<16xf32> to vector<1x16xf32>
        tpu.vector_store %arg8[%swap3A, %swap3A_142], %swap3A_145 {strides = array<i32>} : memref<16x128xf32, #tpu.memory_space<vmem>>, vector<1x16xf32>,
        %get3A_146 = arith.index_cast %mul3A_103 : i32 to index
        %get3A_147 = arith.constant 16 : index
        %get3A_148 = tpu.vector_load %arg6[%get3A_146, %get3A_147] {strides = array<i32>} : memref<96x128xf32, #tpu.memory_space<vmem>>, vector<1x16xf32>,
        %get3A_149 = vector.shape_cast %get3A_148 : vector<1x16xf32> to vector<16xf32>
        %add3A_150 = arith.constant 1 : i32
        %add3A_151 = arith.addi %mul3A_103, %add3A_150 : i32
        %get3A_152 = arith.index_cast %add3A_151 : i32 to index
        %get3A_153 = arith.constant 16 : index
        %get3A_154 = tpu.vector_load %arg6[%get3A_152, %get3A_153] {strides = array<i32>} : memref<96x128xf32, #tpu.memory_space<vmem>>, vector<1x16xf32>,
        %get3A_155 = vector.shape_cast %get3A_154 : vector<1x16xf32> to vector<16xf32>
        %add3A_156 = arith.addf %get3A_149, %get3A_155 : vector<16xf32>
        %add3A_157 = arith.constant 2 : i32
        %add3A_158 = arith.addi %mul3A_103, %add3A_157 : i32
        %get3A_159 = arith.index_cast %add3A_158 : i32 to index
        %get3A_160 = arith.constant 16 : index
        %get3A_161 = tpu.vector_load %arg6[%get3A_159, %get3A_160] {strides = array<i32>} : memref<96x128xf32, #tpu.memory_space<vmem>>, vector<1x16xf32>,
        %get3A_162 = vector.shape_cast %get3A_161 : vector<1x16xf32> to vector<16xf32>
        %add3A_163 = arith.addf %add3A_156, %get3A_162 : vector<16xf32>
        %add3A_164 = arith.constant 3 : i32
        %add3A_165 = arith.addi %mul3A_103, %add3A_164 : i32
        %get3A_166 = arith.index_cast %add3A_165 : i32 to index
        %get3A_167 = arith.constant 16 : index
        %get3A_168 = tpu.vector_load %arg6[%get3A_166, %get3A_167] {strides = array<i32>} : memref<96x128xf32, #tpu.memory_space<vmem>>, vector<1x16xf32>,
        %get3A_169 = vector.shape_cast %get3A_168 : vector<1x16xf32> to vector<16xf32>
        %add3A_170 = arith.addf %add3A_163, %get3A_169 : vector<16xf32>
        %add3A_171 = arith.constant 4 : i32
        %add3A_172 = arith.addi %mul3A_103, %add3A_171 : i32
        %get3A_173 = arith.index_cast %add3A_172 : i32 to index
        %get3A_174 = arith.constant 16 : index
        %get3A_175 = tpu.vector_load %arg6[%get3A_173, %get3A_174] {strides = array<i32>} : memref<96x128xf32, #tpu.memory_space<vmem>>, vector<1x16xf32>,
        %get3A_176 = vector.shape_cast %get3A_175 : vector<1x16xf32> to vector<16xf32>
        %add3A_177 = arith.addf %add3A_170, %get3A_176 : vector<16xf32>
        %add3A_178 = arith.constant 5 : i32
        %add3A_179 = arith.addi %mul3A_103, %add3A_178 : i32
        %get3A_180 = arith.index_cast %add3A_179 : i32 to index
        %get3A_181 = arith.constant 16 : index
        %get3A_182 = tpu.vector_load %arg6[%get3A_180, %get3A_181] {strides = array<i32>} : memref<96x128xf32, #tpu.memory_space<vmem>>, vector<1x16xf32>,
        %get3A_183 = vector.shape_cast %get3A_182 : vector<1x16xf32> to vector<16xf32>
        %add3A_184 = arith.addf %add3A_177, %get3A_183 : vector<16xf32>
        %swap3A_185 = arith.index_cast %scan3A_101 : i32 to index
        %swap3A_186 = arith.constant 16 : index
        %swap3A_187 = tpu.vector_load %arg8[%swap3A_185, %swap3A_186] {strides = array<i32>} : memref<16x128xf32, #tpu.memory_space<vmem>>, vector<1x16xf32>,
        %swap3A_188 = vector.shape_cast %swap3A_187 : vector<1x16xf32> to vector<16xf32>
        %swap3A_189 = vector.shape_cast %add3A_184 : vector<16xf32> to vector<1x16xf32>
        tpu.vector_store %arg8[%swap3A_185, %swap3A_186], %swap3A_189 {strides = array<i32>} : memref<16x128xf32, #tpu.memory_space<vmem>>, vector<1x16xf32>,
        %get3A_190 = arith.index_cast %mul3A_103 : i32 to index
        %get3A_191 = arith.constant 32 : index
        %get3A_192 = tpu.vector_load %arg6[%get3A_190, %get3A_191] {strides = array<i32>} : memref<96x128xf32, #tpu.memory_space<vmem>>, vector<1x16xf32>,
        %get3A_193 = vector.shape_cast %get3A_192 : vector<1x16xf32> to vector<16xf32>
        %add3A_194 = arith.constant 1 : i32
        %add3A_195 = arith.addi %mul3A_103, %add3A_194 : i32
        %get3A_196 = arith.index_cast %add3A_195 : i32 to index
        %get3A_197 = arith.constant 32 : index
        %get3A_198 = tpu.vector_load %arg6[%get3A_196, %get3A_197] {strides = array<i32>} : memref<96x128xf32, #tpu.memory_space<vmem>>, vector<1x16xf32>,
        %get3A_199 = vector.shape_cast %get3A_198 : vector<1x16xf32> to vector<16xf32>
        %add3A_200 = arith.addf %get3A_193, %get3A_199 : vector<16xf32>
        %add3A_201 = arith.constant 2 : i32
        %add3A_202 = arith.addi %mul3A_103, %add3A_201 : i32
        %get3A_203 = arith.index_cast %add3A_202 : i32 to index
        %get3A_204 = arith.constant 32 : index
        %get3A_205 = tpu.vector_load %arg6[%get3A_203, %get3A_204] {strides = array<i32>} : memref<96x128xf32, #tpu.memory_space<vmem>>, vector<1x16xf32>,
        %get3A_206 = vector.shape_cast %get3A_205 : vector<1x16xf32> to vector<16xf32>
        %add3A_207 = arith.addf %add3A_200, %get3A_206 : vector<16xf32>
        %add3A_208 = arith.constant 3 : i32
        %add3A_209 = arith.addi %mul3A_103, %add3A_208 : i32
        %get3A_210 = arith.index_cast %add3A_209 : i32 to index
        %get3A_211 = arith.constant 32 : index
        %get3A_212 = tpu.vector_load %arg6[%get3A_210, %get3A_211] {strides = array<i32>} : memref<96x128xf32, #tpu.memory_space<vmem>>, vector<1x16xf32>,
        %get3A_213 = vector.shape_cast %get3A_212 : vector<1x16xf32> to vector<16xf32>
        %add3A_214 = arith.addf %add3A_207, %get3A_213 : vector<16xf32>
        %add3A_215 = arith.constant 4 : i32
        %add3A_216 = arith.addi %mul3A_103, %add3A_215 : i32
        %get3A_217 = arith.index_cast %add3A_216 : i32 to index
        %get3A_218 = arith.constant 32 : index
        %get3A_219 = tpu.vector_load %arg6[%get3A_217, %get3A_218] {strides = array<i32>} : memref<96x128xf32, #tpu.memory_space<vmem>>, vector<1x16xf32>,
        %get3A_220 = vector.shape_cast %get3A_219 : vector<1x16xf32> to vector<16xf32>
        %add3A_221 = arith.addf %add3A_214, %get3A_220 : vector<16xf32>
        %add3A_222 = arith.constant 5 : i32
        %add3A_223 = arith.addi %mul3A_103, %add3A_222 : i32
        %get3A_224 = arith.index_cast %add3A_223 : i32 to index
        %get3A_225 = arith.constant 32 : index
        %get3A_226 = tpu.vector_load %arg6[%get3A_224, %get3A_225] {strides = array<i32>} : memref<96x128xf32, #tpu.memory_space<vmem>>, vector<1x16xf32>,
        %get3A_227 = vector.shape_cast %get3A_226 : vector<1x16xf32> to vector<16xf32>
        %add3A_228 = arith.addf %add3A_221, %get3A_227 : vector<16xf32>
        %swap3A_229 = arith.index_cast %scan3A_101 : i32 to index
        %swap3A_230 = arith.constant 32 : index
        %swap3A_231 = tpu.vector_load %arg8[%swap3A_229, %swap3A_230] {strides = array<i32>} : memref<16x128xf32, #tpu.memory_space<vmem>>, vector<1x16xf32>,
        %swap3A_232 = vector.shape_cast %swap3A_231 : vector<1x16xf32> to vector<16xf32>
        %swap3A_233 = vector.shape_cast %add3A_228 : vector<16xf32> to vector<1x16xf32>
        tpu.vector_store %arg8[%swap3A_229, %swap3A_230], %swap3A_233 {strides = array<i32>} : memref<16x128xf32, #tpu.memory_space<vmem>>, vector<1x16xf32>,
        %get3A_234 = arith.index_cast %mul3A_103 : i32 to index
        %get3A_235 = arith.constant 48 : index
        %get3A_236 = tpu.vector_load %arg6[%get3A_234, %get3A_235] {strides = array<i32>} : memref<96x128xf32, #tpu.memory_space<vmem>>, vector<1x16xf32>,
        %get3A_237 = vector.shape_cast %get3A_236 : vector<1x16xf32> to vector<16xf32>
        %add3A_238 = arith.constant 1 : i32
        %add3A_239 = arith.addi %mul3A_103, %add3A_238 : i32
        %get3A_240 = arith.index_cast %add3A_239 : i32 to index
        %get3A_241 = arith.constant 48 : index
        %get3A_242 = tpu.vector_load %arg6[%get3A_240, %get3A_241] {strides = array<i32>} : memref<96x128xf32, #tpu.memory_space<vmem>>, vector<1x16xf32>,
        %get3A_243 = vector.shape_cast %get3A_242 : vector<1x16xf32> to vector<16xf32>
        %add3A_244 = arith.addf %get3A_237, %get3A_243 : vector<16xf32>
        %add3A_245 = arith.constant 2 : i32
        %add3A_246 = arith.addi %mul3A_103, %add3A_245 : i32
        %get3A_247 = arith.index_cast %add3A_246 : i32 to index
        %get3A_248 = arith.constant 48 : index
        %get3A_249 = tpu.vector_load %arg6[%get3A_247, %get3A_248] {strides = array<i32>} : memref<96x128xf32, #tpu.memory_space<vmem>>, vector<1x16xf32>,
        %get3A_250 = vector.shape_cast %get3A_249 : vector<1x16xf32> to vector<16xf32>
        %add3A_251 = arith.addf %add3A_244, %get3A_250 : vector<16xf32>
        %add3A_252 = arith.constant 3 : i32
        %add3A_253 = arith.addi %mul3A_103, %add3A_252 : i32
        %get3A_254 = arith.index_cast %add3A_253 : i32 to index
        %get3A_255 = arith.constant 48 : index
        %get3A_256 = tpu.vector_load %arg6[%get3A_254, %get3A_255] {strides = array<i32>} : memref<96x128xf32, #tpu.memory_space<vmem>>, vector<1x16xf32>,
        %get3A_257 = vector.shape_cast %get3A_256 : vector<1x16xf32> to vector<16xf32>
        %add3A_258 = arith.addf %add3A_251, %get3A_257 : vector<16xf32>
        %add3A_259 = arith.constant 4 : i32
        %add3A_260 = arith.addi %mul3A_103, %add3A_259 : i32
        %get3A_261 = arith.index_cast %add3A_260 : i32 to index
        %get3A_262 = arith.constant 48 : index
        %get3A_263 = tpu.vector_load %arg6[%get3A_261, %get3A_262] {strides = array<i32>} : memref<96x128xf32, #tpu.memory_space<vmem>>, vector<1x16xf32>,
        %get3A_264 = vector.shape_cast %get3A_263 : vector<1x16xf32> to vector<16xf32>
        %add3A_265 = arith.addf %add3A_258, %get3A_264 : vector<16xf32>
        %add3A_266 = arith.constant 5 : i32
        %add3A_267 = arith.addi %mul3A_103, %add3A_266 : i32
        %get3A_268 = arith.index_cast %add3A_267 : i32 to index
        %get3A_269 = arith.constant 48 : index
        %get3A_270 = tpu.vector_load %arg6[%get3A_268, %get3A_269] {strides = array<i32>} : memref<96x128xf32, #tpu.memory_space<vmem>>, vector<1x16xf32>,
        %get3A_271 = vector.shape_cast %get3A_270 : vector<1x16xf32> to vector<16xf32>
        %add3A_272 = arith.addf %add3A_265, %get3A_271 : vector<16xf32>
        %swap3A_273 = arith.index_cast %scan3A_101 : i32 to index
        %swap3A_274 = arith.constant 48 : index
        %swap3A_275 = tpu.vector_load %arg8[%swap3A_273, %swap3A_274] {strides = array<i32>} : memref<16x128xf32, #tpu.memory_space<vmem>>, vector<1x16xf32>,
        %swap3A_276 = vector.shape_cast %swap3A_275 : vector<1x16xf32> to vector<16xf32>
        %swap3A_277 = vector.shape_cast %add3A_272 : vector<16xf32> to vector<1x16xf32>
        tpu.vector_store %arg8[%swap3A_273, %swap3A_274], %swap3A_277 {strides = array<i32>} : memref<16x128xf32, #tpu.memory_space<vmem>>, vector<1x16xf32>,
        %get3A_278 = arith.index_cast %mul3A_103 : i32 to index
        %get3A_279 = arith.constant 64 : index
        %get3A_280 = tpu.vector_load %arg6[%get3A_278, %get3A_279] {strides = array<i32>} : memref<96x128xf32, #tpu.memory_space<vmem>>, vector<1x16xf32>,
        %get3A_281 = vector.shape_cast %get3A_280 : vector<1x16xf32> to vector<16xf32>
        %add3A_282 = arith.constant 1 : i32
        %add3A_283 = arith.addi %mul3A_103, %add3A_282 : i32
        %get3A_284 = arith.index_cast %add3A_283 : i32 to index
        %get3A_285 = arith.constant 64 : index
        %get3A_286 = tpu.vector_load %arg6[%get3A_284, %get3A_285] {strides = array<i32>} : memref<96x128xf32, #tpu.memory_space<vmem>>, vector<1x16xf32>,
        %get3A_287 = vector.shape_cast %get3A_286 : vector<1x16xf32> to vector<16xf32>
        %add3A_288 = arith.addf %get3A_281, %get3A_287 : vector<16xf32>
        %add3A_289 = arith.constant 2 : i32
        %add3A_290 = arith.addi %mul3A_103, %add3A_289 : i32
        %get3A_291 = arith.index_cast %add3A_290 : i32 to index
        %get3A_292 = arith.constant 64 : index
        %get3A_293 = tpu.vector_load %arg6[%get3A_291, %get3A_292] {strides = array<i32>} : memref<96x128xf32, #tpu.memory_space<vmem>>, vector<1x16xf32>,
        %get3A_294 = vector.shape_cast %get3A_293 : vector<1x16xf32> to vector<16xf32>
        %add3A_295 = arith.addf %add3A_288, %get3A_294 : vector<16xf32>
        %add3A_296 = arith.constant 3 : i32
        %add3A_297 = arith.addi %mul3A_103, %add3A_296 : i32
        %get3A_298 = arith.index_cast %add3A_297 : i32 to index
        %get3A_299 = arith.constant 64 : index
        %get3A_300 = tpu.vector_load %arg6[%get3A_298, %get3A_299] {strides = array<i32>} : memref<96x128xf32, #tpu.memory_space<vmem>>, vector<1x16xf32>,
        %get3A_301 = vector.shape_cast %get3A_300 : vector<1x16xf32> to vector<16xf32>
        %add3A_302 = arith.addf %add3A_295, %get3A_301 : vector<16xf32>
        %add3A_303 = arith.constant 4 : i32
        %add3A_304 = arith.addi %mul3A_103, %add3A_303 : i32
        %get3A_305 = arith.index_cast %add3A_304 : i32 to index
        %get3A_306 = arith.constant 64 : index
        %get3A_307 = tpu.vector_load %arg6[%get3A_305, %get3A_306] {strides = array<i32>} : memref<96x128xf32, #tpu.memory_space<vmem>>, vector<1x16xf32>,
        %get3A_308 = vector.shape_cast %get3A_307 : vector<1x16xf32> to vector<16xf32>
        %add3A_309 = arith.addf %add3A_302, %get3A_308 : vector<16xf32>
        %add3A_310 = arith.constant 5 : i32
        %add3A_311 = arith.addi %mul3A_103, %add3A_310 : i32
        %get3A_312 = arith.index_cast %add3A_311 : i32 to index
        %get3A_313 = arith.constant 64 : index
        %get3A_314 = tpu.vector_load %arg6[%get3A_312, %get3A_313] {strides = array<i32>} : memref<96x128xf32, #tpu.memory_space<vmem>>, vector<1x16xf32>,
        %get3A_315 = vector.shape_cast %get3A_314 : vector<1x16xf32> to vector<16xf32>
        %add3A_316 = arith.addf %add3A_309, %get3A_315 : vector<16xf32>
        %swap3A_317 = arith.index_cast %scan3A_101 : i32 to index
        %swap3A_318 = arith.constant 64 : index
        %swap3A_319 = tpu.vector_load %arg8[%swap3A_317, %swap3A_318] {strides = array<i32>} : memref<16x128xf32, #tpu.memory_space<vmem>>, vector<1x16xf32>,
        %swap3A_320 = vector.shape_cast %swap3A_319 : vector<1x16xf32> to vector<16xf32>
        %swap3A_321 = vector.shape_cast %add3A_316 : vector<16xf32> to vector<1x16xf32>
        tpu.vector_store %arg8[%swap3A_317, %swap3A_318], %swap3A_321 {strides = array<i32>} : memref<16x128xf32, #tpu.memory_space<vmem>>, vector<1x16xf32>,
        %get3A_322 = arith.index_cast %mul3A_103 : i32 to index
        %get3A_323 = arith.constant 80 : index
        %get3A_324 = tpu.vector_load %arg6[%get3A_322, %get3A_323] {strides = array<i32>} : memref<96x128xf32, #tpu.memory_space<vmem>>, vector<1x16xf32>,
        %get3A_325 = vector.shape_cast %get3A_324 : vector<1x16xf32> to vector<16xf32>
        %add3A_326 = arith.constant 1 : i32
        %add3A_327 = arith.addi %mul3A_103, %add3A_326 : i32
        %get3A_328 = arith.index_cast %add3A_327 : i32 to index
        %get3A_329 = arith.constant 80 : index
        %get3A_330 = tpu.vector_load %arg6[%get3A_328, %get3A_329] {strides = array<i32>} : memref<96x128xf32, #tpu.memory_space<vmem>>, vector<1x16xf32>,
        %get3A_331 = vector.shape_cast %get3A_330 : vector<1x16xf32> to vector<16xf32>
        %add3A_332 = arith.addf %get3A_325, %get3A_331 : vector<16xf32>
        %add3A_333 = arith.constant 2 : i32
        %add3A_334 = arith.addi %mul3A_103, %add3A_333 : i32
        %get3A_335 = arith.index_cast %add3A_334 : i32 to index
        %get3A_336 = arith.constant 80 : index
        %get3A_337 = tpu.vector_load %arg6[%get3A_335, %get3A_336] {strides = array<i32>} : memref<96x128xf32, #tpu.memory_space<vmem>>, vector<1x16xf32>,
        %get3A_338 = vector.shape_cast %get3A_337 : vector<1x16xf32> to vector<16xf32>
        %add3A_339 = arith.addf %add3A_332, %get3A_338 : vector<16xf32>
        %add3A_340 = arith.constant 3 : i32
        %add3A_341 = arith.addi %mul3A_103, %add3A_340 : i32
        %get3A_342 = arith.index_cast %add3A_341 : i32 to index
        %get3A_343 = arith.constant 80 : index
        %get3A_344 = tpu.vector_load %arg6[%get3A_342, %get3A_343] {strides = array<i32>} : memref<96x128xf32, #tpu.memory_space<vmem>>, vector<1x16xf32>,
        %get3A_345 = vector.shape_cast %get3A_344 : vector<1x16xf32> to vector<16xf32>
        %add3A_346 = arith.addf %add3A_339, %get3A_345 : vector<16xf32>
        %add3A_347 = arith.constant 4 : i32
        %add3A_348 = arith.addi %mul3A_103, %add3A_347 : i32
        %get3A_349 = arith.index_cast %add3A_348 : i32 to index
        %get3A_350 = arith.constant 80 : index
        %get3A_351 = tpu.vector_load %arg6[%get3A_349, %get3A_350] {strides = array<i32>} : memref<96x128xf32, #tpu.memory_space<vmem>>, vector<1x16xf32>,
        %get3A_352 = vector.shape_cast %get3A_351 : vector<1x16xf32> to vector<16xf32>
        %add3A_353 = arith.addf %add3A_346, %get3A_352 : vector<16xf32>
        %add3A_354 = arith.constant 5 : i32
        %add3A_355 = arith.addi %mul3A_103, %add3A_354 : i32
        %get3A_356 = arith.index_cast %add3A_355 : i32 to index
        %get3A_357 = arith.constant 80 : index
        %get3A_358 = tpu.vector_load %arg6[%get3A_356, %get3A_357] {strides = array<i32>} : memref<96x128xf32, #tpu.memory_space<vmem>>, vector<1x16xf32>,
        %get3A_359 = vector.shape_cast %get3A_358 : vector<1x16xf32> to vector<16xf32>
        %add3A_360 = arith.addf %add3A_353, %get3A_359 : vector<16xf32>
        %swap3A_361 = arith.index_cast %scan3A_101 : i32 to index
        %swap3A_362 = arith.constant 80 : index
        %swap3A_363 = tpu.vector_load %arg8[%swap3A_361, %swap3A_362] {strides = array<i32>} : memref<16x128xf32, #tpu.memory_space<vmem>>, vector<1x16xf32>,
        %swap3A_364 = vector.shape_cast %swap3A_363 : vector<1x16xf32> to vector<16xf32>
        %swap3A_365 = vector.shape_cast %add3A_360 : vector<16xf32> to vector<1x16xf32>
        tpu.vector_store %arg8[%swap3A_361, %swap3A_362], %swap3A_365 {strides = array<i32>} : memref<16x128xf32, #tpu.memory_space<vmem>>, vector<1x16xf32>,
        %get3A_366 = arith.index_cast %mul3A_103 : i32 to index
        %get3A_367 = arith.constant 96 : index
        %get3A_368 = tpu.vector_load %arg6[%get3A_366, %get3A_367] {strides = array<i32>} : memref<96x128xf32, #tpu.memory_space<vmem>>, vector<1x16xf32>,
        %get3A_369 = vector.shape_cast %get3A_368 : vector<1x16xf32> to vector<16xf32>
        %add3A_370 = arith.constant 1 : i32
        %add3A_371 = arith.addi %mul3A_103, %add3A_370 : i32
        %get3A_372 = arith.index_cast %add3A_371 : i32 to index
        %get3A_373 = arith.constant 96 : index
        %get3A_374 = tpu.vector_load %arg6[%get3A_372, %get3A_373] {strides = array<i32>} : memref<96x128xf32, #tpu.memory_space<vmem>>, vector<1x16xf32>,
        %get3A_375 = vector.shape_cast %get3A_374 : vector<1x16xf32> to vector<16xf32>
        %add3A_376 = arith.addf %get3A_369, %get3A_375 : vector<16xf32>
        %add3A_377 = arith.constant 2 : i32
        %add3A_378 = arith.addi %mul3A_103, %add3A_377 : i32
        %get3A_379 = arith.index_cast %add3A_378 : i32 to index
        %get3A_380 = arith.constant 96 : index
        %get3A_381 = tpu.vector_load %arg6[%get3A_379, %get3A_380] {strides = array<i32>} : memref<96x128xf32, #tpu.memory_space<vmem>>, vector<1x16xf32>,
        %get3A_382 = vector.shape_cast %get3A_381 : vector<1x16xf32> to vector<16xf32>
        %add3A_383 = arith.addf %add3A_376, %get3A_382 : vector<16xf32>
        %add3A_384 = arith.constant 3 : i32
        %add3A_385 = arith.addi %mul3A_103, %add3A_384 : i32
        %get3A_386 = arith.index_cast %add3A_385 : i32 to index
        %get3A_387 = arith.constant 96 : index
        %get3A_388 = tpu.vector_load %arg6[%get3A_386, %get3A_387] {strides = array<i32>} : memref<96x128xf32, #tpu.memory_space<vmem>>, vector<1x16xf32>,
        %get3A_389 = vector.shape_cast %get3A_388 : vector<1x16xf32> to vector<16xf32>
        %add3A_390 = arith.addf %add3A_383, %get3A_389 : vector<16xf32>
        %add3A_391 = arith.constant 4 : i32
        %add3A_392 = arith.addi %mul3A_103, %add3A_391 : i32
        %get3A_393 = arith.index_cast %add3A_392 : i32 to index
        %get3A_394 = arith.constant 96 : index
        %get3A_395 = tpu.vector_load %arg6[%get3A_393, %get3A_394] {strides = array<i32>} : memref<96x128xf32, #tpu.memory_space<vmem>>, vector<1x16xf32>,
        %get3A_396 = vector.shape_cast %get3A_395 : vector<1x16xf32> to vector<16xf32>
        %add3A_397 = arith.addf %add3A_390, %get3A_396 : vector<16xf32>
        %add3A_398 = arith.constant 5 : i32
        %add3A_399 = arith.addi %mul3A_103, %add3A_398 : i32
        %get3A_400 = arith.index_cast %add3A_399 : i32 to index
        %get3A_401 = arith.constant 96 : index
        %get3A_402 = tpu.vector_load %arg6[%get3A_400, %get3A_401] {strides = array<i32>} : memref<96x128xf32, #tpu.memory_space<vmem>>, vector<1x16xf32>,
        %get3A_403 = vector.shape_cast %get3A_402 : vector<1x16xf32> to vector<16xf32>
        %add3A_404 = arith.addf %add3A_397, %get3A_403 : vector<16xf32>
        %swap3A_405 = arith.index_cast %scan3A_101 : i32 to index
        %swap3A_406 = arith.constant 96 : index
        %swap3A_407 = tpu.vector_load %arg8[%swap3A_405, %swap3A_406] {strides = array<i32>} : memref<16x128xf32, #tpu.memory_space<vmem>>, vector<1x16xf32>,
        %swap3A_408 = vector.shape_cast %swap3A_407 : vector<1x16xf32> to vector<16xf32>
        %swap3A_409 = vector.shape_cast %add3A_404 : vector<16xf32> to vector<1x16xf32>
        tpu.vector_store %arg8[%swap3A_405, %swap3A_406], %swap3A_409 {strides = array<i32>} : memref<16x128xf32, #tpu.memory_space<vmem>>, vector<1x16xf32>,
        %get3A_410 = arith.index_cast %mul3A_103 : i32 to index
        %get3A_411 = arith.constant 112 : index
        %get3A_412 = tpu.vector_load %arg6[%get3A_410, %get3A_411] {strides = array<i32>} : memref<96x128xf32, #tpu.memory_space<vmem>>, vector<1x16xf32>,
        %get3A_413 = vector.shape_cast %get3A_412 : vector<1x16xf32> to vector<16xf32>
        %add3A_414 = arith.constant 1 : i32
        %add3A_415 = arith.addi %mul3A_103, %add3A_414 : i32
        %get3A_416 = arith.index_cast %add3A_415 : i32 to index
        %get3A_417 = arith.constant 112 : index
        %get3A_418 = tpu.vector_load %arg6[%get3A_416, %get3A_417] {strides = array<i32>} : memref<96x128xf32, #tpu.memory_space<vmem>>, vector<1x16xf32>,
        %get3A_419 = vector.shape_cast %get3A_418 : vector<1x16xf32> to vector<16xf32>
        %add3A_420 = arith.addf %get3A_413, %get3A_419 : vector<16xf32>
        %add3A_421 = arith.constant 2 : i32
        %add3A_422 = arith.addi %mul3A_103, %add3A_421 : i32
        %get3A_423 = arith.index_cast %add3A_422 : i32 to index
        %get3A_424 = arith.constant 112 : index
        %get3A_425 = tpu.vector_load %arg6[%get3A_423, %get3A_424] {strides = array<i32>} : memref<96x128xf32, #tpu.memory_space<vmem>>, vector<1x16xf32>,
        %get3A_426 = vector.shape_cast %get3A_425 : vector<1x16xf32> to vector<16xf32>
        %add3A_427 = arith.addf %add3A_420, %get3A_426 : vector<16xf32>
        %add3A_428 = arith.constant 3 : i32
        %add3A_429 = arith.addi %mul3A_103, %add3A_428 : i32
        %get3A_430 = arith.index_cast %add3A_429 : i32 to index
        %get3A_431 = arith.constant 112 : index
        %get3A_432 = tpu.vector_load %arg6[%get3A_430, %get3A_431] {strides = array<i32>} : memref<96x128xf32, #tpu.memory_space<vmem>>, vector<1x16xf32>,
        %get3A_433 = vector.shape_cast %get3A_432 : vector<1x16xf32> to vector<16xf32>
        %add3A_434 = arith.addf %add3A_427, %get3A_433 : vector<16xf32>
        %add3A_435 = arith.constant 4 : i32
        %add3A_436 = arith.addi %mul3A_103, %add3A_435 : i32
        %get3A_437 = arith.index_cast %add3A_436 : i32 to index
        %get3A_438 = arith.constant 112 : index
        %get3A_439 = tpu.vector_load %arg6[%get3A_437, %get3A_438] {strides = array<i32>} : memref<96x128xf32, #tpu.memory_space<vmem>>, vector<1x16xf32>,
        %get3A_440 = vector.shape_cast %get3A_439 : vector<1x16xf32> to vector<16xf32>
        %add3A_441 = arith.addf %add3A_434, %get3A_440 : vector<16xf32>
        %add3A_442 = arith.constant 5 : i32
        %add3A_443 = arith.addi %mul3A_103, %add3A_442 : i32
        %get3A_444 = arith.index_cast %add3A_443 : i32 to index
        %get3A_445 = arith.constant 112 : index
        %get3A_446 = tpu.vector_load %arg6[%get3A_444, %get3A_445] {strides = array<i32>} : memref<96x128xf32, #tpu.memory_space<vmem>>, vector<1x16xf32>,
        %get3A_447 = vector.shape_cast %get3A_446 : vector<1x16xf32> to vector<16xf32>
        %add3A_448 = arith.addf %add3A_441, %get3A_447 : vector<16xf32>
        %swap3A_449 = arith.index_cast %scan3A_101 : i32 to index
        %swap3A_450 = arith.constant 112 : index
        %swap3A_451 = tpu.vector_load %arg8[%swap3A_449, %swap3A_450] {strides = array<i32>} : memref<16x128xf32, #tpu.memory_space<vmem>>, vector<1x16xf32>,
        %swap3A_452 = vector.shape_cast %swap3A_451 : vector<1x16xf32> to vector<16xf32>
        %swap3A_453 = vector.shape_cast %add3A_448 : vector<16xf32> to vector<1x16xf32>
        tpu.vector_store %arg8[%swap3A_449, %swap3A_450], %swap3A_453 {strides = array<i32>} : memref<16x128xf32, #tpu.memory_space<vmem>>, vector<1x16xf32>,
      }
      %scan3A_50 = arith.constant 16 : i32
      %mul3A_51 = arith.constant 320 : i32
      %mul3A_52 = arith.muli %add3A, %mul3A_51 : i32
      %mul3A_53 = arith.constant 16 : i32
      %mul3A_54 = arith.muli %mul3A_36, %mul3A_53 : i32
      %add3A_55 = arith.addi %mul3A_52, %mul3A_54 : i32
      %dma_start3A_56 = arith.constant 0 : i32
      %dma_start3A_57 = tpu.memref_slice %arg4[%add3A_55, %dma_start3A_56] : memref<10240x128xf32, #tpu.memory_space<hbm>> -> memref<16x128xf32, #tpu.memory_space<hbm>>
      %dma_start3A_58 = arith.constant 0 : i32
      %dma_start3A_59 = tpu.memref_slice %arg4[%add3A_55, %dma_start3A_58] : memref<10240x128xf32, #tpu.memory_space<hbm>> -> memref<16x128xf32, #tpu.memory_space<hbm>>
      tpu.enqueue_dma source(%arg8 : memref<16x128xf32, #tpu.memory_space<vmem>>) target(%dma_start3A_59 : memref<16x128xf32, #tpu.memory_space<hbm>>) target_semaphore(%arg13 : memref<!tpu.dma_semaphore, #tpu.memory_space<semaphore_mem>>)
      %add3A_60 = arith.constant 2 : i32
      %add3A_61 = arith.addi %mul3A_36, %add3A_60 : i32
      %lt3A = arith.constant 20 : i32
      %lt3A_62 = arith.cmpi slt, %add3A_61, %lt3A : i32
      %convert_element_type3A_63 = arith.extui %lt3A_62 : i1 to i32
      %cond3A_64 = arith.constant 0 : i32
      %cond3A_65 = arith.cmpi ne, %convert_element_type3A_63, %cond3A_64 : i32
      scf.if %cond3A_65 {
        %add3A_101 = arith.constant 2 : i32
        %add3A_102 = arith.addi %mul3A_36, %add3A_101 : i32
        %dma_start3A_103 = arith.constant 0 : i32
        %dma_start3A_104 = tpu.memref_slice %arg5[%add3A_102, %dma_start3A_103] : memref<20x96xi32, #tpu.memory_space<vmem>> -> memref<1x96xi32, #tpu.memory_space<vmem>>
        %dma_start3A_105 = tpu.memref_squeeze %dma_start3A_104 : memref<1x96xi32, #tpu.memory_space<vmem>> -> memref<96xi32, #tpu.memory_space<vmem>>
        %dma_start3A_106 = arith.constant 0 : i32
        %dma_start3A_107 = arith.constant 0 : i32
        %dma_start3A_108 = tpu.memref_slice %arg10[%dma_start3A_106, %dma_start3A_107] : memref<10240x128xf32, #tpu.memory_space<vmem_shared>> -> memref<10240x128xf32, #tpu.memory_space<vmem_shared>>
        tpu.enqueue_indirect_dma source(%dma_start3A_108 : memref<10240x128xf32, #tpu.memory_space<vmem_shared>>) target(%arg6 : memref<96x128xf32, #tpu.memory_space<vmem>>) offsets(%dma_start3A_105 : memref<96xi32, #tpu.memory_space<vmem>>) semaphore(%arg11 : memref<!tpu.dma_semaphore, #tpu.memory_space<semaphore_mem>>)
      } else {
      }
      %add3A_66 = arith.constant 1 : i32
      %add3A_67 = arith.addi %mul3A_36, %add3A_66 : i32
      %dma_wait3A_68 = arith.constant 0 : i32
      %dma_wait3A_69 = tpu.memref_slice %arg5[%add3A_67, %dma_wait3A_68] : memref<20x96xi32, #tpu.memory_space<vmem>> -> memref<1x96xi32, #tpu.memory_space<vmem>>
      %dma_wait3A_70 = tpu.memref_squeeze %dma_wait3A_69 : memref<1x96xi32, #tpu.memory_space<vmem>> -> memref<96xi32, #tpu.memory_space<vmem>>
      %dma_wait3A_71 = arith.constant 0 : i32
      %dma_wait3A_72 = arith.constant 0 : i32
      %dma_wait3A_73 = tpu.memref_slice %arg10[%dma_wait3A_71, %dma_wait3A_72] : memref<10240x128xf32, #tpu.memory_space<vmem_shared>> -> memref<10240x128xf32, #tpu.memory_space<vmem_shared>>
      tpu.wait_indirect_dma semaphore(%arg12 : memref<!tpu.dma_semaphore, #tpu.memory_space<semaphore_mem>>) src(%dma_wait3A_73 : memref<10240x128xf32, #tpu.memory_space<vmem_shared>>) dst(%arg7 : memref<96x128xf32, #tpu.memory_space<vmem>>)
      %ge3A_74 = arith.constant 2 : i32
      %ge3A_75 = arith.cmpi sge, %add3A_67, %ge3A_74 : i32
      %convert_element_type3A_76 = arith.extui %ge3A_75 : i1 to i32
      %cond3A_77 = arith.constant 0 : i32
      %cond3A_78 = arith.cmpi ne, %convert_element_type3A_76, %cond3A_77 : i32
      scf.if %cond3A_78 {
        %dma_wait3A_101 = arith.constant 0 : i32
        %dma_wait3A_102 = arith.constant 0 : i32
        %dma_wait3A_103 = tpu.memref_slice %arg4[%dma_wait3A_101, %dma_wait3A_102] : memref<10240x128xf32, #tpu.memory_space<hbm>> -> memref<16x128xf32, #tpu.memory_space<hbm>>
        %dma_wait3A_104 = arith.constant 0 : i32
        %dma_wait3A_105 = arith.constant 0 : i32
        %dma_wait3A_106 = tpu.memref_slice %arg4[%dma_wait3A_104, %dma_wait3A_105] : memref<10240x128xf32, #tpu.memory_space<hbm>> -> memref<16x128xf32, #tpu.memory_space<hbm>>
        tpu.wait_dma2 semaphore(%arg14 : memref<!tpu.dma_semaphore, #tpu.memory_space<semaphore_mem>>) src(%arg9 : memref<16x128xf32, #tpu.memory_space<vmem>>) dst(%dma_wait3A_106 : memref<16x128xf32, #tpu.memory_space<hbm>>)
      } else {
      }
      %scan3A_79 = arith.constant 0 : i32
      %scan3A_80 = arith.constant 0 : i32
      %scan3A_81 = arith.constant 16 : i32
      %scan3A_82 = arith.addi %scan3A_80, %scan3A_81 : i32
      %scan3A_83 = arith.constant 1 : i32
      scf.for %scan3A_101 = %scan3A_80 to %scan3A_82 step %scan3A_83  : i32 {
        %mul3A_102 = arith.constant 6 : i32
        %mul3A_103 = arith.muli %mul3A_102, %scan3A_101 : i32
        %get3A = arith.index_cast %mul3A_103 : i32 to index
        %get3A_104 = arith.constant 0 : index
        %get3A_105 = tpu.vector_load %arg7[%get3A, %get3A_104] {strides = array<i32>} : memref<96x128xf32, #tpu.memory_space<vmem>>, vector<1x16xf32>,
        %get3A_106 = vector.shape_cast %get3A_105 : vector<1x16xf32> to vector<16xf32>
        %add3A_107 = arith.constant 1 : i32
        %add3A_108 = arith.addi %mul3A_103, %add3A_107 : i32
        %get3A_109 = arith.index_cast %add3A_108 : i32 to index
        %get3A_110 = arith.constant 0 : index
        %get3A_111 = tpu.vector_load %arg7[%get3A_109, %get3A_110] {strides = array<i32>} : memref<96x128xf32, #tpu.memory_space<vmem>>, vector<1x16xf32>,
        %get3A_112 = vector.shape_cast %get3A_111 : vector<1x16xf32> to vector<16xf32>
        %add3A_113 = arith.addf %get3A_106, %get3A_112 : vector<16xf32>
        %add3A_114 = arith.constant 2 : i32
        %add3A_115 = arith.addi %mul3A_103, %add3A_114 : i32
        %get3A_116 = arith.index_cast %add3A_115 : i32 to index
        %get3A_117 = arith.constant 0 : index
        %get3A_118 = tpu.vector_load %arg7[%get3A_116, %get3A_117] {strides = array<i32>} : memref<96x128xf32, #tpu.memory_space<vmem>>, vector<1x16xf32>,
        %get3A_119 = vector.shape_cast %get3A_118 : vector<1x16xf32> to vector<16xf32>
        %add3A_120 = arith.addf %add3A_113, %get3A_119 : vector<16xf32>
        %add3A_121 = arith.constant 3 : i32
        %add3A_122 = arith.addi %mul3A_103, %add3A_121 : i32
        %get3A_123 = arith.index_cast %add3A_122 : i32 to index
        %get3A_124 = arith.constant 0 : index
        %get3A_125 = tpu.vector_load %arg7[%get3A_123, %get3A_124] {strides = array<i32>} : memref<96x128xf32, #tpu.memory_space<vmem>>, vector<1x16xf32>,
        %get3A_126 = vector.shape_cast %get3A_125 : vector<1x16xf32> to vector<16xf32>
        %add3A_127 = arith.addf %add3A_120, %get3A_126 : vector<16xf32>
        %add3A_128 = arith.constant 4 : i32
        %add3A_129 = arith.addi %mul3A_103, %add3A_128 : i32
        %get3A_130 = arith.index_cast %add3A_129 : i32 to index
        %get3A_131 = arith.constant 0 : index
        %get3A_132 = tpu.vector_load %arg7[%get3A_130, %get3A_131] {strides = array<i32>} : memref<96x128xf32, #tpu.memory_space<vmem>>, vector<1x16xf32>,
        %get3A_133 = vector.shape_cast %get3A_132 : vector<1x16xf32> to vector<16xf32>
        %add3A_134 = arith.addf %add3A_127, %get3A_133 : vector<16xf32>
        %add3A_135 = arith.constant 5 : i32
        %add3A_136 = arith.addi %mul3A_103, %add3A_135 : i32
        %get3A_137 = arith.index_cast %add3A_136 : i32 to index
        %get3A_138 = arith.constant 0 : index
        %get3A_139 = tpu.vector_load %arg7[%get3A_137, %get3A_138] {strides = array<i32>} : memref<96x128xf32, #tpu.memory_space<vmem>>, vector<1x16xf32>,
        %get3A_140 = vector.shape_cast %get3A_139 : vector<1x16xf32> to vector<16xf32>
        %add3A_141 = arith.addf %add3A_134, %get3A_140 : vector<16xf32>
        %swap3A = arith.index_cast %scan3A_101 : i32 to index
        %swap3A_142 = arith.constant 0 : index
        %swap3A_143 = tpu.vector_load %arg9[%swap3A, %swap3A_142] {strides = array<i32>} : memref<16x128xf32, #tpu.memory_space<vmem>>, vector<1x16xf32>,
        %swap3A_144 = vector.shape_cast %swap3A_143 : vector<1x16xf32> to vector<16xf32>
        %swap3A_145 = vector.shape_cast %add3A_141 : vector<16xf32> to vector<1x16xf32>
        tpu.vector_store %arg9[%swap3A, %swap3A_142], %swap3A_145 {strides = array<i32>} : memref<16x128xf32, #tpu.memory_space<vmem>>, vector<1x16xf32>,
        %get3A_146 = arith.index_cast %mul3A_103 : i32 to index
        %get3A_147 = arith.constant 16 : index
        %get3A_148 = tpu.vector_load %arg7[%get3A_146, %get3A_147] {strides = array<i32>} : memref<96x128xf32, #tpu.memory_space<vmem>>, vector<1x16xf32>,
        %get3A_149 = vector.shape_cast %get3A_148 : vector<1x16xf32> to vector<16xf32>
        %add3A_150 = arith.constant 1 : i32
        %add3A_151 = arith.addi %mul3A_103, %add3A_150 : i32
        %get3A_152 = arith.index_cast %add3A_151 : i32 to index
        %get3A_153 = arith.constant 16 : index
        %get3A_154 = tpu.vector_load %arg7[%get3A_152, %get3A_153] {strides = array<i32>} : memref<96x128xf32, #tpu.memory_space<vmem>>, vector<1x16xf32>,
        %get3A_155 = vector.shape_cast %get3A_154 : vector<1x16xf32> to vector<16xf32>
        %add3A_156 = arith.addf %get3A_149, %get3A_155 : vector<16xf32>
        %add3A_157 = arith.constant 2 : i32
        %add3A_158 = arith.addi %mul3A_103, %add3A_157 : i32
        %get3A_159 = arith.index_cast %add3A_158 : i32 to index
        %get3A_160 = arith.constant 16 : index
        %get3A_161 = tpu.vector_load %arg7[%get3A_159, %get3A_160] {strides = array<i32>} : memref<96x128xf32, #tpu.memory_space<vmem>>, vector<1x16xf32>,
        %get3A_162 = vector.shape_cast %get3A_161 : vector<1x16xf32> to vector<16xf32>
        %add3A_163 = arith.addf %add3A_156, %get3A_162 : vector<16xf32>
        %add3A_164 = arith.constant 3 : i32
        %add3A_165 = arith.addi %mul3A_103, %add3A_164 : i32
        %get3A_166 = arith.index_cast %add3A_165 : i32 to index
        %get3A_167 = arith.constant 16 : index
        %get3A_168 = tpu.vector_load %arg7[%get3A_166, %get3A_167] {strides = array<i32>} : memref<96x128xf32, #tpu.memory_space<vmem>>, vector<1x16xf32>,
        %get3A_169 = vector.shape_cast %get3A_168 : vector<1x16xf32> to vector<16xf32>
        %add3A_170 = arith.addf %add3A_163, %get3A_169 : vector<16xf32>
        %add3A_171 = arith.constant 4 : i32
        %add3A_172 = arith.addi %mul3A_103, %add3A_171 : i32
        %get3A_173 = arith.index_cast %add3A_172 : i32 to index
        %get3A_174 = arith.constant 16 : index
        %get3A_175 = tpu.vector_load %arg7[%get3A_173, %get3A_174] {strides = array<i32>} : memref<96x128xf32, #tpu.memory_space<vmem>>, vector<1x16xf32>,
        %get3A_176 = vector.shape_cast %get3A_175 : vector<1x16xf32> to vector<16xf32>
        %add3A_177 = arith.addf %add3A_170, %get3A_176 : vector<16xf32>
        %add3A_178 = arith.constant 5 : i32
        %add3A_179 = arith.addi %mul3A_103, %add3A_178 : i32
        %get3A_180 = arith.index_cast %add3A_179 : i32 to index
        %get3A_181 = arith.constant 16 : index
        %get3A_182 = tpu.vector_load %arg7[%get3A_180, %get3A_181] {strides = array<i32>} : memref<96x128xf32, #tpu.memory_space<vmem>>, vector<1x16xf32>,
        %get3A_183 = vector.shape_cast %get3A_182 : vector<1x16xf32> to vector<16xf32>
        %add3A_184 = arith.addf %add3A_177, %get3A_183 : vector<16xf32>
        %swap3A_185 = arith.index_cast %scan3A_101 : i32 to index
        %swap3A_186 = arith.constant 16 : index
        %swap3A_187 = tpu.vector_load %arg9[%swap3A_185, %swap3A_186] {strides = array<i32>} : memref<16x128xf32, #tpu.memory_space<vmem>>, vector<1x16xf32>,
        %swap3A_188 = vector.shape_cast %swap3A_187 : vector<1x16xf32> to vector<16xf32>
        %swap3A_189 = vector.shape_cast %add3A_184 : vector<16xf32> to vector<1x16xf32>
        tpu.vector_store %arg9[%swap3A_185, %swap3A_186], %swap3A_189 {strides = array<i32>} : memref<16x128xf32, #tpu.memory_space<vmem>>, vector<1x16xf32>,
        %get3A_190 = arith.index_cast %mul3A_103 : i32 to index
        %get3A_191 = arith.constant 32 : index
        %get3A_192 = tpu.vector_load %arg7[%get3A_190, %get3A_191] {strides = array<i32>} : memref<96x128xf32, #tpu.memory_space<vmem>>, vector<1x16xf32>,
        %get3A_193 = vector.shape_cast %get3A_192 : vector<1x16xf32> to vector<16xf32>
        %add3A_194 = arith.constant 1 : i32
        %add3A_195 = arith.addi %mul3A_103, %add3A_194 : i32
        %get3A_196 = arith.index_cast %add3A_195 : i32 to index
        %get3A_197 = arith.constant 32 : index
        %get3A_198 = tpu.vector_load %arg7[%get3A_196, %get3A_197] {strides = array<i32>} : memref<96x128xf32, #tpu.memory_space<vmem>>, vector<1x16xf32>,
        %get3A_199 = vector.shape_cast %get3A_198 : vector<1x16xf32> to vector<16xf32>
        %add3A_200 = arith.addf %get3A_193, %get3A_199 : vector<16xf32>
        %add3A_201 = arith.constant 2 : i32
        %add3A_202 = arith.addi %mul3A_103, %add3A_201 : i32
        %get3A_203 = arith.index_cast %add3A_202 : i32 to index
        %get3A_204 = arith.constant 32 : index
        %get3A_205 = tpu.vector_load %arg7[%get3A_203, %get3A_204] {strides = array<i32>} : memref<96x128xf32, #tpu.memory_space<vmem>>, vector<1x16xf32>,
        %get3A_206 = vector.shape_cast %get3A_205 : vector<1x16xf32> to vector<16xf32>
        %add3A_207 = arith.addf %add3A_200, %get3A_206 : vector<16xf32>
        %add3A_208 = arith.constant 3 : i32
        %add3A_209 = arith.addi %mul3A_103, %add3A_208 : i32
        %get3A_210 = arith.index_cast %add3A_209 : i32 to index
        %get3A_211 = arith.constant 32 : index
        %get3A_212 = tpu.vector_load %arg7[%get3A_210, %get3A_211] {strides = array<i32>} : memref<96x128xf32, #tpu.memory_space<vmem>>, vector<1x16xf32>,
        %get3A_213 = vector.shape_cast %get3A_212 : vector<1x16xf32> to vector<16xf32>
        %add3A_214 = arith.addf %add3A_207, %get3A_213 : vector<16xf32>
        %add3A_215 = arith.constant 4 : i32
        %add3A_216 = arith.addi %mul3A_103, %add3A_215 : i32
        %get3A_217 = arith.index_cast %add3A_216 : i32 to index
        %get3A_218 = arith.constant 32 : index
        %get3A_219 = tpu.vector_load %arg7[%get3A_217, %get3A_218] {strides = array<i32>} : memref<96x128xf32, #tpu.memory_space<vmem>>, vector<1x16xf32>,
        %get3A_220 = vector.shape_cast %get3A_219 : vector<1x16xf32> to vector<16xf32>
        %add3A_221 = arith.addf %add3A_214, %get3A_220 : vector<16xf32>
        %add3A_222 = arith.constant 5 : i32
        %add3A_223 = arith.addi %mul3A_103, %add3A_222 : i32
        %get3A_224 = arith.index_cast %add3A_223 : i32 to index
        %get3A_225 = arith.constant 32 : index
        %get3A_226 = tpu.vector_load %arg7[%get3A_224, %get3A_225] {strides = array<i32>} : memref<96x128xf32, #tpu.memory_space<vmem>>, vector<1x16xf32>,
        %get3A_227 = vector.shape_cast %get3A_226 : vector<1x16xf32> to vector<16xf32>
        %add3A_228 = arith.addf %add3A_221, %get3A_227 : vector<16xf32>
        %swap3A_229 = arith.index_cast %scan3A_101 : i32 to index
        %swap3A_230 = arith.constant 32 : index
        %swap3A_231 = tpu.vector_load %arg9[%swap3A_229, %swap3A_230] {strides = array<i32>} : memref<16x128xf32, #tpu.memory_space<vmem>>, vector<1x16xf32>,
        %swap3A_232 = vector.shape_cast %swap3A_231 : vector<1x16xf32> to vector<16xf32>
        %swap3A_233 = vector.shape_cast %add3A_228 : vector<16xf32> to vector<1x16xf32>
        tpu.vector_store %arg9[%swap3A_229, %swap3A_230], %swap3A_233 {strides = array<i32>} : memref<16x128xf32, #tpu.memory_space<vmem>>, vector<1x16xf32>,
        %get3A_234 = arith.index_cast %mul3A_103 : i32 to index
        %get3A_235 = arith.constant 48 : index
        %get3A_236 = tpu.vector_load %arg7[%get3A_234, %get3A_235] {strides = array<i32>} : memref<96x128xf32, #tpu.memory_space<vmem>>, vector<1x16xf32>,
        %get3A_237 = vector.shape_cast %get3A_236 : vector<1x16xf32> to vector<16xf32>
        %add3A_238 = arith.constant 1 : i32
        %add3A_239 = arith.addi %mul3A_103, %add3A_238 : i32
        %get3A_240 = arith.index_cast %add3A_239 : i32 to index
        %get3A_241 = arith.constant 48 : index
        %get3A_242 = tpu.vector_load %arg7[%get3A_240, %get3A_241] {strides = array<i32>} : memref<96x128xf32, #tpu.memory_space<vmem>>, vector<1x16xf32>,
        %get3A_243 = vector.shape_cast %get3A_242 : vector<1x16xf32> to vector<16xf32>
        %add3A_244 = arith.addf %get3A_237, %get3A_243 : vector<16xf32>
        %add3A_245 = arith.constant 2 : i32
        %add3A_246 = arith.addi %mul3A_103, %add3A_245 : i32
        %get3A_247 = arith.index_cast %add3A_246 : i32 to index
        %get3A_248 = arith.constant 48 : index
        %get3A_249 = tpu.vector_load %arg7[%get3A_247, %get3A_248] {strides = array<i32>} : memref<96x128xf32, #tpu.memory_space<vmem>>, vector<1x16xf32>,
        %get3A_250 = vector.shape_cast %get3A_249 : vector<1x16xf32> to vector<16xf32>
        %add3A_251 = arith.addf %add3A_244, %get3A_250 : vector<16xf32>
        %add3A_252 = arith.constant 3 : i32
        %add3A_253 = arith.addi %mul3A_103, %add3A_252 : i32
        %get3A_254 = arith.index_cast %add3A_253 : i32 to index
        %get3A_255 = arith.constant 48 : index
        %get3A_256 = tpu.vector_load %arg7[%get3A_254, %get3A_255] {strides = array<i32>} : memref<96x128xf32, #tpu.memory_space<vmem>>, vector<1x16xf32>,
        %get3A_257 = vector.shape_cast %get3A_256 : vector<1x16xf32> to vector<16xf32>
        %add3A_258 = arith.addf %add3A_251, %get3A_257 : vector<16xf32>
        %add3A_259 = arith.constant 4 : i32
        %add3A_260 = arith.addi %mul3A_103, %add3A_259 : i32
        %get3A_261 = arith.index_cast %add3A_260 : i32 to index
        %get3A_262 = arith.constant 48 : index
        %get3A_263 = tpu.vector_load %arg7[%get3A_261, %get3A_262] {strides = array<i32>} : memref<96x128xf32, #tpu.memory_space<vmem>>, vector<1x16xf32>,
        %get3A_264 = vector.shape_cast %get3A_263 : vector<1x16xf32> to vector<16xf32>
        %add3A_265 = arith.addf %add3A_258, %get3A_264 : vector<16xf32>
        %add3A_266 = arith.constant 5 : i32
        %add3A_267 = arith.addi %mul3A_103, %add3A_266 : i32
        %get3A_268 = arith.index_cast %add3A_267 : i32 to index
        %get3A_269 = arith.constant 48 : index
        %get3A_270 = tpu.vector_load %arg7[%get3A_268, %get3A_269] {strides = array<i32>} : memref<96x128xf32, #tpu.memory_space<vmem>>, vector<1x16xf32>,
        %get3A_271 = vector.shape_cast %get3A_270 : vector<1x16xf32> to vector<16xf32>
        %add3A_272 = arith.addf %add3A_265, %get3A_271 : vector<16xf32>
        %swap3A_273 = arith.index_cast %scan3A_101 : i32 to index
        %swap3A_274 = arith.constant 48 : index
        %swap3A_275 = tpu.vector_load %arg9[%swap3A_273, %swap3A_274] {strides = array<i32>} : memref<16x128xf32, #tpu.memory_space<vmem>>, vector<1x16xf32>,
        %swap3A_276 = vector.shape_cast %swap3A_275 : vector<1x16xf32> to vector<16xf32>
        %swap3A_277 = vector.shape_cast %add3A_272 : vector<16xf32> to vector<1x16xf32>
        tpu.vector_store %arg9[%swap3A_273, %swap3A_274], %swap3A_277 {strides = array<i32>} : memref<16x128xf32, #tpu.memory_space<vmem>>, vector<1x16xf32>,
        %get3A_278 = arith.index_cast %mul3A_103 : i32 to index
        %get3A_279 = arith.constant 64 : index
        %get3A_280 = tpu.vector_load %arg7[%get3A_278, %get3A_279] {strides = array<i32>} : memref<96x128xf32, #tpu.memory_space<vmem>>, vector<1x16xf32>,
        %get3A_281 = vector.shape_cast %get3A_280 : vector<1x16xf32> to vector<16xf32>
        %add3A_282 = arith.constant 1 : i32
        %add3A_283 = arith.addi %mul3A_103, %add3A_282 : i32
        %get3A_284 = arith.index_cast %add3A_283 : i32 to index
        %get3A_285 = arith.constant 64 : index
        %get3A_286 = tpu.vector_load %arg7[%get3A_284, %get3A_285] {strides = array<i32>} : memref<96x128xf32, #tpu.memory_space<vmem>>, vector<1x16xf32>,
        %get3A_287 = vector.shape_cast %get3A_286 : vector<1x16xf32> to vector<16xf32>
        %add3A_288 = arith.addf %get3A_281, %get3A_287 : vector<16xf32>
        %add3A_289 = arith.constant 2 : i32
        %add3A_290 = arith.addi %mul3A_103, %add3A_289 : i32
        %get3A_291 = arith.index_cast %add3A_290 : i32 to index
        %get3A_292 = arith.constant 64 : index
        %get3A_293 = tpu.vector_load %arg7[%get3A_291, %get3A_292] {strides = array<i32>} : memref<96x128xf32, #tpu.memory_space<vmem>>, vector<1x16xf32>,
        %get3A_294 = vector.shape_cast %get3A_293 : vector<1x16xf32> to vector<16xf32>
        %add3A_295 = arith.addf %add3A_288, %get3A_294 : vector<16xf32>
        %add3A_296 = arith.constant 3 : i32
        %add3A_297 = arith.addi %mul3A_103, %add3A_296 : i32
        %get3A_298 = arith.index_cast %add3A_297 : i32 to index
        %get3A_299 = arith.constant 64 : index
        %get3A_300 = tpu.vector_load %arg7[%get3A_298, %get3A_299] {strides = array<i32>} : memref<96x128xf32, #tpu.memory_space<vmem>>, vector<1x16xf32>,
        %get3A_301 = vector.shape_cast %get3A_300 : vector<1x16xf32> to vector<16xf32>
        %add3A_302 = arith.addf %add3A_295, %get3A_301 : vector<16xf32>
        %add3A_303 = arith.constant 4 : i32
        %add3A_304 = arith.addi %mul3A_103, %add3A_303 : i32
        %get3A_305 = arith.index_cast %add3A_304 : i32 to index
        %get3A_306 = arith.constant 64 : index
        %get3A_307 = tpu.vector_load %arg7[%get3A_305, %get3A_306] {strides = array<i32>} : memref<96x128xf32, #tpu.memory_space<vmem>>, vector<1x16xf32>,
        %get3A_308 = vector.shape_cast %get3A_307 : vector<1x16xf32> to vector<16xf32>
        %add3A_309 = arith.addf %add3A_302, %get3A_308 : vector<16xf32>
        %add3A_310 = arith.constant 5 : i32
        %add3A_311 = arith.addi %mul3A_103, %add3A_310 : i32
        %get3A_312 = arith.index_cast %add3A_311 : i32 to index
        %get3A_313 = arith.constant 64 : index
        %get3A_314 = tpu.vector_load %arg7[%get3A_312, %get3A_313] {strides = array<i32>} : memref<96x128xf32, #tpu.memory_space<vmem>>, vector<1x16xf32>,
        %get3A_315 = vector.shape_cast %get3A_314 : vector<1x16xf32> to vector<16xf32>
        %add3A_316 = arith.addf %add3A_309, %get3A_315 : vector<16xf32>
        %swap3A_317 = arith.index_cast %scan3A_101 : i32 to index
        %swap3A_318 = arith.constant 64 : index
        %swap3A_319 = tpu.vector_load %arg9[%swap3A_317, %swap3A_318] {strides = array<i32>} : memref<16x128xf32, #tpu.memory_space<vmem>>, vector<1x16xf32>,
        %swap3A_320 = vector.shape_cast %swap3A_319 : vector<1x16xf32> to vector<16xf32>
        %swap3A_321 = vector.shape_cast %add3A_316 : vector<16xf32> to vector<1x16xf32>
        tpu.vector_store %arg9[%swap3A_317, %swap3A_318], %swap3A_321 {strides = array<i32>} : memref<16x128xf32, #tpu.memory_space<vmem>>, vector<1x16xf32>,
        %get3A_322 = arith.index_cast %mul3A_103 : i32 to index
        %get3A_323 = arith.constant 80 : index
        %get3A_324 = tpu.vector_load %arg7[%get3A_322, %get3A_323] {strides = array<i32>} : memref<96x128xf32, #tpu.memory_space<vmem>>, vector<1x16xf32>,
        %get3A_325 = vector.shape_cast %get3A_324 : vector<1x16xf32> to vector<16xf32>
        %add3A_326 = arith.constant 1 : i32
        %add3A_327 = arith.addi %mul3A_103, %add3A_326 : i32
        %get3A_328 = arith.index_cast %add3A_327 : i32 to index
        %get3A_329 = arith.constant 80 : index
        %get3A_330 = tpu.vector_load %arg7[%get3A_328, %get3A_329] {strides = array<i32>} : memref<96x128xf32, #tpu.memory_space<vmem>>, vector<1x16xf32>,
        %get3A_331 = vector.shape_cast %get3A_330 : vector<1x16xf32> to vector<16xf32>
        %add3A_332 = arith.addf %get3A_325, %get3A_331 : vector<16xf32>
        %add3A_333 = arith.constant 2 : i32
        %add3A_334 = arith.addi %mul3A_103, %add3A_333 : i32
        %get3A_335 = arith.index_cast %add3A_334 : i32 to index
        %get3A_336 = arith.constant 80 : index
        %get3A_337 = tpu.vector_load %arg7[%get3A_335, %get3A_336] {strides = array<i32>} : memref<96x128xf32, #tpu.memory_space<vmem>>, vector<1x16xf32>,
        %get3A_338 = vector.shape_cast %get3A_337 : vector<1x16xf32> to vector<16xf32>
        %add3A_339 = arith.addf %add3A_332, %get3A_338 : vector<16xf32>
        %add3A_340 = arith.constant 3 : i32
        %add3A_341 = arith.addi %mul3A_103, %add3A_340 : i32
        %get3A_342 = arith.index_cast %add3A_341 : i32 to index
        %get3A_343 = arith.constant 80 : index
        %get3A_344 = tpu.vector_load %arg7[%get3A_342, %get3A_343] {strides = array<i32>} : memref<96x128xf32, #tpu.memory_space<vmem>>, vector<1x16xf32>,
        %get3A_345 = vector.shape_cast %get3A_344 : vector<1x16xf32> to vector<16xf32>
        %add3A_346 = arith.addf %add3A_339, %get3A_345 : vector<16xf32>
        %add3A_347 = arith.constant 4 : i32
        %add3A_348 = arith.addi %mul3A_103, %add3A_347 : i32
        %get3A_349 = arith.index_cast %add3A_348 : i32 to index
        %get3A_350 = arith.constant 80 : index
        %get3A_351 = tpu.vector_load %arg7[%get3A_349, %get3A_350] {strides = array<i32>} : memref<96x128xf32, #tpu.memory_space<vmem>>, vector<1x16xf32>,
        %get3A_352 = vector.shape_cast %get3A_351 : vector<1x16xf32> to vector<16xf32>
        %add3A_353 = arith.addf %add3A_346, %get3A_352 : vector<16xf32>
        %add3A_354 = arith.constant 5 : i32
        %add3A_355 = arith.addi %mul3A_103, %add3A_354 : i32
        %get3A_356 = arith.index_cast %add3A_355 : i32 to index
        %get3A_357 = arith.constant 80 : index
        %get3A_358 = tpu.vector_load %arg7[%get3A_356, %get3A_357] {strides = array<i32>} : memref<96x128xf32, #tpu.memory_space<vmem>>, vector<1x16xf32>,
        %get3A_359 = vector.shape_cast %get3A_358 : vector<1x16xf32> to vector<16xf32>
        %add3A_360 = arith.addf %add3A_353, %get3A_359 : vector<16xf32>
        %swap3A_361 = arith.index_cast %scan3A_101 : i32 to index
        %swap3A_362 = arith.constant 80 : index
        %swap3A_363 = tpu.vector_load %arg9[%swap3A_361, %swap3A_362] {strides = array<i32>} : memref<16x128xf32, #tpu.memory_space<vmem>>, vector<1x16xf32>,
        %swap3A_364 = vector.shape_cast %swap3A_363 : vector<1x16xf32> to vector<16xf32>
        %swap3A_365 = vector.shape_cast %add3A_360 : vector<16xf32> to vector<1x16xf32>
        tpu.vector_store %arg9[%swap3A_361, %swap3A_362], %swap3A_365 {strides = array<i32>} : memref<16x128xf32, #tpu.memory_space<vmem>>, vector<1x16xf32>,
        %get3A_366 = arith.index_cast %mul3A_103 : i32 to index
        %get3A_367 = arith.constant 96 : index
        %get3A_368 = tpu.vector_load %arg7[%get3A_366, %get3A_367] {strides = array<i32>} : memref<96x128xf32, #tpu.memory_space<vmem>>, vector<1x16xf32>,
        %get3A_369 = vector.shape_cast %get3A_368 : vector<1x16xf32> to vector<16xf32>
        %add3A_370 = arith.constant 1 : i32
        %add3A_371 = arith.addi %mul3A_103, %add3A_370 : i32
        %get3A_372 = arith.index_cast %add3A_371 : i32 to index
        %get3A_373 = arith.constant 96 : index
        %get3A_374 = tpu.vector_load %arg7[%get3A_372, %get3A_373] {strides = array<i32>} : memref<96x128xf32, #tpu.memory_space<vmem>>, vector<1x16xf32>,
        %get3A_375 = vector.shape_cast %get3A_374 : vector<1x16xf32> to vector<16xf32>
        %add3A_376 = arith.addf %get3A_369, %get3A_375 : vector<16xf32>
        %add3A_377 = arith.constant 2 : i32
        %add3A_378 = arith.addi %mul3A_103, %add3A_377 : i32
        %get3A_379 = arith.index_cast %add3A_378 : i32 to index
        %get3A_380 = arith.constant 96 : index
        %get3A_381 = tpu.vector_load %arg7[%get3A_379, %get3A_380] {strides = array<i32>} : memref<96x128xf32, #tpu.memory_space<vmem>>, vector<1x16xf32>,
        %get3A_382 = vector.shape_cast %get3A_381 : vector<1x16xf32> to vector<16xf32>
        %add3A_383 = arith.addf %add3A_376, %get3A_382 : vector<16xf32>
        %add3A_384 = arith.constant 3 : i32
        %add3A_385 = arith.addi %mul3A_103, %add3A_384 : i32
        %get3A_386 = arith.index_cast %add3A_385 : i32 to index
        %get3A_387 = arith.constant 96 : index
        %get3A_388 = tpu.vector_load %arg7[%get3A_386, %get3A_387] {strides = array<i32>} : memref<96x128xf32, #tpu.memory_space<vmem>>, vector<1x16xf32>,
        %get3A_389 = vector.shape_cast %get3A_388 : vector<1x16xf32> to vector<16xf32>
        %add3A_390 = arith.addf %add3A_383, %get3A_389 : vector<16xf32>
        %add3A_391 = arith.constant 4 : i32
        %add3A_392 = arith.addi %mul3A_103, %add3A_391 : i32
        %get3A_393 = arith.index_cast %add3A_392 : i32 to index
        %get3A_394 = arith.constant 96 : index
        %get3A_395 = tpu.vector_load %arg7[%get3A_393, %get3A_394] {strides = array<i32>} : memref<96x128xf32, #tpu.memory_space<vmem>>, vector<1x16xf32>,
        %get3A_396 = vector.shape_cast %get3A_395 : vector<1x16xf32> to vector<16xf32>
        %add3A_397 = arith.addf %add3A_390, %get3A_396 : vector<16xf32>
        %add3A_398 = arith.constant 5 : i32
        %add3A_399 = arith.addi %mul3A_103, %add3A_398 : i32
        %get3A_400 = arith.index_cast %add3A_399 : i32 to index
        %get3A_401 = arith.constant 96 : index
        %get3A_402 = tpu.vector_load %arg7[%get3A_400, %get3A_401] {strides = array<i32>} : memref<96x128xf32, #tpu.memory_space<vmem>>, vector<1x16xf32>,
        %get3A_403 = vector.shape_cast %get3A_402 : vector<1x16xf32> to vector<16xf32>
        %add3A_404 = arith.addf %add3A_397, %get3A_403 : vector<16xf32>
        %swap3A_405 = arith.index_cast %scan3A_101 : i32 to index
        %swap3A_406 = arith.constant 96 : index
        %swap3A_407 = tpu.vector_load %arg9[%swap3A_405, %swap3A_406] {strides = array<i32>} : memref<16x128xf32, #tpu.memory_space<vmem>>, vector<1x16xf32>,
        %swap3A_408 = vector.shape_cast %swap3A_407 : vector<1x16xf32> to vector<16xf32>
        %swap3A_409 = vector.shape_cast %add3A_404 : vector<16xf32> to vector<1x16xf32>
        tpu.vector_store %arg9[%swap3A_405, %swap3A_406], %swap3A_409 {strides = array<i32>} : memref<16x128xf32, #tpu.memory_space<vmem>>, vector<1x16xf32>,
        %get3A_410 = arith.index_cast %mul3A_103 : i32 to index
        %get3A_411 = arith.constant 112 : index
        %get3A_412 = tpu.vector_load %arg7[%get3A_410, %get3A_411] {strides = array<i32>} : memref<96x128xf32, #tpu.memory_space<vmem>>, vector<1x16xf32>,
        %get3A_413 = vector.shape_cast %get3A_412 : vector<1x16xf32> to vector<16xf32>
        %add3A_414 = arith.constant 1 : i32
        %add3A_415 = arith.addi %mul3A_103, %add3A_414 : i32
        %get3A_416 = arith.index_cast %add3A_415 : i32 to index
        %get3A_417 = arith.constant 112 : index
        %get3A_418 = tpu.vector_load %arg7[%get3A_416, %get3A_417] {strides = array<i32>} : memref<96x128xf32, #tpu.memory_space<vmem>>, vector<1x16xf32>,
        %get3A_419 = vector.shape_cast %get3A_418 : vector<1x16xf32> to vector<16xf32>
        %add3A_420 = arith.addf %get3A_413, %get3A_419 : vector<16xf32>
        %add3A_421 = arith.constant 2 : i32
        %add3A_422 = arith.addi %mul3A_103, %add3A_421 : i32
        %get3A_423 = arith.index_cast %add3A_422 : i32 to index
        %get3A_424 = arith.constant 112 : index
        %get3A_425 = tpu.vector_load %arg7[%get3A_423, %get3A_424] {strides = array<i32>} : memref<96x128xf32, #tpu.memory_space<vmem>>, vector<1x16xf32>,
        %get3A_426 = vector.shape_cast %get3A_425 : vector<1x16xf32> to vector<16xf32>
        %add3A_427 = arith.addf %add3A_420, %get3A_426 : vector<16xf32>
        %add3A_428 = arith.constant 3 : i32
        %add3A_429 = arith.addi %mul3A_103, %add3A_428 : i32
        %get3A_430 = arith.index_cast %add3A_429 : i32 to index
        %get3A_431 = arith.constant 112 : index
        %get3A_432 = tpu.vector_load %arg7[%get3A_430, %get3A_431] {strides = array<i32>} : memref<96x128xf32, #tpu.memory_space<vmem>>, vector<1x16xf32>,
        %get3A_433 = vector.shape_cast %get3A_432 : vector<1x16xf32> to vector<16xf32>
        %add3A_434 = arith.addf %add3A_427, %get3A_433 : vector<16xf32>
        %add3A_435 = arith.constant 4 : i32
        %add3A_436 = arith.addi %mul3A_103, %add3A_435 : i32
        %get3A_437 = arith.index_cast %add3A_436 : i32 to index
        %get3A_438 = arith.constant 112 : index
        %get3A_439 = tpu.vector_load %arg7[%get3A_437, %get3A_438] {strides = array<i32>} : memref<96x128xf32, #tpu.memory_space<vmem>>, vector<1x16xf32>,
        %get3A_440 = vector.shape_cast %get3A_439 : vector<1x16xf32> to vector<16xf32>
        %add3A_441 = arith.addf %add3A_434, %get3A_440 : vector<16xf32>
        %add3A_442 = arith.constant 5 : i32
        %add3A_443 = arith.addi %mul3A_103, %add3A_442 : i32
        %get3A_444 = arith.index_cast %add3A_443 : i32 to index
        %get3A_445 = arith.constant 112 : index
        %get3A_446 = tpu.vector_load %arg7[%get3A_444, %get3A_445] {strides = array<i32>} : memref<96x128xf32, #tpu.memory_space<vmem>>, vector<1x16xf32>,
        %get3A_447 = vector.shape_cast %get3A_446 : vector<1x16xf32> to vector<16xf32>
        %add3A_448 = arith.addf %add3A_441, %get3A_447 : vector<16xf32>
        %swap3A_449 = arith.index_cast %scan3A_101 : i32 to index
        %swap3A_450 = arith.constant 112 : index
        %swap3A_451 = tpu.vector_load %arg9[%swap3A_449, %swap3A_450] {strides = array<i32>} : memref<16x128xf32, #tpu.memory_space<vmem>>, vector<1x16xf32>,
        %swap3A_452 = vector.shape_cast %swap3A_451 : vector<1x16xf32> to vector<16xf32>
        %swap3A_453 = vector.shape_cast %add3A_448 : vector<16xf32> to vector<1x16xf32>
        tpu.vector_store %arg9[%swap3A_449, %swap3A_450], %swap3A_453 {strides = array<i32>} : memref<16x128xf32, #tpu.memory_space<vmem>>, vector<1x16xf32>,
      }
      %scan3A_84 = arith.constant 16 : i32
      %mul3A_85 = arith.constant 320 : i32
      %mul3A_86 = arith.muli %add3A, %mul3A_85 : i32
      %mul3A_87 = arith.constant 16 : i32
      %mul3A_88 = arith.muli %add3A_67, %mul3A_87 : i32
      %add3A_89 = arith.addi %mul3A_86, %mul3A_88 : i32
      %dma_start3A_90 = arith.constant 0 : i32
      %dma_start3A_91 = tpu.memref_slice %arg4[%add3A_89, %dma_start3A_90] : memref<10240x128xf32, #tpu.memory_space<hbm>> -> memref<16x128xf32, #tpu.memory_space<hbm>>
      %dma_start3A_92 = arith.constant 0 : i32
      %dma_start3A_93 = tpu.memref_slice %arg4[%add3A_89, %dma_start3A_92] : memref<10240x128xf32, #tpu.memory_space<hbm>> -> memref<16x128xf32, #tpu.memory_space<hbm>>
      tpu.enqueue_dma source(%arg9 : memref<16x128xf32, #tpu.memory_space<vmem>>) target(%dma_start3A_93 : memref<16x128xf32, #tpu.memory_space<hbm>>) target_semaphore(%arg14 : memref<!tpu.dma_semaphore, #tpu.memory_space<semaphore_mem>>)
      %add3A_94 = arith.constant 2 : i32
      %add3A_95 = arith.addi %add3A_67, %add3A_94 : i32
      %lt3A_96 = arith.constant 20 : i32
      %lt3A_97 = arith.cmpi slt, %add3A_95, %lt3A_96 : i32
      %convert_element_type3A_98 = arith.extui %lt3A_97 : i1 to i32
      %cond3A_99 = arith.constant 0 : i32
      %cond3A_100 = arith.cmpi ne, %convert_element_type3A_98, %cond3A_99 : i32
      scf.if %cond3A_100 {
        %add3A_101 = arith.constant 2 : i32
        %add3A_102 = arith.addi %add3A_67, %add3A_101 : i32
        %dma_start3A_103 = arith.constant 0 : i32
        %dma_start3A_104 = tpu.memref_slice %arg5[%add3A_102, %dma_start3A_103] : memref<20x96xi32, #tpu.memory_space<vmem>> -> memref<1x96xi32, #tpu.memory_space<vmem>>
        %dma_start3A_105 = tpu.memref_squeeze %dma_start3A_104 : memref<1x96xi32, #tpu.memory_space<vmem>> -> memref<96xi32, #tpu.memory_space<vmem>>
        %dma_start3A_106 = arith.constant 0 : i32
        %dma_start3A_107 = arith.constant 0 : i32
        %dma_start3A_108 = tpu.memref_slice %arg10[%dma_start3A_106, %dma_start3A_107] : memref<10240x128xf32, #tpu.memory_space<vmem_shared>> -> memref<10240x128xf32, #tpu.memory_space<vmem_shared>>
        tpu.enqueue_indirect_dma source(%dma_start3A_108 : memref<10240x128xf32, #tpu.memory_space<vmem_shared>>) target(%arg7 : memref<96x128xf32, #tpu.memory_space<vmem>>) offsets(%dma_start3A_105 : memref<96xi32, #tpu.memory_space<vmem>>) semaphore(%arg12 : memref<!tpu.dma_semaphore, #tpu.memory_space<semaphore_mem>>)
      } else {
      }
    }
    %scan3A_22 = arith.constant 10 : i32
    %dma_wait3A = arith.constant 0 : i32
    %dma_wait3A_23 = arith.constant 0 : i32
    %dma_wait3A_24 = tpu.memref_slice %arg4[%dma_wait3A, %dma_wait3A_23] : memref<10240x128xf32, #tpu.memory_space<hbm>> -> memref<16x128xf32, #tpu.memory_space<hbm>>
    %dma_wait3A_25 = arith.constant 0 : i32
    %dma_wait3A_26 = arith.constant 0 : i32
    %dma_wait3A_27 = tpu.memref_slice %arg4[%dma_wait3A_25, %dma_wait3A_26] : memref<10240x128xf32, #tpu.memory_space<hbm>> -> memref<16x128xf32, #tpu.memory_space<hbm>>
    tpu.wait_dma2 semaphore(%arg13 : memref<!tpu.dma_semaphore, #tpu.memory_space<semaphore_mem>>) src(%arg8 : memref<16x128xf32, #tpu.memory_space<vmem>>) dst(%dma_wait3A_27 : memref<16x128xf32, #tpu.memory_space<hbm>>)
    %dma_wait3A_28 = arith.constant 0 : i32
    %dma_wait3A_29 = arith.constant 0 : i32
    %dma_wait3A_30 = tpu.memref_slice %arg4[%dma_wait3A_28, %dma_wait3A_29] : memref<10240x128xf32, #tpu.memory_space<hbm>> -> memref<16x128xf32, #tpu.memory_space<hbm>>
    %dma_wait3A_31 = arith.constant 0 : i32
    %dma_wait3A_32 = arith.constant 0 : i32
    %dma_wait3A_33 = tpu.memref_slice %arg4[%dma_wait3A_31, %dma_wait3A_32] : memref<10240x128xf32, #tpu.memory_space<hbm>> -> memref<16x128xf32, #tpu.memory_space<hbm>>
    tpu.wait_dma2 semaphore(%arg14 : memref<!tpu.dma_semaphore, #tpu.memory_space<semaphore_mem>>) src(%arg9 : memref<16x128xf32, #tpu.memory_space<vmem>>) dst(%dma_wait3A_33 : memref<16x128xf32, #tpu.memory_space<hbm>>)
    return
  }
}

module attributes {stable_mosaic.version = 14 : i64} {
  func.func @_knn_embed_body(%arg0: i32, %arg1: memref<40xi32, #tpu.memory_space<smem>>, %arg2: memref<40xi32, #tpu.memory_space<smem>>, %arg3: memref<10240x16xf32, #tpu.memory_space<vmem>>, %arg4: memref<256x16xf32, #tpu.memory_space<vmem>>, %arg5: memref<8x256xf32, #tpu.memory_space<vmem>>, %arg6: memref<1x256xf32, #tpu.memory_space<vmem>>, %arg7: memref<1x256xf32, #tpu.memory_space<vmem>>, %arg8: memref<104x128xf32, #tpu.memory_space<vmem>>, %arg9: memref<8x256xi32, #tpu.memory_space<vmem>>, %arg10: memref<256x128xf32, #tpu.memory_space<vmem>>) attributes {dimension_semantics = [#tpu.dimension_semantics<arbitrary>], iteration_bounds = array<i64: 40>, scalar_prefetch = 2 : i64, scratch_operands = 0 : i64, tpu.core_type = #tpu.core_type<tc>, window_params = [{pipeline_mode = #tpu.pipeline_mode<synchronous>, transform_indices = @transform_0, window_bounds = array<i64: 10240, 16>}, {transform_indices = @transform_1, window_bounds = array<i64: 256, 16>}, {transform_indices = @transform_2, window_bounds = array<i64: 8, 256>}, {transform_indices = @transform_3, window_bounds = array<i64: 1, 256>}, {transform_indices = @transform_4, window_bounds = array<i64: 1, 256>}, {pipeline_mode = #tpu.pipeline_mode<synchronous>, transform_indices = @transform_5, window_bounds = array<i64: 104, 128>}, {transform_indices = @transform_6, window_bounds = array<i64: 8, 256>}, {transform_indices = @transform_7, window_bounds = array<i64: 256, 128>}]} {
    %get3A = arith.constant 0 : index
    %get3A_0 = arith.constant 0 : index
    %get3A_1 = vector.load %arg4[%get3A, %get3A_0] : memref<256x16xf32, #tpu.memory_space<vmem>>, vector<256x16xf32>
    %slice3A = vector.extract_strided_slice %get3A_1 {offsets = [0, 13], sizes = [256, 1], strides = [1, 1]} : vector<256x16xf32> to vector<256x1xf32>
    %iota3A = tpu.iota {dimensions = array<i32: 1>} : vector<1x104xi32>
    %convert_element_type3A = arith.sitofp %iota3A : vector<1x104xi32> to vector<1x104xf32>
    %eq3A = vector.broadcast %slice3A : vector<256x1xf32> to vector<256x104xf32>
    %eq3A_2 = vector.broadcast %convert_element_type3A : vector<1x104xf32> to vector<256x104xf32>
    %eq3A_3 = arith.cmpf oeq, %eq3A, %eq3A_2 : vector<256x104xf32>
    %convert_element_type3A_4 = arith.extui %eq3A_3 : vector<256x104xi1> to vector<256x104xi32>
    %convert_element_type3A_5 = arith.sitofp %convert_element_type3A_4 : vector<256x104xi32> to vector<256x104xf32>
    %get3A_6 = arith.constant 0 : index
    %get3A_7 = arith.constant 0 : index
    %get3A_8 = vector.load %arg8[%get3A_6, %get3A_7] : memref<104x128xf32, #tpu.memory_space<vmem>>, vector<104x128xf32>
    %dot_general3A = arith.constant dense<0.000000e+00> : vector<256x128xf32>
    %dot_general3A_9 = tpu.matmul %convert_element_type3A_5, %get3A_8, %dot_general3A {dimension_numbers = #tpu.dot_dimension_numbers<[1], [0], [0], [1], [0, 0, 1, 1], [], []>, transpose_lhs_hint = false} : vector<256x104xf32>, vector<104x128xf32>, vector<256x128xf32> -> vector<256x128xf32>
    %swap3A = arith.constant 0 : index
    %swap3A_10 = arith.constant 0 : index
    %swap3A_11 = vector.load %arg10[%swap3A, %swap3A_10] : memref<256x128xf32, #tpu.memory_space<vmem>>, vector<256x128xf32>
    tpu.vector_store %arg10[%swap3A, %swap3A_10], %dot_general3A_9 {strides = array<i32>} : memref<256x128xf32, #tpu.memory_space<vmem>>, vector<256x128xf32>,
    %get3A_12 = arith.constant 0 : index
    %get3A_13 = arith.constant 0 : index
    %get3A_14 = vector.load %arg5[%get3A_12, %get3A_13] : memref<8x256xf32, #tpu.memory_space<vmem>>, vector<8x256xf32>
    %get3A_15 = arith.constant 0 : index
    %get3A_16 = arith.constant 0 : index
    %get3A_17 = vector.load %arg6[%get3A_15, %get3A_16] : memref<1x256xf32, #tpu.memory_space<vmem>>, vector<1x256xf32>
    %get3A_18 = arith.constant 0 : index
    %get3A_19 = arith.constant 0 : index
    %get3A_20 = vector.load %arg7[%get3A_18, %get3A_19] : memref<1x256xf32, #tpu.memory_space<vmem>>, vector<1x256xf32>
    %mul3A = arith.constant 256 : i32
    %mul3A_21 = arith.muli %arg0, %mul3A : i32
    %iota3A_22 = tpu.iota {dimensions = array<i32: 1>} : vector<1x256xi32>
    %add3A = vector.broadcast %mul3A_21 : i32 to vector<1x256xi32>
    %add3A_23 = arith.addi %add3A, %iota3A_22 : vector<1x256xi32>
    %get3A_24 = arith.index_cast %arg0 : i32 to index
    %get3A_25 = memref.load %arg1[%get3A_24] : memref<40xi32, #tpu.memory_space<smem>>
    %iota3A_26 = tpu.iota {dimensions = array<i32: 0>} : vector<8x256xi32>
    %broadcast_in_dim3A = arith.constant 2147483647 : i32
    %broadcast_in_dim3A_27 = vector.broadcast %broadcast_in_dim3A : i32 to vector<8x256xi32>
    %broadcast_in_dim3A_28 = arith.constant 1073741823 : i32
    %broadcast_in_dim3A_29 = vector.broadcast %broadcast_in_dim3A_28 : i32 to vector<8x256xi32>
    %get3A_30 = arith.index_cast %arg0 : i32 to index
    %get3A_31 = memref.load %arg2[%get3A_30] : memref<40xi32, #tpu.memory_space<smem>>
    %while3A = arith.constant 2147483647 : i32
    %while3A_32 = arith.constant 0 : i32
    %while3A_33 = arith.subi %get3A_31, %while3A_32 : i32
    %while3A_34 = arith.addi %while3A_32, %while3A_33 : i32
    %while3A_35 = arith.constant 1 : i32
    %while3A_36 = arith.divsi %while3A_33, %while3A_35 : i32
    %while3A_37 = arith.muli %while3A_36, %while3A_35 : i32
    %while3A_38 = arith.addi %while3A_32, %while3A_37 : i32
    %while3A_39 = arith.constant 1 : i32
    %while3A_40:2 = scf.for %while3A_46 = %while3A_32 to %while3A_38 step %while3A_39 iter_args(%while3A_47 = %broadcast_in_dim3A_27, %while3A_48 = %broadcast_in_dim3A_29) -> (vector<8x256xi32>, vector<8x256xi32>)  : i32 {
      %mul3A_49 = arith.constant 256 : i32
      %mul3A_50 = arith.muli %while3A_46, %mul3A_49 : i32
      %add3A_51 = arith.addi %get3A_25, %mul3A_50 : i32
      %multiple_of3A = tpu.assume_multiple %add3A_51, 128 : i32
      %get3A_52 = arith.index_cast %multiple_of3A : i32 to index
      %get3A_53 = arith.constant 0 : index
      %get3A_54 = vector.load %arg3[%get3A_52, %get3A_53] : memref<10240x16xf32, #tpu.memory_space<vmem>>, vector<256x16xf32>
      %slice3A_55 = vector.extract_strided_slice %get3A_54 {offsets = [0, 0], sizes = [256, 8], strides = [1, 1]} : vector<256x16xf32> to vector<256x8xf32>
      %slice3A_56 = vector.extract_strided_slice %get3A_54 {offsets = [0, 12], sizes = [256, 1], strides = [1, 1]} : vector<256x16xf32> to vector<256x1xf32>
      %slice3A_57 = vector.extract_strided_slice %get3A_54 {offsets = [0, 11], sizes = [256, 1], strides = [1, 1]} : vector<256x16xf32> to vector<256x1xf32>
      %iota3A_58 = tpu.iota {dimensions = array<i32: 0>} : vector<256x1xi32>
      %add3A_59 = vector.broadcast %slice3A_57 : vector<256x1xf32> to vector<256x256xf32>
      %add3A_60 = vector.broadcast %get3A_17 : vector<1x256xf32> to vector<256x256xf32>
      %add3A_61 = arith.addf %add3A_59, %add3A_60 : vector<256x256xf32>
      %dot_general3A_62 = arith.constant dense<0.000000e+00> : vector<256x256xf32>
      %dot_general3A_63 = tpu.matmul %slice3A_55, %get3A_14, %dot_general3A_62 {dimension_numbers = #tpu.dot_dimension_numbers<[1], [0], [0], [1], [0, 0, 1, 1], [], []>, transpose_lhs_hint = false} : vector<256x8xf32>, vector<8x256xf32>, vector<256x256xf32> -> vector<256x256xf32>
      %mul3A_64 = arith.constant 2.000000e+00 : f32
      %mul3A_65 = vector.broadcast %mul3A_64 : f32 to vector<256x256xf32>
      %mul3A_66 = arith.mulf %mul3A_65, %dot_general3A_63 : vector<256x256xf32>
      %sub3A = arith.subf %add3A_61, %mul3A_66 : vector<256x256xf32>
      %eq3A_67 = vector.broadcast %slice3A_56 : vector<256x1xf32> to vector<256x256xf32>
      %eq3A_68 = vector.broadcast %get3A_20 : vector<1x256xf32> to vector<256x256xf32>
      %eq3A_69 = arith.cmpf oeq, %eq3A_67, %eq3A_68 : vector<256x256xf32>
      %add3A_70 = vector.broadcast %multiple_of3A : i32 to vector<256x1xi32>
      %add3A_71 = arith.addi %add3A_70, %iota3A_58 : vector<256x1xi32>
      %ne3A = vector.broadcast %add3A_71 : vector<256x1xi32> to vector<256x256xi32>
      %ne3A_72 = vector.broadcast %add3A_23 : vector<1x256xi32> to vector<256x256xi32>
      %ne3A_73 = arith.cmpi ne, %ne3A, %ne3A_72 : vector<256x256xi32>
      %and3A = arith.andi %eq3A_69, %ne3A_73 : vector<256x256xi1>
      %max3A = arith.constant 0.000000e+00 : f32
      %max3A_74 = vector.broadcast %max3A : f32 to vector<256x256xf32>
      %max3A_75 = arith.maximumf %sub3A, %max3A_74 : vector<256x256xf32>
      %bitcast_convert_type3A = tpu.bitcast %max3A_75 : vector<256x256xf32> -> vector<256x256xi32>
      %broadcast_in_dim3A_76 = vector.broadcast %while3A : i32 to vector<256x256xi32>
      %select_n3A = arith.select %and3A, %bitcast_convert_type3A, %broadcast_in_dim3A_76 : vector<256x256xi1>, vector<256x256xi32>
      %broadcast_in_dim3A_77 = vector.broadcast %while3A : i32 to vector<8x256xi32>
      %broadcast_in_dim3A_78 = arith.constant 1073741823 : i32
      %broadcast_in_dim3A_79 = vector.broadcast %broadcast_in_dim3A_78 : i32 to vector<8x256xi32>
      %reduce_min3A = arith.constant dense<2147483647> : vector<256xi32>
      %reduce_min3A_80 = vector.multi_reduction <minsi>, %while3A_47, %reduce_min3A [0] : vector<8x256xi32> to vector<256xi32>
      %broadcast_in_dim3A_81 = vector.shape_cast %reduce_min3A_80 : vector<256xi32> to vector<1x256xi32>
      %reduce_min3A_82 = arith.constant dense<2147483647> : vector<256xi32>
      %reduce_min3A_83 = vector.multi_reduction <minsi>, %select_n3A, %reduce_min3A_82 [0] : vector<256x256xi32> to vector<256xi32>
      %broadcast_in_dim3A_84 = vector.shape_cast %reduce_min3A_83 : vector<256xi32> to vector<1x256xi32>
      %min3A = arith.minsi %broadcast_in_dim3A_81, %broadcast_in_dim3A_84 : vector<1x256xi32>
      %eq3A_85 = vector.broadcast %min3A : vector<1x256xi32> to vector<256x256xi32>
      %eq3A_86 = arith.cmpi eq, %select_n3A, %eq3A_85 : vector<256x256xi32>
      %add3A_87 = vector.broadcast %multiple_of3A : i32 to vector<256x1xi32>
      %add3A_88 = arith.addi %add3A_87, %iota3A_58 : vector<256x1xi32>
      %jit3A = arith.constant 1073741823 : i32
      %broadcast_in_dim3A_89 = vector.shape_cast %add3A_88 : vector<256x1xi32> to vector<256x1xi32>
      %broadcast_in_dim3A_90 = vector.broadcast %broadcast_in_dim3A_89 : vector<256x1xi32> to vector<256x256xi32>
      %broadcast_in_dim3A_91 = vector.broadcast %jit3A : i32 to vector<256x256xi32>
      %select_n3A_92 = arith.select %eq3A_86, %broadcast_in_dim3A_90, %broadcast_in_dim3A_91 : vector<256x256xi1>, vector<256x256xi32>
      %reduce_min3A_93 = arith.constant dense<2147483647> : vector<256xi32>
      %reduce_min3A_94 = vector.multi_reduction <minsi>, %select_n3A_92, %reduce_min3A_93 [0] : vector<256x256xi32> to vector<256xi32>
      %broadcast_in_dim3A_95 = vector.shape_cast %reduce_min3A_94 : vector<256xi32> to vector<1x256xi32>
      %eq3A_96 = vector.broadcast %min3A : vector<1x256xi32> to vector<8x256xi32>
      %eq3A_97 = arith.cmpi eq, %while3A_47, %eq3A_96 : vector<8x256xi32>
      %jit3A_98 = arith.constant 1073741823 : i32
      %broadcast_in_dim3A_99 = vector.broadcast %jit3A_98 : i32 to vector<8x256xi32>
      %select_n3A_100 = arith.select %eq3A_97, %while3A_48, %broadcast_in_dim3A_99 : vector<8x256xi1>, vector<8x256xi32>
      %reduce_min3A_101 = arith.constant dense<2147483647> : vector<256xi32>
      %reduce_min3A_102 = vector.multi_reduction <minsi>, %select_n3A_100, %reduce_min3A_101 [0] : vector<8x256xi32> to vector<256xi32>
      %broadcast_in_dim3A_103 = vector.shape_cast %reduce_min3A_102 : vector<256xi32> to vector<1x256xi32>
      %le3A = arith.cmpi sle, %broadcast_in_dim3A_81, %broadcast_in_dim3A_84 : vector<1x256xi32>
      %select_n3A_104 = arith.select %le3A, %broadcast_in_dim3A_103, %broadcast_in_dim3A_95 : vector<1x256xi1>, vector<1x256xi32>
      %eq3A_105 = vector.broadcast %min3A : vector<1x256xi32> to vector<8x256xi32>
      %eq3A_106 = arith.cmpi eq, %while3A_47, %eq3A_105 : vector<8x256xi32>
      %broadcast_in_dim3A_107 = vector.broadcast %while3A : i32 to vector<8x256xi32>
      %select_n3A_108 = arith.select %eq3A_106, %broadcast_in_dim3A_107, %while3A_47 : vector<8x256xi1>, vector<8x256xi32>
      %broadcast_in_dim3A_109 = vector.broadcast %while3A : i32 to vector<256x256xi32>
      %select_n3A_110 = arith.select %eq3A_86, %broadcast_in_dim3A_109, %select_n3A : vector<256x256xi1>, vector<256x256xi32>
      %eq3A_111 = arith.constant 0 : i32
      %eq3A_112 = vector.broadcast %eq3A_111 : i32 to vector<8x256xi32>
      %eq3A_113 = arith.cmpi eq, %iota3A_26, %eq3A_112 : vector<8x256xi32>
      %broadcast_in_dim3A_114 = vector.shape_cast %min3A : vector<1x256xi32> to vector<1x256xi32>
      %broadcast_in_dim3A_115 = vector.broadcast %broadcast_in_dim3A_114 : vector<1x256xi32> to vector<8x256xi32>
      %select_n3A_116 = arith.select %eq3A_113, %broadcast_in_dim3A_115, %broadcast_in_dim3A_77 : vector<8x256xi1>, vector<8x256xi32>
      %eq3A_117 = arith.constant 0 : i32
      %eq3A_118 = vector.broadcast %eq3A_117 : i32 to vector<8x256xi32>
      %eq3A_119 = arith.cmpi eq, %iota3A_26, %eq3A_118 : vector<8x256xi32>
      %broadcast_in_dim3A_120 = vector.shape_cast %select_n3A_104 : vector<1x256xi32> to vector<1x256xi32>
      %broadcast_in_dim3A_121 = vector.broadcast %broadcast_in_dim3A_120 : vector<1x256xi32> to vector<8x256xi32>
      %select_n3A_122 = arith.select %eq3A_119, %broadcast_in_dim3A_121, %broadcast_in_dim3A_79 : vector<8x256xi1>, vector<8x256xi32>
      %reduce_min3A_123 = arith.constant dense<2147483647> : vector<256xi32>
      %reduce_min3A_124 = vector.multi_reduction <minsi>, %select_n3A_108, %reduce_min3A_123 [0] : vector<8x256xi32> to vector<256xi32>
      %broadcast_in_dim3A_125 = vector.shape_cast %reduce_min3A_124 : vector<256xi32> to vector<1x256xi32>
      %reduce_min3A_126 = arith.constant dense<2147483647> : vector<256xi32>
      %reduce_min3A_127 = vector.multi_reduction <minsi>, %select_n3A_110, %reduce_min3A_126 [0] : vector<256x256xi32> to vector<256xi32>
      %broadcast_in_dim3A_128 = vector.shape_cast %reduce_min3A_127 : vector<256xi32> to vector<1x256xi32>
      %min3A_129 = arith.minsi %broadcast_in_dim3A_125, %broadcast_in_dim3A_128 : vector<1x256xi32>
      %eq3A_130 = vector.broadcast %min3A_129 : vector<1x256xi32> to vector<256x256xi32>
      %eq3A_131 = arith.cmpi eq, %select_n3A_110, %eq3A_130 : vector<256x256xi32>
      %add3A_132 = vector.broadcast %multiple_of3A : i32 to vector<256x1xi32>
      %add3A_133 = arith.addi %add3A_132, %iota3A_58 : vector<256x1xi32>
      %jit3A_134 = arith.constant 1073741823 : i32
      %broadcast_in_dim3A_135 = vector.shape_cast %add3A_133 : vector<256x1xi32> to vector<256x1xi32>
      %broadcast_in_dim3A_136 = vector.broadcast %broadcast_in_dim3A_135 : vector<256x1xi32> to vector<256x256xi32>
      %broadcast_in_dim3A_137 = vector.broadcast %jit3A_134 : i32 to vector<256x256xi32>
      %select_n3A_138 = arith.select %eq3A_131, %broadcast_in_dim3A_136, %broadcast_in_dim3A_137 : vector<256x256xi1>, vector<256x256xi32>
      %reduce_min3A_139 = arith.constant dense<2147483647> : vector<256xi32>
      %reduce_min3A_140 = vector.multi_reduction <minsi>, %select_n3A_138, %reduce_min3A_139 [0] : vector<256x256xi32> to vector<256xi32>
      %broadcast_in_dim3A_141 = vector.shape_cast %reduce_min3A_140 : vector<256xi32> to vector<1x256xi32>
      %eq3A_142 = vector.broadcast %min3A_129 : vector<1x256xi32> to vector<8x256xi32>
      %eq3A_143 = arith.cmpi eq, %select_n3A_108, %eq3A_142 : vector<8x256xi32>
      %jit3A_144 = arith.constant 1073741823 : i32
      %broadcast_in_dim3A_145 = vector.broadcast %jit3A_144 : i32 to vector<8x256xi32>
      %select_n3A_146 = arith.select %eq3A_143, %while3A_48, %broadcast_in_dim3A_145 : vector<8x256xi1>, vector<8x256xi32>
      %reduce_min3A_147 = arith.constant dense<2147483647> : vector<256xi32>
      %reduce_min3A_148 = vector.multi_reduction <minsi>, %select_n3A_146, %reduce_min3A_147 [0] : vector<8x256xi32> to vector<256xi32>
      %broadcast_in_dim3A_149 = vector.shape_cast %reduce_min3A_148 : vector<256xi32> to vector<1x256xi32>
      %le3A_150 = arith.cmpi sle, %broadcast_in_dim3A_125, %broadcast_in_dim3A_128 : vector<1x256xi32>
      %select_n3A_151 = arith.select %le3A_150, %broadcast_in_dim3A_149, %broadcast_in_dim3A_141 : vector<1x256xi1>, vector<1x256xi32>
      %eq3A_152 = vector.broadcast %min3A_129 : vector<1x256xi32> to vector<8x256xi32>
      %eq3A_153 = arith.cmpi eq, %select_n3A_108, %eq3A_152 : vector<8x256xi32>
      %broadcast_in_dim3A_154 = vector.broadcast %while3A : i32 to vector<8x256xi32>
      %select_n3A_155 = arith.select %eq3A_153, %broadcast_in_dim3A_154, %select_n3A_108 : vector<8x256xi1>, vector<8x256xi32>
      %broadcast_in_dim3A_156 = vector.broadcast %while3A : i32 to vector<256x256xi32>
      %select_n3A_157 = arith.select %eq3A_131, %broadcast_in_dim3A_156, %select_n3A_110 : vector<256x256xi1>, vector<256x256xi32>
      %eq3A_158 = arith.constant 1 : i32
      %eq3A_159 = vector.broadcast %eq3A_158 : i32 to vector<8x256xi32>
      %eq3A_160 = arith.cmpi eq, %iota3A_26, %eq3A_159 : vector<8x256xi32>
      %broadcast_in_dim3A_161 = vector.shape_cast %min3A_129 : vector<1x256xi32> to vector<1x256xi32>
      %broadcast_in_dim3A_162 = vector.broadcast %broadcast_in_dim3A_161 : vector<1x256xi32> to vector<8x256xi32>
      %select_n3A_163 = arith.select %eq3A_160, %broadcast_in_dim3A_162, %select_n3A_116 : vector<8x256xi1>, vector<8x256xi32>
      %eq3A_164 = arith.constant 1 : i32
      %eq3A_165 = vector.broadcast %eq3A_164 : i32 to vector<8x256xi32>
      %eq3A_166 = arith.cmpi eq, %iota3A_26, %eq3A_165 : vector<8x256xi32>
      %broadcast_in_dim3A_167 = vector.shape_cast %select_n3A_151 : vector<1x256xi32> to vector<1x256xi32>
      %broadcast_in_dim3A_168 = vector.broadcast %broadcast_in_dim3A_167 : vector<1x256xi32> to vector<8x256xi32>
      %select_n3A_169 = arith.select %eq3A_166, %broadcast_in_dim3A_168, %select_n3A_122 : vector<8x256xi1>, vector<8x256xi32>
      %reduce_min3A_170 = arith.constant dense<2147483647> : vector<256xi32>
      %reduce_min3A_171 = vector.multi_reduction <minsi>, %select_n3A_155, %reduce_min3A_170 [0] : vector<8x256xi32> to vector<256xi32>
      %broadcast_in_dim3A_172 = vector.shape_cast %reduce_min3A_171 : vector<256xi32> to vector<1x256xi32>
      %reduce_min3A_173 = arith.constant dense<2147483647> : vector<256xi32>
      %reduce_min3A_174 = vector.multi_reduction <minsi>, %select_n3A_157, %reduce_min3A_173 [0] : vector<256x256xi32> to vector<256xi32>
      %broadcast_in_dim3A_175 = vector.shape_cast %reduce_min3A_174 : vector<256xi32> to vector<1x256xi32>
      %min3A_176 = arith.minsi %broadcast_in_dim3A_172, %broadcast_in_dim3A_175 : vector<1x256xi32>
      %eq3A_177 = vector.broadcast %min3A_176 : vector<1x256xi32> to vector<256x256xi32>
      %eq3A_178 = arith.cmpi eq, %select_n3A_157, %eq3A_177 : vector<256x256xi32>
      %add3A_179 = vector.broadcast %multiple_of3A : i32 to vector<256x1xi32>
      %add3A_180 = arith.addi %add3A_179, %iota3A_58 : vector<256x1xi32>
      %jit3A_181 = arith.constant 1073741823 : i32
      %broadcast_in_dim3A_182 = vector.shape_cast %add3A_180 : vector<256x1xi32> to vector<256x1xi32>
      %broadcast_in_dim3A_183 = vector.broadcast %broadcast_in_dim3A_182 : vector<256x1xi32> to vector<256x256xi32>
      %broadcast_in_dim3A_184 = vector.broadcast %jit3A_181 : i32 to vector<256x256xi32>
      %select_n3A_185 = arith.select %eq3A_178, %broadcast_in_dim3A_183, %broadcast_in_dim3A_184 : vector<256x256xi1>, vector<256x256xi32>
      %reduce_min3A_186 = arith.constant dense<2147483647> : vector<256xi32>
      %reduce_min3A_187 = vector.multi_reduction <minsi>, %select_n3A_185, %reduce_min3A_186 [0] : vector<256x256xi32> to vector<256xi32>
      %broadcast_in_dim3A_188 = vector.shape_cast %reduce_min3A_187 : vector<256xi32> to vector<1x256xi32>
      %eq3A_189 = vector.broadcast %min3A_176 : vector<1x256xi32> to vector<8x256xi32>
      %eq3A_190 = arith.cmpi eq, %select_n3A_155, %eq3A_189 : vector<8x256xi32>
      %jit3A_191 = arith.constant 1073741823 : i32
      %broadcast_in_dim3A_192 = vector.broadcast %jit3A_191 : i32 to vector<8x256xi32>
      %select_n3A_193 = arith.select %eq3A_190, %while3A_48, %broadcast_in_dim3A_192 : vector<8x256xi1>, vector<8x256xi32>
      %reduce_min3A_194 = arith.constant dense<2147483647> : vector<256xi32>
      %reduce_min3A_195 = vector.multi_reduction <minsi>, %select_n3A_193, %reduce_min3A_194 [0] : vector<8x256xi32> to vector<256xi32>
      %broadcast_in_dim3A_196 = vector.shape_cast %reduce_min3A_195 : vector<256xi32> to vector<1x256xi32>
      %le3A_197 = arith.cmpi sle, %broadcast_in_dim3A_172, %broadcast_in_dim3A_175 : vector<1x256xi32>
      %select_n3A_198 = arith.select %le3A_197, %broadcast_in_dim3A_196, %broadcast_in_dim3A_188 : vector<1x256xi1>, vector<1x256xi32>
      %eq3A_199 = vector.broadcast %min3A_176 : vector<1x256xi32> to vector<8x256xi32>
      %eq3A_200 = arith.cmpi eq, %select_n3A_155, %eq3A_199 : vector<8x256xi32>
      %broadcast_in_dim3A_201 = vector.broadcast %while3A : i32 to vector<8x256xi32>
      %select_n3A_202 = arith.select %eq3A_200, %broadcast_in_dim3A_201, %select_n3A_155 : vector<8x256xi1>, vector<8x256xi32>
      %broadcast_in_dim3A_203 = vector.broadcast %while3A : i32 to vector<256x256xi32>
      %select_n3A_204 = arith.select %eq3A_178, %broadcast_in_dim3A_203, %select_n3A_157 : vector<256x256xi1>, vector<256x256xi32>
      %eq3A_205 = arith.constant 2 : i32
      %eq3A_206 = vector.broadcast %eq3A_205 : i32 to vector<8x256xi32>
      %eq3A_207 = arith.cmpi eq, %iota3A_26, %eq3A_206 : vector<8x256xi32>
      %broadcast_in_dim3A_208 = vector.shape_cast %min3A_176 : vector<1x256xi32> to vector<1x256xi32>
      %broadcast_in_dim3A_209 = vector.broadcast %broadcast_in_dim3A_208 : vector<1x256xi32> to vector<8x256xi32>
      %select_n3A_210 = arith.select %eq3A_207, %broadcast_in_dim3A_209, %select_n3A_163 : vector<8x256xi1>, vector<8x256xi32>
      %eq3A_211 = arith.constant 2 : i32
      %eq3A_212 = vector.broadcast %eq3A_211 : i32 to vector<8x256xi32>
      %eq3A_213 = arith.cmpi eq, %iota3A_26, %eq3A_212 : vector<8x256xi32>
      %broadcast_in_dim3A_214 = vector.shape_cast %select_n3A_198 : vector<1x256xi32> to vector<1x256xi32>
      %broadcast_in_dim3A_215 = vector.broadcast %broadcast_in_dim3A_214 : vector<1x256xi32> to vector<8x256xi32>
      %select_n3A_216 = arith.select %eq3A_213, %broadcast_in_dim3A_215, %select_n3A_169 : vector<8x256xi1>, vector<8x256xi32>
      %reduce_min3A_217 = arith.constant dense<2147483647> : vector<256xi32>
      %reduce_min3A_218 = vector.multi_reduction <minsi>, %select_n3A_202, %reduce_min3A_217 [0] : vector<8x256xi32> to vector<256xi32>
      %broadcast_in_dim3A_219 = vector.shape_cast %reduce_min3A_218 : vector<256xi32> to vector<1x256xi32>
      %reduce_min3A_220 = arith.constant dense<2147483647> : vector<256xi32>
      %reduce_min3A_221 = vector.multi_reduction <minsi>, %select_n3A_204, %reduce_min3A_220 [0] : vector<256x256xi32> to vector<256xi32>
      %broadcast_in_dim3A_222 = vector.shape_cast %reduce_min3A_221 : vector<256xi32> to vector<1x256xi32>
      %min3A_223 = arith.minsi %broadcast_in_dim3A_219, %broadcast_in_dim3A_222 : vector<1x256xi32>
      %eq3A_224 = vector.broadcast %min3A_223 : vector<1x256xi32> to vector<256x256xi32>
      %eq3A_225 = arith.cmpi eq, %select_n3A_204, %eq3A_224 : vector<256x256xi32>
      %add3A_226 = vector.broadcast %multiple_of3A : i32 to vector<256x1xi32>
      %add3A_227 = arith.addi %add3A_226, %iota3A_58 : vector<256x1xi32>
      %jit3A_228 = arith.constant 1073741823 : i32
      %broadcast_in_dim3A_229 = vector.shape_cast %add3A_227 : vector<256x1xi32> to vector<256x1xi32>
      %broadcast_in_dim3A_230 = vector.broadcast %broadcast_in_dim3A_229 : vector<256x1xi32> to vector<256x256xi32>
      %broadcast_in_dim3A_231 = vector.broadcast %jit3A_228 : i32 to vector<256x256xi32>
      %select_n3A_232 = arith.select %eq3A_225, %broadcast_in_dim3A_230, %broadcast_in_dim3A_231 : vector<256x256xi1>, vector<256x256xi32>
      %reduce_min3A_233 = arith.constant dense<2147483647> : vector<256xi32>
      %reduce_min3A_234 = vector.multi_reduction <minsi>, %select_n3A_232, %reduce_min3A_233 [0] : vector<256x256xi32> to vector<256xi32>
      %broadcast_in_dim3A_235 = vector.shape_cast %reduce_min3A_234 : vector<256xi32> to vector<1x256xi32>
      %eq3A_236 = vector.broadcast %min3A_223 : vector<1x256xi32> to vector<8x256xi32>
      %eq3A_237 = arith.cmpi eq, %select_n3A_202, %eq3A_236 : vector<8x256xi32>
      %jit3A_238 = arith.constant 1073741823 : i32
      %broadcast_in_dim3A_239 = vector.broadcast %jit3A_238 : i32 to vector<8x256xi32>
      %select_n3A_240 = arith.select %eq3A_237, %while3A_48, %broadcast_in_dim3A_239 : vector<8x256xi1>, vector<8x256xi32>
      %reduce_min3A_241 = arith.constant dense<2147483647> : vector<256xi32>
      %reduce_min3A_242 = vector.multi_reduction <minsi>, %select_n3A_240, %reduce_min3A_241 [0] : vector<8x256xi32> to vector<256xi32>
      %broadcast_in_dim3A_243 = vector.shape_cast %reduce_min3A_242 : vector<256xi32> to vector<1x256xi32>
      %le3A_244 = arith.cmpi sle, %broadcast_in_dim3A_219, %broadcast_in_dim3A_222 : vector<1x256xi32>
      %select_n3A_245 = arith.select %le3A_244, %broadcast_in_dim3A_243, %broadcast_in_dim3A_235 : vector<1x256xi1>, vector<1x256xi32>
      %eq3A_246 = vector.broadcast %min3A_223 : vector<1x256xi32> to vector<8x256xi32>
      %eq3A_247 = arith.cmpi eq, %select_n3A_202, %eq3A_246 : vector<8x256xi32>
      %broadcast_in_dim3A_248 = vector.broadcast %while3A : i32 to vector<8x256xi32>
      %select_n3A_249 = arith.select %eq3A_247, %broadcast_in_dim3A_248, %select_n3A_202 : vector<8x256xi1>, vector<8x256xi32>
      %broadcast_in_dim3A_250 = vector.broadcast %while3A : i32 to vector<256x256xi32>
      %select_n3A_251 = arith.select %eq3A_225, %broadcast_in_dim3A_250, %select_n3A_204 : vector<256x256xi1>, vector<256x256xi32>
      %eq3A_252 = arith.constant 3 : i32
      %eq3A_253 = vector.broadcast %eq3A_252 : i32 to vector<8x256xi32>
      %eq3A_254 = arith.cmpi eq, %iota3A_26, %eq3A_253 : vector<8x256xi32>
      %broadcast_in_dim3A_255 = vector.shape_cast %min3A_223 : vector<1x256xi32> to vector<1x256xi32>
      %broadcast_in_dim3A_256 = vector.broadcast %broadcast_in_dim3A_255 : vector<1x256xi32> to vector<8x256xi32>
      %select_n3A_257 = arith.select %eq3A_254, %broadcast_in_dim3A_256, %select_n3A_210 : vector<8x256xi1>, vector<8x256xi32>
      %eq3A_258 = arith.constant 3 : i32
      %eq3A_259 = vector.broadcast %eq3A_258 : i32 to vector<8x256xi32>
      %eq3A_260 = arith.cmpi eq, %iota3A_26, %eq3A_259 : vector<8x256xi32>
      %broadcast_in_dim3A_261 = vector.shape_cast %select_n3A_245 : vector<1x256xi32> to vector<1x256xi32>
      %broadcast_in_dim3A_262 = vector.broadcast %broadcast_in_dim3A_261 : vector<1x256xi32> to vector<8x256xi32>
      %select_n3A_263 = arith.select %eq3A_260, %broadcast_in_dim3A_262, %select_n3A_216 : vector<8x256xi1>, vector<8x256xi32>
      %reduce_min3A_264 = arith.constant dense<2147483647> : vector<256xi32>
      %reduce_min3A_265 = vector.multi_reduction <minsi>, %select_n3A_249, %reduce_min3A_264 [0] : vector<8x256xi32> to vector<256xi32>
      %broadcast_in_dim3A_266 = vector.shape_cast %reduce_min3A_265 : vector<256xi32> to vector<1x256xi32>
      %reduce_min3A_267 = arith.constant dense<2147483647> : vector<256xi32>
      %reduce_min3A_268 = vector.multi_reduction <minsi>, %select_n3A_251, %reduce_min3A_267 [0] : vector<256x256xi32> to vector<256xi32>
      %broadcast_in_dim3A_269 = vector.shape_cast %reduce_min3A_268 : vector<256xi32> to vector<1x256xi32>
      %min3A_270 = arith.minsi %broadcast_in_dim3A_266, %broadcast_in_dim3A_269 : vector<1x256xi32>
      %eq3A_271 = vector.broadcast %min3A_270 : vector<1x256xi32> to vector<256x256xi32>
      %eq3A_272 = arith.cmpi eq, %select_n3A_251, %eq3A_271 : vector<256x256xi32>
      %add3A_273 = vector.broadcast %multiple_of3A : i32 to vector<256x1xi32>
      %add3A_274 = arith.addi %add3A_273, %iota3A_58 : vector<256x1xi32>
      %jit3A_275 = arith.constant 1073741823 : i32
      %broadcast_in_dim3A_276 = vector.shape_cast %add3A_274 : vector<256x1xi32> to vector<256x1xi32>
      %broadcast_in_dim3A_277 = vector.broadcast %broadcast_in_dim3A_276 : vector<256x1xi32> to vector<256x256xi32>
      %broadcast_in_dim3A_278 = vector.broadcast %jit3A_275 : i32 to vector<256x256xi32>
      %select_n3A_279 = arith.select %eq3A_272, %broadcast_in_dim3A_277, %broadcast_in_dim3A_278 : vector<256x256xi1>, vector<256x256xi32>
      %reduce_min3A_280 = arith.constant dense<2147483647> : vector<256xi32>
      %reduce_min3A_281 = vector.multi_reduction <minsi>, %select_n3A_279, %reduce_min3A_280 [0] : vector<256x256xi32> to vector<256xi32>
      %broadcast_in_dim3A_282 = vector.shape_cast %reduce_min3A_281 : vector<256xi32> to vector<1x256xi32>
      %eq3A_283 = vector.broadcast %min3A_270 : vector<1x256xi32> to vector<8x256xi32>
      %eq3A_284 = arith.cmpi eq, %select_n3A_249, %eq3A_283 : vector<8x256xi32>
      %jit3A_285 = arith.constant 1073741823 : i32
      %broadcast_in_dim3A_286 = vector.broadcast %jit3A_285 : i32 to vector<8x256xi32>
      %select_n3A_287 = arith.select %eq3A_284, %while3A_48, %broadcast_in_dim3A_286 : vector<8x256xi1>, vector<8x256xi32>
      %reduce_min3A_288 = arith.constant dense<2147483647> : vector<256xi32>
      %reduce_min3A_289 = vector.multi_reduction <minsi>, %select_n3A_287, %reduce_min3A_288 [0] : vector<8x256xi32> to vector<256xi32>
      %broadcast_in_dim3A_290 = vector.shape_cast %reduce_min3A_289 : vector<256xi32> to vector<1x256xi32>
      %le3A_291 = arith.cmpi sle, %broadcast_in_dim3A_266, %broadcast_in_dim3A_269 : vector<1x256xi32>
      %select_n3A_292 = arith.select %le3A_291, %broadcast_in_dim3A_290, %broadcast_in_dim3A_282 : vector<1x256xi1>, vector<1x256xi32>
      %eq3A_293 = vector.broadcast %min3A_270 : vector<1x256xi32> to vector<8x256xi32>
      %eq3A_294 = arith.cmpi eq, %select_n3A_249, %eq3A_293 : vector<8x256xi32>
      %broadcast_in_dim3A_295 = vector.broadcast %while3A : i32 to vector<8x256xi32>
      %select_n3A_296 = arith.select %eq3A_294, %broadcast_in_dim3A_295, %select_n3A_249 : vector<8x256xi1>, vector<8x256xi32>
      %broadcast_in_dim3A_297 = vector.broadcast %while3A : i32 to vector<256x256xi32>
      %select_n3A_298 = arith.select %eq3A_272, %broadcast_in_dim3A_297, %select_n3A_251 : vector<256x256xi1>, vector<256x256xi32>
      %eq3A_299 = arith.constant 4 : i32
      %eq3A_300 = vector.broadcast %eq3A_299 : i32 to vector<8x256xi32>
      %eq3A_301 = arith.cmpi eq, %iota3A_26, %eq3A_300 : vector<8x256xi32>
      %broadcast_in_dim3A_302 = vector.shape_cast %min3A_270 : vector<1x256xi32> to vector<1x256xi32>
      %broadcast_in_dim3A_303 = vector.broadcast %broadcast_in_dim3A_302 : vector<1x256xi32> to vector<8x256xi32>
      %select_n3A_304 = arith.select %eq3A_301, %broadcast_in_dim3A_303, %select_n3A_257 : vector<8x256xi1>, vector<8x256xi32>
      %eq3A_305 = arith.constant 4 : i32
      %eq3A_306 = vector.broadcast %eq3A_305 : i32 to vector<8x256xi32>
      %eq3A_307 = arith.cmpi eq, %iota3A_26, %eq3A_306 : vector<8x256xi32>
      %broadcast_in_dim3A_308 = vector.shape_cast %select_n3A_292 : vector<1x256xi32> to vector<1x256xi32>
      %broadcast_in_dim3A_309 = vector.broadcast %broadcast_in_dim3A_308 : vector<1x256xi32> to vector<8x256xi32>
      %select_n3A_310 = arith.select %eq3A_307, %broadcast_in_dim3A_309, %select_n3A_263 : vector<8x256xi1>, vector<8x256xi32>
      scf.yield %select_n3A_304, %select_n3A_310 : vector<8x256xi32>, vector<8x256xi32>
    }
    %while3A_41 = arith.constant 1 : i32
    %while3A_42:2 = scf.for %while3A_46 = %while3A_38 to %while3A_34 step %while3A_41 iter_args(%while3A_47 = %while3A_40#0, %while3A_48 = %while3A_40#1) -> (vector<8x256xi32>, vector<8x256xi32>)  : i32 {
      %mul3A_49 = arith.constant 256 : i32
      %mul3A_50 = arith.muli %while3A_46, %mul3A_49 : i32
      %add3A_51 = arith.addi %get3A_25, %mul3A_50 : i32
      %multiple_of3A = tpu.assume_multiple %add3A_51, 128 : i32
      %get3A_52 = arith.index_cast %multiple_of3A : i32 to index
      %get3A_53 = arith.constant 0 : index
      %get3A_54 = vector.load %arg3[%get3A_52, %get3A_53] : memref<10240x16xf32, #tpu.memory_space<vmem>>, vector<256x16xf32>
      %slice3A_55 = vector.extract_strided_slice %get3A_54 {offsets = [0, 0], sizes = [256, 8], strides = [1, 1]} : vector<256x16xf32> to vector<256x8xf32>
      %slice3A_56 = vector.extract_strided_slice %get3A_54 {offsets = [0, 12], sizes = [256, 1], strides = [1, 1]} : vector<256x16xf32> to vector<256x1xf32>
      %slice3A_57 = vector.extract_strided_slice %get3A_54 {offsets = [0, 11], sizes = [256, 1], strides = [1, 1]} : vector<256x16xf32> to vector<256x1xf32>
      %iota3A_58 = tpu.iota {dimensions = array<i32: 0>} : vector<256x1xi32>
      %add3A_59 = vector.broadcast %slice3A_57 : vector<256x1xf32> to vector<256x256xf32>
      %add3A_60 = vector.broadcast %get3A_17 : vector<1x256xf32> to vector<256x256xf32>
      %add3A_61 = arith.addf %add3A_59, %add3A_60 : vector<256x256xf32>
      %dot_general3A_62 = arith.constant dense<0.000000e+00> : vector<256x256xf32>
      %dot_general3A_63 = tpu.matmul %slice3A_55, %get3A_14, %dot_general3A_62 {dimension_numbers = #tpu.dot_dimension_numbers<[1], [0], [0], [1], [0, 0, 1, 1], [], []>, transpose_lhs_hint = false} : vector<256x8xf32>, vector<8x256xf32>, vector<256x256xf32> -> vector<256x256xf32>
      %mul3A_64 = arith.constant 2.000000e+00 : f32
      %mul3A_65 = vector.broadcast %mul3A_64 : f32 to vector<256x256xf32>
      %mul3A_66 = arith.mulf %mul3A_65, %dot_general3A_63 : vector<256x256xf32>
      %sub3A = arith.subf %add3A_61, %mul3A_66 : vector<256x256xf32>
      %eq3A_67 = vector.broadcast %slice3A_56 : vector<256x1xf32> to vector<256x256xf32>
      %eq3A_68 = vector.broadcast %get3A_20 : vector<1x256xf32> to vector<256x256xf32>
      %eq3A_69 = arith.cmpf oeq, %eq3A_67, %eq3A_68 : vector<256x256xf32>
      %add3A_70 = vector.broadcast %multiple_of3A : i32 to vector<256x1xi32>
      %add3A_71 = arith.addi %add3A_70, %iota3A_58 : vector<256x1xi32>
      %ne3A = vector.broadcast %add3A_71 : vector<256x1xi32> to vector<256x256xi32>
      %ne3A_72 = vector.broadcast %add3A_23 : vector<1x256xi32> to vector<256x256xi32>
      %ne3A_73 = arith.cmpi ne, %ne3A, %ne3A_72 : vector<256x256xi32>
      %and3A = arith.andi %eq3A_69, %ne3A_73 : vector<256x256xi1>
      %max3A = arith.constant 0.000000e+00 : f32
      %max3A_74 = vector.broadcast %max3A : f32 to vector<256x256xf32>
      %max3A_75 = arith.maximumf %sub3A, %max3A_74 : vector<256x256xf32>
      %bitcast_convert_type3A = tpu.bitcast %max3A_75 : vector<256x256xf32> -> vector<256x256xi32>
      %broadcast_in_dim3A_76 = vector.broadcast %while3A : i32 to vector<256x256xi32>
      %select_n3A = arith.select %and3A, %bitcast_convert_type3A, %broadcast_in_dim3A_76 : vector<256x256xi1>, vector<256x256xi32>
      %broadcast_in_dim3A_77 = vector.broadcast %while3A : i32 to vector<8x256xi32>
      %broadcast_in_dim3A_78 = arith.constant 1073741823 : i32
      %broadcast_in_dim3A_79 = vector.broadcast %broadcast_in_dim3A_78 : i32 to vector<8x256xi32>
      %reduce_min3A = arith.constant dense<2147483647> : vector<256xi32>
      %reduce_min3A_80 = vector.multi_reduction <minsi>, %while3A_47, %reduce_min3A [0] : vector<8x256xi32> to vector<256xi32>
      %broadcast_in_dim3A_81 = vector.shape_cast %reduce_min3A_80 : vector<256xi32> to vector<1x256xi32>
      %reduce_min3A_82 = arith.constant dense<2147483647> : vector<256xi32>
      %reduce_min3A_83 = vector.multi_reduction <minsi>, %select_n3A, %reduce_min3A_82 [0] : vector<256x256xi32> to vector<256xi32>
      %broadcast_in_dim3A_84 = vector.shape_cast %reduce_min3A_83 : vector<256xi32> to vector<1x256xi32>
      %min3A = arith.minsi %broadcast_in_dim3A_81, %broadcast_in_dim3A_84 : vector<1x256xi32>
      %eq3A_85 = vector.broadcast %min3A : vector<1x256xi32> to vector<256x256xi32>
      %eq3A_86 = arith.cmpi eq, %select_n3A, %eq3A_85 : vector<256x256xi32>
      %add3A_87 = vector.broadcast %multiple_of3A : i32 to vector<256x1xi32>
      %add3A_88 = arith.addi %add3A_87, %iota3A_58 : vector<256x1xi32>
      %jit3A = arith.constant 1073741823 : i32
      %broadcast_in_dim3A_89 = vector.shape_cast %add3A_88 : vector<256x1xi32> to vector<256x1xi32>
      %broadcast_in_dim3A_90 = vector.broadcast %broadcast_in_dim3A_89 : vector<256x1xi32> to vector<256x256xi32>
      %broadcast_in_dim3A_91 = vector.broadcast %jit3A : i32 to vector<256x256xi32>
      %select_n3A_92 = arith.select %eq3A_86, %broadcast_in_dim3A_90, %broadcast_in_dim3A_91 : vector<256x256xi1>, vector<256x256xi32>
      %reduce_min3A_93 = arith.constant dense<2147483647> : vector<256xi32>
      %reduce_min3A_94 = vector.multi_reduction <minsi>, %select_n3A_92, %reduce_min3A_93 [0] : vector<256x256xi32> to vector<256xi32>
      %broadcast_in_dim3A_95 = vector.shape_cast %reduce_min3A_94 : vector<256xi32> to vector<1x256xi32>
      %eq3A_96 = vector.broadcast %min3A : vector<1x256xi32> to vector<8x256xi32>
      %eq3A_97 = arith.cmpi eq, %while3A_47, %eq3A_96 : vector<8x256xi32>
      %jit3A_98 = arith.constant 1073741823 : i32
      %broadcast_in_dim3A_99 = vector.broadcast %jit3A_98 : i32 to vector<8x256xi32>
      %select_n3A_100 = arith.select %eq3A_97, %while3A_48, %broadcast_in_dim3A_99 : vector<8x256xi1>, vector<8x256xi32>
      %reduce_min3A_101 = arith.constant dense<2147483647> : vector<256xi32>
      %reduce_min3A_102 = vector.multi_reduction <minsi>, %select_n3A_100, %reduce_min3A_101 [0] : vector<8x256xi32> to vector<256xi32>
      %broadcast_in_dim3A_103 = vector.shape_cast %reduce_min3A_102 : vector<256xi32> to vector<1x256xi32>
      %le3A = arith.cmpi sle, %broadcast_in_dim3A_81, %broadcast_in_dim3A_84 : vector<1x256xi32>
      %select_n3A_104 = arith.select %le3A, %broadcast_in_dim3A_103, %broadcast_in_dim3A_95 : vector<1x256xi1>, vector<1x256xi32>
      %eq3A_105 = vector.broadcast %min3A : vector<1x256xi32> to vector<8x256xi32>
      %eq3A_106 = arith.cmpi eq, %while3A_47, %eq3A_105 : vector<8x256xi32>
      %broadcast_in_dim3A_107 = vector.broadcast %while3A : i32 to vector<8x256xi32>
      %select_n3A_108 = arith.select %eq3A_106, %broadcast_in_dim3A_107, %while3A_47 : vector<8x256xi1>, vector<8x256xi32>
      %broadcast_in_dim3A_109 = vector.broadcast %while3A : i32 to vector<256x256xi32>
      %select_n3A_110 = arith.select %eq3A_86, %broadcast_in_dim3A_109, %select_n3A : vector<256x256xi1>, vector<256x256xi32>
      %eq3A_111 = arith.constant 0 : i32
      %eq3A_112 = vector.broadcast %eq3A_111 : i32 to vector<8x256xi32>
      %eq3A_113 = arith.cmpi eq, %iota3A_26, %eq3A_112 : vector<8x256xi32>
      %broadcast_in_dim3A_114 = vector.shape_cast %min3A : vector<1x256xi32> to vector<1x256xi32>
      %broadcast_in_dim3A_115 = vector.broadcast %broadcast_in_dim3A_114 : vector<1x256xi32> to vector<8x256xi32>
      %select_n3A_116 = arith.select %eq3A_113, %broadcast_in_dim3A_115, %broadcast_in_dim3A_77 : vector<8x256xi1>, vector<8x256xi32>
      %eq3A_117 = arith.constant 0 : i32
      %eq3A_118 = vector.broadcast %eq3A_117 : i32 to vector<8x256xi32>
      %eq3A_119 = arith.cmpi eq, %iota3A_26, %eq3A_118 : vector<8x256xi32>
      %broadcast_in_dim3A_120 = vector.shape_cast %select_n3A_104 : vector<1x256xi32> to vector<1x256xi32>
      %broadcast_in_dim3A_121 = vector.broadcast %broadcast_in_dim3A_120 : vector<1x256xi32> to vector<8x256xi32>
      %select_n3A_122 = arith.select %eq3A_119, %broadcast_in_dim3A_121, %broadcast_in_dim3A_79 : vector<8x256xi1>, vector<8x256xi32>
      %reduce_min3A_123 = arith.constant dense<2147483647> : vector<256xi32>
      %reduce_min3A_124 = vector.multi_reduction <minsi>, %select_n3A_108, %reduce_min3A_123 [0] : vector<8x256xi32> to vector<256xi32>
      %broadcast_in_dim3A_125 = vector.shape_cast %reduce_min3A_124 : vector<256xi32> to vector<1x256xi32>
      %reduce_min3A_126 = arith.constant dense<2147483647> : vector<256xi32>
      %reduce_min3A_127 = vector.multi_reduction <minsi>, %select_n3A_110, %reduce_min3A_126 [0] : vector<256x256xi32> to vector<256xi32>
      %broadcast_in_dim3A_128 = vector.shape_cast %reduce_min3A_127 : vector<256xi32> to vector<1x256xi32>
      %min3A_129 = arith.minsi %broadcast_in_dim3A_125, %broadcast_in_dim3A_128 : vector<1x256xi32>
      %eq3A_130 = vector.broadcast %min3A_129 : vector<1x256xi32> to vector<256x256xi32>
      %eq3A_131 = arith.cmpi eq, %select_n3A_110, %eq3A_130 : vector<256x256xi32>
      %add3A_132 = vector.broadcast %multiple_of3A : i32 to vector<256x1xi32>
      %add3A_133 = arith.addi %add3A_132, %iota3A_58 : vector<256x1xi32>
      %jit3A_134 = arith.constant 1073741823 : i32
      %broadcast_in_dim3A_135 = vector.shape_cast %add3A_133 : vector<256x1xi32> to vector<256x1xi32>
      %broadcast_in_dim3A_136 = vector.broadcast %broadcast_in_dim3A_135 : vector<256x1xi32> to vector<256x256xi32>
      %broadcast_in_dim3A_137 = vector.broadcast %jit3A_134 : i32 to vector<256x256xi32>
      %select_n3A_138 = arith.select %eq3A_131, %broadcast_in_dim3A_136, %broadcast_in_dim3A_137 : vector<256x256xi1>, vector<256x256xi32>
      %reduce_min3A_139 = arith.constant dense<2147483647> : vector<256xi32>
      %reduce_min3A_140 = vector.multi_reduction <minsi>, %select_n3A_138, %reduce_min3A_139 [0] : vector<256x256xi32> to vector<256xi32>
      %broadcast_in_dim3A_141 = vector.shape_cast %reduce_min3A_140 : vector<256xi32> to vector<1x256xi32>
      %eq3A_142 = vector.broadcast %min3A_129 : vector<1x256xi32> to vector<8x256xi32>
      %eq3A_143 = arith.cmpi eq, %select_n3A_108, %eq3A_142 : vector<8x256xi32>
      %jit3A_144 = arith.constant 1073741823 : i32
      %broadcast_in_dim3A_145 = vector.broadcast %jit3A_144 : i32 to vector<8x256xi32>
      %select_n3A_146 = arith.select %eq3A_143, %while3A_48, %broadcast_in_dim3A_145 : vector<8x256xi1>, vector<8x256xi32>
      %reduce_min3A_147 = arith.constant dense<2147483647> : vector<256xi32>
      %reduce_min3A_148 = vector.multi_reduction <minsi>, %select_n3A_146, %reduce_min3A_147 [0] : vector<8x256xi32> to vector<256xi32>
      %broadcast_in_dim3A_149 = vector.shape_cast %reduce_min3A_148 : vector<256xi32> to vector<1x256xi32>
      %le3A_150 = arith.cmpi sle, %broadcast_in_dim3A_125, %broadcast_in_dim3A_128 : vector<1x256xi32>
      %select_n3A_151 = arith.select %le3A_150, %broadcast_in_dim3A_149, %broadcast_in_dim3A_141 : vector<1x256xi1>, vector<1x256xi32>
      %eq3A_152 = vector.broadcast %min3A_129 : vector<1x256xi32> to vector<8x256xi32>
      %eq3A_153 = arith.cmpi eq, %select_n3A_108, %eq3A_152 : vector<8x256xi32>
      %broadcast_in_dim3A_154 = vector.broadcast %while3A : i32 to vector<8x256xi32>
      %select_n3A_155 = arith.select %eq3A_153, %broadcast_in_dim3A_154, %select_n3A_108 : vector<8x256xi1>, vector<8x256xi32>
      %broadcast_in_dim3A_156 = vector.broadcast %while3A : i32 to vector<256x256xi32>
      %select_n3A_157 = arith.select %eq3A_131, %broadcast_in_dim3A_156, %select_n3A_110 : vector<256x256xi1>, vector<256x256xi32>
      %eq3A_158 = arith.constant 1 : i32
      %eq3A_159 = vector.broadcast %eq3A_158 : i32 to vector<8x256xi32>
      %eq3A_160 = arith.cmpi eq, %iota3A_26, %eq3A_159 : vector<8x256xi32>
      %broadcast_in_dim3A_161 = vector.shape_cast %min3A_129 : vector<1x256xi32> to vector<1x256xi32>
      %broadcast_in_dim3A_162 = vector.broadcast %broadcast_in_dim3A_161 : vector<1x256xi32> to vector<8x256xi32>
      %select_n3A_163 = arith.select %eq3A_160, %broadcast_in_dim3A_162, %select_n3A_116 : vector<8x256xi1>, vector<8x256xi32>
      %eq3A_164 = arith.constant 1 : i32
      %eq3A_165 = vector.broadcast %eq3A_164 : i32 to vector<8x256xi32>
      %eq3A_166 = arith.cmpi eq, %iota3A_26, %eq3A_165 : vector<8x256xi32>
      %broadcast_in_dim3A_167 = vector.shape_cast %select_n3A_151 : vector<1x256xi32> to vector<1x256xi32>
      %broadcast_in_dim3A_168 = vector.broadcast %broadcast_in_dim3A_167 : vector<1x256xi32> to vector<8x256xi32>
      %select_n3A_169 = arith.select %eq3A_166, %broadcast_in_dim3A_168, %select_n3A_122 : vector<8x256xi1>, vector<8x256xi32>
      %reduce_min3A_170 = arith.constant dense<2147483647> : vector<256xi32>
      %reduce_min3A_171 = vector.multi_reduction <minsi>, %select_n3A_155, %reduce_min3A_170 [0] : vector<8x256xi32> to vector<256xi32>
      %broadcast_in_dim3A_172 = vector.shape_cast %reduce_min3A_171 : vector<256xi32> to vector<1x256xi32>
      %reduce_min3A_173 = arith.constant dense<2147483647> : vector<256xi32>
      %reduce_min3A_174 = vector.multi_reduction <minsi>, %select_n3A_157, %reduce_min3A_173 [0] : vector<256x256xi32> to vector<256xi32>
      %broadcast_in_dim3A_175 = vector.shape_cast %reduce_min3A_174 : vector<256xi32> to vector<1x256xi32>
      %min3A_176 = arith.minsi %broadcast_in_dim3A_172, %broadcast_in_dim3A_175 : vector<1x256xi32>
      %eq3A_177 = vector.broadcast %min3A_176 : vector<1x256xi32> to vector<256x256xi32>
      %eq3A_178 = arith.cmpi eq, %select_n3A_157, %eq3A_177 : vector<256x256xi32>
      %add3A_179 = vector.broadcast %multiple_of3A : i32 to vector<256x1xi32>
      %add3A_180 = arith.addi %add3A_179, %iota3A_58 : vector<256x1xi32>
      %jit3A_181 = arith.constant 1073741823 : i32
      %broadcast_in_dim3A_182 = vector.shape_cast %add3A_180 : vector<256x1xi32> to vector<256x1xi32>
      %broadcast_in_dim3A_183 = vector.broadcast %broadcast_in_dim3A_182 : vector<256x1xi32> to vector<256x256xi32>
      %broadcast_in_dim3A_184 = vector.broadcast %jit3A_181 : i32 to vector<256x256xi32>
      %select_n3A_185 = arith.select %eq3A_178, %broadcast_in_dim3A_183, %broadcast_in_dim3A_184 : vector<256x256xi1>, vector<256x256xi32>
      %reduce_min3A_186 = arith.constant dense<2147483647> : vector<256xi32>
      %reduce_min3A_187 = vector.multi_reduction <minsi>, %select_n3A_185, %reduce_min3A_186 [0] : vector<256x256xi32> to vector<256xi32>
      %broadcast_in_dim3A_188 = vector.shape_cast %reduce_min3A_187 : vector<256xi32> to vector<1x256xi32>
      %eq3A_189 = vector.broadcast %min3A_176 : vector<1x256xi32> to vector<8x256xi32>
      %eq3A_190 = arith.cmpi eq, %select_n3A_155, %eq3A_189 : vector<8x256xi32>
      %jit3A_191 = arith.constant 1073741823 : i32
      %broadcast_in_dim3A_192 = vector.broadcast %jit3A_191 : i32 to vector<8x256xi32>
      %select_n3A_193 = arith.select %eq3A_190, %while3A_48, %broadcast_in_dim3A_192 : vector<8x256xi1>, vector<8x256xi32>
      %reduce_min3A_194 = arith.constant dense<2147483647> : vector<256xi32>
      %reduce_min3A_195 = vector.multi_reduction <minsi>, %select_n3A_193, %reduce_min3A_194 [0] : vector<8x256xi32> to vector<256xi32>
      %broadcast_in_dim3A_196 = vector.shape_cast %reduce_min3A_195 : vector<256xi32> to vector<1x256xi32>
      %le3A_197 = arith.cmpi sle, %broadcast_in_dim3A_172, %broadcast_in_dim3A_175 : vector<1x256xi32>
      %select_n3A_198 = arith.select %le3A_197, %broadcast_in_dim3A_196, %broadcast_in_dim3A_188 : vector<1x256xi1>, vector<1x256xi32>
      %eq3A_199 = vector.broadcast %min3A_176 : vector<1x256xi32> to vector<8x256xi32>
      %eq3A_200 = arith.cmpi eq, %select_n3A_155, %eq3A_199 : vector<8x256xi32>
      %broadcast_in_dim3A_201 = vector.broadcast %while3A : i32 to vector<8x256xi32>
      %select_n3A_202 = arith.select %eq3A_200, %broadcast_in_dim3A_201, %select_n3A_155 : vector<8x256xi1>, vector<8x256xi32>
      %broadcast_in_dim3A_203 = vector.broadcast %while3A : i32 to vector<256x256xi32>
      %select_n3A_204 = arith.select %eq3A_178, %broadcast_in_dim3A_203, %select_n3A_157 : vector<256x256xi1>, vector<256x256xi32>
      %eq3A_205 = arith.constant 2 : i32
      %eq3A_206 = vector.broadcast %eq3A_205 : i32 to vector<8x256xi32>
      %eq3A_207 = arith.cmpi eq, %iota3A_26, %eq3A_206 : vector<8x256xi32>
      %broadcast_in_dim3A_208 = vector.shape_cast %min3A_176 : vector<1x256xi32> to vector<1x256xi32>
      %broadcast_in_dim3A_209 = vector.broadcast %broadcast_in_dim3A_208 : vector<1x256xi32> to vector<8x256xi32>
      %select_n3A_210 = arith.select %eq3A_207, %broadcast_in_dim3A_209, %select_n3A_163 : vector<8x256xi1>, vector<8x256xi32>
      %eq3A_211 = arith.constant 2 : i32
      %eq3A_212 = vector.broadcast %eq3A_211 : i32 to vector<8x256xi32>
      %eq3A_213 = arith.cmpi eq, %iota3A_26, %eq3A_212 : vector<8x256xi32>
      %broadcast_in_dim3A_214 = vector.shape_cast %select_n3A_198 : vector<1x256xi32> to vector<1x256xi32>
      %broadcast_in_dim3A_215 = vector.broadcast %broadcast_in_dim3A_214 : vector<1x256xi32> to vector<8x256xi32>
      %select_n3A_216 = arith.select %eq3A_213, %broadcast_in_dim3A_215, %select_n3A_169 : vector<8x256xi1>, vector<8x256xi32>
      %reduce_min3A_217 = arith.constant dense<2147483647> : vector<256xi32>
      %reduce_min3A_218 = vector.multi_reduction <minsi>, %select_n3A_202, %reduce_min3A_217 [0] : vector<8x256xi32> to vector<256xi32>
      %broadcast_in_dim3A_219 = vector.shape_cast %reduce_min3A_218 : vector<256xi32> to vector<1x256xi32>
      %reduce_min3A_220 = arith.constant dense<2147483647> : vector<256xi32>
      %reduce_min3A_221 = vector.multi_reduction <minsi>, %select_n3A_204, %reduce_min3A_220 [0] : vector<256x256xi32> to vector<256xi32>
      %broadcast_in_dim3A_222 = vector.shape_cast %reduce_min3A_221 : vector<256xi32> to vector<1x256xi32>
      %min3A_223 = arith.minsi %broadcast_in_dim3A_219, %broadcast_in_dim3A_222 : vector<1x256xi32>
      %eq3A_224 = vector.broadcast %min3A_223 : vector<1x256xi32> to vector<256x256xi32>
      %eq3A_225 = arith.cmpi eq, %select_n3A_204, %eq3A_224 : vector<256x256xi32>
      %add3A_226 = vector.broadcast %multiple_of3A : i32 to vector<256x1xi32>
      %add3A_227 = arith.addi %add3A_226, %iota3A_58 : vector<256x1xi32>
      %jit3A_228 = arith.constant 1073741823 : i32
      %broadcast_in_dim3A_229 = vector.shape_cast %add3A_227 : vector<256x1xi32> to vector<256x1xi32>
      %broadcast_in_dim3A_230 = vector.broadcast %broadcast_in_dim3A_229 : vector<256x1xi32> to vector<256x256xi32>
      %broadcast_in_dim3A_231 = vector.broadcast %jit3A_228 : i32 to vector<256x256xi32>
      %select_n3A_232 = arith.select %eq3A_225, %broadcast_in_dim3A_230, %broadcast_in_dim3A_231 : vector<256x256xi1>, vector<256x256xi32>
      %reduce_min3A_233 = arith.constant dense<2147483647> : vector<256xi32>
      %reduce_min3A_234 = vector.multi_reduction <minsi>, %select_n3A_232, %reduce_min3A_233 [0] : vector<256x256xi32> to vector<256xi32>
      %broadcast_in_dim3A_235 = vector.shape_cast %reduce_min3A_234 : vector<256xi32> to vector<1x256xi32>
      %eq3A_236 = vector.broadcast %min3A_223 : vector<1x256xi32> to vector<8x256xi32>
      %eq3A_237 = arith.cmpi eq, %select_n3A_202, %eq3A_236 : vector<8x256xi32>
      %jit3A_238 = arith.constant 1073741823 : i32
      %broadcast_in_dim3A_239 = vector.broadcast %jit3A_238 : i32 to vector<8x256xi32>
      %select_n3A_240 = arith.select %eq3A_237, %while3A_48, %broadcast_in_dim3A_239 : vector<8x256xi1>, vector<8x256xi32>
      %reduce_min3A_241 = arith.constant dense<2147483647> : vector<256xi32>
      %reduce_min3A_242 = vector.multi_reduction <minsi>, %select_n3A_240, %reduce_min3A_241 [0] : vector<8x256xi32> to vector<256xi32>
      %broadcast_in_dim3A_243 = vector.shape_cast %reduce_min3A_242 : vector<256xi32> to vector<1x256xi32>
      %le3A_244 = arith.cmpi sle, %broadcast_in_dim3A_219, %broadcast_in_dim3A_222 : vector<1x256xi32>
      %select_n3A_245 = arith.select %le3A_244, %broadcast_in_dim3A_243, %broadcast_in_dim3A_235 : vector<1x256xi1>, vector<1x256xi32>
      %eq3A_246 = vector.broadcast %min3A_223 : vector<1x256xi32> to vector<8x256xi32>
      %eq3A_247 = arith.cmpi eq, %select_n3A_202, %eq3A_246 : vector<8x256xi32>
      %broadcast_in_dim3A_248 = vector.broadcast %while3A : i32 to vector<8x256xi32>
      %select_n3A_249 = arith.select %eq3A_247, %broadcast_in_dim3A_248, %select_n3A_202 : vector<8x256xi1>, vector<8x256xi32>
      %broadcast_in_dim3A_250 = vector.broadcast %while3A : i32 to vector<256x256xi32>
      %select_n3A_251 = arith.select %eq3A_225, %broadcast_in_dim3A_250, %select_n3A_204 : vector<256x256xi1>, vector<256x256xi32>
      %eq3A_252 = arith.constant 3 : i32
      %eq3A_253 = vector.broadcast %eq3A_252 : i32 to vector<8x256xi32>
      %eq3A_254 = arith.cmpi eq, %iota3A_26, %eq3A_253 : vector<8x256xi32>
      %broadcast_in_dim3A_255 = vector.shape_cast %min3A_223 : vector<1x256xi32> to vector<1x256xi32>
      %broadcast_in_dim3A_256 = vector.broadcast %broadcast_in_dim3A_255 : vector<1x256xi32> to vector<8x256xi32>
      %select_n3A_257 = arith.select %eq3A_254, %broadcast_in_dim3A_256, %select_n3A_210 : vector<8x256xi1>, vector<8x256xi32>
      %eq3A_258 = arith.constant 3 : i32
      %eq3A_259 = vector.broadcast %eq3A_258 : i32 to vector<8x256xi32>
      %eq3A_260 = arith.cmpi eq, %iota3A_26, %eq3A_259 : vector<8x256xi32>
      %broadcast_in_dim3A_261 = vector.shape_cast %select_n3A_245 : vector<1x256xi32> to vector<1x256xi32>
      %broadcast_in_dim3A_262 = vector.broadcast %broadcast_in_dim3A_261 : vector<1x256xi32> to vector<8x256xi32>
      %select_n3A_263 = arith.select %eq3A_260, %broadcast_in_dim3A_262, %select_n3A_216 : vector<8x256xi1>, vector<8x256xi32>
      %reduce_min3A_264 = arith.constant dense<2147483647> : vector<256xi32>
      %reduce_min3A_265 = vector.multi_reduction <minsi>, %select_n3A_249, %reduce_min3A_264 [0] : vector<8x256xi32> to vector<256xi32>
      %broadcast_in_dim3A_266 = vector.shape_cast %reduce_min3A_265 : vector<256xi32> to vector<1x256xi32>
      %reduce_min3A_267 = arith.constant dense<2147483647> : vector<256xi32>
      %reduce_min3A_268 = vector.multi_reduction <minsi>, %select_n3A_251, %reduce_min3A_267 [0] : vector<256x256xi32> to vector<256xi32>
      %broadcast_in_dim3A_269 = vector.shape_cast %reduce_min3A_268 : vector<256xi32> to vector<1x256xi32>
      %min3A_270 = arith.minsi %broadcast_in_dim3A_266, %broadcast_in_dim3A_269 : vector<1x256xi32>
      %eq3A_271 = vector.broadcast %min3A_270 : vector<1x256xi32> to vector<256x256xi32>
      %eq3A_272 = arith.cmpi eq, %select_n3A_251, %eq3A_271 : vector<256x256xi32>
      %add3A_273 = vector.broadcast %multiple_of3A : i32 to vector<256x1xi32>
      %add3A_274 = arith.addi %add3A_273, %iota3A_58 : vector<256x1xi32>
      %jit3A_275 = arith.constant 1073741823 : i32
      %broadcast_in_dim3A_276 = vector.shape_cast %add3A_274 : vector<256x1xi32> to vector<256x1xi32>
      %broadcast_in_dim3A_277 = vector.broadcast %broadcast_in_dim3A_276 : vector<256x1xi32> to vector<256x256xi32>
      %broadcast_in_dim3A_278 = vector.broadcast %jit3A_275 : i32 to vector<256x256xi32>
      %select_n3A_279 = arith.select %eq3A_272, %broadcast_in_dim3A_277, %broadcast_in_dim3A_278 : vector<256x256xi1>, vector<256x256xi32>
      %reduce_min3A_280 = arith.constant dense<2147483647> : vector<256xi32>
      %reduce_min3A_281 = vector.multi_reduction <minsi>, %select_n3A_279, %reduce_min3A_280 [0] : vector<256x256xi32> to vector<256xi32>
      %broadcast_in_dim3A_282 = vector.shape_cast %reduce_min3A_281 : vector<256xi32> to vector<1x256xi32>
      %eq3A_283 = vector.broadcast %min3A_270 : vector<1x256xi32> to vector<8x256xi32>
      %eq3A_284 = arith.cmpi eq, %select_n3A_249, %eq3A_283 : vector<8x256xi32>
      %jit3A_285 = arith.constant 1073741823 : i32
      %broadcast_in_dim3A_286 = vector.broadcast %jit3A_285 : i32 to vector<8x256xi32>
      %select_n3A_287 = arith.select %eq3A_284, %while3A_48, %broadcast_in_dim3A_286 : vector<8x256xi1>, vector<8x256xi32>
      %reduce_min3A_288 = arith.constant dense<2147483647> : vector<256xi32>
      %reduce_min3A_289 = vector.multi_reduction <minsi>, %select_n3A_287, %reduce_min3A_288 [0] : vector<8x256xi32> to vector<256xi32>
      %broadcast_in_dim3A_290 = vector.shape_cast %reduce_min3A_289 : vector<256xi32> to vector<1x256xi32>
      %le3A_291 = arith.cmpi sle, %broadcast_in_dim3A_266, %broadcast_in_dim3A_269 : vector<1x256xi32>
      %select_n3A_292 = arith.select %le3A_291, %broadcast_in_dim3A_290, %broadcast_in_dim3A_282 : vector<1x256xi1>, vector<1x256xi32>
      %eq3A_293 = vector.broadcast %min3A_270 : vector<1x256xi32> to vector<8x256xi32>
      %eq3A_294 = arith.cmpi eq, %select_n3A_249, %eq3A_293 : vector<8x256xi32>
      %broadcast_in_dim3A_295 = vector.broadcast %while3A : i32 to vector<8x256xi32>
      %select_n3A_296 = arith.select %eq3A_294, %broadcast_in_dim3A_295, %select_n3A_249 : vector<8x256xi1>, vector<8x256xi32>
      %broadcast_in_dim3A_297 = vector.broadcast %while3A : i32 to vector<256x256xi32>
      %select_n3A_298 = arith.select %eq3A_272, %broadcast_in_dim3A_297, %select_n3A_251 : vector<256x256xi1>, vector<256x256xi32>
      %eq3A_299 = arith.constant 4 : i32
      %eq3A_300 = vector.broadcast %eq3A_299 : i32 to vector<8x256xi32>
      %eq3A_301 = arith.cmpi eq, %iota3A_26, %eq3A_300 : vector<8x256xi32>
      %broadcast_in_dim3A_302 = vector.shape_cast %min3A_270 : vector<1x256xi32> to vector<1x256xi32>
      %broadcast_in_dim3A_303 = vector.broadcast %broadcast_in_dim3A_302 : vector<1x256xi32> to vector<8x256xi32>
      %select_n3A_304 = arith.select %eq3A_301, %broadcast_in_dim3A_303, %select_n3A_257 : vector<8x256xi1>, vector<8x256xi32>
      %eq3A_305 = arith.constant 4 : i32
      %eq3A_306 = vector.broadcast %eq3A_305 : i32 to vector<8x256xi32>
      %eq3A_307 = arith.cmpi eq, %iota3A_26, %eq3A_306 : vector<8x256xi32>
      %broadcast_in_dim3A_308 = vector.shape_cast %select_n3A_292 : vector<1x256xi32> to vector<1x256xi32>
      %broadcast_in_dim3A_309 = vector.broadcast %broadcast_in_dim3A_308 : vector<1x256xi32> to vector<8x256xi32>
      %select_n3A_310 = arith.select %eq3A_307, %broadcast_in_dim3A_309, %select_n3A_263 : vector<8x256xi1>, vector<8x256xi32>
      scf.yield %select_n3A_304, %select_n3A_310 : vector<8x256xi32>, vector<8x256xi32>
    }
    %swap3A_43 = arith.constant 0 : index
    %swap3A_44 = arith.constant 0 : index
    %swap3A_45 = vector.load %arg9[%swap3A_43, %swap3A_44] : memref<8x256xi32, #tpu.memory_space<vmem>>, vector<8x256xi32>
    tpu.vector_store %arg9[%swap3A_43, %swap3A_44], %while3A_42#1 {strides = array<i32>} : memref<8x256xi32, #tpu.memory_space<vmem>>, vector<8x256xi32>,
    return
  }
  func.func @transform_0(%arg0: i32, %arg1: memref<40xi32, #tpu.memory_space<smem>>, %arg2: memref<40xi32, #tpu.memory_space<smem>>) -> (i32, i32) {
    %c0_i32 = arith.constant 0 : i32
    %c0_i32_0 = arith.constant 0 : i32
    %c0_i32_1 = arith.constant 0 : i32
    return %c0_i32, %c0_i32_0 : i32, i32
  }
  func.func @transform_1(%arg0: i32, %arg1: memref<40xi32, #tpu.memory_space<smem>>, %arg2: memref<40xi32, #tpu.memory_space<smem>>) -> (i32, i32) {
    %c0_i32 = arith.constant 0 : i32
    %c0_i32_0 = arith.constant 0 : i32
    return %arg0, %c0_i32 : i32, i32
  }
  func.func @transform_2(%arg0: i32, %arg1: memref<40xi32, #tpu.memory_space<smem>>, %arg2: memref<40xi32, #tpu.memory_space<smem>>) -> (i32, i32) {
    %c0_i32 = arith.constant 0 : i32
    %c0_i32_0 = arith.constant 0 : i32
    return %c0_i32, %arg0 : i32, i32
  }
  func.func @transform_3(%arg0: i32, %arg1: memref<40xi32, #tpu.memory_space<smem>>, %arg2: memref<40xi32, #tpu.memory_space<smem>>) -> (i32, i32) {
    %c0_i32 = arith.constant 0 : i32
    %c0_i32_0 = arith.constant 0 : i32
    return %c0_i32, %arg0 : i32, i32
  }
  func.func @transform_4(%arg0: i32, %arg1: memref<40xi32, #tpu.memory_space<smem>>, %arg2: memref<40xi32, #tpu.memory_space<smem>>) -> (i32, i32) {
    %c0_i32 = arith.constant 0 : i32
    %c0_i32_0 = arith.constant 0 : i32
    return %c0_i32, %arg0 : i32, i32
  }
  func.func @transform_5(%arg0: i32, %arg1: memref<40xi32, #tpu.memory_space<smem>>, %arg2: memref<40xi32, #tpu.memory_space<smem>>) -> (i32, i32) {
    %c0_i32 = arith.constant 0 : i32
    %c0_i32_0 = arith.constant 0 : i32
    %c0_i32_1 = arith.constant 0 : i32
    return %c0_i32, %c0_i32_0 : i32, i32
  }
  func.func @transform_6(%arg0: i32, %arg1: memref<40xi32, #tpu.memory_space<smem>>, %arg2: memref<40xi32, #tpu.memory_space<smem>>) -> (i32, i32) {
    %c0_i32 = arith.constant 0 : i32
    %c0_i32_0 = arith.constant 0 : i32
    return %c0_i32, %arg0 : i32, i32
  }
  func.func @transform_7(%arg0: i32, %arg1: memref<40xi32, #tpu.memory_space<smem>>, %arg2: memref<40xi32, #tpu.memory_space<smem>>) -> (i32, i32) {
    %c0_i32 = arith.constant 0 : i32
    %c0_i32_0 = arith.constant 0 : i32
    return %arg0, %c0_i32 : i32, i32
  }
}

module attributes {stable_mosaic.version = 14 : i64} {
  func.func @_mm_relu_body(%arg0: i32, %arg1: memref<10240x128xf32, #tpu.memory_space<vmem>>, %arg2: memref<128x128xf32, #tpu.memory_space<vmem>>, %arg3: memref<1x128xf32, #tpu.memory_space<vmem>>, %arg4: memref<10240x128xf32, #tpu.memory_space<vmem>>) attributes {dimension_semantics = [#tpu.dimension_semantics<arbitrary>], iteration_bounds = array<i64: 1>, scalar_prefetch = 0 : i64, scratch_operands = 0 : i64, tpu.core_type = #tpu.core_type<tc>, window_params = [{pipeline_mode = #tpu.pipeline_mode<synchronous>, transform_indices = @transform_0, window_bounds = array<i64: 10240, 128>}, {pipeline_mode = #tpu.pipeline_mode<synchronous>, transform_indices = @transform_1, window_bounds = array<i64: 128, 128>}, {pipeline_mode = #tpu.pipeline_mode<synchronous>, transform_indices = @transform_2, window_bounds = array<i64: 1, 128>}, {pipeline_mode = #tpu.pipeline_mode<synchronous>, transform_indices = @transform_3, window_bounds = array<i64: 10240, 128>}]} {
    %get3A = arith.constant 0 : index
    %get3A_0 = arith.constant 0 : index
    %get3A_1 = vector.load %arg1[%get3A, %get3A_0] : memref<10240x128xf32, #tpu.memory_space<vmem>>, vector<10240x128xf32>
    %mul3A = arith.constant 0.166666672 : f32
    %mul3A_2 = vector.broadcast %mul3A : f32 to vector<10240x128xf32>
    %mul3A_3 = arith.mulf %get3A_1, %mul3A_2 : vector<10240x128xf32>
    %get3A_4 = arith.constant 0 : index
    %get3A_5 = arith.constant 0 : index
    %get3A_6 = vector.load %arg2[%get3A_4, %get3A_5] : memref<128x128xf32, #tpu.memory_space<vmem>>, vector<128x128xf32>
    %dot_general3A = arith.constant dense<0.000000e+00> : vector<10240x128xf32>
    %dot_general3A_7 = tpu.matmul %mul3A_3, %get3A_6, %dot_general3A {dimension_numbers = #tpu.dot_dimension_numbers<[1], [0], [0], [1], [0, 0, 1, 1], [], []>, transpose_lhs_hint = false} : vector<10240x128xf32>, vector<128x128xf32>, vector<10240x128xf32> -> vector<10240x128xf32>
    %get3A_8 = arith.constant 0 : index
    %get3A_9 = arith.constant 0 : index
    %get3A_10 = vector.load %arg3[%get3A_8, %get3A_9] : memref<1x128xf32, #tpu.memory_space<vmem>>, vector<1x128xf32>
    %add3A = vector.broadcast %get3A_10 : vector<1x128xf32> to vector<10240x128xf32>
    %add3A_11 = arith.addf %dot_general3A_7, %add3A : vector<10240x128xf32>
    %max3A = arith.constant 0.000000e+00 : f32
    %max3A_12 = vector.broadcast %max3A : f32 to vector<10240x128xf32>
    %max3A_13 = arith.maximumf %add3A_11, %max3A_12 : vector<10240x128xf32>
    %swap3A = arith.constant 0 : index
    %swap3A_14 = arith.constant 0 : index
    %swap3A_15 = vector.load %arg4[%swap3A, %swap3A_14] : memref<10240x128xf32, #tpu.memory_space<vmem>>, vector<10240x128xf32>
    tpu.vector_store %arg4[%swap3A, %swap3A_14], %max3A_13 {strides = array<i32>} : memref<10240x128xf32, #tpu.memory_space<vmem>>, vector<10240x128xf32>,
    return
  }
  func.func @transform_0(%arg0: i32) -> (i32, i32) {
    %c0_i32 = arith.constant 0 : i32
    %c0_i32_0 = arith.constant 0 : i32
    %c0_i32_1 = arith.constant 0 : i32
    return %c0_i32, %c0_i32_0 : i32, i32
  }
  func.func @transform_1(%arg0: i32) -> (i32, i32) {
    %c0_i32 = arith.constant 0 : i32
    %c0_i32_0 = arith.constant 0 : i32
    %c0_i32_1 = arith.constant 0 : i32
    return %c0_i32, %c0_i32_0 : i32, i32
  }
  func.func @transform_2(%arg0: i32) -> (i32, i32) {
    %c0_i32 = arith.constant 0 : i32
    %c0_i32_0 = arith.constant 0 : i32
    %c0_i32_1 = arith.constant 0 : i32
    return %c0_i32, %c0_i32_0 : i32, i32
  }
  func.func @transform_3(%arg0: i32) -> (i32, i32) {
    %c0_i32 = arith.constant 0 : i32
    %c0_i32_0 = arith.constant 0 : i32
    %c0_i32_1 = arith.constant 0 : i32
    return %c0_i32, %c0_i32_0 : i32, i32
  }
}

module attributes {stable_mosaic.version = 14 : i64} {
  func.func @_final_body(%arg0: i32, %arg1: memref<10240x128xf32, #tpu.memory_space<vmem>>, %arg2: memref<128x128xf32, #tpu.memory_space<vmem>>, %arg3: memref<1x128xf32, #tpu.memory_space<vmem>>, %arg4: memref<1x10240xf32, #tpu.memory_space<vmem>>, %arg5: memref<128x64xf32, #tpu.memory_space<vmem>>, %arg6: memref<1x64xf32, #tpu.memory_space<vmem>>, %arg7: memref<64x32xf32, #tpu.memory_space<vmem>>, %arg8: memref<1x32xf32, #tpu.memory_space<vmem>>, %arg9: memref<32x1xf32, #tpu.memory_space<vmem>>, %arg10: memref<1x1xf32, #tpu.memory_space<vmem>>, %arg11: memref<64x1xf32, #tpu.memory_space<vmem>>) attributes {dimension_semantics = [#tpu.dimension_semantics<arbitrary>], iteration_bounds = array<i64: 1>, scalar_prefetch = 0 : i64, scratch_operands = 0 : i64, tpu.core_type = #tpu.core_type<tc>, window_params = [{pipeline_mode = #tpu.pipeline_mode<synchronous>, transform_indices = @transform_0, window_bounds = array<i64: 10240, 128>}, {pipeline_mode = #tpu.pipeline_mode<synchronous>, transform_indices = @transform_1, window_bounds = array<i64: 128, 128>}, {pipeline_mode = #tpu.pipeline_mode<synchronous>, transform_indices = @transform_2, window_bounds = array<i64: 1, 128>}, {pipeline_mode = #tpu.pipeline_mode<synchronous>, transform_indices = @transform_3, window_bounds = array<i64: 1, 10240>}, {pipeline_mode = #tpu.pipeline_mode<synchronous>, transform_indices = @transform_4, window_bounds = array<i64: 128, 64>}, {pipeline_mode = #tpu.pipeline_mode<synchronous>, transform_indices = @transform_5, window_bounds = array<i64: 1, 64>}, {pipeline_mode = #tpu.pipeline_mode<synchronous>, transform_indices = @transform_6, window_bounds = array<i64: 64, 32>}, {pipeline_mode = #tpu.pipeline_mode<synchronous>, transform_indices = @transform_7, window_bounds = array<i64: 1, 32>}, {pipeline_mode = #tpu.pipeline_mode<synchronous>, transform_indices = @transform_8, window_bounds = array<i64: 32, 1>}, {pipeline_mode = #tpu.pipeline_mode<synchronous>, transform_indices = @transform_9, window_bounds = array<i64: 1, 1>}, {pipeline_mode = #tpu.pipeline_mode<synchronous>, transform_indices = @transform_10, window_bounds = array<i64: 64, 1>}]} {
    %get3A = arith.constant 0 : index
    %get3A_0 = arith.constant 0 : index
    %get3A_1 = vector.load %arg1[%get3A, %get3A_0] : memref<10240x128xf32, #tpu.memory_space<vmem>>, vector<10240x128xf32>
    %mul3A = arith.constant 0.166666672 : f32
    %mul3A_2 = vector.broadcast %mul3A : f32 to vector<10240x128xf32>
    %mul3A_3 = arith.mulf %get3A_1, %mul3A_2 : vector<10240x128xf32>
    %get3A_4 = arith.constant 0 : index
    %get3A_5 = arith.constant 0 : index
    %get3A_6 = vector.load %arg2[%get3A_4, %get3A_5] : memref<128x128xf32, #tpu.memory_space<vmem>>, vector<128x128xf32>
    %dot_general3A = arith.constant dense<0.000000e+00> : vector<10240x128xf32>
    %dot_general3A_7 = tpu.matmul %mul3A_3, %get3A_6, %dot_general3A {dimension_numbers = #tpu.dot_dimension_numbers<[1], [0], [0], [1], [0, 0, 1, 1], [], []>, transpose_lhs_hint = false} : vector<10240x128xf32>, vector<128x128xf32>, vector<10240x128xf32> -> vector<10240x128xf32>
    %get3A_8 = arith.constant 0 : index
    %get3A_9 = arith.constant 0 : index
    %get3A_10 = vector.load %arg3[%get3A_8, %get3A_9] : memref<1x128xf32, #tpu.memory_space<vmem>>, vector<1x128xf32>
    %add3A = vector.broadcast %get3A_10 : vector<1x128xf32> to vector<10240x128xf32>
    %add3A_11 = arith.addf %dot_general3A_7, %add3A : vector<10240x128xf32>
    %max3A = arith.constant 0.000000e+00 : f32
    %max3A_12 = vector.broadcast %max3A : f32 to vector<10240x128xf32>
    %max3A_13 = arith.maximumf %add3A_11, %max3A_12 : vector<10240x128xf32>
    %iota3A = tpu.iota {dimensions = array<i32: 0>} : vector<64x1xi32>
    %convert_element_type3A = arith.sitofp %iota3A : vector<64x1xi32> to vector<64x1xf32>
    %get3A_14 = arith.constant 0 : index
    %get3A_15 = arith.constant 0 : index
    %get3A_16 = vector.load %arg4[%get3A_14, %get3A_15] : memref<1x10240xf32, #tpu.memory_space<vmem>>, vector<1x10240xf32>
    %eq3A = vector.broadcast %convert_element_type3A : vector<64x1xf32> to vector<64x10240xf32>
    %eq3A_17 = vector.broadcast %get3A_16 : vector<1x10240xf32> to vector<64x10240xf32>
    %eq3A_18 = arith.cmpf oeq, %eq3A, %eq3A_17 : vector<64x10240xf32>
    %convert_element_type3A_19 = arith.extui %eq3A_18 : vector<64x10240xi1> to vector<64x10240xi32>
    %convert_element_type3A_20 = arith.sitofp %convert_element_type3A_19 : vector<64x10240xi32> to vector<64x10240xf32>
    %dot_general3A_21 = arith.constant dense<0.000000e+00> : vector<64x128xf32>
    %dot_general3A_22 = tpu.matmul %convert_element_type3A_20, %max3A_13, %dot_general3A_21 {dimension_numbers = #tpu.dot_dimension_numbers<[1], [0], [0], [1], [0, 0, 1, 1], [], []>, transpose_lhs_hint = false} : vector<64x10240xf32>, vector<10240x128xf32>, vector<64x128xf32> -> vector<64x128xf32>
    %reduce_sum3A = arith.constant dense<0.000000e+00> : vector<64xf32>
    %reduce_sum3A_23 = vector.multi_reduction <add>, %convert_element_type3A_20, %reduce_sum3A [1] : vector<64x10240xf32> to vector<64xf32>
    %broadcast_in_dim3A = vector.shape_cast %reduce_sum3A_23 : vector<64xf32> to vector<64x1xf32>
    %max3A_24 = arith.constant 1.000000e+00 : f32
    %max3A_25 = vector.broadcast %max3A_24 : f32 to vector<64x1xf32>
    %max3A_26 = arith.maximumf %broadcast_in_dim3A, %max3A_25 : vector<64x1xf32>
    %div3A = vector.broadcast %max3A_26 : vector<64x1xf32> to vector<64x128xf32>
    %div3A_27 = arith.divf %dot_general3A_22, %div3A : vector<64x128xf32>
    %get3A_28 = arith.constant 0 : index
    %get3A_29 = arith.constant 0 : index
    %get3A_30 = vector.load %arg5[%get3A_28, %get3A_29] : memref<128x64xf32, #tpu.memory_space<vmem>>, vector<128x64xf32>
    %dot_general3A_31 = arith.constant dense<0.000000e+00> : vector<64x64xf32>
    %dot_general3A_32 = tpu.matmul %div3A_27, %get3A_30, %dot_general3A_31 {dimension_numbers = #tpu.dot_dimension_numbers<[1], [0], [0], [1], [0, 0, 1, 1], [], []>, transpose_lhs_hint = false} : vector<64x128xf32>, vector<128x64xf32>, vector<64x64xf32> -> vector<64x64xf32>
    %get3A_33 = arith.constant 0 : index
    %get3A_34 = arith.constant 0 : index
    %get3A_35 = vector.load %arg6[%get3A_33, %get3A_34] : memref<1x64xf32, #tpu.memory_space<vmem>>, vector<1x64xf32>
    %add3A_36 = vector.broadcast %get3A_35 : vector<1x64xf32> to vector<64x64xf32>
    %add3A_37 = arith.addf %dot_general3A_32, %add3A_36 : vector<64x64xf32>
    %max3A_38 = arith.constant 0.000000e+00 : f32
    %max3A_39 = vector.broadcast %max3A_38 : f32 to vector<64x64xf32>
    %max3A_40 = arith.maximumf %add3A_37, %max3A_39 : vector<64x64xf32>
    %get3A_41 = arith.constant 0 : index
    %get3A_42 = arith.constant 0 : index
    %get3A_43 = vector.load %arg7[%get3A_41, %get3A_42] : memref<64x32xf32, #tpu.memory_space<vmem>>, vector<64x32xf32>
    %dot_general3A_44 = arith.constant dense<0.000000e+00> : vector<64x32xf32>
    %dot_general3A_45 = tpu.matmul %max3A_40, %get3A_43, %dot_general3A_44 {dimension_numbers = #tpu.dot_dimension_numbers<[1], [0], [0], [1], [0, 0, 1, 1], [], []>, transpose_lhs_hint = false} : vector<64x64xf32>, vector<64x32xf32>, vector<64x32xf32> -> vector<64x32xf32>
    %get3A_46 = arith.constant 0 : index
    %get3A_47 = arith.constant 0 : index
    %get3A_48 = vector.load %arg8[%get3A_46, %get3A_47] : memref<1x32xf32, #tpu.memory_space<vmem>>, vector<1x32xf32>
    %add3A_49 = vector.broadcast %get3A_48 : vector<1x32xf32> to vector<64x32xf32>
    %add3A_50 = arith.addf %dot_general3A_45, %add3A_49 : vector<64x32xf32>
    %max3A_51 = arith.constant 0.000000e+00 : f32
    %max3A_52 = vector.broadcast %max3A_51 : f32 to vector<64x32xf32>
    %max3A_53 = arith.maximumf %add3A_50, %max3A_52 : vector<64x32xf32>
    %get3A_54 = arith.constant 0 : index
    %get3A_55 = arith.constant 0 : index
    %get3A_56 = vector.load %arg9[%get3A_54, %get3A_55] : memref<32x1xf32, #tpu.memory_space<vmem>>, vector<32x1xf32>
    %dot_general3A_57 = arith.constant dense<0.000000e+00> : vector<64x1xf32>
    %dot_general3A_58 = tpu.matmul %max3A_53, %get3A_56, %dot_general3A_57 {dimension_numbers = #tpu.dot_dimension_numbers<[1], [0], [0], [1], [0, 0, 1, 1], [], []>, transpose_lhs_hint = false} : vector<64x32xf32>, vector<32x1xf32>, vector<64x1xf32> -> vector<64x1xf32>
    %get3A_59 = arith.constant 0 : index
    %get3A_60 = arith.constant 0 : index
    %get3A_61 = vector.load %arg10[%get3A_59, %get3A_60] : memref<1x1xf32, #tpu.memory_space<vmem>>, vector<1x1xf32>
    %add3A_62 = vector.broadcast %get3A_61 : vector<1x1xf32> to vector<64x1xf32>
    %add3A_63 = arith.addf %dot_general3A_58, %add3A_62 : vector<64x1xf32>
    %swap3A = arith.constant 0 : index
    %swap3A_64 = arith.constant 0 : index
    %swap3A_65 = vector.load %arg11[%swap3A, %swap3A_64] : memref<64x1xf32, #tpu.memory_space<vmem>>, vector<64x1xf32>
    tpu.vector_store %arg11[%swap3A, %swap3A_64], %add3A_63 {strides = array<i32>} : memref<64x1xf32, #tpu.memory_space<vmem>>, vector<64x1xf32>,
    return
  }
  func.func @transform_0(%arg0: i32) -> (i32, i32) {
    %c0_i32 = arith.constant 0 : i32
    %c0_i32_0 = arith.constant 0 : i32
    %c0_i32_1 = arith.constant 0 : i32
    return %c0_i32, %c0_i32_0 : i32, i32
  }
  func.func @transform_1(%arg0: i32) -> (i32, i32) {
    %c0_i32 = arith.constant 0 : i32
    %c0_i32_0 = arith.constant 0 : i32
    %c0_i32_1 = arith.constant 0 : i32
    return %c0_i32, %c0_i32_0 : i32, i32
  }
  func.func @transform_2(%arg0: i32) -> (i32, i32) {
    %c0_i32 = arith.constant 0 : i32
    %c0_i32_0 = arith.constant 0 : i32
    %c0_i32_1 = arith.constant 0 : i32
    return %c0_i32, %c0_i32_0 : i32, i32
  }
  func.func @transform_3(%arg0: i32) -> (i32, i32) {
    %c0_i32 = arith.constant 0 : i32
    %c0_i32_0 = arith.constant 0 : i32
    %c0_i32_1 = arith.constant 0 : i32
    return %c0_i32, %c0_i32_0 : i32, i32
  }
  func.func @transform_4(%arg0: i32) -> (i32, i32) {
    %c0_i32 = arith.constant 0 : i32
    %c0_i32_0 = arith.constant 0 : i32
    %c0_i32_1 = arith.constant 0 : i32
    return %c0_i32, %c0_i32_0 : i32, i32
  }
  func.func @transform_5(%arg0: i32) -> (i32, i32) {
    %c0_i32 = arith.constant 0 : i32
    %c0_i32_0 = arith.constant 0 : i32
    %c0_i32_1 = arith.constant 0 : i32
    return %c0_i32, %c0_i32_0 : i32, i32
  }
  func.func @transform_6(%arg0: i32) -> (i32, i32) {
    %c0_i32 = arith.constant 0 : i32
    %c0_i32_0 = arith.constant 0 : i32
    %c0_i32_1 = arith.constant 0 : i32
    return %c0_i32, %c0_i32_0 : i32, i32
  }
  func.func @transform_7(%arg0: i32) -> (i32, i32) {
    %c0_i32 = arith.constant 0 : i32
    %c0_i32_0 = arith.constant 0 : i32
    %c0_i32_1 = arith.constant 0 : i32
    return %c0_i32, %c0_i32_0 : i32, i32
  }
  func.func @transform_8(%arg0: i32) -> (i32, i32) {
    %c0_i32 = arith.constant 0 : i32
    %c0_i32_0 = arith.constant 0 : i32
    %c0_i32_1 = arith.constant 0 : i32
    return %c0_i32, %c0_i32_0 : i32, i32
  }
  func.func @transform_9(%arg0: i32) -> (i32, i32) {
    %c0_i32 = arith.constant 0 : i32
    %c0_i32_0 = arith.constant 0 : i32
    %c0_i32_1 = arith.constant 0 : i32
    return %c0_i32, %c0_i32_0 : i32, i32
  }
  func.func @transform_10(%arg0: i32) -> (i32, i32) {
    %c0_i32 = arith.constant 0 : i32
    %c0_i32_0 = arith.constant 0 : i32
    %c0_i32_1 = arith.constant 0 : i32
    return %c0_i32, %c0_i32_0 : i32, i32
  }
}

</mosaic_0001>

<sc_bundles>
// kernel: kernel.12.cloned.1.call-start
scs
__scs_entry_jumppad:
0x0: {  	(pc) =	sbr.rel $0x88, $3  }
0x1: {  	(tag) =	ssettag $0x0;
	lr =	simm.s32 $0x1  }
0x2: {  	[smem:$0x3F91] =	sst lr;
	_ =	strace $0xD0000000  }
0x3: {  	_ = 	snop  }
0x4: {  	_ = 	snop  }
0x5: {  	_ = 	snop  }
0x6: {  	_ = 	snop  }
0x7: {  	_ = 	snop  }
__scs_overlays_trampoline_lowered:
0x8: {  	[smem:$0x3FA0] =	sst s0  }
0x9: {  	[smem:$0x3FA1] =	sst s1  }
0xa: {  	[smem:$0x3FA2] =	sst s2  }
0xb: {  	[smem:$0x3FA3] =	sst s3  }
0xc: {  	[smem:$0x3FA4] =	sst s4  }
0xd: {  	[smem:$0x3FA5] =	sst s5  }
0xe: {  	[smem:$0x3FA6] =	sst s6  }
0xf: {  	[smem:$0x3FA7] =	sst s7  }
0x10: {  	[smem:$0x3FA8] =	sst s8  }
0x11: {  	[smem:$0x3FA9] =	sst s9;
	s0 =	simm.s32 @!p0 $0x0  }
0x12: {  	s1 =	sld [smem:$0x3F8F];
	s0 =	simm.s32 @p0 $0x1  }
0x13: {  	[smem:$0x3FAA] =	sst s0;
	s0 =	simm.s32 @!p1 $0x0  }
0x14: {  	s2 =	sld [smem:$0x3F8E];
	s0 =	simm.s32 @p1 $0x1  }
0x15: {  	[smem:$0x3FAB] =	sst s0;
	s0 =	simm.s32 @!p2 $0x0  }
0x16: {  	s3 =	sld [smem:$0x3FDB];
	s0 =	simm.s32 @p2 $0x1  }
0x17: {  	s4 =	simm.s32 $0x1BF5;
	[smem:$0x3FAD] =	sst s0  }
0x18: {  	s0 =	sld [smem:$0x3F90];
	_ =	swait.ge [sflag:s4], $0x0  }
0x19: {  	s7 =	sld [smem:$0x3F91]  }
0x1a: {  	s8 =	sadd.s32 $0xFFFFE003, lr  }
0x1b: {  	s9 =	sadd.s32 $0xFFFFFEF7, lr;
	s5 =	simm.s32 $0xFFFFFFFF;
	p2 =	slt.u32 s8, $0xFFFFF086  }
0x1c: {  	p1 =	slt.u32 s9, $0xF7A;
	s5 =	simm.s32 @!p2 $0x0  }
0x1d: {  	s5 =	simm.s32 @p1 $0x1;
	p0 =	seq.s32 s7, s2  }
0x1e: {  	s7 =	smul.u32 @!p0 $0xF7A, s2;
	p2 =	seq.s32 @!p0 s5, $0x0  }
0x1f: {  	s9 =	smul.u32 $0xF7A, s1;
	s8 =	simm.s32 @!p0 $0x1BF5;
	p2 =	por !p2, p0  }
0x20: {  	[sflag:s8] =	ssyncset.s32 @!p0 $0xFFFFF086;
	s6 =	sadd.s32 @!p0 s3, s7;
	s7 =	simm.s32 @!p0 $0x108  }
0x21: {  	s3 =	sadd.s32 s3, s9;
	s6 =	sadd.s32 @!p0 $0x88, s6;
	s7 =	simm.s32 @p2 $0x1082  }
0x22: {  	[simem:s7], [sflag:s8] =	dma.local @!p0 [hbm:s6], $0xF7A  }
0x23: {  	s9 =	sor.u32 $0xD0000000, s2;
	s6 =	simm.s32 $0x108;
	_ =	swait.ge @!p0 [sflag:s8], $0x0  }
0x24: {  	s3 =	sadd.s32 $0x88, s3;
	s6 =	simm.s32 @!p1 $0x1082;
	[sflag:s4] =	ssyncset.s32 $0xFFFFF086  }
0x25: {  	[simem:s6], [sflag:s4] =	dma.local [hbm:s3], $0xF7A  }
0x26: {  	[smem:$0x3F91] =	sst s1;
	(tag) =	ssettag s2;
	_ =	strace s9  }
0x27: {  	s1 =	sld [smem:$0x3FA1]  }
0x28: {  	s2 =	sld [smem:$0x3FA2]  }
0x29: {  	s4 =	sld [smem:$0x3FA4]  }
0x2a: {  	p0 =	seq.s32 s5, $0x0;
	s5 =	sld [smem:$0x3FA5]  }
0x2b: {  	s6 =	sld [smem:$0x3FA6]  }
0x2c: {  	s7 =	sld [smem:$0x3FA7]  }
0x2d: {  	s3 =	simm.s32 $0x108;
	s8 =	sld [smem:$0x3FA8]  }
0x2e: {  	s3 =	simm.s32 @!p0 $0x1082;
	s9 =	sld [smem:$0x3FA9]  }
0x2f: {  	lr =	sadd.s32 s0, s3;
	s0 =	sld [smem:$0x3FA0]  }
0x30: {  	s3 =	sld [smem:$0x3FA3]  }
0x31: {  	[smem:$0x3FAC] =	sst s10  }
0x32: {  	s10 =	sld [smem:$0x3FAA];
	_ =	sdelay $0x3  }
0x33: {  	p0 =	seq.s32 s10, $0x1;
	s10 =	sld [smem:$0x3FAC];
	_ =	sdelay $0x3  }
0x34: {  	[smem:$0x3FAC] =	sst s10  }
0x35: {  	s10 =	sld [smem:$0x3FAB];
	_ =	sdelay $0x3  }
0x36: {  	p1 =	seq.s32 s10, $0x1;
	s10 =	sld [smem:$0x3FAC];
	_ =	sdelay $0x3  }
0x37: {  	[smem:$0x3FAC] =	sst s10  }
0x38: {  	s10 =	sld [smem:$0x3FAD]  }
0x39: {  	_ = 	snop;
	(pc) =	sbr.ind lr, $3  }
0x3a: {  	_ = 	snop  }
0x3b: {  	_ = 	snop  }
0x3c: {  	p2 =	seq.s32 s10, $0x1;
	s10 =	sld [smem:$0x3FAC]  }
0x3d: {  	_ =	shalt  }
0x3e: {  	_ =	shalt  }
0x3f: {  	_ =	shalt  }
0x40: {  	_ =	shalt  }
0x41: {  	_ =	shalt  }
0x42: {  	_ =	shalt  }
0x43: {  	_ =	shalt  }
0x44: {  	_ =	shalt  }
0x45: {  	_ =	shalt  }
0x46: {  	_ =	shalt  }
0x47: {  	_ =	shalt  }
0x48: {  	_ =	shalt  }
0x49: {  	_ =	shalt  }
0x4a: {  	_ =	shalt  }
0x4b: {  	_ =	shalt  }
0x4c: {  	_ =	shalt  }
0x4d: {  	_ =	shalt  }
0x4e: {  	_ =	shalt  }
0x4f: {  	_ =	shalt  }
0x50: {  	_ =	shalt  }
0x51: {  	_ =	shalt  }
0x52: {  	_ =	shalt  }
0x53: {  	_ =	shalt  }
0x54: {  	_ =	shalt  }
0x55: {  	_ =	shalt  }
0x56: {  	_ =	shalt  }
0x57: {  	_ =	shalt  }
0x58: {  	_ =	shalt  }
0x59: {  	_ =	shalt  }
0x5a: {  	_ =	shalt  }
0x5b: {  	_ =	shalt  }
0x5c: {  	_ =	shalt  }
0x5d: {  	_ =	shalt  }
0x5e: {  	_ =	shalt  }
0x5f: {  	_ =	shalt  }
0x60: {  	_ =	shalt  }
0x61: {  	_ =	shalt  }
0x62: {  	_ =	shalt  }
0x63: {  	_ =	shalt  }
0x64: {  	_ =	shalt  }
0x65: {  	_ =	shalt  }
0x66: {  	_ =	shalt  }
0x67: {  	_ =	shalt  }
0x68: {  	_ =	shalt  }
0x69: {  	_ =	shalt  }
0x6a: {  	_ =	shalt  }
0x6b: {  	_ =	shalt  }
0x6c: {  	_ =	shalt  }
0x6d: {  	_ =	shalt  }
0x6e: {  	_ =	shalt  }
0x6f: {  	_ =	shalt  }
0x70: {  	_ =	shalt  }
0x71: {  	_ =	shalt  }
0x72: {  	_ =	shalt  }
0x73: {  	_ =	shalt  }
0x74: {  	_ =	shalt  }
0x75: {  	_ =	shalt  }
0x76: {  	_ =	shalt  }
0x77: {  	_ =	shalt  }
0x78: {  	_ =	shalt  }
0x79: {  	_ =	shalt  }
0x7a: {  	_ =	shalt  }
0x7b: {  	_ =	shalt  }
0x7c: {  	_ =	shalt  }
0x7d: {  	_ =	shalt  }
0x7e: {  	_ =	shalt  }
0x7f: {  	_ =	shalt  }
0x80: {  	_ =	shalt  }
0x81: {  	_ =	shalt  }
0x82: {  	_ =	shalt  }
0x83: {  	_ =	shalt  }
0x84: {  	_ =	shalt  }
0x85: {  	_ =	shalt  }
0x86: {  	_ =	shalt  }
0x87: {  	_ =	shalt  }
.Lfunc_end0:
.L_simem_size_0:
called_computation.1_lowered:
.L_overlay_start_0:
0x88: {  	s2 =	sld [smem:$0x3FD9]  }
0x89: {  	s3 =	sld [smem:$0x3FFE];
	_ =	sdelay $0x1  }
0x8a: {  	s1 =	srdreg.scid  }
0x8b: {  	s0 =	sand.u32 $0x1, s1  }
0x8c: {  	s16 =	sshll.u32 s0, $0xA;
	s2 =	sadd.s32 s3, s2  }
0x8d: {  	s2 =	sadd.s32 s2, s16  }
0x8e: {  	[smem:$0x3FB8] =	sst s2  }
0x8f: {  	_ = 	snop  }
0x90: {  	(tm) =	ssettm $0x1  }
0x91: {  	s17 =	sld [smem:$0x3FFB];
	_ =	sdelay $0x3  }
0x92: {  	_ =	strace s17  }
0x93: {  	s2 =	sld [smem:$0x3FFC];
	_ =	sdelay $0x3  }
0x94: {  	_ =	strace s2  }
0x95: {  	s2 =	sld [smem:$0x3FFD];
	_ =	sdelay $0x3  }
0x96: {  	_ =	strace s2  }
0x97: {  	_ =	strace $0x8FFFFFFF  }
0x98: {  	s18 =	sld [smem:$0x3FDB];
	_ =	sdelay $0x1  }
0x99: {  	s19 =	simm.s32 $_scs_section_size  }
0x9a: {  	s4 =	simm.s32 $_size__tile_overlayer_lowered;
	s5 =	simm.s32 $_tile_overlayer_lowered  }
0x9b: {  	s22 =	simm.s32 $0x1BFF;
	s21 =	sshll.u32 s5, $0x1;
	s2 =	sadd.s32 s19, s18  }
0x9c: {  	s6 =	simm.s32 $0x0;
	s20 =	sshll.u32 s4, $0x1;
	s4 =	sadd.s32 s21, s2  }
0x9d: {  	[timem:s6], [sflag:s22] =	dma.local [hbm:s4], s20  }
0x9e: {  	_ =	swait.ge [sflag:s22], s20  }
0x9f: {  	s3 =	ssub.s32 $0x0, s20;
	[sflag:s22] =	ssyncset.done $0x0  }
0xa0: {  	[sflag:s22] =	ssyncadd.s32 s3;
	_ =	sdelay $0x1  }
0xa1: {  	s23 =	simm.s32 $0x1B8B  }
0xa2: {  	_ =	swait.ge [sflag:s23], $0x1  }
0xa3: {  	[sflag:s23] =	ssyncset.done $0x0  }
0xa4: {  	s25 =	simm.s32 $0x1B8E;
	s24 =	sld [smem:$0x3FFE];
	[sflag:s23] =	ssyncadd.s32 $0xFFFFFFFF  }
0xa5: {  	s26 =	simm.s32 $execute0_lowered;
	[smem:$0x3FD2] =	sst s25  }
0xa6: {  	s4 =	sshll.u32 s26, $0x1;
	_ =	strace $0x80000049;
	[dreg:$0x1] =	wrdreg $0xFFFFFFFF  }
0xa7: {  	s28 =	simm.s32 $_size_execute0_lowered;
	s2 =	sadd.s32 s2, s4;
	[dreg:$0x0] =	wrdreg $0x0  }
0xa8: {  	s4 =	sshll.u32 s28, $0x1;
	[dreg:$0x2] =	wrdreg s2  }
0xa9: {  	[dreg:$0x3] =	wrdreg s4  }
0xaa: {  	[dreg:$0x4] =	wrdreg $0xC0  }
0xab: {  	_ =	task [dreg:s6], $0x5FFFF  }
0xac: {  	[dreg:$0x1] =	wrdreg $0xFFFFFFFF  }
0xad: {  	[dreg:$0x0] =	wrdreg $0x60  }
0xae: {  	[dreg:$0x2] =	wrdreg s24  }
0xaf: {  	[dreg:$0x3] =	wrdreg $0x7C000  }
0xb0: {  	[dreg:$0x4] =	wrdreg $0x9  }
0xb1: {  	_ =	task.clear_ibuf [dreg:s6], $0x5FFFF;
	_ =	strace $0x90000049  }
0xb2: {  	s29 =	simm.s32 $0x9;
	_ =	strace $0x8000004B  }
0xb3: {  	_ =	swait.ge [sflag:s29], $0x1  }
0xb4: {  	[sflag:s29] =	ssyncadd.s32 $0xFFFFFFFF  }
0xb5: {  	_ =	strace $0x9000004B  }
0xb6: {  	_ =	sfence  }
0xb7: {  	s30 =	sld [smem:$0x0];
	_ =	sdelay $0x2  }
0xb8: {  	s31 =	sshll.u32 s1, $0xD;
	s1 =	sshrl.u32 s1, $0x2  }
0xb9: {  	s3 =	sand.u32 $0x4000, s31;
	s1 =	sadd.s32 s1, s30  }
0xba: {  	s0 =	sor.u32 s3, s0;
	s1 =	sshll.u32 s1, $0x11  }
0xbb: {  	s0 =	sor.u32 s1, s0  }
0xbc: {  	s0 =	sadd.s32 $0x8F2B, s0  }
0xbd: {  	[sflag:s0] =	ssyncadd.remote.s32 $0x1  }
0xbe: {  	_ =	sfence.sel $0xFFFF  }
0xbf: {  	[dreg:$0x0] =	wrdreg $0xFFFFFFFF;
	(pc) =	sbr.abs _section_cstart, $3  }
0xc0: {  	[dreg:$0x1] =	wrdreg $0xFFFFFFFF  }
0xc1: {  	_ =	task.clear_ibuf [dreg:s6], $0x2FFFF;
	_ =	strace $0x9FFFFFFF  }
0xc2: {  	(tm) =	ssettm $0x7FFFFFFF  }
0xc3: {  	_ =	shalt  }
tec
execute0_lowered:
.L_overlay_start_1:
0x0: {  	(tag) =	ssettag $0x1  }
0x1: {  	s4 =	rddreg [dreg:$0x0]  }
0x2: {  	s2 =	rddreg [dreg:$0x1]  }
0x3: {  	s0 =	rddreg [dreg:$0x2]  }
0x4: {  	s1 =	stileid.u32;
	s5 =	srdreg.scid;
	s3 =	simm.s32 $0x0  }
0x5: {  	s13 =	simm.s32 $0x60;
	s14 =	simm.s32 $0xC00;
	s15 =	simm.s32 $0x80  }
0x6: {  	s16 =	simm.s32 $0x3C00;
	s17 =	simm.s32 $0x1;
	s18 =	simm.s32 $0x6C00  }
0x7: {  	s19 =	simm.s32 $0x2;
	s20 =	simm.s32 $0x4;
	s21 =	simm.s32 $0x7400  }
0x8: {  	s5 =	sand.u32 $0x1, s5;
	s6 =	sshll.u32 s1, $0x1;
	s7 =	smul.u32 $0x2800, s1  }
0x9: {  	s22 =	simm.s32 $0x3;
	s10 =	smul.u32 $0x50000, s1;
	s8 =	sor.u32 s5, s6  }
0xa: {  	s23 =	simm.s32 $0x0;
	[smem:$0x7FF] =	sst s3;
	s6 =	smul.u32 $0x180, s8  }
0xb: {  	s30 =	sshll.u32 s1, $0x6;
	_ =	strace $0x8000004A;
	s31 =	smul.u32 $0x1400, s8  }
0xc: {  	s5 =	ssub.s32 $0x2, s5;
	s7 =	sadd.s32 s7, s4;
	s8 =	smul.u32 $0xA000, s8  }
.Ltmp0:
0xd: {  	s9 =	sshrl.u32 s5, $0x1;
	s29 =	sshrl.u32 s10, $0x2;
	(pc) =	sbr.rel .LBB2_1-.Ltmp0, $4  }
0xe: {  	s9 =	ssub.s32 s5, s9;
	s12 =	sadd.s32 s29, s2;
	s5 =	sadd.s32 $0x1800, s7  }
0xf: {  	s11 =	sadd.s32 s6, s4;
	s4 =	sadd.s32 $0x2C800, s4;
	s6 =	sor.u32 $0x1C05, s30  }
0x10: {  	s9 =	smax.u32 s9, $0x1;
	s7 =	sadd.s32 $0x29800, s11;
	s10 =	sadd.s32 s31, s4  }
0x11: {  	s11 =	sshrl.u32 s12, $0x3;
	s12 =	simm.s32 $0x5;
	s10 =	sadd.s32 $0x100, s10  }
.LBB2_12:
0x12: {  	s23 =	sadd.s32 $0x1, s23  }
0x13: {  	_ =	swait.ge [sflag:s22], $0x800;
	p0 =	sne.s32 s23, s9  }
.Ltmp1:
0x14: {  	[sflag:s22] =	ssyncset.done $0x0;
	(pc) =	sbr.rel @!p0 .LBB2_13-.Ltmp1, $4  }
0x15: {  	[sflag:s22] =	ssyncadd.s32 $0xFFFFF800  }
0x16: {  	_ =	swait.ge [sflag:s20], $0x800  }
0x17: {  	[sflag:s20] =	ssyncset.done $0x0  }
0x18: {  	[sflag:s20] =	ssyncadd.s32 $0xFFFFF800  }
.LBB2_1:
0x19: {  	[spmem:s11], [sflag:s6] =	dma.local [hbm:s5], $0x2800  }
0x1a: {  	_ =	swait.ge [sflag:s12], $0x2800  }
0x1b: {  	[sflag:s12] =	ssyncset.done $0x0  }
0x1c: {  	[sflag:s12] =	ssyncadd.s32 $0xFFFFD800  }
0x1d: {  	[tilespmem:s3], [sflag:$0x5] =	stream.linear.gather [hbm4b:s7+s3], $0xA00, $0x38;
	[tilespmem:$0x1BC00] =	vst v63  }
0x1e: {  	_ =	swait.ge [sflag:s12], $0xA00  }
0x1f: {  	[sflag:s12] =	ssyncset.done $0x0  }
0x20: {  	[sflag:s12] =	ssyncadd.s32 $0xFFFFF600  }
0x21: {  	[bflag:$0x0] =	sbarrier.arrive $0xFFFF  }
0x22: {  	[tilespmem:s14], [sflag:$0x1] =	stream.indirect.gather [spmem:s2], $0x80, s3, s13, $0xb8;
	[tilespmem:$0x1BC00] =	vst v63  }
0x23: {  	s24 =	simm.s32 $0x0  }
0x24: {  	[tilespmem:s16], [sflag:$0x2] =	stream.indirect.gather [spmem:s2], $0x80, s15, s13, $0xb8;
	[tilespmem:$0x1BC00] =	vst v63  }
.LBB2_2:
0x25: {  	_ =	swait.ge [sflag:s17], $0x3000  }
0x26: {  	p0 =	seq.s32 s24, $0x0;
	[sflag:s17] =	ssyncset.done $0x0  }
0x27: {  	s25 =	simm.s32 @!p0 $0x3;
	[sflag:s17] =	ssyncadd.s32 $0xFFFFD000  }
0x28: {  	_ =	swait.ge @!p0 [sflag:s25], $0x800  }
0x29: {  	[sflag:s25] =	ssyncset.done @!p0 $0x0  }
0x2a: {  	s26 =	simm.s32 $0xD80;
	[sflag:s25] =	ssyncadd.s32 @!p0 $0xFFFFF800  }
0x2b: {  	v0 =	vld [tilespmem:s26+$0xFFFFFF00]  }
0x2c: {  	v1 =	vld [tilespmem:s26+$0xFFFFFE80];
	_ =	sdelay $0x1  }
0x2d: {  	v2 =	vld [tilespmem:s26+$0xFFFFFF80];
	_ =	sdelay $0x1  }
0x2e: {  	v3 =	vld [tilespmem:s26+$0x0]  }
0x2f: {  	v0 =	vadd.f32 v0, v1  }
0x30: {  	v1 =	vld [tilespmem:s26+$0x80]  }
0x31: {  	v0 =	vadd.f32 v2, v0  }
0x32: {  	v2 =	vld [tilespmem:s26+$0x100]  }
0x33: {  	v0 =	vadd.f32 v3, v0;
	_ =	sdelay $0x1  }
0x34: {  	v0 =	vadd.f32 v1, v0;
	_ =	sdelay $0x1  }
0x35: {  	v0 =	vadd.f32 v2, v0  }
0x36: {  	s28 =	simm.s32 $0x0  }
0x37: {  	[tilespmem:s28+$0x6C00] =	vst v0  }
0x38: {  	v0 =	vld [tilespmem:s26+$0xFFFFFE90]  }
0x39: {  	v1 =	vld [tilespmem:s26+$0xFFFFFF10];
	_ =	sdelay $0x1  }
0x3a: {  	v2 =	vld [tilespmem:s26+$0xFFFFFF90];
	_ =	sdelay $0x1  }
0x3b: {  	v3 =	vld [tilespmem:s26+$0x10]  }
0x3c: {  	v0 =	vadd.f32 v1, v0  }
0x3d: {  	v1 =	vld [tilespmem:s26+$0x90]  }
0x3e: {  	v0 =	vadd.f32 v2, v0  }
0x3f: {  	v2 =	vld [tilespmem:s26+$0x110]  }
0x40: {  	v0 =	vadd.f32 v3, v0;
	_ =	sdelay $0x1  }
0x41: {  	v0 =	vadd.f32 v1, v0;
	_ =	sdelay $0x1  }
0x42: {  	v0 =	vadd.f32 v2, v0;
	_ =	sdelay $0x1  }
0x43: {  	[tilespmem:s28+$0x6C10] =	vst v0  }
0x44: {  	v0 =	vld [tilespmem:s26+$0xFFFFFEA0]  }
0x45: {  	v1 =	vld [tilespmem:s26+$0xFFFFFF20];
	_ =	sdelay $0x1  }
0x46: {  	v2 =	vld [tilespmem:s26+$0xFFFFFFA0];
	_ =	sdelay $0x1  }
0x47: {  	v3 =	vld [tilespmem:s26+$0x20]  }
0x48: {  	v0 =	vadd.f32 v1, v0  }
0x49: {  	v1 =	vld [tilespmem:s26+$0xA0]  }
0x4a: {  	v0 =	vadd.f32 v2, v0  }
0x4b: {  	v2 =	vld [tilespmem:s26+$0x120]  }
0x4c: {  	v0 =	vadd.f32 v3, v0;
	_ =	sdelay $0x1  }
0x4d: {  	v0 =	vadd.f32 v1, v0;
	_ =	sdelay $0x1  }
0x4e: {  	v0 =	vadd.f32 v2, v0;
	_ =	sdelay $0x1  }
0x4f: {  	[tilespmem:s28+$0x6C20] =	vst v0  }
0x50: {  	v0 =	vld [tilespmem:s26+$0xFFFFFEB0]  }
0x51: {  	v1 =	vld [tilespmem:s26+$0xFFFFFF30];
	_ =	sdelay $0x1  }
0x52: {  	v2 =	vld [tilespmem:s26+$0xFFFFFFB0];
	_ =	sdelay $0x1  }
0x53: {  	v3 =	vld [tilespmem:s26+$0x30]  }
0x54: {  	v0 =	vadd.f32 v1, v0  }
0x55: {  	v1 =	vld [tilespmem:s26+$0xB0]  }
0x56: {  	v0 =	vadd.f32 v2, v0  }
0x57: {  	v2 =	vld [tilespmem:s26+$0x130]  }
0x58: {  	v0 =	vadd.f32 v3, v0;
	_ =	sdelay $0x1  }
0x59: {  	v0 =	vadd.f32 v1, v0;
	_ =	sdelay $0x1  }
0x5a: {  	v0 =	vadd.f32 v2, v0;
	_ =	sdelay $0x1  }
0x5b: {  	[tilespmem:s28+$0x6C30] =	vst v0  }
0x5c: {  	v0 =	vld [tilespmem:s26+$0xFFFFFEC0]  }
0x5d: {  	v1 =	vld [tilespmem:s26+$0xFFFFFF40];
	_ =	sdelay $0x1  }
0x5e: {  	v2 =	vld [tilespmem:s26+$0xFFFFFFC0];
	_ =	sdelay $0x1  }
0x5f: {  	v3 =	vld [tilespmem:s26+$0x40]  }
0x60: {  	v0 =	vadd.f32 v1, v0  }
0x61: {  	v1 =	vld [tilespmem:s26+$0xC0]  }
0x62: {  	v0 =	vadd.f32 v2, v0  }
0x63: {  	v2 =	vld [tilespmem:s26+$0x140]  }
0x64: {  	v0 =	vadd.f32 v3, v0;
	_ =	sdelay $0x1  }
0x65: {  	v0 =	vadd.f32 v1, v0;
	_ =	sdelay $0x1  }
0x66: {  	v0 =	vadd.f32 v2, v0;
	_ =	sdelay $0x1  }
0x67: {  	[tilespmem:s28+$0x6C40] =	vst v0  }
0x68: {  	v0 =	vld [tilespmem:s26+$0xFFFFFED0]  }
0x69: {  	v1 =	vld [tilespmem:s26+$0xFFFFFF50];
	_ =	sdelay $0x1  }
0x6a: {  	v2 =	vld [tilespmem:s26+$0xFFFFFFD0];
	_ =	sdelay $0x1  }
0x6b: {  	v3 =	vld [tilespmem:s26+$0x50]  }
0x6c: {  	v0 =	vadd.f32 v1, v0  }
0x6d: {  	v1 =	vld [tilespmem:s26+$0xD0]  }
0x6e: {  	v0 =	vadd.f32 v2, v0  }
0x6f: {  	v2 =	vld [tilespmem:s26+$0x150]  }
0x70: {  	v0 =	vadd.f32 v3, v0;
	_ =	sdelay $0x1  }
0x71: {  	v0 =	vadd.f32 v1, v0;
	_ =	sdelay $0x1  }
0x72: {  	v0 =	vadd.f32 v2, v0;
	_ =	sdelay $0x1  }
0x73: {  	[tilespmem:s28+$0x6C50] =	vst v0  }
0x74: {  	v0 =	vld [tilespmem:s26+$0xFFFFFEE0]  }
0x75: {  	v1 =	vld [tilespmem:s26+$0xFFFFFF60];
	_ =	sdelay $0x1  }
0x76: {  	v2 =	vld [tilespmem:s26+$0xFFFFFFE0];
	_ =	sdelay $0x1  }
0x77: {  	v3 =	vld [tilespmem:s26+$0x60]  }
0x78: {  	v0 =	vadd.f32 v1, v0  }
0x79: {  	v1 =	vld [tilespmem:s26+$0xE0]  }
0x7a: {  	v0 =	vadd.f32 v2, v0  }
0x7b: {  	v2 =	vld [tilespmem:s26+$0x160]  }
0x7c: {  	v0 =	vadd.f32 v3, v0;
	_ =	sdelay $0x1  }
0x7d: {  	v0 =	vadd.f32 v1, v0;
	_ =	sdelay $0x1  }
0x7e: {  	v0 =	vadd.f32 v2, v0;
	_ =	sdelay $0x1  }
0x7f: {  	[tilespmem:s28+$0x6C60] =	vst v0  }
0x80: {  	v4 =	vld [tilespmem:s26+$0xFFFFFEF0]  }
0x81: {  	v5 =	vld [tilespmem:s26+$0xFFFFFF70];
	_ =	sdelay $0x1  }
0x82: {  	v3 =	vld [tilespmem:s26+$0xFFFFFFF0]  }
0x83: {  	v2 =	vld [tilespmem:s26+$0x70]  }
0x84: {  	v0 =	vld [tilespmem:s26+$0xF0]  }
0x85: {  	s29 =	simm.s32 $0x200;
	s25 =	sshll.u32 s24, $0xA;
	v1 =	vld [tilespmem:s26+$0x170];
	v4 =	vadd.f32 v5, v4  }
.LBB2_3:
0x86: {  	p1 =	sne.s32 s29, $0x1E00  }
0x87: {  	s26 =	sadd.s32 $0x300, s26;
	s30 =	smov.u32 s29;
	s29 =	sadd.s32 $0x200, s29  }
0x88: {  	v3 =	vadd.f32 v3, v4;
	_ =	sdelay $0x1  }
0x89: {  	v2 =	vadd.f32 v2, v3;
	_ =	sdelay $0x1  }
0x8a: {  	v0 =	vadd.f32 v0, v2;
	_ =	sdelay $0x1  }
0x8b: {  	v0 =	vadd.f32 v1, v0;
	_ =	sdelay $0x1  }
0x8c: {  	[tilespmem:s28+$0x6C70] =	vst v0  }
0x8d: {  	v0 =	vld [tilespmem:s26+$0xFFFFFF00]  }
0x8e: {  	v1 =	vld [tilespmem:s26+$0xFFFFFE80];
	_ =	sdelay $0x1  }
0x8f: {  	v2 =	vld [tilespmem:s26+$0xFFFFFF80]  }
0x90: {  	v3 =	vld [tilespmem:s26+$0x0];
	_ =	sdelay $0x1  }
0x91: {  	v0 =	vadd.f32 v0, v1  }
0x92: {  	v1 =	vld [tilespmem:s26+$0x80]  }
0x93: {  	v0 =	vadd.f32 v2, v0  }
0x94: {  	v2 =	vld [tilespmem:s26+$0x100]  }
0x95: {  	v0 =	vadd.f32 v3, v0;
	_ =	sdelay $0x1  }
0x96: {  	v0 =	vadd.f32 v1, v0;
	_ =	sdelay $0x1  }
0x97: {  	v0 =	vadd.f32 v2, v0  }
0x98: {  	s28 =	sshra.s32 s30, $0x2  }
0x99: {  	[tilespmem:s28+$0x6C00] =	vst v0  }
0x9a: {  	v0 =	vld [tilespmem:s26+$0xFFFFFE90]  }
0x9b: {  	v1 =	vld [tilespmem:s26+$0xFFFFFF10];
	_ =	sdelay $0x1  }
0x9c: {  	v2 =	vld [tilespmem:s26+$0xFFFFFF90];
	_ =	sdelay $0x1  }
0x9d: {  	v3 =	vld [tilespmem:s26+$0x10]  }
0x9e: {  	v0 =	vadd.f32 v1, v0  }
0x9f: {  	v1 =	vld [tilespmem:s26+$0x90]  }
0xa0: {  	v0 =	vadd.f32 v2, v0  }
0xa1: {  	v2 =	vld [tilespmem:s26+$0x110]  }
0xa2: {  	v0 =	vadd.f32 v3, v0;
	_ =	sdelay $0x1  }
0xa3: {  	v0 =	vadd.f32 v1, v0;
	_ =	sdelay $0x1  }
0xa4: {  	v0 =	vadd.f32 v2, v0;
	_ =	sdelay $0x1  }
0xa5: {  	[tilespmem:s28+$0x6C10] =	vst v0  }
0xa6: {  	v0 =	vld [tilespmem:s26+$0xFFFFFEA0]  }
0xa7: {  	v1 =	vld [tilespmem:s26+$0xFFFFFF20];
	_ =	sdelay $0x1  }
0xa8: {  	v2 =	vld [tilespmem:s26+$0xFFFFFFA0];
	_ =	sdelay $0x1  }
0xa9: {  	v3 =	vld [tilespmem:s26+$0x20]  }
0xaa: {  	v0 =	vadd.f32 v1, v0  }
0xab: {  	v1 =	vld [tilespmem:s26+$0xA0]  }
0xac: {  	v0 =	vadd.f32 v2, v0  }
0xad: {  	v2 =	vld [tilespmem:s26+$0x120]  }
0xae: {  	v0 =	vadd.f32 v3, v0;
	_ =	sdelay $0x1  }
0xaf: {  	v0 =	vadd.f32 v1, v0;
	_ =	sdelay $0x1  }
0xb0: {  	v0 =	vadd.f32 v2, v0;
	_ =	sdelay $0x1  }
0xb1: {  	[tilespmem:s28+$0x6C20] =	vst v0  }
0xb2: {  	v0 =	vld [tilespmem:s26+$0xFFFFFEB0]  }
0xb3: {  	v1 =	vld [tilespmem:s26+$0xFFFFFF30];
	_ =	sdelay $0x1  }
0xb4: {  	v2 =	vld [tilespmem:s26+$0xFFFFFFB0];
	_ =	sdelay $0x1  }
0xb5: {  	v3 =	vld [tilespmem:s26+$0x30]  }
0xb6: {  	v0 =	vadd.f32 v1, v0  }
0xb7: {  	v1 =	vld [tilespmem:s26+$0xB0]  }
0xb8: {  	v0 =	vadd.f32 v2, v0  }
0xb9: {  	v2 =	vld [tilespmem:s26+$0x130]  }
0xba: {  	v0 =	vadd.f32 v3, v0;
	_ =	sdelay $0x1  }
0xbb: {  	v0 =	vadd.f32 v1, v0;
	_ =	sdelay $0x1  }
0xbc: {  	v0 =	vadd.f32 v2, v0;
	_ =	sdelay $0x1  }
0xbd: {  	[tilespmem:s28+$0x6C30] =	vst v0  }
0xbe: {  	v0 =	vld [tilespmem:s26+$0xFFFFFEC0]  }
0xbf: {  	v1 =	vld [tilespmem:s26+$0xFFFFFF40];
	_ =	sdelay $0x1  }
0xc0: {  	v2 =	vld [tilespmem:s26+$0xFFFFFFC0];
	_ =	sdelay $0x1  }
0xc1: {  	v3 =	vld [tilespmem:s26+$0x40]  }
0xc2: {  	v0 =	vadd.f32 v1, v0  }
0xc3: {  	v1 =	vld [tilespmem:s26+$0xC0]  }
0xc4: {  	v0 =	vadd.f32 v2, v0  }
0xc5: {  	v2 =	vld [tilespmem:s26+$0x140]  }
0xc6: {  	v0 =	vadd.f32 v3, v0;
	_ =	sdelay $0x1  }
0xc7: {  	v0 =	vadd.f32 v1, v0;
	_ =	sdelay $0x1  }
0xc8: {  	v0 =	vadd.f32 v2, v0;
	_ =	sdelay $0x1  }
0xc9: {  	[tilespmem:s28+$0x6C40] =	vst v0  }
0xca: {  	v0 =	vld [tilespmem:s26+$0xFFFFFED0]  }
0xcb: {  	v1 =	vld [tilespmem:s26+$0xFFFFFF50]  }
0xcc: {  	v2 =	vld [tilespmem:s26+$0xFFFFFFD0]  }
0xcd: {  	v3 =	vld [tilespmem:s26+$0x50]  }
0xce: {  	v4 =	vld [tilespmem:s26+$0xD0]  }
0xcf: {  	v5 =	vld [tilespmem:s26+$0x150]  }
0xd0: {  	v0 =	vadd.f32 v1, v0;
	_ =	sdelay $0x1  }
0xd1: {  	v0 =	vadd.f32 v2, v0;
	_ =	sdelay $0x1  }
0xd2: {  	v0 =	vadd.f32 v3, v0;
	_ =	sdelay $0x1  }
0xd3: {  	v0 =	vadd.f32 v4, v0;
	_ =	sdelay $0x1  }
0xd4: {  	v0 =	vadd.f32 v5, v0;
	_ =	sdelay $0x1  }
0xd5: {  	[tilespmem:s28+$0x6C50] =	vst v0  }
0xd6: {  	v0 =	vld [tilespmem:s26+$0xFFFFFEE0]  }
0xd7: {  	v1 =	vld [tilespmem:s26+$0xFFFFFF60]  }
0xd8: {  	v2 =	vld [tilespmem:s26+$0xFFFFFFE0]  }
0xd9: {  	v3 =	vld [tilespmem:s26+$0x60]  }
0xda: {  	v4 =	vld [tilespmem:s26+$0xE0]  }
0xdb: {  	v5 =	vld [tilespmem:s26+$0x160]  }
0xdc: {  	v0 =	vadd.f32 v1, v0;
	_ =	sdelay $0x1  }
0xdd: {  	v0 =	vadd.f32 v2, v0;
	_ =	sdelay $0x1  }
0xde: {  	v0 =	vadd.f32 v3, v0;
	_ =	sdelay $0x1  }
0xdf: {  	v0 =	vadd.f32 v4, v0;
	_ =	sdelay $0x1  }
0xe0: {  	v0 =	vadd.f32 v5, v0;
	_ =	sdelay $0x1  }
0xe1: {  	[tilespmem:s28+$0x6C60] =	vst v0  }
0xe2: {  	v4 =	vld [tilespmem:s26+$0xFFFFFEF0]  }
0xe3: {  	v5 =	vld [tilespmem:s26+$0xFFFFFF70]  }
.Ltmp2:
0xe4: {  	v3 =	vld [tilespmem:s26+$0xFFFFFFF0];
	(pc) =	sbr.rel @p1 .LBB2_3-.Ltmp2, $4  }
0xe5: {  	v2 =	vld [tilespmem:s26+$0x70]  }
0xe6: {  	v0 =	vld [tilespmem:s26+$0xF0]  }
0xe7: {  	v1 =	vld [tilespmem:s26+$0x170]  }
0xe8: {  	v4 =	vadd.f32 v5, v4  }
0xe9: {  	_ = 	snop  }
0xea: {  	v3 =	vadd.f32 v3, v4;
	_ =	sdelay $0x1  }
0xeb: {  	v2 =	vadd.f32 v2, v3;
	_ =	sdelay $0x1  }
0xec: {  	p1 =	sne.s32 s24, $0x9;
	v0 =	vadd.f32 v0, v2  }
.Ltmp3:
0xed: {  	s26 =	sshll.u32 s24, $0xC;
	(pc) =	sbr.rel @p1 .LBB2_6-.Ltmp3, $4  }
0xee: {  	s26 =	sadd.s32 s8, s26;
	v0 =	vadd.f32 v1, v0  }
0xef: {  	s26 =	sshrl.u32 s26, $0x3  }
0xf0: {  	s26 =	sadd.s32 s4, s26;
	[tilespmem:s28+$0x6C70] =	vst v0  }
0xf1: {  	[hbm4b:s26+s3] =	stream.linear.scatter [tilespmem:s18], [sflag:$0x3], $0x800, $0x38;
	[tilespmem:$0x1BC00] =	vst v63  }
.Ltmp4:
0xf2: {  	(pc) =	sbr.rel .LBB2_7-.Ltmp4, $4  }
0xf3: {  	_ = 	snop  }
0xf4: {  	_ =	swait.ge [sflag:s19], $0x3000  }
0xf5: {  	[sflag:s19] =	ssyncset.done $0x0  }
0xf6: {  	[sflag:s19] =	ssyncadd.s32 $0xFFFFD000  }
.LBB2_6:
0xf7: {  	s26 =	sshrl.u32 s25, $0x2  }
.Ltmp5:
0xf8: {  	s26 =	sadd.s32 $0x100, s26;
	(pc) =	sbr.rel @p0 .LBB2_8-.Ltmp5, $4  }
0xf9: {  	[tilespmem:s14], [sflag:$0x1] =	stream.indirect.gather [spmem:s2], $0x80, s26, s13, $0xb8;
	[tilespmem:$0x1BC00] =	vst v63  }
0xfa: {  	_ =	swait.ge [sflag:s19], $0x3000  }
0xfb: {  	[sflag:s19] =	ssyncset.done $0x0  }
0xfc: {  	[sflag:s19] =	ssyncadd.s32 $0xFFFFD000  }
.LBB2_7:
0xfd: {  	_ =	swait.ge [sflag:s20], $0x800  }
0xfe: {  	[sflag:s20] =	ssyncset.done $0x0  }
0xff: {  	[sflag:s20] =	ssyncadd.s32 $0xFFFFF800  }
.LBB2_8:
0x100: {  	s26 =	simm.s32 $0x3D80  }
0x101: {  	v0 =	vld [tilespmem:s26+$0xFFFFFF00]  }
0x102: {  	v1 =	vld [tilespmem:s26+$0xFFFFFE80];
	_ =	sdelay $0x1  }
0x103: {  	v2 =	vld [tilespmem:s26+$0xFFFFFF80];
	_ =	sdelay $0x1  }
0x104: {  	v3 =	vld [tilespmem:s26+$0x0]  }
0x105: {  	v0 =	vadd.f32 v0, v1  }
0x106: {  	v1 =	vld [tilespmem:s26+$0x80]  }
0x107: {  	v0 =	vadd.f32 v2, v0  }
0x108: {  	v2 =	vld [tilespmem:s26+$0x100]  }
0x109: {  	v0 =	vadd.f32 v3, v0;
	_ =	sdelay $0x1  }
0x10a: {  	v0 =	vadd.f32 v1, v0;
	_ =	sdelay $0x1  }
0x10b: {  	v0 =	vadd.f32 v2, v0  }
0x10c: {  	s28 =	simm.s32 $0x0  }
0x10d: {  	[tilespmem:s28+$0x7400] =	vst v0  }
0x10e: {  	v0 =	vld [tilespmem:s26+$0xFFFFFE90]  }
0x10f: {  	v1 =	vld [tilespmem:s26+$0xFFFFFF10];
	_ =	sdelay $0x1  }
0x110: {  	v2 =	vld [tilespmem:s26+$0xFFFFFF90];
	_ =	sdelay $0x1  }
0x111: {  	v3 =	vld [tilespmem:s26+$0x10]  }
0x112: {  	v0 =	vadd.f32 v1, v0  }
0x113: {  	v1 =	vld [tilespmem:s26+$0x90]  }
0x114: {  	v0 =	vadd.f32 v2, v0  }
0x115: {  	v2 =	vld [tilespmem:s26+$0x110]  }
0x116: {  	v0 =	vadd.f32 v3, v0;
	_ =	sdelay $0x1  }
0x117: {  	v0 =	vadd.f32 v1, v0;
	_ =	sdelay $0x1  }
0x118: {  	v0 =	vadd.f32 v2, v0;
	_ =	sdelay $0x1  }
0x119: {  	[tilespmem:s28+$0x7410] =	vst v0  }
0x11a: {  	v0 =	vld [tilespmem:s26+$0xFFFFFEA0]  }
0x11b: {  	v1 =	vld [tilespmem:s26+$0xFFFFFF20];
	_ =	sdelay $0x1  }
0x11c: {  	v2 =	vld [tilespmem:s26+$0xFFFFFFA0];
	_ =	sdelay $0x1  }
0x11d: {  	v3 =	vld [tilespmem:s26+$0x20]  }
0x11e: {  	v0 =	vadd.f32 v1, v0  }
0x11f: {  	v1 =	vld [tilespmem:s26+$0xA0]  }
0x120: {  	v0 =	vadd.f32 v2, v0  }
0x121: {  	v2 =	vld [tilespmem:s26+$0x120]  }
0x122: {  	v0 =	vadd.f32 v3, v0;
	_ =	sdelay $0x1  }
0x123: {  	v0 =	vadd.f32 v1, v0;
	_ =	sdelay $0x1  }
0x124: {  	v0 =	vadd.f32 v2, v0;
	_ =	sdelay $0x1  }
0x125: {  	[tilespmem:s28+$0x7420] =	vst v0  }
0x126: {  	v0 =	vld [tilespmem:s26+$0xFFFFFEB0]  }
0x127: {  	v1 =	vld [tilespmem:s26+$0xFFFFFF30];
	_ =	sdelay $0x1  }
0x128: {  	v2 =	vld [tilespmem:s26+$0xFFFFFFB0];
	_ =	sdelay $0x1  }
0x129: {  	v3 =	vld [tilespmem:s26+$0x30]  }
0x12a: {  	v0 =	vadd.f32 v1, v0  }
0x12b: {  	v1 =	vld [tilespmem:s26+$0xB0]  }
0x12c: {  	v0 =	vadd.f32 v2, v0  }
0x12d: {  	v2 =	vld [tilespmem:s26+$0x130]  }
0x12e: {  	v0 =	vadd.f32 v3, v0;
	_ =	sdelay $0x1  }
0x12f: {  	v0 =	vadd.f32 v1, v0;
	_ =	sdelay $0x1  }
0x130: {  	v0 =	vadd.f32 v2, v0;
	_ =	sdelay $0x1  }
0x131: {  	[tilespmem:s28+$0x7430] =	vst v0  }
0x132: {  	v0 =	vld [tilespmem:s26+$0xFFFFFEC0]  }
0x133: {  	v1 =	vld [tilespmem:s26+$0xFFFFFF40];
	_ =	sdelay $0x1  }
0x134: {  	v2 =	vld [tilespmem:s26+$0xFFFFFFC0];
	_ =	sdelay $0x1  }
0x135: {  	v3 =	vld [tilespmem:s26+$0x40]  }
0x136: {  	v0 =	vadd.f32 v1, v0  }
0x137: {  	v1 =	vld [tilespmem:s26+$0xC0]  }
0x138: {  	v0 =	vadd.f32 v2, v0  }
0x139: {  	v2 =	vld [tilespmem:s26+$0x140]  }
0x13a: {  	v0 =	vadd.f32 v3, v0;
	_ =	sdelay $0x1  }
0x13b: {  	v0 =	vadd.f32 v1, v0;
	_ =	sdelay $0x1  }
0x13c: {  	v0 =	vadd.f32 v2, v0;
	_ =	sdelay $0x1  }
0x13d: {  	[tilespmem:s28+$0x7440] =	vst v0  }
0x13e: {  	v0 =	vld [tilespmem:s26+$0xFFFFFED0]  }
0x13f: {  	v1 =	vld [tilespmem:s26+$0xFFFFFF50];
	_ =	sdelay $0x1  }
0x140: {  	v2 =	vld [tilespmem:s26+$0xFFFFFFD0];
	_ =	sdelay $0x1  }
0x141: {  	v3 =	vld [tilespmem:s26+$0x50]  }
0x142: {  	v0 =	vadd.f32 v1, v0  }
0x143: {  	v1 =	vld [tilespmem:s26+$0xD0]  }
0x144: {  	v0 =	vadd.f32 v2, v0  }
0x145: {  	v2 =	vld [tilespmem:s26+$0x150]  }
0x146: {  	v0 =	vadd.f32 v3, v0;
	_ =	sdelay $0x1  }
0x147: {  	v0 =	vadd.f32 v1, v0;
	_ =	sdelay $0x1  }
0x148: {  	v0 =	vadd.f32 v2, v0;
	_ =	sdelay $0x1  }
0x149: {  	[tilespmem:s28+$0x7450] =	vst v0  }
0x14a: {  	v0 =	vld [tilespmem:s26+$0xFFFFFEE0]  }
0x14b: {  	v1 =	vld [tilespmem:s26+$0xFFFFFF60];
	_ =	sdelay $0x1  }
0x14c: {  	v2 =	vld [tilespmem:s26+$0xFFFFFFE0];
	_ =	sdelay $0x1  }
0x14d: {  	v3 =	vld [tilespmem:s26+$0x60]  }
0x14e: {  	v0 =	vadd.f32 v1, v0  }
0x14f: {  	v1 =	vld [tilespmem:s26+$0xE0]  }
0x150: {  	v0 =	vadd.f32 v2, v0  }
0x151: {  	v2 =	vld [tilespmem:s26+$0x160]  }
0x152: {  	v0 =	vadd.f32 v3, v0;
	_ =	sdelay $0x1  }
0x153: {  	v0 =	vadd.f32 v1, v0;
	_ =	sdelay $0x1  }
0x154: {  	v0 =	vadd.f32 v2, v0;
	_ =	sdelay $0x1  }
0x155: {  	[tilespmem:s28+$0x7460] =	vst v0  }
0x156: {  	v4 =	vld [tilespmem:s26+$0xFFFFFEF0]  }
0x157: {  	v5 =	vld [tilespmem:s26+$0xFFFFFF70];
	_ =	sdelay $0x1  }
0x158: {  	v3 =	vld [tilespmem:s26+$0xFFFFFFF0]  }
0x159: {  	v2 =	vld [tilespmem:s26+$0x70]  }
0x15a: {  	v0 =	vld [tilespmem:s26+$0xF0]  }
0x15b: {  	s29 =	simm.s32 $0x200;
	v1 =	vld [tilespmem:s26+$0x170];
	v4 =	vadd.f32 v5, v4  }
.LBB2_9:
0x15c: {  	p0 =	sne.s32 s29, $0x1E00  }
0x15d: {  	s26 =	sadd.s32 $0x300, s26;
	s30 =	smov.u32 s29;
	s29 =	sadd.s32 $0x200, s29  }
0x15e: {  	v3 =	vadd.f32 v3, v4;
	_ =	sdelay $0x1  }
0x15f: {  	v2 =	vadd.f32 v2, v3;
	_ =	sdelay $0x1  }
0x160: {  	v0 =	vadd.f32 v0, v2;
	_ =	sdelay $0x1  }
0x161: {  	v0 =	vadd.f32 v1, v0;
	_ =	sdelay $0x1  }
0x162: {  	[tilespmem:s28+$0x7470] =	vst v0  }
0x163: {  	v0 =	vld [tilespmem:s26+$0xFFFFFF00]  }
0x164: {  	v1 =	vld [tilespmem:s26+$0xFFFFFE80];
	_ =	sdelay $0x1  }
0x165: {  	v2 =	vld [tilespmem:s26+$0xFFFFFF80]  }
0x166: {  	v3 =	vld [tilespmem:s26+$0x0];
	_ =	sdelay $0x1  }
0x167: {  	v0 =	vadd.f32 v0, v1  }
0x168: {  	v1 =	vld [tilespmem:s26+$0x80]  }
0x169: {  	v0 =	vadd.f32 v2, v0  }
0x16a: {  	v2 =	vld [tilespmem:s26+$0x100]  }
0x16b: {  	v0 =	vadd.f32 v3, v0;
	_ =	sdelay $0x1  }
0x16c: {  	v0 =	vadd.f32 v1, v0;
	_ =	sdelay $0x1  }
0x16d: {  	v0 =	vadd.f32 v2, v0  }
0x16e: {  	s28 =	sshra.s32 s30, $0x2  }
0x16f: {  	[tilespmem:s28+$0x7400] =	vst v0  }
0x170: {  	v0 =	vld [tilespmem:s26+$0xFFFFFE90]  }
0x171: {  	v1 =	vld [tilespmem:s26+$0xFFFFFF10];
	_ =	sdelay $0x1  }
0x172: {  	v2 =	vld [tilespmem:s26+$0xFFFFFF90];
	_ =	sdelay $0x1  }
0x173: {  	v3 =	vld [tilespmem:s26+$0x10]  }
0x174: {  	v0 =	vadd.f32 v1, v0  }
0x175: {  	v1 =	vld [tilespmem:s26+$0x90]  }
0x176: {  	v0 =	vadd.f32 v2, v0  }
0x177: {  	v2 =	vld [tilespmem:s26+$0x110]  }
0x178: {  	v0 =	vadd.f32 v3, v0;
	_ =	sdelay $0x1  }
0x179: {  	v0 =	vadd.f32 v1, v0;
	_ =	sdelay $0x1  }
0x17a: {  	v0 =	vadd.f32 v2, v0;
	_ =	sdelay $0x1  }
0x17b: {  	[tilespmem:s28+$0x7410] =	vst v0  }
0x17c: {  	v0 =	vld [tilespmem:s26+$0xFFFFFEA0]  }
0x17d: {  	v1 =	vld [tilespmem:s26+$0xFFFFFF20];
	_ =	sdelay $0x1  }
0x17e: {  	v2 =	vld [tilespmem:s26+$0xFFFFFFA0];
	_ =	sdelay $0x1  }
0x17f: {  	v3 =	vld [tilespmem:s26+$0x20]  }
0x180: {  	v0 =	vadd.f32 v1, v0  }
0x181: {  	v1 =	vld [tilespmem:s26+$0xA0]  }
0x182: {  	v0 =	vadd.f32 v2, v0  }
0x183: {  	v2 =	vld [tilespmem:s26+$0x120]  }
0x184: {  	v0 =	vadd.f32 v3, v0;
	_ =	sdelay $0x1  }
0x185: {  	v0 =	vadd.f32 v1, v0;
	_ =	sdelay $0x1  }
0x186: {  	v0 =	vadd.f32 v2, v0;
	_ =	sdelay $0x1  }
0x187: {  	[tilespmem:s28+$0x7420] =	vst v0  }
0x188: {  	v0 =	vld [tilespmem:s26+$0xFFFFFEB0]  }
0x189: {  	v1 =	vld [tilespmem:s26+$0xFFFFFF30];
	_ =	sdelay $0x1  }
0x18a: {  	v2 =	vld [tilespmem:s26+$0xFFFFFFB0];
	_ =	sdelay $0x1  }
0x18b: {  	v3 =	vld [tilespmem:s26+$0x30]  }
0x18c: {  	v0 =	vadd.f32 v1, v0  }
0x18d: {  	v1 =	vld [tilespmem:s26+$0xB0]  }
0x18e: {  	v0 =	vadd.f32 v2, v0  }
0x18f: {  	v2 =	vld [tilespmem:s26+$0x130]  }
0x190: {  	v0 =	vadd.f32 v3, v0;
	_ =	sdelay $0x1  }
0x191: {  	v0 =	vadd.f32 v1, v0;
	_ =	sdelay $0x1  }
0x192: {  	v0 =	vadd.f32 v2, v0;
	_ =	sdelay $0x1  }
0x193: {  	[tilespmem:s28+$0x7430] =	vst v0  }
0x194: {  	v0 =	vld [tilespmem:s26+$0xFFFFFEC0]  }
0x195: {  	v1 =	vld [tilespmem:s26+$0xFFFFFF40];
	_ =	sdelay $0x1  }
0x196: {  	v2 =	vld [tilespmem:s26+$0xFFFFFFC0];
	_ =	sdelay $0x1  }
0x197: {  	v3 =	vld [tilespmem:s26+$0x40]  }
0x198: {  	v0 =	vadd.f32 v1, v0  }
0x199: {  	v1 =	vld [tilespmem:s26+$0xC0]  }
0x19a: {  	v0 =	vadd.f32 v2, v0  }
0x19b: {  	v2 =	vld [tilespmem:s26+$0x140]  }
0x19c: {  	v0 =	vadd.f32 v3, v0;
	_ =	sdelay $0x1  }
0x19d: {  	v0 =	vadd.f32 v1, v0;
	_ =	sdelay $0x1  }
0x19e: {  	v0 =	vadd.f32 v2, v0;
	_ =	sdelay $0x1  }
0x19f: {  	[tilespmem:s28+$0x7440] =	vst v0  }
0x1a0: {  	v0 =	vld [tilespmem:s26+$0xFFFFFED0]  }
0x1a1: {  	v1 =	vld [tilespmem:s26+$0xFFFFFF50]  }
0x1a2: {  	v2 =	vld [tilespmem:s26+$0xFFFFFFD0]  }
0x1a3: {  	v3 =	vld [tilespmem:s26+$0x50]  }
0x1a4: {  	v4 =	vld [tilespmem:s26+$0xD0]  }
0x1a5: {  	v5 =	vld [tilespmem:s26+$0x150]  }
0x1a6: {  	v0 =	vadd.f32 v1, v0;
	_ =	sdelay $0x1  }
0x1a7: {  	v0 =	vadd.f32 v2, v0;
	_ =	sdelay $0x1  }
0x1a8: {  	v0 =	vadd.f32 v3, v0;
	_ =	sdelay $0x1  }
0x1a9: {  	v0 =	vadd.f32 v4, v0;
	_ =	sdelay $0x1  }
0x1aa: {  	v0 =	vadd.f32 v5, v0;
	_ =	sdelay $0x1  }
0x1ab: {  	[tilespmem:s28+$0x7450] =	vst v0  }
0x1ac: {  	v0 =	vld [tilespmem:s26+$0xFFFFFEE0]  }
0x1ad: {  	v1 =	vld [tilespmem:s26+$0xFFFFFF60]  }
0x1ae: {  	v2 =	vld [tilespmem:s26+$0xFFFFFFE0]  }
0x1af: {  	v3 =	vld [tilespmem:s26+$0x60]  }
0x1b0: {  	v4 =	vld [tilespmem:s26+$0xE0]  }
0x1b1: {  	v5 =	vld [tilespmem:s26+$0x160]  }
0x1b2: {  	v0 =	vadd.f32 v1, v0;
	_ =	sdelay $0x1  }
0x1b3: {  	v0 =	vadd.f32 v2, v0;
	_ =	sdelay $0x1  }
0x1b4: {  	v0 =	vadd.f32 v3, v0;
	_ =	sdelay $0x1  }
0x1b5: {  	v0 =	vadd.f32 v4, v0;
	_ =	sdelay $0x1  }
0x1b6: {  	v0 =	vadd.f32 v5, v0;
	_ =	sdelay $0x1  }
0x1b7: {  	[tilespmem:s28+$0x7460] =	vst v0  }
0x1b8: {  	v4 =	vld [tilespmem:s26+$0xFFFFFEF0]  }
0x1b9: {  	v5 =	vld [tilespmem:s26+$0xFFFFFF70]  }
.Ltmp6:
0x1ba: {  	v3 =	vld [tilespmem:s26+$0xFFFFFFF0];
	(pc) =	sbr.rel @p0 .LBB2_9-.Ltmp6, $4  }
0x1bb: {  	v2 =	vld [tilespmem:s26+$0x70]  }
0x1bc: {  	v0 =	vld [tilespmem:s26+$0xF0]  }
0x1bd: {  	v1 =	vld [tilespmem:s26+$0x170]  }
0x1be: {  	v4 =	vadd.f32 v5, v4  }
0x1bf: {  	_ = 	snop  }
0x1c0: {  	v3 =	vadd.f32 v3, v4;
	_ =	sdelay $0x1  }
0x1c1: {  	v2 =	vadd.f32 v2, v3;
	_ =	sdelay $0x1  }
0x1c2: {  	p0 =	seq.s32 s24, $0x9;
	v0 =	vadd.f32 v0, v2  }
.Ltmp7:
0x1c3: {  	_ = 	snop;
	(pc) =	sbr.rel @p0 .LBB2_12-.Ltmp7, $4  }
0x1c4: {  	v0 =	vadd.f32 v1, v0  }
0x1c5: {  	s26 =	sshll.u32 s24, $0x9  }
0x1c6: {  	s26 =	sadd.s32 s10, s26;
	[tilespmem:s28+$0x7470] =	vst v0  }
0x1c7: {  	[hbm4b:s26+s3] =	stream.linear.scatter [tilespmem:s21], [sflag:$0x4], $0x800, $0x38;
	[tilespmem:$0x1BC00] =	vst v63  }
.Ltmp8:
0x1c8: {  	(pc) =	sbr.rel .LBB2_2-.Ltmp8, $4  }
0x1c9: {  	_ = 	snop  }
0x1ca: {  	s25 =	sshrl.u32 s25, $0x2  }
0x1cb: {  	s24 =	sadd.s32 $0x1, s24;
	s25 =	sadd.s32 $0x180, s25  }
0x1cc: {  	[tilespmem:s16], [sflag:$0x2] =	stream.indirect.gather [spmem:s2], $0x80, s25, s13, $0xb8;
	[tilespmem:$0x1BC00] =	vst v63  }
.LBB2_13:
0x1cd: {  	_ =	sfence.sel $0x180000  }
0x1ce: {  	[bflag:$0x0] =	sbarrier.arrive $0xFFFF  }
0x1cf: {  	p0 =	sne.s32 s1, $0x0;
	_ =	strace $0x9000004A  }
0x1d0: {  	s0 =	sadd.s32 @!p0 $0x100000, s0;
	[bflag:$0x2] =	sbarrier.arrive $0xFFFF  }
0x1d1: {  	[sflag:s0] =	ssyncadd.tile.s32 @!p0 $0x1;
	_ =	shalt  }
.Lfunc_end2:
_tile_overlayer_lowered:
.L_overlay_start_2:
0x1d2: {  	(tag) =	ssettag $0x2  }
0x1d3: {  	s0 =	rddreg [dreg:$0x0];
	s2 =	stileid.u32  }
0x1d4: {  	s1 =	rddreg [dreg:$0x1];
	p0 =	sne.s32 s2, $0x0  }
0x1d5: {  	s3 =	rddreg [dreg:$0x2];
	[bflag:$0x3] =	sbarrier.arrive $0xFFFF;
	s2 =	simm.s32 @!p0 $0x1C05  }
0x1d6: {  	[timem:s3], [sflag:s2] =	dma.local @!p0 [hbm:s0], s1  }
0x1d7: {  	s0 =	simm.s32 @!p0 $0x5  }
0x1d8: {  	_ =	swait.ge @!p0 [sflag:s0], s1  }
0x1d9: {  	s1 =	ssub.s32 @!p0 $0x0, s1;
	[sflag:s0] =	ssyncset.done @!p0 $0x0  }
0x1da: {  	[sflag:s0] =	ssyncadd.s32 @!p0 s1  }
0x1db: {  	[bflag:$0x3] =	sbarrier.arrive $0xFFFF  }
0x1dc: {  	_ =	shalt  }

// kernel: kernel.15.cloned.1.call-start
scs
__scs_entry_jumppad:
0x0: {  	(pc) =	sbr.rel $0x88, $3  }
0x1: {  	(tag) =	ssettag $0x0;
	lr =	simm.s32 $0x1  }
0x2: {  	[smem:$0x3F91] =	sst lr;
	_ =	strace $0xD0000000  }
0x3: {  	_ = 	snop  }
0x4: {  	_ = 	snop  }
0x5: {  	_ = 	snop  }
0x6: {  	_ = 	snop  }
0x7: {  	_ = 	snop  }
__scs_overlays_trampoline_lowered:
0x8: {  	[smem:$0x3FA0] =	sst s0  }
0x9: {  	[smem:$0x3FA1] =	sst s1  }
0xa: {  	[smem:$0x3FA2] =	sst s2  }
0xb: {  	[smem:$0x3FA3] =	sst s3  }
0xc: {  	[smem:$0x3FA4] =	sst s4  }
0xd: {  	[smem:$0x3FA5] =	sst s5  }
0xe: {  	[smem:$0x3FA6] =	sst s6  }
0xf: {  	[smem:$0x3FA7] =	sst s7  }
0x10: {  	[smem:$0x3FA8] =	sst s8  }
0x11: {  	[smem:$0x3FA9] =	sst s9;
	s0 =	simm.s32 @!p0 $0x0  }
0x12: {  	s1 =	sld [smem:$0x3F8F];
	s0 =	simm.s32 @p0 $0x1  }
0x13: {  	[smem:$0x3FAA] =	sst s0;
	s0 =	simm.s32 @!p1 $0x0  }
0x14: {  	s2 =	sld [smem:$0x3F8E];
	s0 =	simm.s32 @p1 $0x1  }
0x15: {  	[smem:$0x3FAB] =	sst s0;
	s0 =	simm.s32 @!p2 $0x0  }
0x16: {  	s3 =	sld [smem:$0x3FDB];
	s0 =	simm.s32 @p2 $0x1  }
0x17: {  	s4 =	simm.s32 $0x1BF5;
	[smem:$0x3FAD] =	sst s0  }
0x18: {  	s0 =	sld [smem:$0x3F90];
	_ =	swait.ge [sflag:s4], $0x0  }
0x19: {  	s7 =	sld [smem:$0x3F91]  }
0x1a: {  	s8 =	sadd.s32 $0xFFFFE003, lr  }
0x1b: {  	s9 =	sadd.s32 $0xFFFFFEF7, lr;
	s5 =	simm.s32 $0xFFFFFFFF;
	p2 =	slt.u32 s8, $0xFFFFF086  }
0x1c: {  	p1 =	slt.u32 s9, $0xF7A;
	s5 =	simm.s32 @!p2 $0x0  }
0x1d: {  	s5 =	simm.s32 @p1 $0x1;
	p0 =	seq.s32 s7, s2  }
0x1e: {  	s7 =	smul.u32 @!p0 $0xF7A, s2;
	p2 =	seq.s32 @!p0 s5, $0x0  }
0x1f: {  	s9 =	smul.u32 $0xF7A, s1;
	s8 =	simm.s32 @!p0 $0x1BF5;
	p2 =	por !p2, p0  }
0x20: {  	[sflag:s8] =	ssyncset.s32 @!p0 $0xFFFFF086;
	s6 =	sadd.s32 @!p0 s3, s7;
	s7 =	simm.s32 @!p0 $0x108  }
0x21: {  	s3 =	sadd.s32 s3, s9;
	s6 =	sadd.s32 @!p0 $0x88, s6;
	s7 =	simm.s32 @p2 $0x1082  }
0x22: {  	[simem:s7], [sflag:s8] =	dma.local @!p0 [hbm:s6], $0xF7A  }
0x23: {  	s9 =	sor.u32 $0xD0000000, s2;
	s6 =	simm.s32 $0x108;
	_ =	swait.ge @!p0 [sflag:s8], $0x0  }
0x24: {  	s3 =	sadd.s32 $0x88, s3;
	s6 =	simm.s32 @!p1 $0x1082;
	[sflag:s4] =	ssyncset.s32 $0xFFFFF086  }
0x25: {  	[simem:s6], [sflag:s4] =	dma.local [hbm:s3], $0xF7A  }
0x26: {  	[smem:$0x3F91] =	sst s1;
	(tag) =	ssettag s2;
	_ =	strace s9  }
0x27: {  	s1 =	sld [smem:$0x3FA1]  }
0x28: {  	s2 =	sld [smem:$0x3FA2]  }
0x29: {  	s4 =	sld [smem:$0x3FA4]  }
0x2a: {  	p0 =	seq.s32 s5, $0x0;
	s5 =	sld [smem:$0x3FA5]  }
0x2b: {  	s6 =	sld [smem:$0x3FA6]  }
0x2c: {  	s7 =	sld [smem:$0x3FA7]  }
0x2d: {  	s3 =	simm.s32 $0x108;
	s8 =	sld [smem:$0x3FA8]  }
0x2e: {  	s3 =	simm.s32 @!p0 $0x1082;
	s9 =	sld [smem:$0x3FA9]  }
0x2f: {  	lr =	sadd.s32 s0, s3;
	s0 =	sld [smem:$0x3FA0]  }
0x30: {  	s3 =	sld [smem:$0x3FA3]  }
0x31: {  	[smem:$0x3FAC] =	sst s10  }
0x32: {  	s10 =	sld [smem:$0x3FAA];
	_ =	sdelay $0x3  }
0x33: {  	p0 =	seq.s32 s10, $0x1;
	s10 =	sld [smem:$0x3FAC];
	_ =	sdelay $0x3  }
0x34: {  	[smem:$0x3FAC] =	sst s10  }
0x35: {  	s10 =	sld [smem:$0x3FAB];
	_ =	sdelay $0x3  }
0x36: {  	p1 =	seq.s32 s10, $0x1;
	s10 =	sld [smem:$0x3FAC];
	_ =	sdelay $0x3  }
0x37: {  	[smem:$0x3FAC] =	sst s10  }
0x38: {  	s10 =	sld [smem:$0x3FAD]  }
0x39: {  	_ = 	snop;
	(pc) =	sbr.ind lr, $3  }
0x3a: {  	_ = 	snop  }
0x3b: {  	_ = 	snop  }
0x3c: {  	p2 =	seq.s32 s10, $0x1;
	s10 =	sld [smem:$0x3FAC]  }
0x3d: {  	_ =	shalt  }
0x3e: {  	_ =	shalt  }
0x3f: {  	_ =	shalt  }
0x40: {  	_ =	shalt  }
0x41: {  	_ =	shalt  }
0x42: {  	_ =	shalt  }
0x43: {  	_ =	shalt  }
0x44: {  	_ =	shalt  }
0x45: {  	_ =	shalt  }
0x46: {  	_ =	shalt  }
0x47: {  	_ =	shalt  }
0x48: {  	_ =	shalt  }
0x49: {  	_ =	shalt  }
0x4a: {  	_ =	shalt  }
0x4b: {  	_ =	shalt  }
0x4c: {  	_ =	shalt  }
0x4d: {  	_ =	shalt  }
0x4e: {  	_ =	shalt  }
0x4f: {  	_ =	shalt  }
0x50: {  	_ =	shalt  }
0x51: {  	_ =	shalt  }
0x52: {  	_ =	shalt  }
0x53: {  	_ =	shalt  }
0x54: {  	_ =	shalt  }
0x55: {  	_ =	shalt  }
0x56: {  	_ =	shalt  }
0x57: {  	_ =	shalt  }
0x58: {  	_ =	shalt  }
0x59: {  	_ =	shalt  }
0x5a: {  	_ =	shalt  }
0x5b: {  	_ =	shalt  }
0x5c: {  	_ =	shalt  }
0x5d: {  	_ =	shalt  }
0x5e: {  	_ =	shalt  }
0x5f: {  	_ =	shalt  }
0x60: {  	_ =	shalt  }
0x61: {  	_ =	shalt  }
0x62: {  	_ =	shalt  }
0x63: {  	_ =	shalt  }
0x64: {  	_ =	shalt  }
0x65: {  	_ =	shalt  }
0x66: {  	_ =	shalt  }
0x67: {  	_ =	shalt  }
0x68: {  	_ =	shalt  }
0x69: {  	_ =	shalt  }
0x6a: {  	_ =	shalt  }
0x6b: {  	_ =	shalt  }
0x6c: {  	_ =	shalt  }
0x6d: {  	_ =	shalt  }
0x6e: {  	_ =	shalt  }
0x6f: {  	_ =	shalt  }
0x70: {  	_ =	shalt  }
0x71: {  	_ =	shalt  }
0x72: {  	_ =	shalt  }
0x73: {  	_ =	shalt  }
0x74: {  	_ =	shalt  }
0x75: {  	_ =	shalt  }
0x76: {  	_ =	shalt  }
0x77: {  	_ =	shalt  }
0x78: {  	_ =	shalt  }
0x79: {  	_ =	shalt  }
0x7a: {  	_ =	shalt  }
0x7b: {  	_ =	shalt  }
0x7c: {  	_ =	shalt  }
0x7d: {  	_ =	shalt  }
0x7e: {  	_ =	shalt  }
0x7f: {  	_ =	shalt  }
0x80: {  	_ =	shalt  }
0x81: {  	_ =	shalt  }
0x82: {  	_ =	shalt  }
0x83: {  	_ =	shalt  }
0x84: {  	_ =	shalt  }
0x85: {  	_ =	shalt  }
0x86: {  	_ =	shalt  }
0x87: {  	_ =	shalt  }
.Lfunc_end0:
.L_simem_size_0:
called_computation.2_lowered:
.L_overlay_start_0:
0x88: {  	s2 =	sld [smem:$0x3FD9]  }
0x89: {  	s3 =	sld [smem:$0x3FFE];
	_ =	sdelay $0x1  }
0x8a: {  	s1 =	srdreg.scid  }
0x8b: {  	s0 =	sand.u32 $0x1, s1  }
0x8c: {  	s16 =	sshll.u32 s0, $0xA;
	s2 =	sadd.s32 s3, s2  }
0x8d: {  	s2 =	sadd.s32 s2, s16  }
0x8e: {  	[smem:$0x3FB8] =	sst s2  }
0x8f: {  	_ = 	snop  }
0x90: {  	(tm) =	ssettm $0x1  }
0x91: {  	s17 =	sld [smem:$0x3FFB];
	_ =	sdelay $0x3  }
0x92: {  	_ =	strace s17  }
0x93: {  	s2 =	sld [smem:$0x3FFC];
	_ =	sdelay $0x3  }
0x94: {  	_ =	strace s2  }
0x95: {  	s2 =	sld [smem:$0x3FFD];
	_ =	sdelay $0x3  }
0x96: {  	_ =	strace s2  }
0x97: {  	_ =	strace $0x8FFFFFFF  }
0x98: {  	s18 =	sld [smem:$0x3FDB];
	_ =	sdelay $0x1  }
0x99: {  	s19 =	simm.s32 $_scs_section_size  }
0x9a: {  	s4 =	simm.s32 $_size__tile_overlayer_lowered;
	s5 =	simm.s32 $_tile_overlayer_lowered  }
0x9b: {  	s22 =	simm.s32 $0x1BFF;
	s21 =	sshll.u32 s5, $0x1;
	s2 =	sadd.s32 s19, s18  }
0x9c: {  	s6 =	simm.s32 $0x0;
	s20 =	sshll.u32 s4, $0x1;
	s4 =	sadd.s32 s21, s2  }
0x9d: {  	[timem:s6], [sflag:s22] =	dma.local [hbm:s4], s20  }
0x9e: {  	_ =	swait.ge [sflag:s22], s20  }
0x9f: {  	s3 =	ssub.s32 $0x0, s20;
	[sflag:s22] =	ssyncset.done $0x0  }
0xa0: {  	[sflag:s22] =	ssyncadd.s32 s3;
	_ =	sdelay $0x1  }
0xa1: {  	s23 =	simm.s32 $0x1B8B  }
0xa2: {  	_ =	swait.ge [sflag:s23], $0x1  }
0xa3: {  	[sflag:s23] =	ssyncset.done $0x0  }
0xa4: {  	s25 =	simm.s32 $0x1B8E;
	s24 =	sld [smem:$0x3FFE];
	[sflag:s23] =	ssyncadd.s32 $0xFFFFFFFF  }
0xa5: {  	s26 =	simm.s32 $execute0_lowered;
	[smem:$0x3FD2] =	sst s25  }
0xa6: {  	s4 =	sshll.u32 s26, $0x1;
	_ =	strace $0x8000004C;
	[dreg:$0x1] =	wrdreg $0xFFFFFFFF  }
0xa7: {  	s28 =	simm.s32 $_size_execute0_lowered;
	s2 =	sadd.s32 s2, s4;
	[dreg:$0x0] =	wrdreg $0x0  }
0xa8: {  	s4 =	sshll.u32 s28, $0x1;
	[dreg:$0x2] =	wrdreg s2  }
0xa9: {  	[dreg:$0x3] =	wrdreg s4  }
0xaa: {  	[dreg:$0x4] =	wrdreg $0xC0  }
0xab: {  	_ =	task [dreg:s6], $0x5FFFF  }
0xac: {  	[dreg:$0x1] =	wrdreg $0xFFFFFFFF  }
0xad: {  	[dreg:$0x0] =	wrdreg $0x60  }
0xae: {  	[dreg:$0x2] =	wrdreg s24  }
0xaf: {  	[dreg:$0x3] =	wrdreg $0x7C000  }
0xb0: {  	[dreg:$0x4] =	wrdreg $0x9  }
0xb1: {  	_ =	task.clear_ibuf [dreg:s6], $0x5FFFF;
	_ =	strace $0x9000004C  }
0xb2: {  	s29 =	simm.s32 $0x9;
	_ =	strace $0x8000004E  }
0xb3: {  	_ =	swait.ge [sflag:s29], $0x1  }
0xb4: {  	[sflag:s29] =	ssyncadd.s32 $0xFFFFFFFF  }
0xb5: {  	_ =	strace $0x9000004E  }
0xb6: {  	_ =	sfence  }
0xb7: {  	s30 =	sld [smem:$0x0];
	_ =	sdelay $0x2  }
0xb8: {  	s31 =	sshll.u32 s1, $0xD;
	s1 =	sshrl.u32 s1, $0x2  }
0xb9: {  	s3 =	sand.u32 $0x4000, s31;
	s1 =	sadd.s32 s1, s30  }
0xba: {  	s0 =	sor.u32 s3, s0;
	s1 =	sshll.u32 s1, $0x11  }
0xbb: {  	s0 =	sor.u32 s1, s0  }
0xbc: {  	s0 =	sadd.s32 $0x8F2B, s0  }
0xbd: {  	[sflag:s0] =	ssyncadd.remote.s32 $0x1  }
0xbe: {  	_ =	sfence.sel $0xFFFF  }
0xbf: {  	[dreg:$0x0] =	wrdreg $0xFFFFFFFF;
	(pc) =	sbr.abs _section_cstart, $3  }
0xc0: {  	[dreg:$0x1] =	wrdreg $0xFFFFFFFF  }
0xc1: {  	_ =	task.clear_ibuf [dreg:s6], $0x2FFFF;
	_ =	strace $0x9FFFFFFF  }
0xc2: {  	(tm) =	ssettm $0x7FFFFFFF  }
0xc3: {  	_ =	shalt  }
tec
execute0_lowered:
.L_overlay_start_1:
0x0: {  	(tag) =	ssettag $0x1  }
0x1: {  	s4 =	rddreg [dreg:$0x0]  }
0x2: {  	s2 =	rddreg [dreg:$0x1]  }
0x3: {  	s0 =	rddreg [dreg:$0x2]  }
0x4: {  	s1 =	stileid.u32;
	s5 =	srdreg.scid;
	s3 =	simm.s32 $0x0  }
0x5: {  	s13 =	simm.s32 $0x60;
	s14 =	simm.s32 $0xC00;
	s15 =	simm.s32 $0x80  }
0x6: {  	s16 =	simm.s32 $0x3C00;
	s17 =	simm.s32 $0x1;
	s18 =	simm.s32 $0x6C00  }
0x7: {  	s19 =	simm.s32 $0x2;
	s20 =	simm.s32 $0x4;
	s21 =	simm.s32 $0x7400  }
0x8: {  	s5 =	sand.u32 $0x1, s5;
	s6 =	sshll.u32 s1, $0x1;
	s7 =	smul.u32 $0x2800, s1  }
0x9: {  	s22 =	simm.s32 $0x3;
	s10 =	smul.u32 $0x50000, s1;
	s8 =	sor.u32 s5, s6  }
0xa: {  	s23 =	simm.s32 $0x0;
	[smem:$0x7FF] =	sst s3;
	s6 =	smul.u32 $0x180, s8  }
0xb: {  	s30 =	sshll.u32 s1, $0x6;
	_ =	strace $0x8000004D;
	s31 =	smul.u32 $0x1400, s8  }
0xc: {  	s5 =	ssub.s32 $0x2, s5;
	s7 =	sadd.s32 s7, s4;
	s8 =	smul.u32 $0xA000, s8  }
.Ltmp0:
0xd: {  	s9 =	sshrl.u32 s5, $0x1;
	s29 =	sshrl.u32 s10, $0x2;
	(pc) =	sbr.rel .LBB2_1-.Ltmp0, $4  }
0xe: {  	s9 =	ssub.s32 s5, s9;
	s12 =	sadd.s32 s29, s2;
	s5 =	sadd.s32 $0x1800, s7  }
0xf: {  	s11 =	sadd.s32 s6, s4;
	s4 =	sadd.s32 $0x2C800, s4;
	s6 =	sor.u32 $0x1C05, s30  }
0x10: {  	s9 =	smax.u32 s9, $0x1;
	s7 =	sadd.s32 $0x29800, s11;
	s10 =	sadd.s32 s31, s4  }
0x11: {  	s11 =	sshrl.u32 s12, $0x3;
	s12 =	simm.s32 $0x5;
	s10 =	sadd.s32 $0x100, s10  }
.LBB2_12:
0x12: {  	s23 =	sadd.s32 $0x1, s23  }
0x13: {  	_ =	swait.ge [sflag:s22], $0x800;
	p0 =	sne.s32 s23, s9  }
.Ltmp1:
0x14: {  	[sflag:s22] =	ssyncset.done $0x0;
	(pc) =	sbr.rel @!p0 .LBB2_13-.Ltmp1, $4  }
0x15: {  	[sflag:s22] =	ssyncadd.s32 $0xFFFFF800  }
0x16: {  	_ =	swait.ge [sflag:s20], $0x800  }
0x17: {  	[sflag:s20] =	ssyncset.done $0x0  }
0x18: {  	[sflag:s20] =	ssyncadd.s32 $0xFFFFF800  }
.LBB2_1:
0x19: {  	[spmem:s11], [sflag:s6] =	dma.local [hbm:s5], $0x2800  }
0x1a: {  	_ =	swait.ge [sflag:s12], $0x2800  }
0x1b: {  	[sflag:s12] =	ssyncset.done $0x0  }
0x1c: {  	[sflag:s12] =	ssyncadd.s32 $0xFFFFD800  }
0x1d: {  	[tilespmem:s3], [sflag:$0x5] =	stream.linear.gather [hbm4b:s7+s3], $0xA00, $0x38;
	[tilespmem:$0x1BC00] =	vst v63  }
0x1e: {  	_ =	swait.ge [sflag:s12], $0xA00  }
0x1f: {  	[sflag:s12] =	ssyncset.done $0x0  }
0x20: {  	[sflag:s12] =	ssyncadd.s32 $0xFFFFF600  }
0x21: {  	[bflag:$0x0] =	sbarrier.arrive $0xFFFF  }
0x22: {  	[tilespmem:s14], [sflag:$0x1] =	stream.indirect.gather [spmem:s2], $0x80, s3, s13, $0xb8;
	[tilespmem:$0x1BC00] =	vst v63  }
0x23: {  	s24 =	simm.s32 $0x0  }
0x24: {  	[tilespmem:s16], [sflag:$0x2] =	stream.indirect.gather [spmem:s2], $0x80, s15, s13, $0xb8;
	[tilespmem:$0x1BC00] =	vst v63  }
.LBB2_2:
0x25: {  	_ =	swait.ge [sflag:s17], $0x3000  }
0x26: {  	p0 =	seq.s32 s24, $0x0;
	[sflag:s17] =	ssyncset.done $0x0  }
0x27: {  	s25 =	simm.s32 @!p0 $0x3;
	[sflag:s17] =	ssyncadd.s32 $0xFFFFD000  }
0x28: {  	_ =	swait.ge @!p0 [sflag:s25], $0x800  }
0x29: {  	[sflag:s25] =	ssyncset.done @!p0 $0x0  }
0x2a: {  	s26 =	simm.s32 $0xD80;
	[sflag:s25] =	ssyncadd.s32 @!p0 $0xFFFFF800  }
0x2b: {  	v0 =	vld [tilespmem:s26+$0xFFFFFF00]  }
0x2c: {  	v1 =	vld [tilespmem:s26+$0xFFFFFE80];
	_ =	sdelay $0x1  }
0x2d: {  	v2 =	vld [tilespmem:s26+$0xFFFFFF80];
	_ =	sdelay $0x1  }
0x2e: {  	v3 =	vld [tilespmem:s26+$0x0]  }
0x2f: {  	v0 =	vadd.f32 v0, v1  }
0x30: {  	v1 =	vld [tilespmem:s26+$0x80]  }
0x31: {  	v0 =	vadd.f32 v2, v0  }
0x32: {  	v2 =	vld [tilespmem:s26+$0x100]  }
0x33: {  	v0 =	vadd.f32 v3, v0;
	_ =	sdelay $0x1  }
0x34: {  	v0 =	vadd.f32 v1, v0;
	_ =	sdelay $0x1  }
0x35: {  	v0 =	vadd.f32 v2, v0  }
0x36: {  	s28 =	simm.s32 $0x0  }
0x37: {  	[tilespmem:s28+$0x6C00] =	vst v0  }
0x38: {  	v0 =	vld [tilespmem:s26+$0xFFFFFE90]  }
0x39: {  	v1 =	vld [tilespmem:s26+$0xFFFFFF10];
	_ =	sdelay $0x1  }
0x3a: {  	v2 =	vld [tilespmem:s26+$0xFFFFFF90];
	_ =	sdelay $0x1  }
0x3b: {  	v3 =	vld [tilespmem:s26+$0x10]  }
0x3c: {  	v0 =	vadd.f32 v1, v0  }
0x3d: {  	v1 =	vld [tilespmem:s26+$0x90]  }
0x3e: {  	v0 =	vadd.f32 v2, v0  }
0x3f: {  	v2 =	vld [tilespmem:s26+$0x110]  }
0x40: {  	v0 =	vadd.f32 v3, v0;
	_ =	sdelay $0x1  }
0x41: {  	v0 =	vadd.f32 v1, v0;
	_ =	sdelay $0x1  }
0x42: {  	v0 =	vadd.f32 v2, v0;
	_ =	sdelay $0x1  }
0x43: {  	[tilespmem:s28+$0x6C10] =	vst v0  }
0x44: {  	v0 =	vld [tilespmem:s26+$0xFFFFFEA0]  }
0x45: {  	v1 =	vld [tilespmem:s26+$0xFFFFFF20];
	_ =	sdelay $0x1  }
0x46: {  	v2 =	vld [tilespmem:s26+$0xFFFFFFA0];
	_ =	sdelay $0x1  }
0x47: {  	v3 =	vld [tilespmem:s26+$0x20]  }
0x48: {  	v0 =	vadd.f32 v1, v0  }
0x49: {  	v1 =	vld [tilespmem:s26+$0xA0]  }
0x4a: {  	v0 =	vadd.f32 v2, v0  }
0x4b: {  	v2 =	vld [tilespmem:s26+$0x120]  }
0x4c: {  	v0 =	vadd.f32 v3, v0;
	_ =	sdelay $0x1  }
0x4d: {  	v0 =	vadd.f32 v1, v0;
	_ =	sdelay $0x1  }
0x4e: {  	v0 =	vadd.f32 v2, v0;
	_ =	sdelay $0x1  }
0x4f: {  	[tilespmem:s28+$0x6C20] =	vst v0  }
0x50: {  	v0 =	vld [tilespmem:s26+$0xFFFFFEB0]  }
0x51: {  	v1 =	vld [tilespmem:s26+$0xFFFFFF30];
	_ =	sdelay $0x1  }
0x52: {  	v2 =	vld [tilespmem:s26+$0xFFFFFFB0];
	_ =	sdelay $0x1  }
0x53: {  	v3 =	vld [tilespmem:s26+$0x30]  }
0x54: {  	v0 =	vadd.f32 v1, v0  }
0x55: {  	v1 =	vld [tilespmem:s26+$0xB0]  }
0x56: {  	v0 =	vadd.f32 v2, v0  }
0x57: {  	v2 =	vld [tilespmem:s26+$0x130]  }
0x58: {  	v0 =	vadd.f32 v3, v0;
	_ =	sdelay $0x1  }
0x59: {  	v0 =	vadd.f32 v1, v0;
	_ =	sdelay $0x1  }
0x5a: {  	v0 =	vadd.f32 v2, v0;
	_ =	sdelay $0x1  }
0x5b: {  	[tilespmem:s28+$0x6C30] =	vst v0  }
0x5c: {  	v0 =	vld [tilespmem:s26+$0xFFFFFEC0]  }
0x5d: {  	v1 =	vld [tilespmem:s26+$0xFFFFFF40];
	_ =	sdelay $0x1  }
0x5e: {  	v2 =	vld [tilespmem:s26+$0xFFFFFFC0];
	_ =	sdelay $0x1  }
0x5f: {  	v3 =	vld [tilespmem:s26+$0x40]  }
0x60: {  	v0 =	vadd.f32 v1, v0  }
0x61: {  	v1 =	vld [tilespmem:s26+$0xC0]  }
0x62: {  	v0 =	vadd.f32 v2, v0  }
0x63: {  	v2 =	vld [tilespmem:s26+$0x140]  }
0x64: {  	v0 =	vadd.f32 v3, v0;
	_ =	sdelay $0x1  }
0x65: {  	v0 =	vadd.f32 v1, v0;
	_ =	sdelay $0x1  }
0x66: {  	v0 =	vadd.f32 v2, v0;
	_ =	sdelay $0x1  }
0x67: {  	[tilespmem:s28+$0x6C40] =	vst v0  }
0x68: {  	v0 =	vld [tilespmem:s26+$0xFFFFFED0]  }
0x69: {  	v1 =	vld [tilespmem:s26+$0xFFFFFF50];
	_ =	sdelay $0x1  }
0x6a: {  	v2 =	vld [tilespmem:s26+$0xFFFFFFD0];
	_ =	sdelay $0x1  }
0x6b: {  	v3 =	vld [tilespmem:s26+$0x50]  }
0x6c: {  	v0 =	vadd.f32 v1, v0  }
0x6d: {  	v1 =	vld [tilespmem:s26+$0xD0]  }
0x6e: {  	v0 =	vadd.f32 v2, v0  }
0x6f: {  	v2 =	vld [tilespmem:s26+$0x150]  }
0x70: {  	v0 =	vadd.f32 v3, v0;
	_ =	sdelay $0x1  }
0x71: {  	v0 =	vadd.f32 v1, v0;
	_ =	sdelay $0x1  }
0x72: {  	v0 =	vadd.f32 v2, v0;
	_ =	sdelay $0x1  }
0x73: {  	[tilespmem:s28+$0x6C50] =	vst v0  }
0x74: {  	v0 =	vld [tilespmem:s26+$0xFFFFFEE0]  }
0x75: {  	v1 =	vld [tilespmem:s26+$0xFFFFFF60];
	_ =	sdelay $0x1  }
0x76: {  	v2 =	vld [tilespmem:s26+$0xFFFFFFE0];
	_ =	sdelay $0x1  }
0x77: {  	v3 =	vld [tilespmem:s26+$0x60]  }
0x78: {  	v0 =	vadd.f32 v1, v0  }
0x79: {  	v1 =	vld [tilespmem:s26+$0xE0]  }
0x7a: {  	v0 =	vadd.f32 v2, v0  }
0x7b: {  	v2 =	vld [tilespmem:s26+$0x160]  }
0x7c: {  	v0 =	vadd.f32 v3, v0;
	_ =	sdelay $0x1  }
0x7d: {  	v0 =	vadd.f32 v1, v0;
	_ =	sdelay $0x1  }
0x7e: {  	v0 =	vadd.f32 v2, v0;
	_ =	sdelay $0x1  }
0x7f: {  	[tilespmem:s28+$0x6C60] =	vst v0  }
0x80: {  	v4 =	vld [tilespmem:s26+$0xFFFFFEF0]  }
0x81: {  	v5 =	vld [tilespmem:s26+$0xFFFFFF70];
	_ =	sdelay $0x1  }
0x82: {  	v3 =	vld [tilespmem:s26+$0xFFFFFFF0]  }
0x83: {  	v2 =	vld [tilespmem:s26+$0x70]  }
0x84: {  	v0 =	vld [tilespmem:s26+$0xF0]  }
0x85: {  	s29 =	simm.s32 $0x200;
	s25 =	sshll.u32 s24, $0xA;
	v1 =	vld [tilespmem:s26+$0x170];
	v4 =	vadd.f32 v5, v4  }
.LBB2_3:
0x86: {  	p1 =	sne.s32 s29, $0x1E00  }
0x87: {  	s26 =	sadd.s32 $0x300, s26;
	s30 =	smov.u32 s29;
	s29 =	sadd.s32 $0x200, s29  }
0x88: {  	v3 =	vadd.f32 v3, v4;
	_ =	sdelay $0x1  }
0x89: {  	v2 =	vadd.f32 v2, v3;
	_ =	sdelay $0x1  }
0x8a: {  	v0 =	vadd.f32 v0, v2;
	_ =	sdelay $0x1  }
0x8b: {  	v0 =	vadd.f32 v1, v0;
	_ =	sdelay $0x1  }
0x8c: {  	[tilespmem:s28+$0x6C70] =	vst v0  }
0x8d: {  	v0 =	vld [tilespmem:s26+$0xFFFFFF00]  }
0x8e: {  	v1 =	vld [tilespmem:s26+$0xFFFFFE80];
	_ =	sdelay $0x1  }
0x8f: {  	v2 =	vld [tilespmem:s26+$0xFFFFFF80]  }
0x90: {  	v3 =	vld [tilespmem:s26+$0x0];
	_ =	sdelay $0x1  }
0x91: {  	v0 =	vadd.f32 v0, v1  }
0x92: {  	v1 =	vld [tilespmem:s26+$0x80]  }
0x93: {  	v0 =	vadd.f32 v2, v0  }
0x94: {  	v2 =	vld [tilespmem:s26+$0x100]  }
0x95: {  	v0 =	vadd.f32 v3, v0;
	_ =	sdelay $0x1  }
0x96: {  	v0 =	vadd.f32 v1, v0;
	_ =	sdelay $0x1  }
0x97: {  	v0 =	vadd.f32 v2, v0  }
0x98: {  	s28 =	sshra.s32 s30, $0x2  }
0x99: {  	[tilespmem:s28+$0x6C00] =	vst v0  }
0x9a: {  	v0 =	vld [tilespmem:s26+$0xFFFFFE90]  }
0x9b: {  	v1 =	vld [tilespmem:s26+$0xFFFFFF10];
	_ =	sdelay $0x1  }
0x9c: {  	v2 =	vld [tilespmem:s26+$0xFFFFFF90];
	_ =	sdelay $0x1  }
0x9d: {  	v3 =	vld [tilespmem:s26+$0x10]  }
0x9e: {  	v0 =	vadd.f32 v1, v0  }
0x9f: {  	v1 =	vld [tilespmem:s26+$0x90]  }
0xa0: {  	v0 =	vadd.f32 v2, v0  }
0xa1: {  	v2 =	vld [tilespmem:s26+$0x110]  }
0xa2: {  	v0 =	vadd.f32 v3, v0;
	_ =	sdelay $0x1  }
0xa3: {  	v0 =	vadd.f32 v1, v0;
	_ =	sdelay $0x1  }
0xa4: {  	v0 =	vadd.f32 v2, v0;
	_ =	sdelay $0x1  }
0xa5: {  	[tilespmem:s28+$0x6C10] =	vst v0  }
0xa6: {  	v0 =	vld [tilespmem:s26+$0xFFFFFEA0]  }
0xa7: {  	v1 =	vld [tilespmem:s26+$0xFFFFFF20];
	_ =	sdelay $0x1  }
0xa8: {  	v2 =	vld [tilespmem:s26+$0xFFFFFFA0];
	_ =	sdelay $0x1  }
0xa9: {  	v3 =	vld [tilespmem:s26+$0x20]  }
0xaa: {  	v0 =	vadd.f32 v1, v0  }
0xab: {  	v1 =	vld [tilespmem:s26+$0xA0]  }
0xac: {  	v0 =	vadd.f32 v2, v0  }
0xad: {  	v2 =	vld [tilespmem:s26+$0x120]  }
0xae: {  	v0 =	vadd.f32 v3, v0;
	_ =	sdelay $0x1  }
0xaf: {  	v0 =	vadd.f32 v1, v0;
	_ =	sdelay $0x1  }
0xb0: {  	v0 =	vadd.f32 v2, v0;
	_ =	sdelay $0x1  }
0xb1: {  	[tilespmem:s28+$0x6C20] =	vst v0  }
0xb2: {  	v0 =	vld [tilespmem:s26+$0xFFFFFEB0]  }
0xb3: {  	v1 =	vld [tilespmem:s26+$0xFFFFFF30];
	_ =	sdelay $0x1  }
0xb4: {  	v2 =	vld [tilespmem:s26+$0xFFFFFFB0];
	_ =	sdelay $0x1  }
0xb5: {  	v3 =	vld [tilespmem:s26+$0x30]  }
0xb6: {  	v0 =	vadd.f32 v1, v0  }
0xb7: {  	v1 =	vld [tilespmem:s26+$0xB0]  }
0xb8: {  	v0 =	vadd.f32 v2, v0  }
0xb9: {  	v2 =	vld [tilespmem:s26+$0x130]  }
0xba: {  	v0 =	vadd.f32 v3, v0;
	_ =	sdelay $0x1  }
0xbb: {  	v0 =	vadd.f32 v1, v0;
	_ =	sdelay $0x1  }
0xbc: {  	v0 =	vadd.f32 v2, v0;
	_ =	sdelay $0x1  }
0xbd: {  	[tilespmem:s28+$0x6C30] =	vst v0  }
0xbe: {  	v0 =	vld [tilespmem:s26+$0xFFFFFEC0]  }
0xbf: {  	v1 =	vld [tilespmem:s26+$0xFFFFFF40];
	_ =	sdelay $0x1  }
0xc0: {  	v2 =	vld [tilespmem:s26+$0xFFFFFFC0];
	_ =	sdelay $0x1  }
0xc1: {  	v3 =	vld [tilespmem:s26+$0x40]  }
0xc2: {  	v0 =	vadd.f32 v1, v0  }
0xc3: {  	v1 =	vld [tilespmem:s26+$0xC0]  }
0xc4: {  	v0 =	vadd.f32 v2, v0  }
0xc5: {  	v2 =	vld [tilespmem:s26+$0x140]  }
0xc6: {  	v0 =	vadd.f32 v3, v0;
	_ =	sdelay $0x1  }
0xc7: {  	v0 =	vadd.f32 v1, v0;
	_ =	sdelay $0x1  }
0xc8: {  	v0 =	vadd.f32 v2, v0;
	_ =	sdelay $0x1  }
0xc9: {  	[tilespmem:s28+$0x6C40] =	vst v0  }
0xca: {  	v0 =	vld [tilespmem:s26+$0xFFFFFED0]  }
0xcb: {  	v1 =	vld [tilespmem:s26+$0xFFFFFF50]  }
0xcc: {  	v2 =	vld [tilespmem:s26+$0xFFFFFFD0]  }
0xcd: {  	v3 =	vld [tilespmem:s26+$0x50]  }
0xce: {  	v4 =	vld [tilespmem:s26+$0xD0]  }
0xcf: {  	v5 =	vld [tilespmem:s26+$0x150]  }
0xd0: {  	v0 =	vadd.f32 v1, v0;
	_ =	sdelay $0x1  }
0xd1: {  	v0 =	vadd.f32 v2, v0;
	_ =	sdelay $0x1  }
0xd2: {  	v0 =	vadd.f32 v3, v0;
	_ =	sdelay $0x1  }
0xd3: {  	v0 =	vadd.f32 v4, v0;
	_ =	sdelay $0x1  }
0xd4: {  	v0 =	vadd.f32 v5, v0;
	_ =	sdelay $0x1  }
0xd5: {  	[tilespmem:s28+$0x6C50] =	vst v0  }
0xd6: {  	v0 =	vld [tilespmem:s26+$0xFFFFFEE0]  }
0xd7: {  	v1 =	vld [tilespmem:s26+$0xFFFFFF60]  }
0xd8: {  	v2 =	vld [tilespmem:s26+$0xFFFFFFE0]  }
0xd9: {  	v3 =	vld [tilespmem:s26+$0x60]  }
0xda: {  	v4 =	vld [tilespmem:s26+$0xE0]  }
0xdb: {  	v5 =	vld [tilespmem:s26+$0x160]  }
0xdc: {  	v0 =	vadd.f32 v1, v0;
	_ =	sdelay $0x1  }
0xdd: {  	v0 =	vadd.f32 v2, v0;
	_ =	sdelay $0x1  }
0xde: {  	v0 =	vadd.f32 v3, v0;
	_ =	sdelay $0x1  }
0xdf: {  	v0 =	vadd.f32 v4, v0;
	_ =	sdelay $0x1  }
0xe0: {  	v0 =	vadd.f32 v5, v0;
	_ =	sdelay $0x1  }
0xe1: {  	[tilespmem:s28+$0x6C60] =	vst v0  }
0xe2: {  	v4 =	vld [tilespmem:s26+$0xFFFFFEF0]  }
0xe3: {  	v5 =	vld [tilespmem:s26+$0xFFFFFF70]  }
.Ltmp2:
0xe4: {  	v3 =	vld [tilespmem:s26+$0xFFFFFFF0];
	(pc) =	sbr.rel @p1 .LBB2_3-.Ltmp2, $4  }
0xe5: {  	v2 =	vld [tilespmem:s26+$0x70]  }
0xe6: {  	v0 =	vld [tilespmem:s26+$0xF0]  }
0xe7: {  	v1 =	vld [tilespmem:s26+$0x170]  }
0xe8: {  	v4 =	vadd.f32 v5, v4  }
0xe9: {  	_ = 	snop  }
0xea: {  	v3 =	vadd.f32 v3, v4;
	_ =	sdelay $0x1  }
0xeb: {  	v2 =	vadd.f32 v2, v3;
	_ =	sdelay $0x1  }
0xec: {  	p1 =	sne.s32 s24, $0x9;
	v0 =	vadd.f32 v0, v2  }
.Ltmp3:
0xed: {  	s26 =	sshll.u32 s24, $0xC;
	(pc) =	sbr.rel @p1 .LBB2_6-.Ltmp3, $4  }
0xee: {  	s26 =	sadd.s32 s8, s26;
	v0 =	vadd.f32 v1, v0  }
0xef: {  	s26 =	sshrl.u32 s26, $0x3  }
0xf0: {  	s26 =	sadd.s32 s4, s26;
	[tilespmem:s28+$0x6C70] =	vst v0  }
0xf1: {  	[hbm4b:s26+s3] =	stream.linear.scatter [tilespmem:s18], [sflag:$0x3], $0x800, $0x38;
	[tilespmem:$0x1BC00] =	vst v63  }
.Ltmp4:
0xf2: {  	(pc) =	sbr.rel .LBB2_7-.Ltmp4, $4  }
0xf3: {  	_ = 	snop  }
0xf4: {  	_ =	swait.ge [sflag:s19], $0x3000  }
0xf5: {  	[sflag:s19] =	ssyncset.done $0x0  }
0xf6: {  	[sflag:s19] =	ssyncadd.s32 $0xFFFFD000  }
.LBB2_6:
0xf7: {  	s26 =	sshrl.u32 s25, $0x2  }
.Ltmp5:
0xf8: {  	s26 =	sadd.s32 $0x100, s26;
	(pc) =	sbr.rel @p0 .LBB2_8-.Ltmp5, $4  }
0xf9: {  	[tilespmem:s14], [sflag:$0x1] =	stream.indirect.gather [spmem:s2], $0x80, s26, s13, $0xb8;
	[tilespmem:$0x1BC00] =	vst v63  }
0xfa: {  	_ =	swait.ge [sflag:s19], $0x3000  }
0xfb: {  	[sflag:s19] =	ssyncset.done $0x0  }
0xfc: {  	[sflag:s19] =	ssyncadd.s32 $0xFFFFD000  }
.LBB2_7:
0xfd: {  	_ =	swait.ge [sflag:s20], $0x800  }
0xfe: {  	[sflag:s20] =	ssyncset.done $0x0  }
0xff: {  	[sflag:s20] =	ssyncadd.s32 $0xFFFFF800  }
.LBB2_8:
0x100: {  	s26 =	simm.s32 $0x3D80  }
0x101: {  	v0 =	vld [tilespmem:s26+$0xFFFFFF00]  }
0x102: {  	v1 =	vld [tilespmem:s26+$0xFFFFFE80];
	_ =	sdelay $0x1  }
0x103: {  	v2 =	vld [tilespmem:s26+$0xFFFFFF80];
	_ =	sdelay $0x1  }
0x104: {  	v3 =	vld [tilespmem:s26+$0x0]  }
0x105: {  	v0 =	vadd.f32 v0, v1  }
0x106: {  	v1 =	vld [tilespmem:s26+$0x80]  }
0x107: {  	v0 =	vadd.f32 v2, v0  }
0x108: {  	v2 =	vld [tilespmem:s26+$0x100]  }
0x109: {  	v0 =	vadd.f32 v3, v0;
	_ =	sdelay $0x1  }
0x10a: {  	v0 =	vadd.f32 v1, v0;
	_ =	sdelay $0x1  }
0x10b: {  	v0 =	vadd.f32 v2, v0  }
0x10c: {  	s28 =	simm.s32 $0x0  }
0x10d: {  	[tilespmem:s28+$0x7400] =	vst v0  }
0x10e: {  	v0 =	vld [tilespmem:s26+$0xFFFFFE90]  }
0x10f: {  	v1 =	vld [tilespmem:s26+$0xFFFFFF10];
	_ =	sdelay $0x1  }
0x110: {  	v2 =	vld [tilespmem:s26+$0xFFFFFF90];
	_ =	sdelay $0x1  }
0x111: {  	v3 =	vld [tilespmem:s26+$0x10]  }
0x112: {  	v0 =	vadd.f32 v1, v0  }
0x113: {  	v1 =	vld [tilespmem:s26+$0x90]  }
0x114: {  	v0 =	vadd.f32 v2, v0  }
0x115: {  	v2 =	vld [tilespmem:s26+$0x110]  }
0x116: {  	v0 =	vadd.f32 v3, v0;
	_ =	sdelay $0x1  }
0x117: {  	v0 =	vadd.f32 v1, v0;
	_ =	sdelay $0x1  }
0x118: {  	v0 =	vadd.f32 v2, v0;
	_ =	sdelay $0x1  }
0x119: {  	[tilespmem:s28+$0x7410] =	vst v0  }
0x11a: {  	v0 =	vld [tilespmem:s26+$0xFFFFFEA0]  }
0x11b: {  	v1 =	vld [tilespmem:s26+$0xFFFFFF20];
	_ =	sdelay $0x1  }
0x11c: {  	v2 =	vld [tilespmem:s26+$0xFFFFFFA0];
	_ =	sdelay $0x1  }
0x11d: {  	v3 =	vld [tilespmem:s26+$0x20]  }
0x11e: {  	v0 =	vadd.f32 v1, v0  }
0x11f: {  	v1 =	vld [tilespmem:s26+$0xA0]  }
0x120: {  	v0 =	vadd.f32 v2, v0  }
0x121: {  	v2 =	vld [tilespmem:s26+$0x120]  }
0x122: {  	v0 =	vadd.f32 v3, v0;
	_ =	sdelay $0x1  }
0x123: {  	v0 =	vadd.f32 v1, v0;
	_ =	sdelay $0x1  }
0x124: {  	v0 =	vadd.f32 v2, v0;
	_ =	sdelay $0x1  }
0x125: {  	[tilespmem:s28+$0x7420] =	vst v0  }
0x126: {  	v0 =	vld [tilespmem:s26+$0xFFFFFEB0]  }
0x127: {  	v1 =	vld [tilespmem:s26+$0xFFFFFF30];
	_ =	sdelay $0x1  }
0x128: {  	v2 =	vld [tilespmem:s26+$0xFFFFFFB0];
	_ =	sdelay $0x1  }
0x129: {  	v3 =	vld [tilespmem:s26+$0x30]  }
0x12a: {  	v0 =	vadd.f32 v1, v0  }
0x12b: {  	v1 =	vld [tilespmem:s26+$0xB0]  }
0x12c: {  	v0 =	vadd.f32 v2, v0  }
0x12d: {  	v2 =	vld [tilespmem:s26+$0x130]  }
0x12e: {  	v0 =	vadd.f32 v3, v0;
	_ =	sdelay $0x1  }
0x12f: {  	v0 =	vadd.f32 v1, v0;
	_ =	sdelay $0x1  }
0x130: {  	v0 =	vadd.f32 v2, v0;
	_ =	sdelay $0x1  }
0x131: {  	[tilespmem:s28+$0x7430] =	vst v0  }
0x132: {  	v0 =	vld [tilespmem:s26+$0xFFFFFEC0]  }
0x133: {  	v1 =	vld [tilespmem:s26+$0xFFFFFF40];
	_ =	sdelay $0x1  }
0x134: {  	v2 =	vld [tilespmem:s26+$0xFFFFFFC0];
	_ =	sdelay $0x1  }
0x135: {  	v3 =	vld [tilespmem:s26+$0x40]  }
0x136: {  	v0 =	vadd.f32 v1, v0  }
0x137: {  	v1 =	vld [tilespmem:s26+$0xC0]  }
0x138: {  	v0 =	vadd.f32 v2, v0  }
0x139: {  	v2 =	vld [tilespmem:s26+$0x140]  }
0x13a: {  	v0 =	vadd.f32 v3, v0;
	_ =	sdelay $0x1  }
0x13b: {  	v0 =	vadd.f32 v1, v0;
	_ =	sdelay $0x1  }
0x13c: {  	v0 =	vadd.f32 v2, v0;
	_ =	sdelay $0x1  }
0x13d: {  	[tilespmem:s28+$0x7440] =	vst v0  }
0x13e: {  	v0 =	vld [tilespmem:s26+$0xFFFFFED0]  }
0x13f: {  	v1 =	vld [tilespmem:s26+$0xFFFFFF50];
	_ =	sdelay $0x1  }
0x140: {  	v2 =	vld [tilespmem:s26+$0xFFFFFFD0];
	_ =	sdelay $0x1  }
0x141: {  	v3 =	vld [tilespmem:s26+$0x50]  }
0x142: {  	v0 =	vadd.f32 v1, v0  }
0x143: {  	v1 =	vld [tilespmem:s26+$0xD0]  }
0x144: {  	v0 =	vadd.f32 v2, v0  }
0x145: {  	v2 =	vld [tilespmem:s26+$0x150]  }
0x146: {  	v0 =	vadd.f32 v3, v0;
	_ =	sdelay $0x1  }
0x147: {  	v0 =	vadd.f32 v1, v0;
	_ =	sdelay $0x1  }
0x148: {  	v0 =	vadd.f32 v2, v0;
	_ =	sdelay $0x1  }
0x149: {  	[tilespmem:s28+$0x7450] =	vst v0  }
0x14a: {  	v0 =	vld [tilespmem:s26+$0xFFFFFEE0]  }
0x14b: {  	v1 =	vld [tilespmem:s26+$0xFFFFFF60];
	_ =	sdelay $0x1  }
0x14c: {  	v2 =	vld [tilespmem:s26+$0xFFFFFFE0];
	_ =	sdelay $0x1  }
0x14d: {  	v3 =	vld [tilespmem:s26+$0x60]  }
0x14e: {  	v0 =	vadd.f32 v1, v0  }
0x14f: {  	v1 =	vld [tilespmem:s26+$0xE0]  }
0x150: {  	v0 =	vadd.f32 v2, v0  }
0x151: {  	v2 =	vld [tilespmem:s26+$0x160]  }
0x152: {  	v0 =	vadd.f32 v3, v0;
	_ =	sdelay $0x1  }
0x153: {  	v0 =	vadd.f32 v1, v0;
	_ =	sdelay $0x1  }
0x154: {  	v0 =	vadd.f32 v2, v0;
	_ =	sdelay $0x1  }
0x155: {  	[tilespmem:s28+$0x7460] =	vst v0  }
0x156: {  	v4 =	vld [tilespmem:s26+$0xFFFFFEF0]  }
0x157: {  	v5 =	vld [tilespmem:s26+$0xFFFFFF70];
	_ =	sdelay $0x1  }
0x158: {  	v3 =	vld [tilespmem:s26+$0xFFFFFFF0]  }
0x159: {  	v2 =	vld [tilespmem:s26+$0x70]  }
0x15a: {  	v0 =	vld [tilespmem:s26+$0xF0]  }
0x15b: {  	s29 =	simm.s32 $0x200;
	v1 =	vld [tilespmem:s26+$0x170];
	v4 =	vadd.f32 v5, v4  }
.LBB2_9:
0x15c: {  	p0 =	sne.s32 s29, $0x1E00  }
0x15d: {  	s26 =	sadd.s32 $0x300, s26;
	s30 =	smov.u32 s29;
	s29 =	sadd.s32 $0x200, s29  }
0x15e: {  	v3 =	vadd.f32 v3, v4;
	_ =	sdelay $0x1  }
0x15f: {  	v2 =	vadd.f32 v2, v3;
	_ =	sdelay $0x1  }
0x160: {  	v0 =	vadd.f32 v0, v2;
	_ =	sdelay $0x1  }
0x161: {  	v0 =	vadd.f32 v1, v0;
	_ =	sdelay $0x1  }
0x162: {  	[tilespmem:s28+$0x7470] =	vst v0  }
0x163: {  	v0 =	vld [tilespmem:s26+$0xFFFFFF00]  }
0x164: {  	v1 =	vld [tilespmem:s26+$0xFFFFFE80];
	_ =	sdelay $0x1  }
0x165: {  	v2 =	vld [tilespmem:s26+$0xFFFFFF80]  }
0x166: {  	v3 =	vld [tilespmem:s26+$0x0];
	_ =	sdelay $0x1  }
0x167: {  	v0 =	vadd.f32 v0, v1  }
0x168: {  	v1 =	vld [tilespmem:s26+$0x80]  }
0x169: {  	v0 =	vadd.f32 v2, v0  }
0x16a: {  	v2 =	vld [tilespmem:s26+$0x100]  }
0x16b: {  	v0 =	vadd.f32 v3, v0;
	_ =	sdelay $0x1  }
0x16c: {  	v0 =	vadd.f32 v1, v0;
	_ =	sdelay $0x1  }
0x16d: {  	v0 =	vadd.f32 v2, v0  }
0x16e: {  	s28 =	sshra.s32 s30, $0x2  }
0x16f: {  	[tilespmem:s28+$0x7400] =	vst v0  }
0x170: {  	v0 =	vld [tilespmem:s26+$0xFFFFFE90]  }
0x171: {  	v1 =	vld [tilespmem:s26+$0xFFFFFF10];
	_ =	sdelay $0x1  }
0x172: {  	v2 =	vld [tilespmem:s26+$0xFFFFFF90];
	_ =	sdelay $0x1  }
0x173: {  	v3 =	vld [tilespmem:s26+$0x10]  }
0x174: {  	v0 =	vadd.f32 v1, v0  }
0x175: {  	v1 =	vld [tilespmem:s26+$0x90]  }
0x176: {  	v0 =	vadd.f32 v2, v0  }
0x177: {  	v2 =	vld [tilespmem:s26+$0x110]  }
0x178: {  	v0 =	vadd.f32 v3, v0;
	_ =	sdelay $0x1  }
0x179: {  	v0 =	vadd.f32 v1, v0;
	_ =	sdelay $0x1  }
0x17a: {  	v0 =	vadd.f32 v2, v0;
	_ =	sdelay $0x1  }
0x17b: {  	[tilespmem:s28+$0x7410] =	vst v0  }
0x17c: {  	v0 =	vld [tilespmem:s26+$0xFFFFFEA0]  }
0x17d: {  	v1 =	vld [tilespmem:s26+$0xFFFFFF20];
	_ =	sdelay $0x1  }
0x17e: {  	v2 =	vld [tilespmem:s26+$0xFFFFFFA0];
	_ =	sdelay $0x1  }
0x17f: {  	v3 =	vld [tilespmem:s26+$0x20]  }
0x180: {  	v0 =	vadd.f32 v1, v0  }
0x181: {  	v1 =	vld [tilespmem:s26+$0xA0]  }
0x182: {  	v0 =	vadd.f32 v2, v0  }
0x183: {  	v2 =	vld [tilespmem:s26+$0x120]  }
0x184: {  	v0 =	vadd.f32 v3, v0;
	_ =	sdelay $0x1  }
0x185: {  	v0 =	vadd.f32 v1, v0;
	_ =	sdelay $0x1  }
0x186: {  	v0 =	vadd.f32 v2, v0;
	_ =	sdelay $0x1  }
0x187: {  	[tilespmem:s28+$0x7420] =	vst v0  }
0x188: {  	v0 =	vld [tilespmem:s26+$0xFFFFFEB0]  }
0x189: {  	v1 =	vld [tilespmem:s26+$0xFFFFFF30];
	_ =	sdelay $0x1  }
0x18a: {  	v2 =	vld [tilespmem:s26+$0xFFFFFFB0];
	_ =	sdelay $0x1  }
0x18b: {  	v3 =	vld [tilespmem:s26+$0x30]  }
0x18c: {  	v0 =	vadd.f32 v1, v0  }
0x18d: {  	v1 =	vld [tilespmem:s26+$0xB0]  }
0x18e: {  	v0 =	vadd.f32 v2, v0  }
0x18f: {  	v2 =	vld [tilespmem:s26+$0x130]  }
0x190: {  	v0 =	vadd.f32 v3, v0;
	_ =	sdelay $0x1  }
0x191: {  	v0 =	vadd.f32 v1, v0;
	_ =	sdelay $0x1  }
0x192: {  	v0 =	vadd.f32 v2, v0;
	_ =	sdelay $0x1  }
0x193: {  	[tilespmem:s28+$0x7430] =	vst v0  }
0x194: {  	v0 =	vld [tilespmem:s26+$0xFFFFFEC0]  }
0x195: {  	v1 =	vld [tilespmem:s26+$0xFFFFFF40];
	_ =	sdelay $0x1  }
0x196: {  	v2 =	vld [tilespmem:s26+$0xFFFFFFC0];
	_ =	sdelay $0x1  }
0x197: {  	v3 =	vld [tilespmem:s26+$0x40]  }
0x198: {  	v0 =	vadd.f32 v1, v0  }
0x199: {  	v1 =	vld [tilespmem:s26+$0xC0]  }
0x19a: {  	v0 =	vadd.f32 v2, v0  }
0x19b: {  	v2 =	vld [tilespmem:s26+$0x140]  }
0x19c: {  	v0 =	vadd.f32 v3, v0;
	_ =	sdelay $0x1  }
0x19d: {  	v0 =	vadd.f32 v1, v0;
	_ =	sdelay $0x1  }
0x19e: {  	v0 =	vadd.f32 v2, v0;
	_ =	sdelay $0x1  }
0x19f: {  	[tilespmem:s28+$0x7440] =	vst v0  }
0x1a0: {  	v0 =	vld [tilespmem:s26+$0xFFFFFED0]  }
0x1a1: {  	v1 =	vld [tilespmem:s26+$0xFFFFFF50]  }
0x1a2: {  	v2 =	vld [tilespmem:s26+$0xFFFFFFD0]  }
0x1a3: {  	v3 =	vld [tilespmem:s26+$0x50]  }
0x1a4: {  	v4 =	vld [tilespmem:s26+$0xD0]  }
0x1a5: {  	v5 =	vld [tilespmem:s26+$0x150]  }
0x1a6: {  	v0 =	vadd.f32 v1, v0;
	_ =	sdelay $0x1  }
0x1a7: {  	v0 =	vadd.f32 v2, v0;
	_ =	sdelay $0x1  }
0x1a8: {  	v0 =	vadd.f32 v3, v0;
	_ =	sdelay $0x1  }
0x1a9: {  	v0 =	vadd.f32 v4, v0;
	_ =	sdelay $0x1  }
0x1aa: {  	v0 =	vadd.f32 v5, v0;
	_ =	sdelay $0x1  }
0x1ab: {  	[tilespmem:s28+$0x7450] =	vst v0  }
0x1ac: {  	v0 =	vld [tilespmem:s26+$0xFFFFFEE0]  }
0x1ad: {  	v1 =	vld [tilespmem:s26+$0xFFFFFF60]  }
0x1ae: {  	v2 =	vld [tilespmem:s26+$0xFFFFFFE0]  }
0x1af: {  	v3 =	vld [tilespmem:s26+$0x60]  }
0x1b0: {  	v4 =	vld [tilespmem:s26+$0xE0]  }
0x1b1: {  	v5 =	vld [tilespmem:s26+$0x160]  }
0x1b2: {  	v0 =	vadd.f32 v1, v0;
	_ =	sdelay $0x1  }
0x1b3: {  	v0 =	vadd.f32 v2, v0;
	_ =	sdelay $0x1  }
0x1b4: {  	v0 =	vadd.f32 v3, v0;
	_ =	sdelay $0x1  }
0x1b5: {  	v0 =	vadd.f32 v4, v0;
	_ =	sdelay $0x1  }
0x1b6: {  	v0 =	vadd.f32 v5, v0;
	_ =	sdelay $0x1  }
0x1b7: {  	[tilespmem:s28+$0x7460] =	vst v0  }
0x1b8: {  	v4 =	vld [tilespmem:s26+$0xFFFFFEF0]  }
0x1b9: {  	v5 =	vld [tilespmem:s26+$0xFFFFFF70]  }
.Ltmp6:
0x1ba: {  	v3 =	vld [tilespmem:s26+$0xFFFFFFF0];
	(pc) =	sbr.rel @p0 .LBB2_9-.Ltmp6, $4  }
0x1bb: {  	v2 =	vld [tilespmem:s26+$0x70]  }
0x1bc: {  	v0 =	vld [tilespmem:s26+$0xF0]  }
0x1bd: {  	v1 =	vld [tilespmem:s26+$0x170]  }
0x1be: {  	v4 =	vadd.f32 v5, v4  }
0x1bf: {  	_ = 	snop  }
0x1c0: {  	v3 =	vadd.f32 v3, v4;
	_ =	sdelay $0x1  }
0x1c1: {  	v2 =	vadd.f32 v2, v3;
	_ =	sdelay $0x1  }
0x1c2: {  	p0 =	seq.s32 s24, $0x9;
	v0 =	vadd.f32 v0, v2  }
.Ltmp7:
0x1c3: {  	_ = 	snop;
	(pc) =	sbr.rel @p0 .LBB2_12-.Ltmp7, $4  }
0x1c4: {  	v0 =	vadd.f32 v1, v0  }
0x1c5: {  	s26 =	sshll.u32 s24, $0x9  }
0x1c6: {  	s26 =	sadd.s32 s10, s26;
	[tilespmem:s28+$0x7470] =	vst v0  }
0x1c7: {  	[hbm4b:s26+s3] =	stream.linear.scatter [tilespmem:s21], [sflag:$0x4], $0x800, $0x38;
	[tilespmem:$0x1BC00] =	vst v63  }
.Ltmp8:
0x1c8: {  	(pc) =	sbr.rel .LBB2_2-.Ltmp8, $4  }
0x1c9: {  	_ = 	snop  }
0x1ca: {  	s25 =	sshrl.u32 s25, $0x2  }
0x1cb: {  	s24 =	sadd.s32 $0x1, s24;
	s25 =	sadd.s32 $0x180, s25  }
0x1cc: {  	[tilespmem:s16], [sflag:$0x2] =	stream.indirect.gather [spmem:s2], $0x80, s25, s13, $0xb8;
	[tilespmem:$0x1BC00] =	vst v63  }
.LBB2_13:
0x1cd: {  	_ =	sfence.sel $0x180000  }
0x1ce: {  	[bflag:$0x0] =	sbarrier.arrive $0xFFFF  }
0x1cf: {  	p0 =	sne.s32 s1, $0x0;
	_ =	strace $0x9000004D  }
0x1d0: {  	s0 =	sadd.s32 @!p0 $0x100000, s0;
	[bflag:$0x2] =	sbarrier.arrive $0xFFFF  }
0x1d1: {  	[sflag:s0] =	ssyncadd.tile.s32 @!p0 $0x1;
	_ =	shalt  }
.Lfunc_end2:
_tile_overlayer_lowered:
.L_overlay_start_2:
0x1d2: {  	(tag) =	ssettag $0x2  }
0x1d3: {  	s0 =	rddreg [dreg:$0x0];
	s2 =	stileid.u32  }
0x1d4: {  	s1 =	rddreg [dreg:$0x1];
	p0 =	sne.s32 s2, $0x0  }
0x1d5: {  	s3 =	rddreg [dreg:$0x2];
	[bflag:$0x3] =	sbarrier.arrive $0xFFFF;
	s2 =	simm.s32 @!p0 $0x1C05  }
0x1d6: {  	[timem:s3], [sflag:s2] =	dma.local @!p0 [hbm:s0], s1  }
0x1d7: {  	s0 =	simm.s32 @!p0 $0x5  }
0x1d8: {  	_ =	swait.ge @!p0 [sflag:s0], s1  }
0x1d9: {  	s1 =	ssub.s32 @!p0 $0x0, s1;
	[sflag:s0] =	ssyncset.done @!p0 $0x0  }
0x1da: {  	[sflag:s0] =	ssyncadd.s32 @!p0 s1  }
0x1db: {  	[bflag:$0x3] =	sbarrier.arrive $0xFFFF  }
0x1dc: {  	_ =	shalt  }

// kernel: kernel.9.cloned.1.call-start
scs
__scs_entry_jumppad:
0x0: {  	(pc) =	sbr.rel $0x88, $3  }
0x1: {  	(tag) =	ssettag $0x0;
	lr =	simm.s32 $0x1  }
0x2: {  	[smem:$0x3F91] =	sst lr;
	_ =	strace $0xD0000000  }
0x3: {  	_ = 	snop  }
0x4: {  	_ = 	snop  }
0x5: {  	_ = 	snop  }
0x6: {  	_ = 	snop  }
0x7: {  	_ = 	snop  }
__scs_overlays_trampoline_lowered:
0x8: {  	[smem:$0x3FA0] =	sst s0  }
0x9: {  	[smem:$0x3FA1] =	sst s1  }
0xa: {  	[smem:$0x3FA2] =	sst s2  }
0xb: {  	[smem:$0x3FA3] =	sst s3  }
0xc: {  	[smem:$0x3FA4] =	sst s4  }
0xd: {  	[smem:$0x3FA5] =	sst s5  }
0xe: {  	[smem:$0x3FA6] =	sst s6  }
0xf: {  	[smem:$0x3FA7] =	sst s7  }
0x10: {  	[smem:$0x3FA8] =	sst s8  }
0x11: {  	[smem:$0x3FA9] =	sst s9;
	s0 =	simm.s32 @!p0 $0x0  }
0x12: {  	s1 =	sld [smem:$0x3F8F];
	s0 =	simm.s32 @p0 $0x1  }
0x13: {  	[smem:$0x3FAA] =	sst s0;
	s0 =	simm.s32 @!p1 $0x0  }
0x14: {  	s2 =	sld [smem:$0x3F8E];
	s0 =	simm.s32 @p1 $0x1  }
0x15: {  	[smem:$0x3FAB] =	sst s0;
	s0 =	simm.s32 @!p2 $0x0  }
0x16: {  	s3 =	sld [smem:$0x3FDB];
	s0 =	simm.s32 @p2 $0x1  }
0x17: {  	s4 =	simm.s32 $0x1BF5;
	[smem:$0x3FAD] =	sst s0  }
0x18: {  	s0 =	sld [smem:$0x3F90];
	_ =	swait.ge [sflag:s4], $0x0  }
0x19: {  	s7 =	sld [smem:$0x3F91]  }
0x1a: {  	s8 =	sadd.s32 $0xFFFFE003, lr  }
0x1b: {  	s9 =	sadd.s32 $0xFFFFFEF7, lr;
	s5 =	simm.s32 $0xFFFFFFFF;
	p2 =	slt.u32 s8, $0xFFFFF086  }
0x1c: {  	p1 =	slt.u32 s9, $0xF7A;
	s5 =	simm.s32 @!p2 $0x0  }
0x1d: {  	s5 =	simm.s32 @p1 $0x1;
	p0 =	seq.s32 s7, s2  }
0x1e: {  	s7 =	smul.u32 @!p0 $0xF7A, s2;
	p2 =	seq.s32 @!p0 s5, $0x0  }
0x1f: {  	s9 =	smul.u32 $0xF7A, s1;
	s8 =	simm.s32 @!p0 $0x1BF5;
	p2 =	por !p2, p0  }
0x20: {  	[sflag:s8] =	ssyncset.s32 @!p0 $0xFFFFF086;
	s6 =	sadd.s32 @!p0 s3, s7;
	s7 =	simm.s32 @!p0 $0x108  }
0x21: {  	s3 =	sadd.s32 s3, s9;
	s6 =	sadd.s32 @!p0 $0x88, s6;
	s7 =	simm.s32 @p2 $0x1082  }
0x22: {  	[simem:s7], [sflag:s8] =	dma.local @!p0 [hbm:s6], $0xF7A  }
0x23: {  	s9 =	sor.u32 $0xD0000000, s2;
	s6 =	simm.s32 $0x108;
	_ =	swait.ge @!p0 [sflag:s8], $0x0  }
0x24: {  	s3 =	sadd.s32 $0x88, s3;
	s6 =	simm.s32 @!p1 $0x1082;
	[sflag:s4] =	ssyncset.s32 $0xFFFFF086  }
0x25: {  	[simem:s6], [sflag:s4] =	dma.local [hbm:s3], $0xF7A  }
0x26: {  	[smem:$0x3F91] =	sst s1;
	(tag) =	ssettag s2;
	_ =	strace s9  }
0x27: {  	s1 =	sld [smem:$0x3FA1]  }
0x28: {  	s2 =	sld [smem:$0x3FA2]  }
0x29: {  	s4 =	sld [smem:$0x3FA4]  }
0x2a: {  	p0 =	seq.s32 s5, $0x0;
	s5 =	sld [smem:$0x3FA5]  }
0x2b: {  	s6 =	sld [smem:$0x3FA6]  }
0x2c: {  	s7 =	sld [smem:$0x3FA7]  }
0x2d: {  	s3 =	simm.s32 $0x108;
	s8 =	sld [smem:$0x3FA8]  }
0x2e: {  	s3 =	simm.s32 @!p0 $0x1082;
	s9 =	sld [smem:$0x3FA9]  }
0x2f: {  	lr =	sadd.s32 s0, s3;
	s0 =	sld [smem:$0x3FA0]  }
0x30: {  	s3 =	sld [smem:$0x3FA3]  }
0x31: {  	[smem:$0x3FAC] =	sst s10  }
0x32: {  	s10 =	sld [smem:$0x3FAA];
	_ =	sdelay $0x3  }
0x33: {  	p0 =	seq.s32 s10, $0x1;
	s10 =	sld [smem:$0x3FAC];
	_ =	sdelay $0x3  }
0x34: {  	[smem:$0x3FAC] =	sst s10  }
0x35: {  	s10 =	sld [smem:$0x3FAB];
	_ =	sdelay $0x3  }
0x36: {  	p1 =	seq.s32 s10, $0x1;
	s10 =	sld [smem:$0x3FAC];
	_ =	sdelay $0x3  }
0x37: {  	[smem:$0x3FAC] =	sst s10  }
0x38: {  	s10 =	sld [smem:$0x3FAD]  }
0x39: {  	_ = 	snop;
	(pc) =	sbr.ind lr, $3  }
0x3a: {  	_ = 	snop  }
0x3b: {  	_ = 	snop  }
0x3c: {  	p2 =	seq.s32 s10, $0x1;
	s10 =	sld [smem:$0x3FAC]  }
0x3d: {  	_ =	shalt  }
0x3e: {  	_ =	shalt  }
0x3f: {  	_ =	shalt  }
0x40: {  	_ =	shalt  }
0x41: {  	_ =	shalt  }
0x42: {  	_ =	shalt  }
0x43: {  	_ =	shalt  }
0x44: {  	_ =	shalt  }
0x45: {  	_ =	shalt  }
0x46: {  	_ =	shalt  }
0x47: {  	_ =	shalt  }
0x48: {  	_ =	shalt  }
0x49: {  	_ =	shalt  }
0x4a: {  	_ =	shalt  }
0x4b: {  	_ =	shalt  }
0x4c: {  	_ =	shalt  }
0x4d: {  	_ =	shalt  }
0x4e: {  	_ =	shalt  }
0x4f: {  	_ =	shalt  }
0x50: {  	_ =	shalt  }
0x51: {  	_ =	shalt  }
0x52: {  	_ =	shalt  }
0x53: {  	_ =	shalt  }
0x54: {  	_ =	shalt  }
0x55: {  	_ =	shalt  }
0x56: {  	_ =	shalt  }
0x57: {  	_ =	shalt  }
0x58: {  	_ =	shalt  }
0x59: {  	_ =	shalt  }
0x5a: {  	_ =	shalt  }
0x5b: {  	_ =	shalt  }
0x5c: {  	_ =	shalt  }
0x5d: {  	_ =	shalt  }
0x5e: {  	_ =	shalt  }
0x5f: {  	_ =	shalt  }
0x60: {  	_ =	shalt  }
0x61: {  	_ =	shalt  }
0x62: {  	_ =	shalt  }
0x63: {  	_ =	shalt  }
0x64: {  	_ =	shalt  }
0x65: {  	_ =	shalt  }
0x66: {  	_ =	shalt  }
0x67: {  	_ =	shalt  }
0x68: {  	_ =	shalt  }
0x69: {  	_ =	shalt  }
0x6a: {  	_ =	shalt  }
0x6b: {  	_ =	shalt  }
0x6c: {  	_ =	shalt  }
0x6d: {  	_ =	shalt  }
0x6e: {  	_ =	shalt  }
0x6f: {  	_ =	shalt  }
0x70: {  	_ =	shalt  }
0x71: {  	_ =	shalt  }
0x72: {  	_ =	shalt  }
0x73: {  	_ =	shalt  }
0x74: {  	_ =	shalt  }
0x75: {  	_ =	shalt  }
0x76: {  	_ =	shalt  }
0x77: {  	_ =	shalt  }
0x78: {  	_ =	shalt  }
0x79: {  	_ =	shalt  }
0x7a: {  	_ =	shalt  }
0x7b: {  	_ =	shalt  }
0x7c: {  	_ =	shalt  }
0x7d: {  	_ =	shalt  }
0x7e: {  	_ =	shalt  }
0x7f: {  	_ =	shalt  }
0x80: {  	_ =	shalt  }
0x81: {  	_ =	shalt  }
0x82: {  	_ =	shalt  }
0x83: {  	_ =	shalt  }
0x84: {  	_ =	shalt  }
0x85: {  	_ =	shalt  }
0x86: {  	_ =	shalt  }
0x87: {  	_ =	shalt  }
.Lfunc_end0:
.L_simem_size_0:
called_computation_lowered:
.L_overlay_start_0:
0x88: {  	s2 =	sld [smem:$0x3FD9]  }
0x89: {  	s3 =	sld [smem:$0x3FFE];
	_ =	sdelay $0x1  }
0x8a: {  	s1 =	srdreg.scid  }
0x8b: {  	s0 =	sand.u32 $0x1, s1  }
0x8c: {  	s16 =	sshll.u32 s0, $0xA;
	s2 =	sadd.s32 s3, s2  }
0x8d: {  	s2 =	sadd.s32 s2, s16  }
0x8e: {  	[smem:$0x3FB8] =	sst s2  }
0x8f: {  	_ = 	snop  }
0x90: {  	(tm) =	ssettm $0x1  }
0x91: {  	s17 =	sld [smem:$0x3FFB];
	_ =	sdelay $0x3  }
0x92: {  	_ =	strace s17  }
0x93: {  	s2 =	sld [smem:$0x3FFC];
	_ =	sdelay $0x3  }
0x94: {  	_ =	strace s2  }
0x95: {  	s2 =	sld [smem:$0x3FFD];
	_ =	sdelay $0x3  }
0x96: {  	_ =	strace s2  }
0x97: {  	_ =	strace $0x8FFFFFFF  }
0x98: {  	s18 =	sld [smem:$0x3FDB];
	_ =	sdelay $0x1  }
0x99: {  	s19 =	simm.s32 $_scs_section_size  }
0x9a: {  	s4 =	simm.s32 $_size__tile_overlayer_lowered;
	s5 =	simm.s32 $_tile_overlayer_lowered  }
0x9b: {  	s22 =	simm.s32 $0x1BFF;
	s21 =	sshll.u32 s5, $0x1;
	s2 =	sadd.s32 s19, s18  }
0x9c: {  	s6 =	simm.s32 $0x0;
	s20 =	sshll.u32 s4, $0x1;
	s4 =	sadd.s32 s21, s2  }
0x9d: {  	[timem:s6], [sflag:s22] =	dma.local [hbm:s4], s20  }
0x9e: {  	_ =	swait.ge [sflag:s22], s20  }
0x9f: {  	s3 =	ssub.s32 $0x0, s20;
	[sflag:s22] =	ssyncset.done $0x0  }
0xa0: {  	[sflag:s22] =	ssyncadd.s32 s3;
	_ =	sdelay $0x1  }
0xa1: {  	s23 =	simm.s32 $0x1B8B  }
0xa2: {  	_ =	swait.ge [sflag:s23], $0x1  }
0xa3: {  	[sflag:s23] =	ssyncset.done $0x0  }
0xa4: {  	s25 =	simm.s32 $0x1B8E;
	s24 =	sld [smem:$0x3FFE];
	[sflag:s23] =	ssyncadd.s32 $0xFFFFFFFF  }
0xa5: {  	s26 =	simm.s32 $execute0_lowered;
	[smem:$0x3FD2] =	sst s25  }
0xa6: {  	s4 =	sshll.u32 s26, $0x1;
	_ =	strace $0x80000046;
	[dreg:$0x1] =	wrdreg $0xFFFFFFFF  }
0xa7: {  	s28 =	simm.s32 $_size_execute0_lowered;
	s2 =	sadd.s32 s2, s4;
	[dreg:$0x0] =	wrdreg $0x0  }
0xa8: {  	s4 =	sshll.u32 s28, $0x1;
	[dreg:$0x2] =	wrdreg s2  }
0xa9: {  	[dreg:$0x3] =	wrdreg s4  }
0xaa: {  	[dreg:$0x4] =	wrdreg $0xC0  }
0xab: {  	_ =	task [dreg:s6], $0x5FFFF  }
0xac: {  	[dreg:$0x1] =	wrdreg $0xFFFFFFFF  }
0xad: {  	[dreg:$0x0] =	wrdreg $0x60  }
0xae: {  	[dreg:$0x2] =	wrdreg s24  }
0xaf: {  	[dreg:$0x3] =	wrdreg $0x7C000  }
0xb0: {  	[dreg:$0x4] =	wrdreg $0x9  }
0xb1: {  	_ =	task.clear_ibuf [dreg:s6], $0x5FFFF;
	_ =	strace $0x90000046  }
0xb2: {  	s29 =	simm.s32 $0x9;
	_ =	strace $0x80000048  }
0xb3: {  	_ =	swait.ge [sflag:s29], $0x1  }
0xb4: {  	[sflag:s29] =	ssyncadd.s32 $0xFFFFFFFF  }
0xb5: {  	_ =	strace $0x90000048  }
0xb6: {  	_ =	sfence  }
0xb7: {  	s30 =	sld [smem:$0x0];
	_ =	sdelay $0x2  }
0xb8: {  	s31 =	sshll.u32 s1, $0xD;
	s1 =	sshrl.u32 s1, $0x2  }
0xb9: {  	s3 =	sand.u32 $0x4000, s31;
	s1 =	sadd.s32 s1, s30  }
0xba: {  	s0 =	sor.u32 s3, s0;
	s1 =	sshll.u32 s1, $0x11  }
0xbb: {  	s0 =	sor.u32 s1, s0  }
0xbc: {  	s0 =	sadd.s32 $0x8F2B, s0  }
0xbd: {  	[sflag:s0] =	ssyncadd.remote.s32 $0x1  }
0xbe: {  	_ =	sfence.sel $0xFFFF  }
0xbf: {  	[dreg:$0x0] =	wrdreg $0xFFFFFFFF;
	(pc) =	sbr.abs _section_cstart, $3  }
0xc0: {  	[dreg:$0x1] =	wrdreg $0xFFFFFFFF  }
0xc1: {  	_ =	task.clear_ibuf [dreg:s6], $0x2FFFF;
	_ =	strace $0x9FFFFFFF  }
0xc2: {  	(tm) =	ssettm $0x7FFFFFFF  }
0xc3: {  	_ =	shalt  }
tec
execute0_lowered:
.L_overlay_start_1:
0x0: {  	(tag) =	ssettag $0x1  }
0x1: {  	s4 =	rddreg [dreg:$0x0]  }
0x2: {  	s2 =	rddreg [dreg:$0x1]  }
0x3: {  	s0 =	rddreg [dreg:$0x2]  }
0x4: {  	s1 =	stileid.u32;
	s5 =	srdreg.scid;
	s3 =	simm.s32 $0x0  }
0x5: {  	s13 =	simm.s32 $0x60;
	s14 =	simm.s32 $0xC00;
	s15 =	simm.s32 $0x80  }
0x6: {  	s16 =	simm.s32 $0x3C00;
	s17 =	simm.s32 $0x1;
	s18 =	simm.s32 $0x6C00  }
0x7: {  	s19 =	simm.s32 $0x2;
	s20 =	simm.s32 $0x4;
	s21 =	simm.s32 $0x7400  }
0x8: {  	s5 =	sand.u32 $0x1, s5;
	s6 =	sshll.u32 s1, $0x1;
	s7 =	smul.u32 $0x2800, s1  }
0x9: {  	s22 =	simm.s32 $0x3;
	s10 =	smul.u32 $0x50000, s1;
	s8 =	sor.u32 s5, s6  }
0xa: {  	s23 =	simm.s32 $0x0;
	[smem:$0x7FF] =	sst s3;
	s6 =	smul.u32 $0x180, s8  }
0xb: {  	s30 =	sshll.u32 s1, $0x6;
	_ =	strace $0x80000047;
	s31 =	smul.u32 $0x1400, s8  }
0xc: {  	s5 =	ssub.s32 $0x2, s5;
	s7 =	sadd.s32 s7, s4;
	s8 =	smul.u32 $0xA000, s8  }
.Ltmp0:
0xd: {  	s9 =	sshrl.u32 s5, $0x1;
	s29 =	sshrl.u32 s10, $0x2;
	(pc) =	sbr.rel .LBB2_1-.Ltmp0, $4  }
0xe: {  	s9 =	ssub.s32 s5, s9;
	s12 =	sadd.s32 s29, s2;
	s5 =	sadd.s32 $0x1800, s7  }
0xf: {  	s11 =	sadd.s32 s6, s4;
	s4 =	sadd.s32 $0x2C800, s4;
	s6 =	sor.u32 $0x1C05, s30  }
0x10: {  	s9 =	smax.u32 s9, $0x1;
	s7 =	sadd.s32 $0x29800, s11;
	s10 =	sadd.s32 s31, s4  }
0x11: {  	s11 =	sshrl.u32 s12, $0x3;
	s12 =	simm.s32 $0x5;
	s10 =	sadd.s32 $0x100, s10  }
.LBB2_12:
0x12: {  	s23 =	sadd.s32 $0x1, s23  }
0x13: {  	_ =	swait.ge [sflag:s22], $0x800;
	p0 =	sne.s32 s23, s9  }
.Ltmp1:
0x14: {  	[sflag:s22] =	ssyncset.done $0x0;
	(pc) =	sbr.rel @!p0 .LBB2_13-.Ltmp1, $4  }
0x15: {  	[sflag:s22] =	ssyncadd.s32 $0xFFFFF800  }
0x16: {  	_ =	swait.ge [sflag:s20], $0x800  }
0x17: {  	[sflag:s20] =	ssyncset.done $0x0  }
0x18: {  	[sflag:s20] =	ssyncadd.s32 $0xFFFFF800  }
.LBB2_1:
0x19: {  	[spmem:s11], [sflag:s6] =	dma.local [hbm:s5], $0x2800  }
0x1a: {  	_ =	swait.ge [sflag:s12], $0x2800  }
0x1b: {  	[sflag:s12] =	ssyncset.done $0x0  }
0x1c: {  	[sflag:s12] =	ssyncadd.s32 $0xFFFFD800  }
0x1d: {  	[tilespmem:s3], [sflag:$0x5] =	stream.linear.gather [hbm4b:s7+s3], $0xA00, $0x38;
	[tilespmem:$0x1BC00] =	vst v63  }
0x1e: {  	_ =	swait.ge [sflag:s12], $0xA00  }
0x1f: {  	[sflag:s12] =	ssyncset.done $0x0  }
0x20: {  	[sflag:s12] =	ssyncadd.s32 $0xFFFFF600  }
0x21: {  	[bflag:$0x0] =	sbarrier.arrive $0xFFFF  }
0x22: {  	[tilespmem:s14], [sflag:$0x1] =	stream.indirect.gather [spmem:s2], $0x80, s3, s13, $0xb8;
	[tilespmem:$0x1BC00] =	vst v63  }
0x23: {  	s24 =	simm.s32 $0x0  }
0x24: {  	[tilespmem:s16], [sflag:$0x2] =	stream.indirect.gather [spmem:s2], $0x80, s15, s13, $0xb8;
	[tilespmem:$0x1BC00] =	vst v63  }
.LBB2_2:
0x25: {  	_ =	swait.ge [sflag:s17], $0x3000  }
0x26: {  	p0 =	seq.s32 s24, $0x0;
	[sflag:s17] =	ssyncset.done $0x0  }
0x27: {  	s25 =	simm.s32 @!p0 $0x3;
	[sflag:s17] =	ssyncadd.s32 $0xFFFFD000  }
0x28: {  	_ =	swait.ge @!p0 [sflag:s25], $0x800  }
0x29: {  	[sflag:s25] =	ssyncset.done @!p0 $0x0  }
0x2a: {  	s26 =	simm.s32 $0xD80;
	[sflag:s25] =	ssyncadd.s32 @!p0 $0xFFFFF800  }
0x2b: {  	v0 =	vld [tilespmem:s26+$0xFFFFFF00]  }
0x2c: {  	v1 =	vld [tilespmem:s26+$0xFFFFFE80];
	_ =	sdelay $0x1  }
0x2d: {  	v2 =	vld [tilespmem:s26+$0xFFFFFF80];
	_ =	sdelay $0x1  }
0x2e: {  	v3 =	vld [tilespmem:s26+$0x0]  }
0x2f: {  	v0 =	vadd.f32 v0, v1  }
0x30: {  	v1 =	vld [tilespmem:s26+$0x80]  }
0x31: {  	v0 =	vadd.f32 v2, v0  }
0x32: {  	v2 =	vld [tilespmem:s26+$0x100]  }
0x33: {  	v0 =	vadd.f32 v3, v0;
	_ =	sdelay $0x1  }
0x34: {  	v0 =	vadd.f32 v1, v0;
	_ =	sdelay $0x1  }
0x35: {  	v0 =	vadd.f32 v2, v0  }
0x36: {  	s28 =	simm.s32 $0x0  }
0x37: {  	[tilespmem:s28+$0x6C00] =	vst v0  }
0x38: {  	v0 =	vld [tilespmem:s26+$0xFFFFFE90]  }
0x39: {  	v1 =	vld [tilespmem:s26+$0xFFFFFF10];
	_ =	sdelay $0x1  }
0x3a: {  	v2 =	vld [tilespmem:s26+$0xFFFFFF90];
	_ =	sdelay $0x1  }
0x3b: {  	v3 =	vld [tilespmem:s26+$0x10]  }
0x3c: {  	v0 =	vadd.f32 v1, v0  }
0x3d: {  	v1 =	vld [tilespmem:s26+$0x90]  }
0x3e: {  	v0 =	vadd.f32 v2, v0  }
0x3f: {  	v2 =	vld [tilespmem:s26+$0x110]  }
0x40: {  	v0 =	vadd.f32 v3, v0;
	_ =	sdelay $0x1  }
0x41: {  	v0 =	vadd.f32 v1, v0;
	_ =	sdelay $0x1  }
0x42: {  	v0 =	vadd.f32 v2, v0;
	_ =	sdelay $0x1  }
0x43: {  	[tilespmem:s28+$0x6C10] =	vst v0  }
0x44: {  	v0 =	vld [tilespmem:s26+$0xFFFFFEA0]  }
0x45: {  	v1 =	vld [tilespmem:s26+$0xFFFFFF20];
	_ =	sdelay $0x1  }
0x46: {  	v2 =	vld [tilespmem:s26+$0xFFFFFFA0];
	_ =	sdelay $0x1  }
0x47: {  	v3 =	vld [tilespmem:s26+$0x20]  }
0x48: {  	v0 =	vadd.f32 v1, v0  }
0x49: {  	v1 =	vld [tilespmem:s26+$0xA0]  }
0x4a: {  	v0 =	vadd.f32 v2, v0  }
0x4b: {  	v2 =	vld [tilespmem:s26+$0x120]  }
0x4c: {  	v0 =	vadd.f32 v3, v0;
	_ =	sdelay $0x1  }
0x4d: {  	v0 =	vadd.f32 v1, v0;
	_ =	sdelay $0x1  }
0x4e: {  	v0 =	vadd.f32 v2, v0;
	_ =	sdelay $0x1  }
0x4f: {  	[tilespmem:s28+$0x6C20] =	vst v0  }
0x50: {  	v0 =	vld [tilespmem:s26+$0xFFFFFEB0]  }
0x51: {  	v1 =	vld [tilespmem:s26+$0xFFFFFF30];
	_ =	sdelay $0x1  }
0x52: {  	v2 =	vld [tilespmem:s26+$0xFFFFFFB0];
	_ =	sdelay $0x1  }
0x53: {  	v3 =	vld [tilespmem:s26+$0x30]  }
0x54: {  	v0 =	vadd.f32 v1, v0  }
0x55: {  	v1 =	vld [tilespmem:s26+$0xB0]  }
0x56: {  	v0 =	vadd.f32 v2, v0  }
0x57: {  	v2 =	vld [tilespmem:s26+$0x130]  }
0x58: {  	v0 =	vadd.f32 v3, v0;
	_ =	sdelay $0x1  }
0x59: {  	v0 =	vadd.f32 v1, v0;
	_ =	sdelay $0x1  }
0x5a: {  	v0 =	vadd.f32 v2, v0;
	_ =	sdelay $0x1  }
0x5b: {  	[tilespmem:s28+$0x6C30] =	vst v0  }
0x5c: {  	v0 =	vld [tilespmem:s26+$0xFFFFFEC0]  }
0x5d: {  	v1 =	vld [tilespmem:s26+$0xFFFFFF40];
	_ =	sdelay $0x1  }
0x5e: {  	v2 =	vld [tilespmem:s26+$0xFFFFFFC0];
	_ =	sdelay $0x1  }
0x5f: {  	v3 =	vld [tilespmem:s26+$0x40]  }
0x60: {  	v0 =	vadd.f32 v1, v0  }
0x61: {  	v1 =	vld [tilespmem:s26+$0xC0]  }
0x62: {  	v0 =	vadd.f32 v2, v0  }
0x63: {  	v2 =	vld [tilespmem:s26+$0x140]  }
0x64: {  	v0 =	vadd.f32 v3, v0;
	_ =	sdelay $0x1  }
0x65: {  	v0 =	vadd.f32 v1, v0;
	_ =	sdelay $0x1  }
0x66: {  	v0 =	vadd.f32 v2, v0;
	_ =	sdelay $0x1  }
0x67: {  	[tilespmem:s28+$0x6C40] =	vst v0  }
0x68: {  	v0 =	vld [tilespmem:s26+$0xFFFFFED0]  }
0x69: {  	v1 =	vld [tilespmem:s26+$0xFFFFFF50];
	_ =	sdelay $0x1  }
0x6a: {  	v2 =	vld [tilespmem:s26+$0xFFFFFFD0];
	_ =	sdelay $0x1  }
0x6b: {  	v3 =	vld [tilespmem:s26+$0x50]  }
0x6c: {  	v0 =	vadd.f32 v1, v0  }
0x6d: {  	v1 =	vld [tilespmem:s26+$0xD0]  }
0x6e: {  	v0 =	vadd.f32 v2, v0  }
0x6f: {  	v2 =	vld [tilespmem:s26+$0x150]  }
0x70: {  	v0 =	vadd.f32 v3, v0;
	_ =	sdelay $0x1  }
0x71: {  	v0 =	vadd.f32 v1, v0;
	_ =	sdelay $0x1  }
0x72: {  	v0 =	vadd.f32 v2, v0;
	_ =	sdelay $0x1  }
0x73: {  	[tilespmem:s28+$0x6C50] =	vst v0  }
0x74: {  	v0 =	vld [tilespmem:s26+$0xFFFFFEE0]  }
0x75: {  	v1 =	vld [tilespmem:s26+$0xFFFFFF60];
	_ =	sdelay $0x1  }
0x76: {  	v2 =	vld [tilespmem:s26+$0xFFFFFFE0];
	_ =	sdelay $0x1  }
0x77: {  	v3 =	vld [tilespmem:s26+$0x60]  }
0x78: {  	v0 =	vadd.f32 v1, v0  }
0x79: {  	v1 =	vld [tilespmem:s26+$0xE0]  }
0x7a: {  	v0 =	vadd.f32 v2, v0  }
0x7b: {  	v2 =	vld [tilespmem:s26+$0x160]  }
0x7c: {  	v0 =	vadd.f32 v3, v0;
	_ =	sdelay $0x1  }
0x7d: {  	v0 =	vadd.f32 v1, v0;
	_ =	sdelay $0x1  }
0x7e: {  	v0 =	vadd.f32 v2, v0;
	_ =	sdelay $0x1  }
0x7f: {  	[tilespmem:s28+$0x6C60] =	vst v0  }
0x80: {  	v4 =	vld [tilespmem:s26+$0xFFFFFEF0]  }
0x81: {  	v5 =	vld [tilespmem:s26+$0xFFFFFF70];
	_ =	sdelay $0x1  }
0x82: {  	v3 =	vld [tilespmem:s26+$0xFFFFFFF0]  }
0x83: {  	v2 =	vld [tilespmem:s26+$0x70]  }
0x84: {  	v0 =	vld [tilespmem:s26+$0xF0]  }
0x85: {  	s29 =	simm.s32 $0x200;
	s25 =	sshll.u32 s24, $0xA;
	v1 =	vld [tilespmem:s26+$0x170];
	v4 =	vadd.f32 v5, v4  }
.LBB2_3:
0x86: {  	p1 =	sne.s32 s29, $0x1E00  }
0x87: {  	s26 =	sadd.s32 $0x300, s26;
	s30 =	smov.u32 s29;
	s29 =	sadd.s32 $0x200, s29  }
0x88: {  	v3 =	vadd.f32 v3, v4;
	_ =	sdelay $0x1  }
0x89: {  	v2 =	vadd.f32 v2, v3;
	_ =	sdelay $0x1  }
0x8a: {  	v0 =	vadd.f32 v0, v2;
	_ =	sdelay $0x1  }
0x8b: {  	v0 =	vadd.f32 v1, v0;
	_ =	sdelay $0x1  }
0x8c: {  	[tilespmem:s28+$0x6C70] =	vst v0  }
0x8d: {  	v0 =	vld [tilespmem:s26+$0xFFFFFF00]  }
0x8e: {  	v1 =	vld [tilespmem:s26+$0xFFFFFE80];
	_ =	sdelay $0x1  }
0x8f: {  	v2 =	vld [tilespmem:s26+$0xFFFFFF80]  }
0x90: {  	v3 =	vld [tilespmem:s26+$0x0];
	_ =	sdelay $0x1  }
0x91: {  	v0 =	vadd.f32 v0, v1  }
0x92: {  	v1 =	vld [tilespmem:s26+$0x80]  }
0x93: {  	v0 =	vadd.f32 v2, v0  }
0x94: {  	v2 =	vld [tilespmem:s26+$0x100]  }
0x95: {  	v0 =	vadd.f32 v3, v0;
	_ =	sdelay $0x1  }
0x96: {  	v0 =	vadd.f32 v1, v0;
	_ =	sdelay $0x1  }
0x97: {  	v0 =	vadd.f32 v2, v0  }
0x98: {  	s28 =	sshra.s32 s30, $0x2  }
0x99: {  	[tilespmem:s28+$0x6C00] =	vst v0  }
0x9a: {  	v0 =	vld [tilespmem:s26+$0xFFFFFE90]  }
0x9b: {  	v1 =	vld [tilespmem:s26+$0xFFFFFF10];
	_ =	sdelay $0x1  }
0x9c: {  	v2 =	vld [tilespmem:s26+$0xFFFFFF90];
	_ =	sdelay $0x1  }
0x9d: {  	v3 =	vld [tilespmem:s26+$0x10]  }
0x9e: {  	v0 =	vadd.f32 v1, v0  }
0x9f: {  	v1 =	vld [tilespmem:s26+$0x90]  }
0xa0: {  	v0 =	vadd.f32 v2, v0  }
0xa1: {  	v2 =	vld [tilespmem:s26+$0x110]  }
0xa2: {  	v0 =	vadd.f32 v3, v0;
	_ =	sdelay $0x1  }
0xa3: {  	v0 =	vadd.f32 v1, v0;
	_ =	sdelay $0x1  }
0xa4: {  	v0 =	vadd.f32 v2, v0;
	_ =	sdelay $0x1  }
0xa5: {  	[tilespmem:s28+$0x6C10] =	vst v0  }
0xa6: {  	v0 =	vld [tilespmem:s26+$0xFFFFFEA0]  }
0xa7: {  	v1 =	vld [tilespmem:s26+$0xFFFFFF20];
	_ =	sdelay $0x1  }
0xa8: {  	v2 =	vld [tilespmem:s26+$0xFFFFFFA0];
	_ =	sdelay $0x1  }
0xa9: {  	v3 =	vld [tilespmem:s26+$0x20]  }
0xaa: {  	v0 =	vadd.f32 v1, v0  }
0xab: {  	v1 =	vld [tilespmem:s26+$0xA0]  }
0xac: {  	v0 =	vadd.f32 v2, v0  }
0xad: {  	v2 =	vld [tilespmem:s26+$0x120]  }
0xae: {  	v0 =	vadd.f32 v3, v0;
	_ =	sdelay $0x1  }
0xaf: {  	v0 =	vadd.f32 v1, v0;
	_ =	sdelay $0x1  }
0xb0: {  	v0 =	vadd.f32 v2, v0;
	_ =	sdelay $0x1  }
0xb1: {  	[tilespmem:s28+$0x6C20] =	vst v0  }
0xb2: {  	v0 =	vld [tilespmem:s26+$0xFFFFFEB0]  }
0xb3: {  	v1 =	vld [tilespmem:s26+$0xFFFFFF30];
	_ =	sdelay $0x1  }
0xb4: {  	v2 =	vld [tilespmem:s26+$0xFFFFFFB0];
	_ =	sdelay $0x1  }
0xb5: {  	v3 =	vld [tilespmem:s26+$0x30]  }
0xb6: {  	v0 =	vadd.f32 v1, v0  }
0xb7: {  	v1 =	vld [tilespmem:s26+$0xB0]  }
0xb8: {  	v0 =	vadd.f32 v2, v0  }
0xb9: {  	v2 =	vld [tilespmem:s26+$0x130]  }
0xba: {  	v0 =	vadd.f32 v3, v0;
	_ =	sdelay $0x1  }
0xbb: {  	v0 =	vadd.f32 v1, v0;
	_ =	sdelay $0x1  }
0xbc: {  	v0 =	vadd.f32 v2, v0;
	_ =	sdelay $0x1  }
0xbd: {  	[tilespmem:s28+$0x6C30] =	vst v0  }
0xbe: {  	v0 =	vld [tilespmem:s26+$0xFFFFFEC0]  }
0xbf: {  	v1 =	vld [tilespmem:s26+$0xFFFFFF40];
	_ =	sdelay $0x1  }
0xc0: {  	v2 =	vld [tilespmem:s26+$0xFFFFFFC0];
	_ =	sdelay $0x1  }
0xc1: {  	v3 =	vld [tilespmem:s26+$0x40]  }
0xc2: {  	v0 =	vadd.f32 v1, v0  }
0xc3: {  	v1 =	vld [tilespmem:s26+$0xC0]  }
0xc4: {  	v0 =	vadd.f32 v2, v0  }
0xc5: {  	v2 =	vld [tilespmem:s26+$0x140]  }
0xc6: {  	v0 =	vadd.f32 v3, v0;
	_ =	sdelay $0x1  }
0xc7: {  	v0 =	vadd.f32 v1, v0;
	_ =	sdelay $0x1  }
0xc8: {  	v0 =	vadd.f32 v2, v0;
	_ =	sdelay $0x1  }
0xc9: {  	[tilespmem:s28+$0x6C40] =	vst v0  }
0xca: {  	v0 =	vld [tilespmem:s26+$0xFFFFFED0]  }
0xcb: {  	v1 =	vld [tilespmem:s26+$0xFFFFFF50]  }
0xcc: {  	v2 =	vld [tilespmem:s26+$0xFFFFFFD0]  }
0xcd: {  	v3 =	vld [tilespmem:s26+$0x50]  }
0xce: {  	v4 =	vld [tilespmem:s26+$0xD0]  }
0xcf: {  	v5 =	vld [tilespmem:s26+$0x150]  }
0xd0: {  	v0 =	vadd.f32 v1, v0;
	_ =	sdelay $0x1  }
0xd1: {  	v0 =	vadd.f32 v2, v0;
	_ =	sdelay $0x1  }
0xd2: {  	v0 =	vadd.f32 v3, v0;
	_ =	sdelay $0x1  }
0xd3: {  	v0 =	vadd.f32 v4, v0;
	_ =	sdelay $0x1  }
0xd4: {  	v0 =	vadd.f32 v5, v0;
	_ =	sdelay $0x1  }
0xd5: {  	[tilespmem:s28+$0x6C50] =	vst v0  }
0xd6: {  	v0 =	vld [tilespmem:s26+$0xFFFFFEE0]  }
0xd7: {  	v1 =	vld [tilespmem:s26+$0xFFFFFF60]  }
0xd8: {  	v2 =	vld [tilespmem:s26+$0xFFFFFFE0]  }
0xd9: {  	v3 =	vld [tilespmem:s26+$0x60]  }
0xda: {  	v4 =	vld [tilespmem:s26+$0xE0]  }
0xdb: {  	v5 =	vld [tilespmem:s26+$0x160]  }
0xdc: {  	v0 =	vadd.f32 v1, v0;
	_ =	sdelay $0x1  }
0xdd: {  	v0 =	vadd.f32 v2, v0;
	_ =	sdelay $0x1  }
0xde: {  	v0 =	vadd.f32 v3, v0;
	_ =	sdelay $0x1  }
0xdf: {  	v0 =	vadd.f32 v4, v0;
	_ =	sdelay $0x1  }
0xe0: {  	v0 =	vadd.f32 v5, v0;
	_ =	sdelay $0x1  }
0xe1: {  	[tilespmem:s28+$0x6C60] =	vst v0  }
0xe2: {  	v4 =	vld [tilespmem:s26+$0xFFFFFEF0]  }
0xe3: {  	v5 =	vld [tilespmem:s26+$0xFFFFFF70]  }
.Ltmp2:
0xe4: {  	v3 =	vld [tilespmem:s26+$0xFFFFFFF0];
	(pc) =	sbr.rel @p1 .LBB2_3-.Ltmp2, $4  }
0xe5: {  	v2 =	vld [tilespmem:s26+$0x70]  }
0xe6: {  	v0 =	vld [tilespmem:s26+$0xF0]  }
0xe7: {  	v1 =	vld [tilespmem:s26+$0x170]  }
0xe8: {  	v4 =	vadd.f32 v5, v4  }
0xe9: {  	_ = 	snop  }
0xea: {  	v3 =	vadd.f32 v3, v4;
	_ =	sdelay $0x1  }
0xeb: {  	v2 =	vadd.f32 v2, v3;
	_ =	sdelay $0x1  }
0xec: {  	p1 =	sne.s32 s24, $0x9;
	v0 =	vadd.f32 v0, v2  }
.Ltmp3:
0xed: {  	s26 =	sshll.u32 s24, $0xC;
	(pc) =	sbr.rel @p1 .LBB2_6-.Ltmp3, $4  }
0xee: {  	s26 =	sadd.s32 s8, s26;
	v0 =	vadd.f32 v1, v0  }
0xef: {  	s26 =	sshrl.u32 s26, $0x3  }
0xf0: {  	s26 =	sadd.s32 s4, s26;
	[tilespmem:s28+$0x6C70] =	vst v0  }
0xf1: {  	[hbm4b:s26+s3] =	stream.linear.scatter [tilespmem:s18], [sflag:$0x3], $0x800, $0x38;
	[tilespmem:$0x1BC00] =	vst v63  }
.Ltmp4:
0xf2: {  	(pc) =	sbr.rel .LBB2_7-.Ltmp4, $4  }
0xf3: {  	_ = 	snop  }
0xf4: {  	_ =	swait.ge [sflag:s19], $0x3000  }
0xf5: {  	[sflag:s19] =	ssyncset.done $0x0  }
0xf6: {  	[sflag:s19] =	ssyncadd.s32 $0xFFFFD000  }
.LBB2_6:
0xf7: {  	s26 =	sshrl.u32 s25, $0x2  }
.Ltmp5:
0xf8: {  	s26 =	sadd.s32 $0x100, s26;
	(pc) =	sbr.rel @p0 .LBB2_8-.Ltmp5, $4  }
0xf9: {  	[tilespmem:s14], [sflag:$0x1] =	stream.indirect.gather [spmem:s2], $0x80, s26, s13, $0xb8;
	[tilespmem:$0x1BC00] =	vst v63  }
0xfa: {  	_ =	swait.ge [sflag:s19], $0x3000  }
0xfb: {  	[sflag:s19] =	ssyncset.done $0x0  }
0xfc: {  	[sflag:s19] =	ssyncadd.s32 $0xFFFFD000  }
.LBB2_7:
0xfd: {  	_ =	swait.ge [sflag:s20], $0x800  }
0xfe: {  	[sflag:s20] =	ssyncset.done $0x0  }
0xff: {  	[sflag:s20] =	ssyncadd.s32 $0xFFFFF800  }
.LBB2_8:
0x100: {  	s26 =	simm.s32 $0x3D80  }
0x101: {  	v0 =	vld [tilespmem:s26+$0xFFFFFF00]  }
0x102: {  	v1 =	vld [tilespmem:s26+$0xFFFFFE80];
	_ =	sdelay $0x1  }
0x103: {  	v2 =	vld [tilespmem:s26+$0xFFFFFF80];
	_ =	sdelay $0x1  }
0x104: {  	v3 =	vld [tilespmem:s26+$0x0]  }
0x105: {  	v0 =	vadd.f32 v0, v1  }
0x106: {  	v1 =	vld [tilespmem:s26+$0x80]  }
0x107: {  	v0 =	vadd.f32 v2, v0  }
0x108: {  	v2 =	vld [tilespmem:s26+$0x100]  }
0x109: {  	v0 =	vadd.f32 v3, v0;
	_ =	sdelay $0x1  }
0x10a: {  	v0 =	vadd.f32 v1, v0;
	_ =	sdelay $0x1  }
0x10b: {  	v0 =	vadd.f32 v2, v0  }
0x10c: {  	s28 =	simm.s32 $0x0  }
0x10d: {  	[tilespmem:s28+$0x7400] =	vst v0  }
0x10e: {  	v0 =	vld [tilespmem:s26+$0xFFFFFE90]  }
0x10f: {  	v1 =	vld [tilespmem:s26+$0xFFFFFF10];
	_ =	sdelay $0x1  }
0x110: {  	v2 =	vld [tilespmem:s26+$0xFFFFFF90];
	_ =	sdelay $0x1  }
0x111: {  	v3 =	vld [tilespmem:s26+$0x10]  }
0x112: {  	v0 =	vadd.f32 v1, v0  }
0x113: {  	v1 =	vld [tilespmem:s26+$0x90]  }
0x114: {  	v0 =	vadd.f32 v2, v0  }
0x115: {  	v2 =	vld [tilespmem:s26+$0x110]  }
0x116: {  	v0 =	vadd.f32 v3, v0;
	_ =	sdelay $0x1  }
0x117: {  	v0 =	vadd.f32 v1, v0;
	_ =	sdelay $0x1  }
0x118: {  	v0 =	vadd.f32 v2, v0;
	_ =	sdelay $0x1  }
0x119: {  	[tilespmem:s28+$0x7410] =	vst v0  }
0x11a: {  	v0 =	vld [tilespmem:s26+$0xFFFFFEA0]  }
0x11b: {  	v1 =	vld [tilespmem:s26+$0xFFFFFF20];
	_ =	sdelay $0x1  }
0x11c: {  	v2 =	vld [tilespmem:s26+$0xFFFFFFA0];
	_ =	sdelay $0x1  }
0x11d: {  	v3 =	vld [tilespmem:s26+$0x20]  }
0x11e: {  	v0 =	vadd.f32 v1, v0  }
0x11f: {  	v1 =	vld [tilespmem:s26+$0xA0]  }
0x120: {  	v0 =	vadd.f32 v2, v0  }
0x121: {  	v2 =	vld [tilespmem:s26+$0x120]  }
0x122: {  	v0 =	vadd.f32 v3, v0;
	_ =	sdelay $0x1  }
0x123: {  	v0 =	vadd.f32 v1, v0;
	_ =	sdelay $0x1  }
0x124: {  	v0 =	vadd.f32 v2, v0;
	_ =	sdelay $0x1  }
0x125: {  	[tilespmem:s28+$0x7420] =	vst v0  }
0x126: {  	v0 =	vld [tilespmem:s26+$0xFFFFFEB0]  }
0x127: {  	v1 =	vld [tilespmem:s26+$0xFFFFFF30];
	_ =	sdelay $0x1  }
0x128: {  	v2 =	vld [tilespmem:s26+$0xFFFFFFB0];
	_ =	sdelay $0x1  }
0x129: {  	v3 =	vld [tilespmem:s26+$0x30]  }
0x12a: {  	v0 =	vadd.f32 v1, v0  }
0x12b: {  	v1 =	vld [tilespmem:s26+$0xB0]  }
0x12c: {  	v0 =	vadd.f32 v2, v0  }
0x12d: {  	v2 =	vld [tilespmem:s26+$0x130]  }
0x12e: {  	v0 =	vadd.f32 v3, v0;
	_ =	sdelay $0x1  }
0x12f: {  	v0 =	vadd.f32 v1, v0;
	_ =	sdelay $0x1  }
0x130: {  	v0 =	vadd.f32 v2, v0;
	_ =	sdelay $0x1  }
0x131: {  	[tilespmem:s28+$0x7430] =	vst v0  }
0x132: {  	v0 =	vld [tilespmem:s26+$0xFFFFFEC0]  }
0x133: {  	v1 =	vld [tilespmem:s26+$0xFFFFFF40];
	_ =	sdelay $0x1  }
0x134: {  	v2 =	vld [tilespmem:s26+$0xFFFFFFC0];
	_ =	sdelay $0x1  }
0x135: {  	v3 =	vld [tilespmem:s26+$0x40]  }
0x136: {  	v0 =	vadd.f32 v1, v0  }
0x137: {  	v1 =	vld [tilespmem:s26+$0xC0]  }
0x138: {  	v0 =	vadd.f32 v2, v0  }
0x139: {  	v2 =	vld [tilespmem:s26+$0x140]  }
0x13a: {  	v0 =	vadd.f32 v3, v0;
	_ =	sdelay $0x1  }
0x13b: {  	v0 =	vadd.f32 v1, v0;
	_ =	sdelay $0x1  }
0x13c: {  	v0 =	vadd.f32 v2, v0;
	_ =	sdelay $0x1  }
0x13d: {  	[tilespmem:s28+$0x7440] =	vst v0  }
0x13e: {  	v0 =	vld [tilespmem:s26+$0xFFFFFED0]  }
0x13f: {  	v1 =	vld [tilespmem:s26+$0xFFFFFF50];
	_ =	sdelay $0x1  }
0x140: {  	v2 =	vld [tilespmem:s26+$0xFFFFFFD0];
	_ =	sdelay $0x1  }
0x141: {  	v3 =	vld [tilespmem:s26+$0x50]  }
0x142: {  	v0 =	vadd.f32 v1, v0  }
0x143: {  	v1 =	vld [tilespmem:s26+$0xD0]  }
0x144: {  	v0 =	vadd.f32 v2, v0  }
0x145: {  	v2 =	vld [tilespmem:s26+$0x150]  }
0x146: {  	v0 =	vadd.f32 v3, v0;
	_ =	sdelay $0x1  }
0x147: {  	v0 =	vadd.f32 v1, v0;
	_ =	sdelay $0x1  }
0x148: {  	v0 =	vadd.f32 v2, v0;
	_ =	sdelay $0x1  }
0x149: {  	[tilespmem:s28+$0x7450] =	vst v0  }
0x14a: {  	v0 =	vld [tilespmem:s26+$0xFFFFFEE0]  }
0x14b: {  	v1 =	vld [tilespmem:s26+$0xFFFFFF60];
	_ =	sdelay $0x1  }
0x14c: {  	v2 =	vld [tilespmem:s26+$0xFFFFFFE0];
	_ =	sdelay $0x1  }
0x14d: {  	v3 =	vld [tilespmem:s26+$0x60]  }
0x14e: {  	v0 =	vadd.f32 v1, v0  }
0x14f: {  	v1 =	vld [tilespmem:s26+$0xE0]  }
0x150: {  	v0 =	vadd.f32 v2, v0  }
0x151: {  	v2 =	vld [tilespmem:s26+$0x160]  }
0x152: {  	v0 =	vadd.f32 v3, v0;
	_ =	sdelay $0x1  }
0x153: {  	v0 =	vadd.f32 v1, v0;
	_ =	sdelay $0x1  }
0x154: {  	v0 =	vadd.f32 v2, v0;
	_ =	sdelay $0x1  }
0x155: {  	[tilespmem:s28+$0x7460] =	vst v0  }
0x156: {  	v4 =	vld [tilespmem:s26+$0xFFFFFEF0]  }
0x157: {  	v5 =	vld [tilespmem:s26+$0xFFFFFF70];
	_ =	sdelay $0x1  }
0x158: {  	v3 =	vld [tilespmem:s26+$0xFFFFFFF0]  }
0x159: {  	v2 =	vld [tilespmem:s26+$0x70]  }
0x15a: {  	v0 =	vld [tilespmem:s26+$0xF0]  }
0x15b: {  	s29 =	simm.s32 $0x200;
	v1 =	vld [tilespmem:s26+$0x170];
	v4 =	vadd.f32 v5, v4  }
.LBB2_9:
0x15c: {  	p0 =	sne.s32 s29, $0x1E00  }
0x15d: {  	s26 =	sadd.s32 $0x300, s26;
	s30 =	smov.u32 s29;
	s29 =	sadd.s32 $0x200, s29  }
0x15e: {  	v3 =	vadd.f32 v3, v4;
	_ =	sdelay $0x1  }
0x15f: {  	v2 =	vadd.f32 v2, v3;
	_ =	sdelay $0x1  }
0x160: {  	v0 =	vadd.f32 v0, v2;
	_ =	sdelay $0x1  }
0x161: {  	v0 =	vadd.f32 v1, v0;
	_ =	sdelay $0x1  }
0x162: {  	[tilespmem:s28+$0x7470] =	vst v0  }
0x163: {  	v0 =	vld [tilespmem:s26+$0xFFFFFF00]  }
0x164: {  	v1 =	vld [tilespmem:s26+$0xFFFFFE80];
	_ =	sdelay $0x1  }
0x165: {  	v2 =	vld [tilespmem:s26+$0xFFFFFF80]  }
0x166: {  	v3 =	vld [tilespmem:s26+$0x0];
	_ =	sdelay $0x1  }
0x167: {  	v0 =	vadd.f32 v0, v1  }
0x168: {  	v1 =	vld [tilespmem:s26+$0x80]  }
0x169: {  	v0 =	vadd.f32 v2, v0  }
0x16a: {  	v2 =	vld [tilespmem:s26+$0x100]  }
0x16b: {  	v0 =	vadd.f32 v3, v0;
	_ =	sdelay $0x1  }
0x16c: {  	v0 =	vadd.f32 v1, v0;
	_ =	sdelay $0x1  }
0x16d: {  	v0 =	vadd.f32 v2, v0  }
0x16e: {  	s28 =	sshra.s32 s30, $0x2  }
0x16f: {  	[tilespmem:s28+$0x7400] =	vst v0  }
0x170: {  	v0 =	vld [tilespmem:s26+$0xFFFFFE90]  }
0x171: {  	v1 =	vld [tilespmem:s26+$0xFFFFFF10];
	_ =	sdelay $0x1  }
0x172: {  	v2 =	vld [tilespmem:s26+$0xFFFFFF90];
	_ =	sdelay $0x1  }
0x173: {  	v3 =	vld [tilespmem:s26+$0x10]  }
0x174: {  	v0 =	vadd.f32 v1, v0  }
0x175: {  	v1 =	vld [tilespmem:s26+$0x90]  }
0x176: {  	v0 =	vadd.f32 v2, v0  }
0x177: {  	v2 =	vld [tilespmem:s26+$0x110]  }
0x178: {  	v0 =	vadd.f32 v3, v0;
	_ =	sdelay $0x1  }
0x179: {  	v0 =	vadd.f32 v1, v0;
	_ =	sdelay $0x1  }
0x17a: {  	v0 =	vadd.f32 v2, v0;
	_ =	sdelay $0x1  }
0x17b: {  	[tilespmem:s28+$0x7410] =	vst v0  }
0x17c: {  	v0 =	vld [tilespmem:s26+$0xFFFFFEA0]  }
0x17d: {  	v1 =	vld [tilespmem:s26+$0xFFFFFF20];
	_ =	sdelay $0x1  }
0x17e: {  	v2 =	vld [tilespmem:s26+$0xFFFFFFA0];
	_ =	sdelay $0x1  }
0x17f: {  	v3 =	vld [tilespmem:s26+$0x20]  }
0x180: {  	v0 =	vadd.f32 v1, v0  }
0x181: {  	v1 =	vld [tilespmem:s26+$0xA0]  }
0x182: {  	v0 =	vadd.f32 v2, v0  }
0x183: {  	v2 =	vld [tilespmem:s26+$0x120]  }
0x184: {  	v0 =	vadd.f32 v3, v0;
	_ =	sdelay $0x1  }
0x185: {  	v0 =	vadd.f32 v1, v0;
	_ =	sdelay $0x1  }
0x186: {  	v0 =	vadd.f32 v2, v0;
	_ =	sdelay $0x1  }
0x187: {  	[tilespmem:s28+$0x7420] =	vst v0  }
0x188: {  	v0 =	vld [tilespmem:s26+$0xFFFFFEB0]  }
0x189: {  	v1 =	vld [tilespmem:s26+$0xFFFFFF30];
	_ =	sdelay $0x1  }
0x18a: {  	v2 =	vld [tilespmem:s26+$0xFFFFFFB0];
	_ =	sdelay $0x1  }
0x18b: {  	v3 =	vld [tilespmem:s26+$0x30]  }
0x18c: {  	v0 =	vadd.f32 v1, v0  }
0x18d: {  	v1 =	vld [tilespmem:s26+$0xB0]  }
0x18e: {  	v0 =	vadd.f32 v2, v0  }
0x18f: {  	v2 =	vld [tilespmem:s26+$0x130]  }
0x190: {  	v0 =	vadd.f32 v3, v0;
	_ =	sdelay $0x1  }
0x191: {  	v0 =	vadd.f32 v1, v0;
	_ =	sdelay $0x1  }
0x192: {  	v0 =	vadd.f32 v2, v0;
	_ =	sdelay $0x1  }
0x193: {  	[tilespmem:s28+$0x7430] =	vst v0  }
0x194: {  	v0 =	vld [tilespmem:s26+$0xFFFFFEC0]  }
0x195: {  	v1 =	vld [tilespmem:s26+$0xFFFFFF40];
	_ =	sdelay $0x1  }
0x196: {  	v2 =	vld [tilespmem:s26+$0xFFFFFFC0];
	_ =	sdelay $0x1  }
0x197: {  	v3 =	vld [tilespmem:s26+$0x40]  }
0x198: {  	v0 =	vadd.f32 v1, v0  }
0x199: {  	v1 =	vld [tilespmem:s26+$0xC0]  }
0x19a: {  	v0 =	vadd.f32 v2, v0  }
0x19b: {  	v2 =	vld [tilespmem:s26+$0x140]  }
0x19c: {  	v0 =	vadd.f32 v3, v0;
	_ =	sdelay $0x1  }
0x19d: {  	v0 =	vadd.f32 v1, v0;
	_ =	sdelay $0x1  }
0x19e: {  	v0 =	vadd.f32 v2, v0;
	_ =	sdelay $0x1  }
0x19f: {  	[tilespmem:s28+$0x7440] =	vst v0  }
0x1a0: {  	v0 =	vld [tilespmem:s26+$0xFFFFFED0]  }
0x1a1: {  	v1 =	vld [tilespmem:s26+$0xFFFFFF50]  }
0x1a2: {  	v2 =	vld [tilespmem:s26+$0xFFFFFFD0]  }
0x1a3: {  	v3 =	vld [tilespmem:s26+$0x50]  }
0x1a4: {  	v4 =	vld [tilespmem:s26+$0xD0]  }
0x1a5: {  	v5 =	vld [tilespmem:s26+$0x150]  }
0x1a6: {  	v0 =	vadd.f32 v1, v0;
	_ =	sdelay $0x1  }
0x1a7: {  	v0 =	vadd.f32 v2, v0;
	_ =	sdelay $0x1  }
0x1a8: {  	v0 =	vadd.f32 v3, v0;
	_ =	sdelay $0x1  }
0x1a9: {  	v0 =	vadd.f32 v4, v0;
	_ =	sdelay $0x1  }
0x1aa: {  	v0 =	vadd.f32 v5, v0;
	_ =	sdelay $0x1  }
0x1ab: {  	[tilespmem:s28+$0x7450] =	vst v0  }
0x1ac: {  	v0 =	vld [tilespmem:s26+$0xFFFFFEE0]  }
0x1ad: {  	v1 =	vld [tilespmem:s26+$0xFFFFFF60]  }
0x1ae: {  	v2 =	vld [tilespmem:s26+$0xFFFFFFE0]  }
0x1af: {  	v3 =	vld [tilespmem:s26+$0x60]  }
0x1b0: {  	v4 =	vld [tilespmem:s26+$0xE0]  }
0x1b1: {  	v5 =	vld [tilespmem:s26+$0x160]  }
0x1b2: {  	v0 =	vadd.f32 v1, v0;
	_ =	sdelay $0x1  }
0x1b3: {  	v0 =	vadd.f32 v2, v0;
	_ =	sdelay $0x1  }
0x1b4: {  	v0 =	vadd.f32 v3, v0;
	_ =	sdelay $0x1  }
0x1b5: {  	v0 =	vadd.f32 v4, v0;
	_ =	sdelay $0x1  }
0x1b6: {  	v0 =	vadd.f32 v5, v0;
	_ =	sdelay $0x1  }
0x1b7: {  	[tilespmem:s28+$0x7460] =	vst v0  }
0x1b8: {  	v4 =	vld [tilespmem:s26+$0xFFFFFEF0]  }
0x1b9: {  	v5 =	vld [tilespmem:s26+$0xFFFFFF70]  }
.Ltmp6:
0x1ba: {  	v3 =	vld [tilespmem:s26+$0xFFFFFFF0];
	(pc) =	sbr.rel @p0 .LBB2_9-.Ltmp6, $4  }
0x1bb: {  	v2 =	vld [tilespmem:s26+$0x70]  }
0x1bc: {  	v0 =	vld [tilespmem:s26+$0xF0]  }
0x1bd: {  	v1 =	vld [tilespmem:s26+$0x170]  }
0x1be: {  	v4 =	vadd.f32 v5, v4  }
0x1bf: {  	_ = 	snop  }
0x1c0: {  	v3 =	vadd.f32 v3, v4;
	_ =	sdelay $0x1  }
0x1c1: {  	v2 =	vadd.f32 v2, v3;
	_ =	sdelay $0x1  }
0x1c2: {  	p0 =	seq.s32 s24, $0x9;
	v0 =	vadd.f32 v0, v2  }
.Ltmp7:
0x1c3: {  	_ = 	snop;
	(pc) =	sbr.rel @p0 .LBB2_12-.Ltmp7, $4  }
0x1c4: {  	v0 =	vadd.f32 v1, v0  }
0x1c5: {  	s26 =	sshll.u32 s24, $0x9  }
0x1c6: {  	s26 =	sadd.s32 s10, s26;
	[tilespmem:s28+$0x7470] =	vst v0  }
0x1c7: {  	[hbm4b:s26+s3] =	stream.linear.scatter [tilespmem:s21], [sflag:$0x4], $0x800, $0x38;
	[tilespmem:$0x1BC00] =	vst v63  }
.Ltmp8:
0x1c8: {  	(pc) =	sbr.rel .LBB2_2-.Ltmp8, $4  }
0x1c9: {  	_ = 	snop  }
0x1ca: {  	s25 =	sshrl.u32 s25, $0x2  }
0x1cb: {  	s24 =	sadd.s32 $0x1, s24;
	s25 =	sadd.s32 $0x180, s25  }
0x1cc: {  	[tilespmem:s16], [sflag:$0x2] =	stream.indirect.gather [spmem:s2], $0x80, s25, s13, $0xb8;
	[tilespmem:$0x1BC00] =	vst v63  }
.LBB2_13:
0x1cd: {  	_ =	sfence.sel $0x180000  }
0x1ce: {  	[bflag:$0x0] =	sbarrier.arrive $0xFFFF  }
0x1cf: {  	p0 =	sne.s32 s1, $0x0;
	_ =	strace $0x90000047  }
0x1d0: {  	s0 =	sadd.s32 @!p0 $0x100000, s0;
	[bflag:$0x2] =	sbarrier.arrive $0xFFFF  }
0x1d1: {  	[sflag:s0] =	ssyncadd.tile.s32 @!p0 $0x1;
	_ =	shalt  }
.Lfunc_end2:
_tile_overlayer_lowered:
.L_overlay_start_2:
0x1d2: {  	(tag) =	ssettag $0x2  }
0x1d3: {  	s0 =	rddreg [dreg:$0x0];
	s2 =	stileid.u32  }
0x1d4: {  	s1 =	rddreg [dreg:$0x1];
	p0 =	sne.s32 s2, $0x0  }
0x1d5: {  	s3 =	rddreg [dreg:$0x2];
	[bflag:$0x3] =	sbarrier.arrive $0xFFFF;
	s2 =	simm.s32 @!p0 $0x1C05  }
0x1d6: {  	[timem:s3], [sflag:s2] =	dma.local @!p0 [hbm:s0], s1  }
0x1d7: {  	s0 =	simm.s32 @!p0 $0x5  }
0x1d8: {  	_ =	swait.ge @!p0 [sflag:s0], s1  }
0x1d9: {  	s1 =	ssub.s32 @!p0 $0x0, s1;
	[sflag:s0] =	ssyncset.done @!p0 $0x0  }
0x1da: {  	[sflag:s0] =	ssyncadd.s32 @!p0 s1  }
0x1db: {  	[bflag:$0x3] =	sbarrier.arrive $0xFFFF  }
0x1dc: {  	_ =	shalt  }

</sc_bundles>
